<compile_context>
chip_gen: v7x
topology: tpu7x:2x2x1
jax: 0.10.2.dev20260603
libtpu: 0.0.44.dev20260713+nightly
codegen_flags: <defaults>
</compile_context>

<pallas_src>
import functools

import jax
import jax.numpy as jnp
from jax import lax
from jax.experimental import pallas as pl
from jax.experimental.pallas import tpu as pltpu
from jax.experimental.pallas import tpu_sc as plsc

NC = 2
NS = 16
CH = 128
SPLIT0 = 1.0 if NC == 1 else 0.55


def _sc_mesh():
    return plsc.VectorSubcoreMesh(core_axis_name="c", subcore_axis_name="s",
                                  num_cores=NC)


def _sc_degree(dst2, n_pad, q0, q1, rows_pt):
    q_max = max(q0, q1)

    @functools.partial(
        pl.kernel,
        out_type=jax.ShapeDtypeStruct((NC * n_pad,), jnp.float32),
        mesh=_sc_mesh(),
        compiler_params=pltpu.CompilerParams(use_tc_tiling_on_sc=False),
        scratch_types=[
            pltpu.VMEM((q_max, CH), jnp.int32),
            pltpu.VMEM((CH,), jnp.float32),
            pltpu.VMEM((rows_pt,), jnp.float32),
            pltpu.VMEM_SHARED((n_pad,), jnp.float32),
            pltpu.SemaphoreType.DMA,
        ],
    )
    def k(dst_hbm, out_hbm, dst_v, ones_v, stage_v, deg_s, dsem):
        ci = lax.axis_index("c")
        si = lax.axis_index("s")
        for i in range(CH // 16):
            ones_v[pl.ds(i * 16, 16)] = jnp.ones((16,), jnp.float32)

        def zrow(r, _):
            stage_v[pl.ds(r * 16, 16)] = jnp.zeros((16,), jnp.float32)
            return ()

        lax.fori_loop(0, rows_pt // 16, zrow, ())
        pltpu.sync_copy(stage_v, deg_s.at[pl.ds(si * rows_pt, rows_pt)])

        def run(q, start):
            pltpu.sync_copy(dst_hbm.at[pl.ds(start, q)],
                            dst_v.at[pl.ds(0, q)])
            plsc.subcore_barrier()
            la = 8

            def start_j(j):
                pltpu.async_copy(ones_v, deg_s.at[dst_v.at[j]], dsem,
                                 add=True)

            def drain_j(j):
                pltpu.make_async_copy(ones_v, deg_s.at[dst_v.at[j]],
                                      dsem).wait()

            for j in range(la):
                start_j(j)

            def body(j, _):
                drain_j(j)
                start_j(j + la)
                return ()

            lax.fori_loop(0, q - la, body, ())

            def tail(j, _):
                drain_j(j)
                return ()

            lax.fori_loop(q - la, q, tail, ())

        if NC == 1:
            run(q0, si * q0)
        else:
            @pl.when(ci == 0)
            def _():
                run(q0, si * q0)

            @pl.when(ci == 1)
            def _():
                run(q1, NS * q0 + si * q1)

        plsc.subcore_barrier()
        pltpu.sync_copy(deg_s.at[pl.ds(si * rows_pt, rows_pt)], stage_v)
        pltpu.sync_copy(stage_v,
                        out_hbm.at[pl.ds(ci * n_pad + si * rows_pt, rows_pt)])

    return k(dst2).reshape(NC, n_pad)


def _sc_aggregate_packed(src2, dst2, hp, n_pad, q0, q1, rows_pt):
    WP = hp.shape[1]
    W = 2 * WP
    q_max = max(q0, q1)

    @functools.partial(
        pl.kernel,
        out_type=jax.ShapeDtypeStruct((NC, n_pad, W), jnp.float32),
        mesh=_sc_mesh(),
        compiler_params=pltpu.CompilerParams(use_tc_tiling_on_sc=False),
        scratch_types=[
            pltpu.VMEM((q_max, CH), jnp.int32),
            pltpu.VMEM((q_max, CH), jnp.int32),
            [pltpu.VMEM((CH, WP), jnp.int32) for _ in range(4)],
            [pltpu.VMEM((CH, W), jnp.float32) for _ in range(2)],
            pltpu.VMEM_SHARED((n_pad, W), jnp.float32),
            [pltpu.SemaphoreType.DMA for _ in range(4)],
            [pltpu.SemaphoreType.DMA for _ in range(2)],
        ],
    )
    def k(src_hbm, dst_hbm, hp_hbm, out_hbm,
          src_v, dst_v, pbufs, fbufs, acc_s, gsems, ssems):
        ci = lax.axis_index("c")
        si = lax.axis_index("s")
        n_pieces = -(-rows_pt // CH)
        pieces = [(p * CH, min(CH, rows_pt - p * CH)) for p in range(n_pieces)]

        def zrow(r, _):
            for b in range(2):
                for c in range(W // 16):
                    fbufs[b][r, pl.ds(c * 16, 16)] = jnp.zeros(
                        (16,), jnp.float32)
            return ()

        lax.fori_loop(0, CH, zrow, ())
        init_copies = []
        for p, (off, sz) in enumerate(pieces):
            sem = ssems[p % 2] if p < 2 else gsems[p - 2]
            cp = pltpu.async_copy(fbufs[p % 2].at[pl.ds(0, sz)],
                                  acc_s.at[pl.ds(si * rows_pt + off, sz)],
                                  sem)
            init_copies.append(cp)

        def gather(j, b):
            pltpu.async_copy(hp_hbm.at[src_v.at[j]], pbufs[b], gsems[b])

        def gather_wait(j, b):
            pltpu.make_async_copy(
                hp_hbm.at[src_v.at[j]], pbufs[b], gsems[b]).wait()

        def scatter(j, f):
            pltpu.async_copy(fbufs[f], acc_s.at[dst_v.at[j]], ssems[f],
                             add=True)

        def scatter_wait(j, f):
            pltpu.make_async_copy(
                fbufs[f], acc_s.at[dst_v.at[j]], ssems[f]).wait()

        mask = jnp.full((16,), -65536, jnp.int32)
        sixteen = jnp.full((16,), 16, jnp.int32)

        def convert(b, f):
            def crow(r, _):
                for c in range(WP // 16):
                    w = pbufs[b][r, pl.ds(c * 16, 16)]
                    lo = lax.bitcast_convert_type(lax.shift_left(w, sixteen), jnp.float32)
                    hi = lax.bitcast_convert_type(lax.bitwise_and(w, mask), jnp.float32)
                    fbufs[f][r, pl.ds(c * 16, 16)] = lo
                    fbufs[f][r, pl.ds(WP + c * 16, 16)] = hi
                return ()

            lax.fori_loop(0, CH, crow, ())

        def run(q, start):
            pltpu.sync_copy(src_hbm.at[pl.ds(start, q)],
                            src_v.at[pl.ds(0, q)])
            pltpu.sync_copy(dst_hbm.at[pl.ds(start, q)],
                            dst_v.at[pl.ds(0, q)])
            for cp in init_copies:
                cp.wait()
            plsc.subcore_barrier()

            for b in range(4):
                gather(b, b)

            def body(i, _):
                for b in range(4):
                    j = 4 * i + b
                    f = b % 2
                    gather_wait(j, b)

                    @pl.when(j >= 2)
                    def _():
                        scatter_wait(j - 2, f)

                    convert(b, f)
                    scatter(j, f)

                    @pl.when(j + 4 < q)
                    def _():
                        gather(j + 4, b)

                return ()

            lax.fori_loop(0, q // 4, body, ())
            scatter_wait(q - 2, 0)
            scatter_wait(q - 1, 1)

        if NC == 1:
            run(q0, si * q0)
        else:
            @pl.when(ci == 0)
            def _():
                run(q0, si * q0)

            @pl.when(ci == 1)
            def _():
                run(q1, NS * q0 + si * q1)

        plsc.subcore_barrier()

        def drain_sv(p):
            off, sz = pieces[p]
            return pltpu.async_copy(
                acc_s.at[pl.ds(si * rows_pt + off, sz)],
                fbufs[p % 2].at[pl.ds(0, sz)], gsems[p % 2])

        def drain_vh(p):
            off, sz = pieces[p]
            return pltpu.async_copy(
                fbufs[p % 2].at[pl.ds(0, sz)],
                out_hbm.at[ci, pl.ds(si * rows_pt + off, sz)], ssems[p % 2])

        P = len(pieces)
        sv = {p: drain_sv(p) for p in range(min(2, P))}
        vh = {}
        for p in range(min(2, P)):
            sv[p].wait()
            vh[p] = drain_vh(p)
        for p in range(2, P):
            vh[p - 2].wait()
            sv[p] = drain_sv(p)
            sv[p].wait()
            vh[p] = drain_vh(p)
        for p in range(max(0, P - 2), P):
            vh[p].wait()

    return k(src2, dst2, hp)


def _sc_aggregate(src2, dst2, h, n_pad, q0, q1, rows_pt):
    W = h.shape[1]
    q_max = max(q0, q1)

    @functools.partial(
        pl.kernel,
        out_type=jax.ShapeDtypeStruct((NC, n_pad, W), jnp.float32),
        mesh=_sc_mesh(),
        compiler_params=pltpu.CompilerParams(use_tc_tiling_on_sc=False),
        scratch_types=[
            pltpu.VMEM((q_max, CH), jnp.int32),
            pltpu.VMEM((q_max, CH), jnp.int32),
            [pltpu.VMEM((CH, W), jnp.float32) for _ in range(4)],
            pltpu.VMEM_SHARED((n_pad, W), jnp.float32),
            [pltpu.SemaphoreType.DMA for _ in range(4)],
            [pltpu.SemaphoreType.DMA for _ in range(4)],
        ],
    )
    def k(src_hbm, dst_hbm, h_hbm, out_hbm,
          src_v, dst_v, bufs, acc_s, gsems, ssems):
        ci = lax.axis_index("c")
        si = lax.axis_index("s")
        n_pieces = -(-rows_pt // CH)
        pieces = [(p * CH, min(CH, rows_pt - p * CH)) for p in range(n_pieces)]

        def zrow(r, _):
            for b in range(4):
                for c in range(W // 16):
                    bufs[b][r, pl.ds(c * 16, 16)] = jnp.zeros(
                        (16,), jnp.float32)
            return ()

        lax.fori_loop(0, CH, zrow, ())
        init_copies = []
        for p, (off, sz) in enumerate(pieces):
            sem = gsems[p % 4] if p < 4 else ssems[p - 4]
            cp = pltpu.async_copy(bufs[p % 4].at[pl.ds(0, sz)],
                                  acc_s.at[pl.ds(si * rows_pt + off, sz)],
                                  sem)
            init_copies.append(cp)

        def gather(j, b):
            pltpu.async_copy(h_hbm.at[src_v.at[j]], bufs[b], gsems[b])

        def gather_wait(j, b):
            pltpu.make_async_copy(
                h_hbm.at[src_v.at[j]], bufs[b], gsems[b]).wait()

        def scatter(j, b):
            pltpu.async_copy(bufs[b], acc_s.at[dst_v.at[j]], ssems[b],
                             add=True)

        def scatter_wait(j, b):
            pltpu.make_async_copy(
                bufs[b], acc_s.at[dst_v.at[j]], ssems[b]).wait()

        def run(q, start):
            pltpu.sync_copy(src_hbm.at[pl.ds(start, q)],
                            src_v.at[pl.ds(0, q)])
            pltpu.sync_copy(dst_hbm.at[pl.ds(start, q)],
                            dst_v.at[pl.ds(0, q)])
            for cp in init_copies:
                cp.wait()
            plsc.subcore_barrier()

            for b in range(4):
                gather(b, b)

            def body(i, _):
                for b in range(4):
                    j = 4 * i + b
                    gather_wait(j, b)
                    scatter(j, b)

                    @pl.when(j + 4 < q)
                    def _():
                        scatter_wait(j, b)
                        gather(j + 4, b)

                return ()

            lax.fori_loop(0, q // 4, body, ())
            for b in range(4):
                scatter_wait(q - 4 + b, b)

        if NC == 1:
            run(q0, si * q0)
        else:
            @pl.when(ci == 0)
            def _():
                run(q0, si * q0)

            @pl.when(ci == 1)
            def _():
                run(q1, NS * q0 + si * q1)

        plsc.subcore_barrier()
        def drain_sv(p):
            off, sz = pieces[p]
            return pltpu.async_copy(
                acc_s.at[pl.ds(si * rows_pt + off, sz)],
                bufs[p % 4].at[pl.ds(0, sz)], gsems[p % 4])

        def drain_vh(p):
            off, sz = pieces[p]
            return pltpu.async_copy(
                bufs[p % 4].at[pl.ds(0, sz)],
                out_hbm.at[ci, pl.ds(si * rows_pt + off, sz)], ssems[p % 4])

        P = len(pieces)
        sv = {p: drain_sv(p) for p in range(min(4, P))}
        vh = {}
        for p in range(min(4, P)):
            sv[p].wait()
            vh[p] = drain_vh(p)
        for p in range(4, P):
            vh[p - 4].wait()
            sv[p] = drain_sv(p)
            sv[p].wait()
            vh[p] = drain_vh(p)
        for p in range(max(0, P - 4), P):
            vh[p].wait()

    return k(src2, dst2, h)


def _tc_matmul1(x, W1, rb):
    n, d_in = x.shape
    d_hid = W1.shape[1]

    def body(x_ref, w_ref, h_ref):
        h_ref[...] = jnp.dot(x_ref[...], w_ref[...],
                             preferred_element_type=jnp.float32)

    return pl.pallas_call(
        body,
        grid=(n // rb,),
        in_specs=[
            pl.BlockSpec((rb, d_in), lambda i: (i, 0)),
            pl.BlockSpec((d_in, d_hid), lambda i: (0, 0)),
        ],
        out_specs=pl.BlockSpec((rb, d_hid), lambda i: (i, 0)),
        out_shape=jax.ShapeDtypeStruct((n, d_hid), jnp.float32),
    )(x, W1)


def _tc_scale1(degp, h1, rb):
    n, d_hid = h1.shape
    hw = d_hid // 2

    def body(degp_ref, h_ref, hsp_ref, dis_ref):
        deg = sum(degp_ref[c] for c in range(NC)) + 1.0
        dis = lax.rsqrt(jnp.maximum(deg, 1.0))
        hs = h_ref[...] * dis
        bits = lax.bitcast_convert_type(
            hs.astype(jnp.bfloat16), jnp.uint16).astype(jnp.uint32)
        word = jnp.bitwise_or(bits[:, :hw],
                              jnp.left_shift(bits[:, hw:], 16))
        hsp_ref[...] = lax.bitcast_convert_type(word, jnp.int32)
        dis_ref[...] = dis

    return pl.pallas_call(
        body,
        grid=(n // rb,),
        in_specs=[
            pl.BlockSpec((NC, rb, 1), lambda i: (0, i, 0)),
            pl.BlockSpec((rb, d_hid), lambda i: (i, 0)),
        ],
        out_specs=[
            pl.BlockSpec((rb, hw), lambda i: (i, 0)),
            pl.BlockSpec((rb, 1), lambda i: (i, 0)),
        ],
        out_shape=[
            jax.ShapeDtypeStruct((n, hw), jnp.int32),
            jax.ShapeDtypeStruct((n, 1), jnp.float32),
        ],
    )(degp, h1)


def _tc_layer2(aggp, hsp, dis, W2p, b1, rb, wp):
    n, hw = hsp.shape
    d_hid = 2 * hw

    def body(aggp_ref, hsp_ref, dis_ref, w_ref, b_ref, hs2_ref):
        w = hsp_ref[...]
        lo = lax.bitcast_convert_type(jnp.left_shift(w, 16), jnp.float32)
        hi = lax.bitcast_convert_type(
            jnp.bitwise_and(w, jnp.int32(-65536)), jnp.float32)
        hs = jnp.concatenate([lo, hi], axis=1)
        agg = sum(aggp_ref[c] for c in range(NC)) + hs
        r = jnp.maximum(agg * dis_ref[...] + b_ref[...], 0.0)
        h2 = jnp.dot(r, w_ref[...], preferred_element_type=jnp.float32)
        hs2_ref[...] = h2 * dis_ref[...]

    return pl.pallas_call(
        body,
        grid=(n // rb,),
        in_specs=[
            pl.BlockSpec((NC, rb, d_hid), lambda i: (0, i, 0)),
            pl.BlockSpec((rb, hw), lambda i: (i, 0)),
            pl.BlockSpec((rb, 1), lambda i: (i, 0)),
            pl.BlockSpec((d_hid, wp), lambda i: (0, 0)),
            pl.BlockSpec((1, d_hid), lambda i: (0, 0)),
        ],
        out_specs=pl.BlockSpec((rb, wp), lambda i: (i, 0)),
        out_shape=jax.ShapeDtypeStruct((n, wp), jnp.float32),
    )(aggp, hsp, dis, W2p, b1)


def _tc_final(agg2p, hs2w, dis, b2, rb, d_out):
    n, wp = hs2w.shape

    def body(ap_ref, hs2_ref, dis_ref, b_ref, out_ref):
        a = sum(ap_ref[c] for c in range(NC)) + hs2_ref[...]
        o = (a * dis_ref[...])[:, :d_out] + b_ref[...]
        m = jnp.max(o, axis=1, keepdims=True)
        lse = m + jnp.log(jnp.sum(jnp.exp(o - m), axis=1, keepdims=True))
        out_ref[...] = o - lse

    return pl.pallas_call(
        body,
        grid=(n // rb,),
        in_specs=[
            pl.BlockSpec((NC, rb, wp), lambda i: (0, i, 0)),
            pl.BlockSpec((rb, wp), lambda i: (i, 0)),
            pl.BlockSpec((rb, 1), lambda i: (i, 0)),
            pl.BlockSpec((1, d_out), lambda i: (0, 0)),
        ],
        out_specs=pl.BlockSpec((rb, d_out), lambda i: (i, 0)),
        out_shape=jax.ShapeDtypeStruct((n, d_out), jnp.float32),
    )(agg2p, hs2w, dis, b2)


def kernel(x, edge_index, W1, b1, W2, b2):
    n = x.shape[0]
    e = edge_index.shape[1]
    d_hid = W1.shape[1]
    d_out = W2.shape[1]
    wp = 16

    s_tot = -(-(-(-e // (NS * CH))) // 8) * 8
    if NC == 1:
        q0, q1 = s_tot, 0
    else:
        q0 = max(4, int(round(s_tot * SPLIT0 / 4)) * 4)
        q1 = s_tot - q0
    e_pad = NS * s_tot * CH
    n_pad = -(-(n + 1) // (NS * 16)) * (NS * 16)
    rows_pt = n_pad // NS
    rb = 1000 if n % 1000 == 0 else 8

    src = edge_index[0]
    dst = edge_index[1]
    src2 = jnp.concatenate(
        [src, jnp.zeros((e_pad - e,), jnp.int32)]).reshape(NS * s_tot, CH)
    dst2 = jnp.concatenate(
        [dst, jnp.full((e_pad - e,), n, jnp.int32)]).reshape(NS * s_tot, CH)

    W2p = jnp.pad(W2, ((0, 0), (0, wp - d_out)))

    h1 = _tc_matmul1(x, W1, rb)
    degp = _sc_degree(dst2, n_pad, q0, q1, rows_pt)
    degp3 = degp[:, :n, None]
    hsp, dis = _tc_scale1(degp3, h1, rb)
    aggp = _sc_aggregate_packed(src2, dst2, hsp, n_pad, q0, q1, rows_pt)
    hs2w = _tc_layer2(aggp, hsp, dis, W2p, b1.reshape(1, d_hid), rb, wp)
    agg2p = _sc_aggregate(src2, dst2, hs2w, n_pad, q0, q1, rows_pt)
    return _tc_final(agg2p, hs2w, dis, b2.reshape(1, d_out), rb, d_out)

# --- scband reference (transcript-rebuilt; emitter-appended) ---
"""Pipeline reference for scband-simple-gcnmodel-3470333575753 (READ-ONLY COPY).

The authoritative reference and input builder live on the scoring server;
editing this copy changes nothing except your own understanding.
"""

import jax, jax.numpy as jnp
import numpy as np

N = 10000
E = 320000
D_IN = 128
D_HID = 64
D_OUT = 2


def setup_inputs(seed: int = 0):
    key = jax.random.key(seed)
    ks = jax.random.split(key, 4)
    x = jax.random.normal(ks[0], (N, D_IN), dtype=jnp.float32)
    edge_index = jax.random.randint(ks[1], (2, E), 0, N, dtype=jnp.int32)
    W1 = jax.random.normal(ks[2], (D_IN, D_HID), dtype=jnp.float32) * (1.0 / np.sqrt(D_IN))
    b1 = jnp.zeros((D_HID,), dtype=jnp.float32)
    W2 = jax.random.normal(ks[3], (D_HID, D_OUT), dtype=jnp.float32) * (1.0 / np.sqrt(D_HID))
    b2 = jnp.zeros((D_OUT,), dtype=jnp.float32)
    return {"x": x, "edge_index": edge_index, "W1": W1, "b1": b1, "W2": W2, "b2": b2}


def _gcn_conv(x, src, dst, W, b):
    # PyG GCNConv: x' = D^{-1/2} (A + I) D^{-1/2} X W + b, self-loops already in src/dst
    h = x @ W
    deg = jnp.zeros((N,), dtype=h.dtype).at[dst].add(1.0)
    dis = jax.lax.rsqrt(jnp.maximum(deg, 1.0))
    norm = dis[src] * dis[dst]
    msg = h[src] * norm[:, None]
    out = jnp.zeros((N, h.shape[1]), dtype=h.dtype).at[dst].add(msg)
    return out + b


def reference(x, edge_index, W1, b1, W2, b2):
    loop = jnp.arange(N, dtype=edge_index.dtype)
    src = jnp.concatenate([edge_index[0], loop])
    dst = jnp.concatenate([edge_index[1], loop])
    h = _gcn_conv(x, src, dst, W1, b1)
    h = jax.nn.relu(h)
    # dropout is identity in eval / deterministic reference
    h = _gcn_conv(h, src, dst, W2, b2)
    return jax.nn.log_softmax(h, axis=1)

if __name__ == "__main__":
    import jax
    _d = setup_inputs()
    print(jax.jit(kernel)(*tuple(_d.values())))

</pallas_src>

<mosaic_0001>
#map = affine_map<(d0, d1) -> (0, 0)>
#map1 = affine_map<(d0, d1) -> (0, 0, 0)>
module attributes {stable_mosaic.version = 14 : i64} {
  func.func @k(%arg0: i32, %arg1: i32, %arg2: memref<2560x128xi32, #tpu.memory_space<hbm>>, %arg3: memref<2560x128xi32, #tpu.memory_space<hbm>>, %arg4: memref<10000x32xi32, #tpu.memory_space<hbm>>, %arg5: memref<2x10240x64xf32, #tpu.memory_space<hbm>>, %arg6: memref<88x128xi32, #tpu.memory_space<vmem>>, %arg7: memref<88x128xi32, #tpu.memory_space<vmem>>, %arg8: memref<128x32xi32, #tpu.memory_space<vmem>>, %arg9: memref<128x32xi32, #tpu.memory_space<vmem>>, %arg10: memref<128x32xi32, #tpu.memory_space<vmem>>, %arg11: memref<128x32xi32, #tpu.memory_space<vmem>>, %arg12: memref<128x64xf32, #tpu.memory_space<vmem>>, %arg13: memref<128x64xf32, #tpu.memory_space<vmem>>, %arg14: memref<10240x64xf32, #tpu.memory_space<vmem_shared>>, %arg15: memref<!tpu.dma_semaphore, #tpu.memory_space<semaphore_mem>>, %arg16: memref<!tpu.dma_semaphore, #tpu.memory_space<semaphore_mem>>, %arg17: memref<!tpu.dma_semaphore, #tpu.memory_space<semaphore_mem>>, %arg18: memref<!tpu.dma_semaphore, #tpu.memory_space<semaphore_mem>>, %arg19: memref<!tpu.dma_semaphore, #tpu.memory_space<semaphore_mem>>, %arg20: memref<!tpu.dma_semaphore, #tpu.memory_space<semaphore_mem>>) attributes {dimension_semantics = [#tpu.dimension_semantics<core_parallel>, #tpu.dimension_semantics<subcore_parallel>], iteration_bounds = array<i64: 2, 16>, scalar_prefetch = 0 : i64, scratch_operands = 15 : i64, tpu.core_type = #tpu.core_type<sc_vector_subcore>, window_params = [{transform_indices = #map}, {transform_indices = #map}, {transform_indices = #map}, {transform_indices = #map1}]} {
    %scan3A = arith.constant 0 : i32
    %scan3A_0 = arith.constant 128 : i32
    %scan3A_1 = arith.addi %scan3A, %scan3A_0 : i32
    %scan3A_2 = arith.constant 1 : i32
    scf.for %scan3A_340 = %scan3A to %scan3A_1 step %scan3A_2  : i32 {
      %broadcast_in_dim3A_341 = arith.constant 0.000000e+00 : f32
      %broadcast_in_dim3A_342 = vector.broadcast %broadcast_in_dim3A_341 : f32 to vector<16xf32>
      %swap3A = arith.index_cast %scan3A_340 : i32 to index
      %swap3A_343 = arith.constant 0 : index
      %swap3A_344 = tpu.vector_load %arg12[%swap3A, %swap3A_343] {strides = array<i32>} : memref<128x64xf32, #tpu.memory_space<vmem>>, vector<1x16xf32>,
      %swap3A_345 = vector.shape_cast %swap3A_344 : vector<1x16xf32> to vector<16xf32>
      %swap3A_346 = vector.shape_cast %broadcast_in_dim3A_342 : vector<16xf32> to vector<1x16xf32>
      tpu.vector_store %arg12[%swap3A, %swap3A_343], %swap3A_346 {strides = array<i32>} : memref<128x64xf32, #tpu.memory_space<vmem>>, vector<1x16xf32>,
      %broadcast_in_dim3A_347 = arith.constant 0.000000e+00 : f32
      %broadcast_in_dim3A_348 = vector.broadcast %broadcast_in_dim3A_347 : f32 to vector<16xf32>
      %swap3A_349 = arith.index_cast %scan3A_340 : i32 to index
      %swap3A_350 = arith.constant 16 : index
      %swap3A_351 = tpu.vector_load %arg12[%swap3A_349, %swap3A_350] {strides = array<i32>} : memref<128x64xf32, #tpu.memory_space<vmem>>, vector<1x16xf32>,
      %swap3A_352 = vector.shape_cast %swap3A_351 : vector<1x16xf32> to vector<16xf32>
      %swap3A_353 = vector.shape_cast %broadcast_in_dim3A_348 : vector<16xf32> to vector<1x16xf32>
      tpu.vector_store %arg12[%swap3A_349, %swap3A_350], %swap3A_353 {strides = array<i32>} : memref<128x64xf32, #tpu.memory_space<vmem>>, vector<1x16xf32>,
      %broadcast_in_dim3A_354 = arith.constant 0.000000e+00 : f32
      %broadcast_in_dim3A_355 = vector.broadcast %broadcast_in_dim3A_354 : f32 to vector<16xf32>
      %swap3A_356 = arith.index_cast %scan3A_340 : i32 to index
      %swap3A_357 = arith.constant 32 : index
      %swap3A_358 = tpu.vector_load %arg12[%swap3A_356, %swap3A_357] {strides = array<i32>} : memref<128x64xf32, #tpu.memory_space<vmem>>, vector<1x16xf32>,
      %swap3A_359 = vector.shape_cast %swap3A_358 : vector<1x16xf32> to vector<16xf32>
      %swap3A_360 = vector.shape_cast %broadcast_in_dim3A_355 : vector<16xf32> to vector<1x16xf32>
      tpu.vector_store %arg12[%swap3A_356, %swap3A_357], %swap3A_360 {strides = array<i32>} : memref<128x64xf32, #tpu.memory_space<vmem>>, vector<1x16xf32>,
      %broadcast_in_dim3A_361 = arith.constant 0.000000e+00 : f32
      %broadcast_in_dim3A_362 = vector.broadcast %broadcast_in_dim3A_361 : f32 to vector<16xf32>
      %swap3A_363 = arith.index_cast %scan3A_340 : i32 to index
      %swap3A_364 = arith.constant 48 : index
      %swap3A_365 = tpu.vector_load %arg12[%swap3A_363, %swap3A_364] {strides = array<i32>} : memref<128x64xf32, #tpu.memory_space<vmem>>, vector<1x16xf32>,
      %swap3A_366 = vector.shape_cast %swap3A_365 : vector<1x16xf32> to vector<16xf32>
      %swap3A_367 = vector.shape_cast %broadcast_in_dim3A_362 : vector<16xf32> to vector<1x16xf32>
      tpu.vector_store %arg12[%swap3A_363, %swap3A_364], %swap3A_367 {strides = array<i32>} : memref<128x64xf32, #tpu.memory_space<vmem>>, vector<1x16xf32>,
      %broadcast_in_dim3A_368 = arith.constant 0.000000e+00 : f32
      %broadcast_in_dim3A_369 = vector.broadcast %broadcast_in_dim3A_368 : f32 to vector<16xf32>
      %swap3A_370 = arith.index_cast %scan3A_340 : i32 to index
      %swap3A_371 = arith.constant 0 : index
      %swap3A_372 = tpu.vector_load %arg13[%swap3A_370, %swap3A_371] {strides = array<i32>} : memref<128x64xf32, #tpu.memory_space<vmem>>, vector<1x16xf32>,
      %swap3A_373 = vector.shape_cast %swap3A_372 : vector<1x16xf32> to vector<16xf32>
      %swap3A_374 = vector.shape_cast %broadcast_in_dim3A_369 : vector<16xf32> to vector<1x16xf32>
      tpu.vector_store %arg13[%swap3A_370, %swap3A_371], %swap3A_374 {strides = array<i32>} : memref<128x64xf32, #tpu.memory_space<vmem>>, vector<1x16xf32>,
      %broadcast_in_dim3A_375 = arith.constant 0.000000e+00 : f32
      %broadcast_in_dim3A_376 = vector.broadcast %broadcast_in_dim3A_375 : f32 to vector<16xf32>
      %swap3A_377 = arith.index_cast %scan3A_340 : i32 to index
      %swap3A_378 = arith.constant 16 : index
      %swap3A_379 = tpu.vector_load %arg13[%swap3A_377, %swap3A_378] {strides = array<i32>} : memref<128x64xf32, #tpu.memory_space<vmem>>, vector<1x16xf32>,
      %swap3A_380 = vector.shape_cast %swap3A_379 : vector<1x16xf32> to vector<16xf32>
      %swap3A_381 = vector.shape_cast %broadcast_in_dim3A_376 : vector<16xf32> to vector<1x16xf32>
      tpu.vector_store %arg13[%swap3A_377, %swap3A_378], %swap3A_381 {strides = array<i32>} : memref<128x64xf32, #tpu.memory_space<vmem>>, vector<1x16xf32>,
      %broadcast_in_dim3A_382 = arith.constant 0.000000e+00 : f32
      %broadcast_in_dim3A_383 = vector.broadcast %broadcast_in_dim3A_382 : f32 to vector<16xf32>
      %swap3A_384 = arith.index_cast %scan3A_340 : i32 to index
      %swap3A_385 = arith.constant 32 : index
      %swap3A_386 = tpu.vector_load %arg13[%swap3A_384, %swap3A_385] {strides = array<i32>} : memref<128x64xf32, #tpu.memory_space<vmem>>, vector<1x16xf32>,
      %swap3A_387 = vector.shape_cast %swap3A_386 : vector<1x16xf32> to vector<16xf32>
      %swap3A_388 = vector.shape_cast %broadcast_in_dim3A_383 : vector<16xf32> to vector<1x16xf32>
      tpu.vector_store %arg13[%swap3A_384, %swap3A_385], %swap3A_388 {strides = array<i32>} : memref<128x64xf32, #tpu.memory_space<vmem>>, vector<1x16xf32>,
      %broadcast_in_dim3A_389 = arith.constant 0.000000e+00 : f32
      %broadcast_in_dim3A_390 = vector.broadcast %broadcast_in_dim3A_389 : f32 to vector<16xf32>
      %swap3A_391 = arith.index_cast %scan3A_340 : i32 to index
      %swap3A_392 = arith.constant 48 : index
      %swap3A_393 = tpu.vector_load %arg13[%swap3A_391, %swap3A_392] {strides = array<i32>} : memref<128x64xf32, #tpu.memory_space<vmem>>, vector<1x16xf32>,
      %swap3A_394 = vector.shape_cast %swap3A_393 : vector<1x16xf32> to vector<16xf32>
      %swap3A_395 = vector.shape_cast %broadcast_in_dim3A_390 : vector<16xf32> to vector<1x16xf32>
      tpu.vector_store %arg13[%swap3A_391, %swap3A_392], %swap3A_395 {strides = array<i32>} : memref<128x64xf32, #tpu.memory_space<vmem>>, vector<1x16xf32>,
    }
    %scan3A_3 = arith.constant 128 : i32
    %mul3A = arith.constant 640 : i32
    %mul3A_4 = arith.muli %arg1, %mul3A : i32
    %add3A = arith.constant 0 : i32
    %add3A_5 = arith.addi %mul3A_4, %add3A : i32
    %dma_start3A = arith.constant 0 : i32
    %dma_start3A_6 = arith.constant 0 : i32
    %dma_start3A_7 = tpu.memref_slice %arg12[%dma_start3A, %dma_start3A_6] : memref<128x64xf32, #tpu.memory_space<vmem>> -> memref<128x64xf32, #tpu.memory_space<vmem>>
    %dma_start3A_8 = arith.constant 0 : i32
    %dma_start3A_9 = tpu.memref_slice %arg14[%add3A_5, %dma_start3A_8] : memref<10240x64xf32, #tpu.memory_space<vmem_shared>> -> memref<128x64xf32, #tpu.memory_space<vmem_shared>>
    %dma_start3A_10 = arith.constant 0 : i32
    %dma_start3A_11 = tpu.memref_slice %arg14[%add3A_5, %dma_start3A_10] : memref<10240x64xf32, #tpu.memory_space<vmem_shared>> -> memref<128x64xf32, #tpu.memory_space<vmem_shared>>
    %dma_start3A_12 = arith.constant 0 : i32
    %dma_start3A_13 = arith.constant 0 : i32
    %dma_start3A_14 = tpu.memref_slice %arg12[%dma_start3A_12, %dma_start3A_13] : memref<128x64xf32, #tpu.memory_space<vmem>> -> memref<128x64xf32, #tpu.memory_space<vmem>>
    tpu.enqueue_dma source(%dma_start3A_14 : memref<128x64xf32, #tpu.memory_space<vmem>>) target(%dma_start3A_11 : memref<128x64xf32, #tpu.memory_space<vmem_shared>>) target_semaphore(%arg19 : memref<!tpu.dma_semaphore, #tpu.memory_space<semaphore_mem>>)
    %mul3A_15 = arith.constant 640 : i32
    %mul3A_16 = arith.muli %arg1, %mul3A_15 : i32
    %add3A_17 = arith.constant 128 : i32
    %add3A_18 = arith.addi %mul3A_16, %add3A_17 : i32
    %dma_start3A_19 = arith.constant 0 : i32
    %dma_start3A_20 = arith.constant 0 : i32
    %dma_start3A_21 = tpu.memref_slice %arg13[%dma_start3A_19, %dma_start3A_20] : memref<128x64xf32, #tpu.memory_space<vmem>> -> memref<128x64xf32, #tpu.memory_space<vmem>>
    %dma_start3A_22 = arith.constant 0 : i32
    %dma_start3A_23 = tpu.memref_slice %arg14[%add3A_18, %dma_start3A_22] : memref<10240x64xf32, #tpu.memory_space<vmem_shared>> -> memref<128x64xf32, #tpu.memory_space<vmem_shared>>
    %dma_start3A_24 = arith.constant 0 : i32
    %dma_start3A_25 = tpu.memref_slice %arg14[%add3A_18, %dma_start3A_24] : memref<10240x64xf32, #tpu.memory_space<vmem_shared>> -> memref<128x64xf32, #tpu.memory_space<vmem_shared>>
    %dma_start3A_26 = arith.constant 0 : i32
    %dma_start3A_27 = arith.constant 0 : i32
    %dma_start3A_28 = tpu.memref_slice %arg13[%dma_start3A_26, %dma_start3A_27] : memref<128x64xf32, #tpu.memory_space<vmem>> -> memref<128x64xf32, #tpu.memory_space<vmem>>
    tpu.enqueue_dma source(%dma_start3A_28 : memref<128x64xf32, #tpu.memory_space<vmem>>) target(%dma_start3A_25 : memref<128x64xf32, #tpu.memory_space<vmem_shared>>) target_semaphore(%arg20 : memref<!tpu.dma_semaphore, #tpu.memory_space<semaphore_mem>>)
    %mul3A_29 = arith.constant 640 : i32
    %mul3A_30 = arith.muli %arg1, %mul3A_29 : i32
    %add3A_31 = arith.constant 256 : i32
    %add3A_32 = arith.addi %mul3A_30, %add3A_31 : i32
    %dma_start3A_33 = arith.constant 0 : i32
    %dma_start3A_34 = arith.constant 0 : i32
    %dma_start3A_35 = tpu.memref_slice %arg12[%dma_start3A_33, %dma_start3A_34] : memref<128x64xf32, #tpu.memory_space<vmem>> -> memref<128x64xf32, #tpu.memory_space<vmem>>
    %dma_start3A_36 = arith.constant 0 : i32
    %dma_start3A_37 = tpu.memref_slice %arg14[%add3A_32, %dma_start3A_36] : memref<10240x64xf32, #tpu.memory_space<vmem_shared>> -> memref<128x64xf32, #tpu.memory_space<vmem_shared>>
    %dma_start3A_38 = arith.constant 0 : i32
    %dma_start3A_39 = tpu.memref_slice %arg14[%add3A_32, %dma_start3A_38] : memref<10240x64xf32, #tpu.memory_space<vmem_shared>> -> memref<128x64xf32, #tpu.memory_space<vmem_shared>>
    %dma_start3A_40 = arith.constant 0 : i32
    %dma_start3A_41 = arith.constant 0 : i32
    %dma_start3A_42 = tpu.memref_slice %arg12[%dma_start3A_40, %dma_start3A_41] : memref<128x64xf32, #tpu.memory_space<vmem>> -> memref<128x64xf32, #tpu.memory_space<vmem>>
    tpu.enqueue_dma source(%dma_start3A_42 : memref<128x64xf32, #tpu.memory_space<vmem>>) target(%dma_start3A_39 : memref<128x64xf32, #tpu.memory_space<vmem_shared>>) target_semaphore(%arg15 : memref<!tpu.dma_semaphore, #tpu.memory_space<semaphore_mem>>)
    %mul3A_43 = arith.constant 640 : i32
    %mul3A_44 = arith.muli %arg1, %mul3A_43 : i32
    %add3A_45 = arith.constant 384 : i32
    %add3A_46 = arith.addi %mul3A_44, %add3A_45 : i32
    %dma_start3A_47 = arith.constant 0 : i32
    %dma_start3A_48 = arith.constant 0 : i32
    %dma_start3A_49 = tpu.memref_slice %arg13[%dma_start3A_47, %dma_start3A_48] : memref<128x64xf32, #tpu.memory_space<vmem>> -> memref<128x64xf32, #tpu.memory_space<vmem>>
    %dma_start3A_50 = arith.constant 0 : i32
    %dma_start3A_51 = tpu.memref_slice %arg14[%add3A_46, %dma_start3A_50] : memref<10240x64xf32, #tpu.memory_space<vmem_shared>> -> memref<128x64xf32, #tpu.memory_space<vmem_shared>>
    %dma_start3A_52 = arith.constant 0 : i32
    %dma_start3A_53 = tpu.memref_slice %arg14[%add3A_46, %dma_start3A_52] : memref<10240x64xf32, #tpu.memory_space<vmem_shared>> -> memref<128x64xf32, #tpu.memory_space<vmem_shared>>
    %dma_start3A_54 = arith.constant 0 : i32
    %dma_start3A_55 = arith.constant 0 : i32
    %dma_start3A_56 = tpu.memref_slice %arg13[%dma_start3A_54, %dma_start3A_55] : memref<128x64xf32, #tpu.memory_space<vmem>> -> memref<128x64xf32, #tpu.memory_space<vmem>>
    tpu.enqueue_dma source(%dma_start3A_56 : memref<128x64xf32, #tpu.memory_space<vmem>>) target(%dma_start3A_53 : memref<128x64xf32, #tpu.memory_space<vmem_shared>>) target_semaphore(%arg16 : memref<!tpu.dma_semaphore, #tpu.memory_space<semaphore_mem>>)
    %mul3A_57 = arith.constant 640 : i32
    %mul3A_58 = arith.muli %arg1, %mul3A_57 : i32
    %add3A_59 = arith.constant 512 : i32
    %add3A_60 = arith.addi %mul3A_58, %add3A_59 : i32
    %dma_start3A_61 = arith.constant 0 : i32
    %dma_start3A_62 = arith.constant 0 : i32
    %dma_start3A_63 = tpu.memref_slice %arg12[%dma_start3A_61, %dma_start3A_62] : memref<128x64xf32, #tpu.memory_space<vmem>> -> memref<128x64xf32, #tpu.memory_space<vmem>>
    %dma_start3A_64 = arith.constant 0 : i32
    %dma_start3A_65 = tpu.memref_slice %arg14[%add3A_60, %dma_start3A_64] : memref<10240x64xf32, #tpu.memory_space<vmem_shared>> -> memref<128x64xf32, #tpu.memory_space<vmem_shared>>
    %dma_start3A_66 = arith.constant 0 : i32
    %dma_start3A_67 = tpu.memref_slice %arg14[%add3A_60, %dma_start3A_66] : memref<10240x64xf32, #tpu.memory_space<vmem_shared>> -> memref<128x64xf32, #tpu.memory_space<vmem_shared>>
    %dma_start3A_68 = arith.constant 0 : i32
    %dma_start3A_69 = arith.constant 0 : i32
    %dma_start3A_70 = tpu.memref_slice %arg12[%dma_start3A_68, %dma_start3A_69] : memref<128x64xf32, #tpu.memory_space<vmem>> -> memref<128x64xf32, #tpu.memory_space<vmem>>
    tpu.enqueue_dma source(%dma_start3A_70 : memref<128x64xf32, #tpu.memory_space<vmem>>) target(%dma_start3A_67 : memref<128x64xf32, #tpu.memory_space<vmem_shared>>) target_semaphore(%arg17 : memref<!tpu.dma_semaphore, #tpu.memory_space<semaphore_mem>>)
    %broadcast_in_dim3A = arith.constant -65536 : i32
    %broadcast_in_dim3A_71 = vector.broadcast %broadcast_in_dim3A : i32 to vector<16xi32>
    %broadcast_in_dim3A_72 = arith.constant 16 : i32
    %broadcast_in_dim3A_73 = vector.broadcast %broadcast_in_dim3A_72 : i32 to vector<16xi32>
    %eq3A = arith.constant 0 : i32
    %eq3A_74 = arith.cmpi eq, %arg0, %eq3A : i32
    %convert_element_type3A = arith.extui %eq3A_74 : i1 to i32
    %cond3A = arith.constant 0 : i32
    %cond3A_75 = arith.cmpi ne, %convert_element_type3A, %cond3A : i32
    scf.if %cond3A_75 {
      %mul3A_340 = arith.constant 88 : i32
      %mul3A_341 = arith.muli %arg1, %mul3A_340 : i32
      "tpu.region"() ({
        %run_scoped3A = tpu.sem_alloc : memref<!tpu.dma_semaphore, #tpu.memory_space<semaphore_mem>>
        %dma_start3A_440 = arith.constant 0 : i32
        %dma_start3A_441 = arith.constant 0 : i32
        %dma_start3A_442 = tpu.memref_slice %arg6[%dma_start3A_440, %dma_start3A_441] : memref<88x128xi32, #tpu.memory_space<vmem>> -> memref<88x128xi32, #tpu.memory_space<vmem>>
        %dma_start3A_443 = arith.constant 0 : i32
        %dma_start3A_444 = tpu.memref_slice %arg2[%mul3A_341, %dma_start3A_443] : memref<2560x128xi32, #tpu.memory_space<hbm>> -> memref<88x128xi32, #tpu.memory_space<hbm>>
        %dma_start3A_445 = arith.constant 0 : i32
        %dma_start3A_446 = arith.constant 0 : i32
        %dma_start3A_447 = tpu.memref_slice %arg6[%dma_start3A_445, %dma_start3A_446] : memref<88x128xi32, #tpu.memory_space<vmem>> -> memref<88x128xi32, #tpu.memory_space<vmem>>
        %dma_start3A_448 = arith.constant 0 : i32
        %dma_start3A_449 = tpu.memref_slice %arg2[%mul3A_341, %dma_start3A_448] : memref<2560x128xi32, #tpu.memory_space<hbm>> -> memref<88x128xi32, #tpu.memory_space<hbm>>
        tpu.enqueue_dma source(%dma_start3A_449 : memref<88x128xi32, #tpu.memory_space<hbm>>) target(%dma_start3A_447 : memref<88x128xi32, #tpu.memory_space<vmem>>) target_semaphore(%run_scoped3A : memref<!tpu.dma_semaphore, #tpu.memory_space<semaphore_mem>>)
        %dma_wait3A_450 = arith.constant 0 : i32
        %dma_wait3A_451 = arith.constant 0 : i32
        %dma_wait3A_452 = tpu.memref_slice %arg6[%dma_wait3A_450, %dma_wait3A_451] : memref<88x128xi32, #tpu.memory_space<vmem>> -> memref<88x128xi32, #tpu.memory_space<vmem>>
        %dma_wait3A_453 = arith.constant 0 : i32
        %dma_wait3A_454 = tpu.memref_slice %arg2[%mul3A_341, %dma_wait3A_453] : memref<2560x128xi32, #tpu.memory_space<hbm>> -> memref<88x128xi32, #tpu.memory_space<hbm>>
        %dma_wait3A_455 = arith.constant 0 : i32
        %dma_wait3A_456 = arith.constant 0 : i32
        %dma_wait3A_457 = tpu.memref_slice %arg6[%dma_wait3A_455, %dma_wait3A_456] : memref<88x128xi32, #tpu.memory_space<vmem>> -> memref<88x128xi32, #tpu.memory_space<vmem>>
        %dma_wait3A_458 = arith.constant 0 : i32
        %dma_wait3A_459 = tpu.memref_slice %arg2[%mul3A_341, %dma_wait3A_458] : memref<2560x128xi32, #tpu.memory_space<hbm>> -> memref<88x128xi32, #tpu.memory_space<hbm>>
        tpu.wait_dma2 semaphore(%run_scoped3A : memref<!tpu.dma_semaphore, #tpu.memory_space<semaphore_mem>>) src(%dma_wait3A_459 : memref<88x128xi32, #tpu.memory_space<hbm>>) dst(%dma_wait3A_457 : memref<88x128xi32, #tpu.memory_space<vmem>>)
        tpu.yield
      }) : () -> ()
      "tpu.region"() ({
        %run_scoped3A = tpu.sem_alloc : memref<!tpu.dma_semaphore, #tpu.memory_space<semaphore_mem>>
        %dma_start3A_440 = arith.constant 0 : i32
        %dma_start3A_441 = arith.constant 0 : i32
        %dma_start3A_442 = tpu.memref_slice %arg7[%dma_start3A_440, %dma_start3A_441] : memref<88x128xi32, #tpu.memory_space<vmem>> -> memref<88x128xi32, #tpu.memory_space<vmem>>
        %dma_start3A_443 = arith.constant 0 : i32
        %dma_start3A_444 = tpu.memref_slice %arg3[%mul3A_341, %dma_start3A_443] : memref<2560x128xi32, #tpu.memory_space<hbm>> -> memref<88x128xi32, #tpu.memory_space<hbm>>
        %dma_start3A_445 = arith.constant 0 : i32
        %dma_start3A_446 = arith.constant 0 : i32
        %dma_start3A_447 = tpu.memref_slice %arg7[%dma_start3A_445, %dma_start3A_446] : memref<88x128xi32, #tpu.memory_space<vmem>> -> memref<88x128xi32, #tpu.memory_space<vmem>>
        %dma_start3A_448 = arith.constant 0 : i32
        %dma_start3A_449 = tpu.memref_slice %arg3[%mul3A_341, %dma_start3A_448] : memref<2560x128xi32, #tpu.memory_space<hbm>> -> memref<88x128xi32, #tpu.memory_space<hbm>>
        tpu.enqueue_dma source(%dma_start3A_449 : memref<88x128xi32, #tpu.memory_space<hbm>>) target(%dma_start3A_447 : memref<88x128xi32, #tpu.memory_space<vmem>>) target_semaphore(%run_scoped3A : memref<!tpu.dma_semaphore, #tpu.memory_space<semaphore_mem>>)
        %dma_wait3A_450 = arith.constant 0 : i32
        %dma_wait3A_451 = arith.constant 0 : i32
        %dma_wait3A_452 = tpu.memref_slice %arg7[%dma_wait3A_450, %dma_wait3A_451] : memref<88x128xi32, #tpu.memory_space<vmem>> -> memref<88x128xi32, #tpu.memory_space<vmem>>
        %dma_wait3A_453 = arith.constant 0 : i32
        %dma_wait3A_454 = tpu.memref_slice %arg3[%mul3A_341, %dma_wait3A_453] : memref<2560x128xi32, #tpu.memory_space<hbm>> -> memref<88x128xi32, #tpu.memory_space<hbm>>
        %dma_wait3A_455 = arith.constant 0 : i32
        %dma_wait3A_456 = arith.constant 0 : i32
        %dma_wait3A_457 = tpu.memref_slice %arg7[%dma_wait3A_455, %dma_wait3A_456] : memref<88x128xi32, #tpu.memory_space<vmem>> -> memref<88x128xi32, #tpu.memory_space<vmem>>
        %dma_wait3A_458 = arith.constant 0 : i32
        %dma_wait3A_459 = tpu.memref_slice %arg3[%mul3A_341, %dma_wait3A_458] : memref<2560x128xi32, #tpu.memory_space<hbm>> -> memref<88x128xi32, #tpu.memory_space<hbm>>
        tpu.wait_dma2 semaphore(%run_scoped3A : memref<!tpu.dma_semaphore, #tpu.memory_space<semaphore_mem>>) src(%dma_wait3A_459 : memref<88x128xi32, #tpu.memory_space<hbm>>) dst(%dma_wait3A_457 : memref<88x128xi32, #tpu.memory_space<vmem>>)
        tpu.yield
      }) : () -> ()
      %dma_wait3A_342 = arith.constant 0 : i32
      %dma_wait3A_343 = arith.constant 0 : i32
      %dma_wait3A_344 = tpu.memref_slice %arg12[%dma_wait3A_342, %dma_wait3A_343] : memref<128x64xf32, #tpu.memory_space<vmem>> -> memref<128x64xf32, #tpu.memory_space<vmem>>
      %dma_wait3A_345 = arith.constant 0 : i32
      %dma_wait3A_346 = tpu.memref_slice %arg14[%add3A_5, %dma_wait3A_345] : memref<10240x64xf32, #tpu.memory_space<vmem_shared>> -> memref<128x64xf32, #tpu.memory_space<vmem_shared>>
      %dma_wait3A_347 = arith.constant 0 : i32
      %dma_wait3A_348 = tpu.memref_slice %arg14[%add3A_5, %dma_wait3A_347] : memref<10240x64xf32, #tpu.memory_space<vmem_shared>> -> memref<128x64xf32, #tpu.memory_space<vmem_shared>>
      %dma_wait3A_349 = arith.constant 0 : i32
      %dma_wait3A_350 = arith.constant 0 : i32
      %dma_wait3A_351 = tpu.memref_slice %arg12[%dma_wait3A_349, %dma_wait3A_350] : memref<128x64xf32, #tpu.memory_space<vmem>> -> memref<128x64xf32, #tpu.memory_space<vmem>>
      tpu.wait_dma2 semaphore(%arg19 : memref<!tpu.dma_semaphore, #tpu.memory_space<semaphore_mem>>) src(%dma_wait3A_351 : memref<128x64xf32, #tpu.memory_space<vmem>>) dst(%dma_wait3A_348 : memref<128x64xf32, #tpu.memory_space<vmem_shared>>)
      %dma_wait3A_352 = arith.constant 0 : i32
      %dma_wait3A_353 = arith.constant 0 : i32
      %dma_wait3A_354 = tpu.memref_slice %arg13[%dma_wait3A_352, %dma_wait3A_353] : memref<128x64xf32, #tpu.memory_space<vmem>> -> memref<128x64xf32, #tpu.memory_space<vmem>>
      %dma_wait3A_355 = arith.constant 0 : i32
      %dma_wait3A_356 = tpu.memref_slice %arg14[%add3A_18, %dma_wait3A_355] : memref<10240x64xf32, #tpu.memory_space<vmem_shared>> -> memref<128x64xf32, #tpu.memory_space<vmem_shared>>
      %dma_wait3A_357 = arith.constant 0 : i32
      %dma_wait3A_358 = tpu.memref_slice %arg14[%add3A_18, %dma_wait3A_357] : memref<10240x64xf32, #tpu.memory_space<vmem_shared>> -> memref<128x64xf32, #tpu.memory_space<vmem_shared>>
      %dma_wait3A_359 = arith.constant 0 : i32
      %dma_wait3A_360 = arith.constant 0 : i32
      %dma_wait3A_361 = tpu.memref_slice %arg13[%dma_wait3A_359, %dma_wait3A_360] : memref<128x64xf32, #tpu.memory_space<vmem>> -> memref<128x64xf32, #tpu.memory_space<vmem>>
      tpu.wait_dma2 semaphore(%arg20 : memref<!tpu.dma_semaphore, #tpu.memory_space<semaphore_mem>>) src(%dma_wait3A_361 : memref<128x64xf32, #tpu.memory_space<vmem>>) dst(%dma_wait3A_358 : memref<128x64xf32, #tpu.memory_space<vmem_shared>>)
      %dma_wait3A_362 = arith.constant 0 : i32
      %dma_wait3A_363 = arith.constant 0 : i32
      %dma_wait3A_364 = tpu.memref_slice %arg12[%dma_wait3A_362, %dma_wait3A_363] : memref<128x64xf32, #tpu.memory_space<vmem>> -> memref<128x64xf32, #tpu.memory_space<vmem>>
      %dma_wait3A_365 = arith.constant 0 : i32
      %dma_wait3A_366 = tpu.memref_slice %arg14[%add3A_32, %dma_wait3A_365] : memref<10240x64xf32, #tpu.memory_space<vmem_shared>> -> memref<128x64xf32, #tpu.memory_space<vmem_shared>>
      %dma_wait3A_367 = arith.constant 0 : i32
      %dma_wait3A_368 = tpu.memref_slice %arg14[%add3A_32, %dma_wait3A_367] : memref<10240x64xf32, #tpu.memory_space<vmem_shared>> -> memref<128x64xf32, #tpu.memory_space<vmem_shared>>
      %dma_wait3A_369 = arith.constant 0 : i32
      %dma_wait3A_370 = arith.constant 0 : i32
      %dma_wait3A_371 = tpu.memref_slice %arg12[%dma_wait3A_369, %dma_wait3A_370] : memref<128x64xf32, #tpu.memory_space<vmem>> -> memref<128x64xf32, #tpu.memory_space<vmem>>
      tpu.wait_dma2 semaphore(%arg15 : memref<!tpu.dma_semaphore, #tpu.memory_space<semaphore_mem>>) src(%dma_wait3A_371 : memref<128x64xf32, #tpu.memory_space<vmem>>) dst(%dma_wait3A_368 : memref<128x64xf32, #tpu.memory_space<vmem_shared>>)
      %dma_wait3A_372 = arith.constant 0 : i32
      %dma_wait3A_373 = arith.constant 0 : i32
      %dma_wait3A_374 = tpu.memref_slice %arg13[%dma_wait3A_372, %dma_wait3A_373] : memref<128x64xf32, #tpu.memory_space<vmem>> -> memref<128x64xf32, #tpu.memory_space<vmem>>
      %dma_wait3A_375 = arith.constant 0 : i32
      %dma_wait3A_376 = tpu.memref_slice %arg14[%add3A_46, %dma_wait3A_375] : memref<10240x64xf32, #tpu.memory_space<vmem_shared>> -> memref<128x64xf32, #tpu.memory_space<vmem_shared>>
      %dma_wait3A_377 = arith.constant 0 : i32
      %dma_wait3A_378 = tpu.memref_slice %arg14[%add3A_46, %dma_wait3A_377] : memref<10240x64xf32, #tpu.memory_space<vmem_shared>> -> memref<128x64xf32, #tpu.memory_space<vmem_shared>>
      %dma_wait3A_379 = arith.constant 0 : i32
      %dma_wait3A_380 = arith.constant 0 : i32
      %dma_wait3A_381 = tpu.memref_slice %arg13[%dma_wait3A_379, %dma_wait3A_380] : memref<128x64xf32, #tpu.memory_space<vmem>> -> memref<128x64xf32, #tpu.memory_space<vmem>>
      tpu.wait_dma2 semaphore(%arg16 : memref<!tpu.dma_semaphore, #tpu.memory_space<semaphore_mem>>) src(%dma_wait3A_381 : memref<128x64xf32, #tpu.memory_space<vmem>>) dst(%dma_wait3A_378 : memref<128x64xf32, #tpu.memory_space<vmem_shared>>)
      %dma_wait3A_382 = arith.constant 0 : i32
      %dma_wait3A_383 = arith.constant 0 : i32
      %dma_wait3A_384 = tpu.memref_slice %arg12[%dma_wait3A_382, %dma_wait3A_383] : memref<128x64xf32, #tpu.memory_space<vmem>> -> memref<128x64xf32, #tpu.memory_space<vmem>>
      %dma_wait3A_385 = arith.constant 0 : i32
      %dma_wait3A_386 = tpu.memref_slice %arg14[%add3A_60, %dma_wait3A_385] : memref<10240x64xf32, #tpu.memory_space<vmem_shared>> -> memref<128x64xf32, #tpu.memory_space<vmem_shared>>
      %dma_wait3A_387 = arith.constant 0 : i32
      %dma_wait3A_388 = tpu.memref_slice %arg14[%add3A_60, %dma_wait3A_387] : memref<10240x64xf32, #tpu.memory_space<vmem_shared>> -> memref<128x64xf32, #tpu.memory_space<vmem_shared>>
      %dma_wait3A_389 = arith.constant 0 : i32
      %dma_wait3A_390 = arith.constant 0 : i32
      %dma_wait3A_391 = tpu.memref_slice %arg12[%dma_wait3A_389, %dma_wait3A_390] : memref<128x64xf32, #tpu.memory_space<vmem>> -> memref<128x64xf32, #tpu.memory_space<vmem>>
      tpu.wait_dma2 semaphore(%arg17 : memref<!tpu.dma_semaphore, #tpu.memory_space<semaphore_mem>>) src(%dma_wait3A_391 : memref<128x64xf32, #tpu.memory_space<vmem>>) dst(%dma_wait3A_388 : memref<128x64xf32, #tpu.memory_space<vmem_shared>>)
      %barrier3A_392 = arith.constant 0 : index
      tpu.barrier barrier_id(%barrier3A_392)
      %dma_start3A_393 = arith.constant 0 : i32
      %dma_start3A_394 = arith.constant 0 : i32
      %dma_start3A_395 = tpu.memref_slice %arg6[%dma_start3A_393, %dma_start3A_394] : memref<88x128xi32, #tpu.memory_space<vmem>> -> memref<1x128xi32, #tpu.memory_space<vmem>>
      %dma_start3A_396 = tpu.memref_squeeze %dma_start3A_395 : memref<1x128xi32, #tpu.memory_space<vmem>> -> memref<128xi32, #tpu.memory_space<vmem>>
      %dma_start3A_397 = arith.constant 0 : i32
      %dma_start3A_398 = arith.constant 0 : i32
      %dma_start3A_399 = tpu.memref_slice %arg4[%dma_start3A_397, %dma_start3A_398] : memref<10000x32xi32, #tpu.memory_space<hbm>> -> memref<10000x32xi32, #tpu.memory_space<hbm>>
      tpu.enqueue_indirect_dma source(%dma_start3A_399 : memref<10000x32xi32, #tpu.memory_space<hbm>>) target(%arg8 : memref<128x32xi32, #tpu.memory_space<vmem>>) offsets(%dma_start3A_396 : memref<128xi32, #tpu.memory_space<vmem>>) semaphore(%arg15 : memref<!tpu.dma_semaphore, #tpu.memory_space<semaphore_mem>>)
      %dma_start3A_400 = arith.constant 1 : i32
      %dma_start3A_401 = arith.constant 0 : i32
      %dma_start3A_402 = tpu.memref_slice %arg6[%dma_start3A_400, %dma_start3A_401] : memref<88x128xi32, #tpu.memory_space<vmem>> -> memref<1x128xi32, #tpu.memory_space<vmem>>
      %dma_start3A_403 = tpu.memref_squeeze %dma_start3A_402 : memref<1x128xi32, #tpu.memory_space<vmem>> -> memref<128xi32, #tpu.memory_space<vmem>>
      %dma_start3A_404 = arith.constant 0 : i32
      %dma_start3A_405 = arith.constant 0 : i32
      %dma_start3A_406 = tpu.memref_slice %arg4[%dma_start3A_404, %dma_start3A_405] : memref<10000x32xi32, #tpu.memory_space<hbm>> -> memref<10000x32xi32, #tpu.memory_space<hbm>>
      tpu.enqueue_indirect_dma source(%dma_start3A_406 : memref<10000x32xi32, #tpu.memory_space<hbm>>) target(%arg9 : memref<128x32xi32, #tpu.memory_space<vmem>>) offsets(%dma_start3A_403 : memref<128xi32, #tpu.memory_space<vmem>>) semaphore(%arg16 : memref<!tpu.dma_semaphore, #tpu.memory_space<semaphore_mem>>)
      %dma_start3A_407 = arith.constant 2 : i32
      %dma_start3A_408 = arith.constant 0 : i32
      %dma_start3A_409 = tpu.memref_slice %arg6[%dma_start3A_407, %dma_start3A_408] : memref<88x128xi32, #tpu.memory_space<vmem>> -> memref<1x128xi32, #tpu.memory_space<vmem>>
      %dma_start3A_410 = tpu.memref_squeeze %dma_start3A_409 : memref<1x128xi32, #tpu.memory_space<vmem>> -> memref<128xi32, #tpu.memory_space<vmem>>
      %dma_start3A_411 = arith.constant 0 : i32
      %dma_start3A_412 = arith.constant 0 : i32
      %dma_start3A_413 = tpu.memref_slice %arg4[%dma_start3A_411, %dma_start3A_412] : memref<10000x32xi32, #tpu.memory_space<hbm>> -> memref<10000x32xi32, #tpu.memory_space<hbm>>
      tpu.enqueue_indirect_dma source(%dma_start3A_413 : memref<10000x32xi32, #tpu.memory_space<hbm>>) target(%arg10 : memref<128x32xi32, #tpu.memory_space<vmem>>) offsets(%dma_start3A_410 : memref<128xi32, #tpu.memory_space<vmem>>) semaphore(%arg17 : memref<!tpu.dma_semaphore, #tpu.memory_space<semaphore_mem>>)
      %dma_start3A_414 = arith.constant 3 : i32
      %dma_start3A_415 = arith.constant 0 : i32
      %dma_start3A_416 = tpu.memref_slice %arg6[%dma_start3A_414, %dma_start3A_415] : memref<88x128xi32, #tpu.memory_space<vmem>> -> memref<1x128xi32, #tpu.memory_space<vmem>>
      %dma_start3A_417 = tpu.memref_squeeze %dma_start3A_416 : memref<1x128xi32, #tpu.memory_space<vmem>> -> memref<128xi32, #tpu.memory_space<vmem>>
      %dma_start3A_418 = arith.constant 0 : i32
      %dma_start3A_419 = arith.constant 0 : i32
      %dma_start3A_420 = tpu.memref_slice %arg4[%dma_start3A_418, %dma_start3A_419] : memref<10000x32xi32, #tpu.memory_space<hbm>> -> memref<10000x32xi32, #tpu.memory_space<hbm>>
      tpu.enqueue_indirect_dma source(%dma_start3A_420 : memref<10000x32xi32, #tpu.memory_space<hbm>>) target(%arg11 : memref<128x32xi32, #tpu.memory_space<vmem>>) offsets(%dma_start3A_417 : memref<128xi32, #tpu.memory_space<vmem>>) semaphore(%arg18 : memref<!tpu.dma_semaphore, #tpu.memory_space<semaphore_mem>>)
      %scan3A_421 = arith.constant 0 : i32
      %scan3A_422 = arith.constant 22 : i32
      %scan3A_423 = arith.addi %scan3A_421, %scan3A_422 : i32
      %scan3A_424 = arith.constant 1 : i32
      scf.for %scan3A_440 = %scan3A_421 to %scan3A_423 step %scan3A_424  : i32 {
        %mul3A_441 = arith.constant 4 : i32
        %mul3A_442 = arith.muli %mul3A_441, %scan3A_440 : i32
        %add3A_443 = arith.constant 0 : i32
        %add3A_444 = arith.addi %mul3A_442, %add3A_443 : i32
        %dma_wait3A_445 = arith.constant 0 : i32
        %dma_wait3A_446 = tpu.memref_slice %arg6[%add3A_444, %dma_wait3A_445] : memref<88x128xi32, #tpu.memory_space<vmem>> -> memref<1x128xi32, #tpu.memory_space<vmem>>
        %dma_wait3A_447 = tpu.memref_squeeze %dma_wait3A_446 : memref<1x128xi32, #tpu.memory_space<vmem>> -> memref<128xi32, #tpu.memory_space<vmem>>
        %dma_wait3A_448 = arith.constant 0 : i32
        %dma_wait3A_449 = arith.constant 0 : i32
        %dma_wait3A_450 = tpu.memref_slice %arg4[%dma_wait3A_448, %dma_wait3A_449] : memref<10000x32xi32, #tpu.memory_space<hbm>> -> memref<10000x32xi32, #tpu.memory_space<hbm>>
        tpu.wait_indirect_dma semaphore(%arg15 : memref<!tpu.dma_semaphore, #tpu.memory_space<semaphore_mem>>) src(%dma_wait3A_450 : memref<10000x32xi32, #tpu.memory_space<hbm>>) dst(%arg8 : memref<128x32xi32, #tpu.memory_space<vmem>>)
        %ge3A = arith.constant 2 : i32
        %ge3A_451 = arith.cmpi sge, %add3A_444, %ge3A : i32
        %convert_element_type3A_452 = arith.extui %ge3A_451 : i1 to i32
        %cond3A_453 = arith.constant 0 : i32
        %cond3A_454 = arith.cmpi ne, %convert_element_type3A_452, %cond3A_453 : i32
        scf.if %cond3A_454 {
          %sub3A = arith.constant 2 : i32
          %sub3A_571 = arith.subi %add3A_444, %sub3A : i32
          %dma_wait3A_572 = arith.constant 0 : i32
          %dma_wait3A_573 = tpu.memref_slice %arg7[%sub3A_571, %dma_wait3A_572] : memref<88x128xi32, #tpu.memory_space<vmem>> -> memref<1x128xi32, #tpu.memory_space<vmem>>
          %dma_wait3A_574 = tpu.memref_squeeze %dma_wait3A_573 : memref<1x128xi32, #tpu.memory_space<vmem>> -> memref<128xi32, #tpu.memory_space<vmem>>
          %dma_wait3A_575 = arith.constant 0 : i32
          %dma_wait3A_576 = arith.constant 0 : i32
          %dma_wait3A_577 = tpu.memref_slice %arg14[%dma_wait3A_575, %dma_wait3A_576] : memref<10240x64xf32, #tpu.memory_space<vmem_shared>> -> memref<10240x64xf32, #tpu.memory_space<vmem_shared>>
          tpu.wait_indirect_dma semaphore(%arg19 : memref<!tpu.dma_semaphore, #tpu.memory_space<semaphore_mem>>) src(%arg12 : memref<128x64xf32, #tpu.memory_space<vmem>>) dst(%dma_wait3A_577 : memref<10240x64xf32, #tpu.memory_space<vmem_shared>>)
        } else {
        }
        %scan3A_455 = arith.constant 0 : i32
        %scan3A_456 = arith.constant 128 : i32
        %scan3A_457 = arith.addi %scan3A_455, %scan3A_456 : i32
        %scan3A_458 = arith.constant 1 : i32
        scf.for %scan3A_571 = %scan3A_455 to %scan3A_457 step %scan3A_458  : i32 {
          %get3A = arith.index_cast %scan3A_571 : i32 to index
          %get3A_572 = arith.constant 0 : index
          %get3A_573 = tpu.vector_load %arg8[%get3A, %get3A_572] {strides = array<i32>} : memref<128x32xi32, #tpu.memory_space<vmem>>, vector<1x16xi32>,
          %get3A_574 = vector.shape_cast %get3A_573 : vector<1x16xi32> to vector<16xi32>
          %shift_left3A = arith.shli %get3A_574, %broadcast_in_dim3A_73 : vector<16xi32>
          %bitcast_convert_type3A = tpu.bitcast %shift_left3A : vector<16xi32> -> vector<16xf32>
          %and3A = arith.andi %get3A_574, %broadcast_in_dim3A_71 : vector<16xi32>
          %bitcast_convert_type3A_575 = tpu.bitcast %and3A : vector<16xi32> -> vector<16xf32>
          %swap3A = arith.index_cast %scan3A_571 : i32 to index
          %swap3A_576 = arith.constant 0 : index
          %swap3A_577 = tpu.vector_load %arg12[%swap3A, %swap3A_576] {strides = array<i32>} : memref<128x64xf32, #tpu.memory_space<vmem>>, vector<1x16xf32>,
          %swap3A_578 = vector.shape_cast %swap3A_577 : vector<1x16xf32> to vector<16xf32>
          %swap3A_579 = vector.shape_cast %bitcast_convert_type3A : vector<16xf32> to vector<1x16xf32>
          tpu.vector_store %arg12[%swap3A, %swap3A_576], %swap3A_579 {strides = array<i32>} : memref<128x64xf32, #tpu.memory_space<vmem>>, vector<1x16xf32>,
          %swap3A_580 = arith.index_cast %scan3A_571 : i32 to index
          %swap3A_581 = arith.constant 32 : index
          %swap3A_582 = tpu.vector_load %arg12[%swap3A_580, %swap3A_581] {strides = array<i32>} : memref<128x64xf32, #tpu.memory_space<vmem>>, vector<1x16xf32>,
          %swap3A_583 = vector.shape_cast %swap3A_582 : vector<1x16xf32> to vector<16xf32>
          %swap3A_584 = vector.shape_cast %bitcast_convert_type3A_575 : vector<16xf32> to vector<1x16xf32>
          tpu.vector_store %arg12[%swap3A_580, %swap3A_581], %swap3A_584 {strides = array<i32>} : memref<128x64xf32, #tpu.memory_space<vmem>>, vector<1x16xf32>,
          %get3A_585 = arith.index_cast %scan3A_571 : i32 to index
          %get3A_586 = arith.constant 16 : index
          %get3A_587 = tpu.vector_load %arg8[%get3A_585, %get3A_586] {strides = array<i32>} : memref<128x32xi32, #tpu.memory_space<vmem>>, vector<1x16xi32>,
          %get3A_588 = vector.shape_cast %get3A_587 : vector<1x16xi32> to vector<16xi32>
          %shift_left3A_589 = arith.shli %get3A_588, %broadcast_in_dim3A_73 : vector<16xi32>
          %bitcast_convert_type3A_590 = tpu.bitcast %shift_left3A_589 : vector<16xi32> -> vector<16xf32>
          %and3A_591 = arith.andi %get3A_588, %broadcast_in_dim3A_71 : vector<16xi32>
          %bitcast_convert_type3A_592 = tpu.bitcast %and3A_591 : vector<16xi32> -> vector<16xf32>
          %swap3A_593 = arith.index_cast %scan3A_571 : i32 to index
          %swap3A_594 = arith.constant 16 : index
          %swap3A_595 = tpu.vector_load %arg12[%swap3A_593, %swap3A_594] {strides = array<i32>} : memref<128x64xf32, #tpu.memory_space<vmem>>, vector<1x16xf32>,
          %swap3A_596 = vector.shape_cast %swap3A_595 : vector<1x16xf32> to vector<16xf32>
          %swap3A_597 = vector.shape_cast %bitcast_convert_type3A_590 : vector<16xf32> to vector<1x16xf32>
          tpu.vector_store %arg12[%swap3A_593, %swap3A_594], %swap3A_597 {strides = array<i32>} : memref<128x64xf32, #tpu.memory_space<vmem>>, vector<1x16xf32>,
          %swap3A_598 = arith.index_cast %scan3A_571 : i32 to index
          %swap3A_599 = arith.constant 48 : index
          %swap3A_600 = tpu.vector_load %arg12[%swap3A_598, %swap3A_599] {strides = array<i32>} : memref<128x64xf32, #tpu.memory_space<vmem>>, vector<1x16xf32>,
          %swap3A_601 = vector.shape_cast %swap3A_600 : vector<1x16xf32> to vector<16xf32>
          %swap3A_602 = vector.shape_cast %bitcast_convert_type3A_592 : vector<16xf32> to vector<1x16xf32>
          tpu.vector_store %arg12[%swap3A_598, %swap3A_599], %swap3A_602 {strides = array<i32>} : memref<128x64xf32, #tpu.memory_space<vmem>>, vector<1x16xf32>,
        }
        %scan3A_459 = arith.constant 128 : i32
        %dma_start3A_460 = arith.constant 0 : i32
        %dma_start3A_461 = tpu.memref_slice %arg7[%add3A_444, %dma_start3A_460] : memref<88x128xi32, #tpu.memory_space<vmem>> -> memref<1x128xi32, #tpu.memory_space<vmem>>
        %dma_start3A_462 = tpu.memref_squeeze %dma_start3A_461 : memref<1x128xi32, #tpu.memory_space<vmem>> -> memref<128xi32, #tpu.memory_space<vmem>>
        %dma_start3A_463 = arith.constant 0 : i32
        %dma_start3A_464 = arith.constant 0 : i32
        %dma_start3A_465 = tpu.memref_slice %arg14[%dma_start3A_463, %dma_start3A_464] : memref<10240x64xf32, #tpu.memory_space<vmem_shared>> -> memref<10240x64xf32, #tpu.memory_space<vmem_shared>>
        tpu.enqueue_indirect_dma source(%arg12 : memref<128x64xf32, #tpu.memory_space<vmem>>) target(%dma_start3A_465 : memref<10240x64xf32, #tpu.memory_space<vmem_shared>>) offsets(%dma_start3A_462 : memref<128xi32, #tpu.memory_space<vmem>>) semaphore(%arg19 : memref<!tpu.dma_semaphore, #tpu.memory_space<semaphore_mem>>) {add = true}
        %add3A_466 = arith.constant 4 : i32
        %add3A_467 = arith.addi %add3A_444, %add3A_466 : i32
        %lt3A = arith.constant 88 : i32
        %lt3A_468 = arith.cmpi slt, %add3A_467, %lt3A : i32
        %convert_element_type3A_469 = arith.extui %lt3A_468 : i1 to i32
        %cond3A_470 = arith.constant 0 : i32
        %cond3A_471 = arith.cmpi ne, %convert_element_type3A_469, %cond3A_470 : i32
        scf.if %cond3A_471 {
          %add3A_571 = arith.constant 4 : i32
          %add3A_572 = arith.addi %add3A_444, %add3A_571 : i32
          %dma_start3A_573 = arith.constant 0 : i32
          %dma_start3A_574 = tpu.memref_slice %arg6[%add3A_572, %dma_start3A_573] : memref<88x128xi32, #tpu.memory_space<vmem>> -> memref<1x128xi32, #tpu.memory_space<vmem>>
          %dma_start3A_575 = tpu.memref_squeeze %dma_start3A_574 : memref<1x128xi32, #tpu.memory_space<vmem>> -> memref<128xi32, #tpu.memory_space<vmem>>
          %dma_start3A_576 = arith.constant 0 : i32
          %dma_start3A_577 = arith.constant 0 : i32
          %dma_start3A_578 = tpu.memref_slice %arg4[%dma_start3A_576, %dma_start3A_577] : memref<10000x32xi32, #tpu.memory_space<hbm>> -> memref<10000x32xi32, #tpu.memory_space<hbm>>
          tpu.enqueue_indirect_dma source(%dma_start3A_578 : memref<10000x32xi32, #tpu.memory_space<hbm>>) target(%arg8 : memref<128x32xi32, #tpu.memory_space<vmem>>) offsets(%dma_start3A_575 : memref<128xi32, #tpu.memory_space<vmem>>) semaphore(%arg15 : memref<!tpu.dma_semaphore, #tpu.memory_space<semaphore_mem>>)
        } else {
        }
        %mul3A_472 = arith.constant 4 : i32
        %mul3A_473 = arith.muli %mul3A_472, %scan3A_440 : i32
        %add3A_474 = arith.constant 1 : i32
        %add3A_475 = arith.addi %mul3A_473, %add3A_474 : i32
        %dma_wait3A_476 = arith.constant 0 : i32
        %dma_wait3A_477 = tpu.memref_slice %arg6[%add3A_475, %dma_wait3A_476] : memref<88x128xi32, #tpu.memory_space<vmem>> -> memref<1x128xi32, #tpu.memory_space<vmem>>
        %dma_wait3A_478 = tpu.memref_squeeze %dma_wait3A_477 : memref<1x128xi32, #tpu.memory_space<vmem>> -> memref<128xi32, #tpu.memory_space<vmem>>
        %dma_wait3A_479 = arith.constant 0 : i32
        %dma_wait3A_480 = arith.constant 0 : i32
        %dma_wait3A_481 = tpu.memref_slice %arg4[%dma_wait3A_479, %dma_wait3A_480] : memref<10000x32xi32, #tpu.memory_space<hbm>> -> memref<10000x32xi32, #tpu.memory_space<hbm>>
        tpu.wait_indirect_dma semaphore(%arg16 : memref<!tpu.dma_semaphore, #tpu.memory_space<semaphore_mem>>) src(%dma_wait3A_481 : memref<10000x32xi32, #tpu.memory_space<hbm>>) dst(%arg9 : memref<128x32xi32, #tpu.memory_space<vmem>>)
        %ge3A_482 = arith.constant 2 : i32
        %ge3A_483 = arith.cmpi sge, %add3A_475, %ge3A_482 : i32
        %convert_element_type3A_484 = arith.extui %ge3A_483 : i1 to i32
        %cond3A_485 = arith.constant 0 : i32
        %cond3A_486 = arith.cmpi ne, %convert_element_type3A_484, %cond3A_485 : i32
        scf.if %cond3A_486 {
          %sub3A = arith.constant 2 : i32
          %sub3A_571 = arith.subi %add3A_475, %sub3A : i32
          %dma_wait3A_572 = arith.constant 0 : i32
          %dma_wait3A_573 = tpu.memref_slice %arg7[%sub3A_571, %dma_wait3A_572] : memref<88x128xi32, #tpu.memory_space<vmem>> -> memref<1x128xi32, #tpu.memory_space<vmem>>
          %dma_wait3A_574 = tpu.memref_squeeze %dma_wait3A_573 : memref<1x128xi32, #tpu.memory_space<vmem>> -> memref<128xi32, #tpu.memory_space<vmem>>
          %dma_wait3A_575 = arith.constant 0 : i32
          %dma_wait3A_576 = arith.constant 0 : i32
          %dma_wait3A_577 = tpu.memref_slice %arg14[%dma_wait3A_575, %dma_wait3A_576] : memref<10240x64xf32, #tpu.memory_space<vmem_shared>> -> memref<10240x64xf32, #tpu.memory_space<vmem_shared>>
          tpu.wait_indirect_dma semaphore(%arg20 : memref<!tpu.dma_semaphore, #tpu.memory_space<semaphore_mem>>) src(%arg13 : memref<128x64xf32, #tpu.memory_space<vmem>>) dst(%dma_wait3A_577 : memref<10240x64xf32, #tpu.memory_space<vmem_shared>>)
        } else {
        }
        %scan3A_487 = arith.constant 0 : i32
        %scan3A_488 = arith.constant 128 : i32
        %scan3A_489 = arith.addi %scan3A_487, %scan3A_488 : i32
        %scan3A_490 = arith.constant 1 : i32
        scf.for %scan3A_571 = %scan3A_487 to %scan3A_489 step %scan3A_490  : i32 {
          %get3A = arith.index_cast %scan3A_571 : i32 to index
          %get3A_572 = arith.constant 0 : index
          %get3A_573 = tpu.vector_load %arg9[%get3A, %get3A_572] {strides = array<i32>} : memref<128x32xi32, #tpu.memory_space<vmem>>, vector<1x16xi32>,
          %get3A_574 = vector.shape_cast %get3A_573 : vector<1x16xi32> to vector<16xi32>
          %shift_left3A = arith.shli %get3A_574, %broadcast_in_dim3A_73 : vector<16xi32>
          %bitcast_convert_type3A = tpu.bitcast %shift_left3A : vector<16xi32> -> vector<16xf32>
          %and3A = arith.andi %get3A_574, %broadcast_in_dim3A_71 : vector<16xi32>
          %bitcast_convert_type3A_575 = tpu.bitcast %and3A : vector<16xi32> -> vector<16xf32>
          %swap3A = arith.index_cast %scan3A_571 : i32 to index
          %swap3A_576 = arith.constant 0 : index
          %swap3A_577 = tpu.vector_load %arg13[%swap3A, %swap3A_576] {strides = array<i32>} : memref<128x64xf32, #tpu.memory_space<vmem>>, vector<1x16xf32>,
          %swap3A_578 = vector.shape_cast %swap3A_577 : vector<1x16xf32> to vector<16xf32>
          %swap3A_579 = vector.shape_cast %bitcast_convert_type3A : vector<16xf32> to vector<1x16xf32>
          tpu.vector_store %arg13[%swap3A, %swap3A_576], %swap3A_579 {strides = array<i32>} : memref<128x64xf32, #tpu.memory_space<vmem>>, vector<1x16xf32>,
          %swap3A_580 = arith.index_cast %scan3A_571 : i32 to index
          %swap3A_581 = arith.constant 32 : index
          %swap3A_582 = tpu.vector_load %arg13[%swap3A_580, %swap3A_581] {strides = array<i32>} : memref<128x64xf32, #tpu.memory_space<vmem>>, vector<1x16xf32>,
          %swap3A_583 = vector.shape_cast %swap3A_582 : vector<1x16xf32> to vector<16xf32>
          %swap3A_584 = vector.shape_cast %bitcast_convert_type3A_575 : vector<16xf32> to vector<1x16xf32>
          tpu.vector_store %arg13[%swap3A_580, %swap3A_581], %swap3A_584 {strides = array<i32>} : memref<128x64xf32, #tpu.memory_space<vmem>>, vector<1x16xf32>,
          %get3A_585 = arith.index_cast %scan3A_571 : i32 to index
          %get3A_586 = arith.constant 16 : index
          %get3A_587 = tpu.vector_load %arg9[%get3A_585, %get3A_586] {strides = array<i32>} : memref<128x32xi32, #tpu.memory_space<vmem>>, vector<1x16xi32>,
          %get3A_588 = vector.shape_cast %get3A_587 : vector<1x16xi32> to vector<16xi32>
          %shift_left3A_589 = arith.shli %get3A_588, %broadcast_in_dim3A_73 : vector<16xi32>
          %bitcast_convert_type3A_590 = tpu.bitcast %shift_left3A_589 : vector<16xi32> -> vector<16xf32>
          %and3A_591 = arith.andi %get3A_588, %broadcast_in_dim3A_71 : vector<16xi32>
          %bitcast_convert_type3A_592 = tpu.bitcast %and3A_591 : vector<16xi32> -> vector<16xf32>
          %swap3A_593 = arith.index_cast %scan3A_571 : i32 to index
          %swap3A_594 = arith.constant 16 : index
          %swap3A_595 = tpu.vector_load %arg13[%swap3A_593, %swap3A_594] {strides = array<i32>} : memref<128x64xf32, #tpu.memory_space<vmem>>, vector<1x16xf32>,
          %swap3A_596 = vector.shape_cast %swap3A_595 : vector<1x16xf32> to vector<16xf32>
          %swap3A_597 = vector.shape_cast %bitcast_convert_type3A_590 : vector<16xf32> to vector<1x16xf32>
          tpu.vector_store %arg13[%swap3A_593, %swap3A_594], %swap3A_597 {strides = array<i32>} : memref<128x64xf32, #tpu.memory_space<vmem>>, vector<1x16xf32>,
          %swap3A_598 = arith.index_cast %scan3A_571 : i32 to index
          %swap3A_599 = arith.constant 48 : index
          %swap3A_600 = tpu.vector_load %arg13[%swap3A_598, %swap3A_599] {strides = array<i32>} : memref<128x64xf32, #tpu.memory_space<vmem>>, vector<1x16xf32>,
          %swap3A_601 = vector.shape_cast %swap3A_600 : vector<1x16xf32> to vector<16xf32>
          %swap3A_602 = vector.shape_cast %bitcast_convert_type3A_592 : vector<16xf32> to vector<1x16xf32>
          tpu.vector_store %arg13[%swap3A_598, %swap3A_599], %swap3A_602 {strides = array<i32>} : memref<128x64xf32, #tpu.memory_space<vmem>>, vector<1x16xf32>,
        }
        %scan3A_491 = arith.constant 128 : i32
        %dma_start3A_492 = arith.constant 0 : i32
        %dma_start3A_493 = tpu.memref_slice %arg7[%add3A_475, %dma_start3A_492] : memref<88x128xi32, #tpu.memory_space<vmem>> -> memref<1x128xi32, #tpu.memory_space<vmem>>
        %dma_start3A_494 = tpu.memref_squeeze %dma_start3A_493 : memref<1x128xi32, #tpu.memory_space<vmem>> -> memref<128xi32, #tpu.memory_space<vmem>>
        %dma_start3A_495 = arith.constant 0 : i32
        %dma_start3A_496 = arith.constant 0 : i32
        %dma_start3A_497 = tpu.memref_slice %arg14[%dma_start3A_495, %dma_start3A_496] : memref<10240x64xf32, #tpu.memory_space<vmem_shared>> -> memref<10240x64xf32, #tpu.memory_space<vmem_shared>>
        tpu.enqueue_indirect_dma source(%arg13 : memref<128x64xf32, #tpu.memory_space<vmem>>) target(%dma_start3A_497 : memref<10240x64xf32, #tpu.memory_space<vmem_shared>>) offsets(%dma_start3A_494 : memref<128xi32, #tpu.memory_space<vmem>>) semaphore(%arg20 : memref<!tpu.dma_semaphore, #tpu.memory_space<semaphore_mem>>) {add = true}
        %add3A_498 = arith.constant 4 : i32
        %add3A_499 = arith.addi %add3A_475, %add3A_498 : i32
        %lt3A_500 = arith.constant 88 : i32
        %lt3A_501 = arith.cmpi slt, %add3A_499, %lt3A_500 : i32
        %convert_element_type3A_502 = arith.extui %lt3A_501 : i1 to i32
        %cond3A_503 = arith.constant 0 : i32
        %cond3A_504 = arith.cmpi ne, %convert_element_type3A_502, %cond3A_503 : i32
        scf.if %cond3A_504 {
          %add3A_571 = arith.constant 4 : i32
          %add3A_572 = arith.addi %add3A_475, %add3A_571 : i32
          %dma_start3A_573 = arith.constant 0 : i32
          %dma_start3A_574 = tpu.memref_slice %arg6[%add3A_572, %dma_start3A_573] : memref<88x128xi32, #tpu.memory_space<vmem>> -> memref<1x128xi32, #tpu.memory_space<vmem>>
          %dma_start3A_575 = tpu.memref_squeeze %dma_start3A_574 : memref<1x128xi32, #tpu.memory_space<vmem>> -> memref<128xi32, #tpu.memory_space<vmem>>
          %dma_start3A_576 = arith.constant 0 : i32
          %dma_start3A_577 = arith.constant 0 : i32
          %dma_start3A_578 = tpu.memref_slice %arg4[%dma_start3A_576, %dma_start3A_577] : memref<10000x32xi32, #tpu.memory_space<hbm>> -> memref<10000x32xi32, #tpu.memory_space<hbm>>
          tpu.enqueue_indirect_dma source(%dma_start3A_578 : memref<10000x32xi32, #tpu.memory_space<hbm>>) target(%arg9 : memref<128x32xi32, #tpu.memory_space<vmem>>) offsets(%dma_start3A_575 : memref<128xi32, #tpu.memory_space<vmem>>) semaphore(%arg16 : memref<!tpu.dma_semaphore, #tpu.memory_space<semaphore_mem>>)
        } else {
        }
        %mul3A_505 = arith.constant 4 : i32
        %mul3A_506 = arith.muli %mul3A_505, %scan3A_440 : i32
        %add3A_507 = arith.constant 2 : i32
        %add3A_508 = arith.addi %mul3A_506, %add3A_507 : i32
        %dma_wait3A_509 = arith.constant 0 : i32
        %dma_wait3A_510 = tpu.memref_slice %arg6[%add3A_508, %dma_wait3A_509] : memref<88x128xi32, #tpu.memory_space<vmem>> -> memref<1x128xi32, #tpu.memory_space<vmem>>
        %dma_wait3A_511 = tpu.memref_squeeze %dma_wait3A_510 : memref<1x128xi32, #tpu.memory_space<vmem>> -> memref<128xi32, #tpu.memory_space<vmem>>
        %dma_wait3A_512 = arith.constant 0 : i32
        %dma_wait3A_513 = arith.constant 0 : i32
        %dma_wait3A_514 = tpu.memref_slice %arg4[%dma_wait3A_512, %dma_wait3A_513] : memref<10000x32xi32, #tpu.memory_space<hbm>> -> memref<10000x32xi32, #tpu.memory_space<hbm>>
        tpu.wait_indirect_dma semaphore(%arg17 : memref<!tpu.dma_semaphore, #tpu.memory_space<semaphore_mem>>) src(%dma_wait3A_514 : memref<10000x32xi32, #tpu.memory_space<hbm>>) dst(%arg10 : memref<128x32xi32, #tpu.memory_space<vmem>>)
        %ge3A_515 = arith.constant 2 : i32
        %ge3A_516 = arith.cmpi sge, %add3A_508, %ge3A_515 : i32
        %convert_element_type3A_517 = arith.extui %ge3A_516 : i1 to i32
        %cond3A_518 = arith.constant 0 : i32
        %cond3A_519 = arith.cmpi ne, %convert_element_type3A_517, %cond3A_518 : i32
        scf.if %cond3A_519 {
          %sub3A = arith.constant 2 : i32
          %sub3A_571 = arith.subi %add3A_508, %sub3A : i32
          %dma_wait3A_572 = arith.constant 0 : i32
          %dma_wait3A_573 = tpu.memref_slice %arg7[%sub3A_571, %dma_wait3A_572] : memref<88x128xi32, #tpu.memory_space<vmem>> -> memref<1x128xi32, #tpu.memory_space<vmem>>
          %dma_wait3A_574 = tpu.memref_squeeze %dma_wait3A_573 : memref<1x128xi32, #tpu.memory_space<vmem>> -> memref<128xi32, #tpu.memory_space<vmem>>
          %dma_wait3A_575 = arith.constant 0 : i32
          %dma_wait3A_576 = arith.constant 0 : i32
          %dma_wait3A_577 = tpu.memref_slice %arg14[%dma_wait3A_575, %dma_wait3A_576] : memref<10240x64xf32, #tpu.memory_space<vmem_shared>> -> memref<10240x64xf32, #tpu.memory_space<vmem_shared>>
          tpu.wait_indirect_dma semaphore(%arg19 : memref<!tpu.dma_semaphore, #tpu.memory_space<semaphore_mem>>) src(%arg12 : memref<128x64xf32, #tpu.memory_space<vmem>>) dst(%dma_wait3A_577 : memref<10240x64xf32, #tpu.memory_space<vmem_shared>>)
        } else {
        }
        %scan3A_520 = arith.constant 0 : i32
        %scan3A_521 = arith.constant 128 : i32
        %scan3A_522 = arith.addi %scan3A_520, %scan3A_521 : i32
        %scan3A_523 = arith.constant 1 : i32
        scf.for %scan3A_571 = %scan3A_520 to %scan3A_522 step %scan3A_523  : i32 {
          %get3A = arith.index_cast %scan3A_571 : i32 to index
          %get3A_572 = arith.constant 0 : index
          %get3A_573 = tpu.vector_load %arg10[%get3A, %get3A_572] {strides = array<i32>} : memref<128x32xi32, #tpu.memory_space<vmem>>, vector<1x16xi32>,
          %get3A_574 = vector.shape_cast %get3A_573 : vector<1x16xi32> to vector<16xi32>
          %shift_left3A = arith.shli %get3A_574, %broadcast_in_dim3A_73 : vector<16xi32>
          %bitcast_convert_type3A = tpu.bitcast %shift_left3A : vector<16xi32> -> vector<16xf32>
          %and3A = arith.andi %get3A_574, %broadcast_in_dim3A_71 : vector<16xi32>
          %bitcast_convert_type3A_575 = tpu.bitcast %and3A : vector<16xi32> -> vector<16xf32>
          %swap3A = arith.index_cast %scan3A_571 : i32 to index
          %swap3A_576 = arith.constant 0 : index
          %swap3A_577 = tpu.vector_load %arg12[%swap3A, %swap3A_576] {strides = array<i32>} : memref<128x64xf32, #tpu.memory_space<vmem>>, vector<1x16xf32>,
          %swap3A_578 = vector.shape_cast %swap3A_577 : vector<1x16xf32> to vector<16xf32>
          %swap3A_579 = vector.shape_cast %bitcast_convert_type3A : vector<16xf32> to vector<1x16xf32>
          tpu.vector_store %arg12[%swap3A, %swap3A_576], %swap3A_579 {strides = array<i32>} : memref<128x64xf32, #tpu.memory_space<vmem>>, vector<1x16xf32>,
          %swap3A_580 = arith.index_cast %scan3A_571 : i32 to index
          %swap3A_581 = arith.constant 32 : index
          %swap3A_582 = tpu.vector_load %arg12[%swap3A_580, %swap3A_581] {strides = array<i32>} : memref<128x64xf32, #tpu.memory_space<vmem>>, vector<1x16xf32>,
          %swap3A_583 = vector.shape_cast %swap3A_582 : vector<1x16xf32> to vector<16xf32>
          %swap3A_584 = vector.shape_cast %bitcast_convert_type3A_575 : vector<16xf32> to vector<1x16xf32>
          tpu.vector_store %arg12[%swap3A_580, %swap3A_581], %swap3A_584 {strides = array<i32>} : memref<128x64xf32, #tpu.memory_space<vmem>>, vector<1x16xf32>,
          %get3A_585 = arith.index_cast %scan3A_571 : i32 to index
          %get3A_586 = arith.constant 16 : index
          %get3A_587 = tpu.vector_load %arg10[%get3A_585, %get3A_586] {strides = array<i32>} : memref<128x32xi32, #tpu.memory_space<vmem>>, vector<1x16xi32>,
          %get3A_588 = vector.shape_cast %get3A_587 : vector<1x16xi32> to vector<16xi32>
          %shift_left3A_589 = arith.shli %get3A_588, %broadcast_in_dim3A_73 : vector<16xi32>
          %bitcast_convert_type3A_590 = tpu.bitcast %shift_left3A_589 : vector<16xi32> -> vector<16xf32>
          %and3A_591 = arith.andi %get3A_588, %broadcast_in_dim3A_71 : vector<16xi32>
          %bitcast_convert_type3A_592 = tpu.bitcast %and3A_591 : vector<16xi32> -> vector<16xf32>
          %swap3A_593 = arith.index_cast %scan3A_571 : i32 to index
          %swap3A_594 = arith.constant 16 : index
          %swap3A_595 = tpu.vector_load %arg12[%swap3A_593, %swap3A_594] {strides = array<i32>} : memref<128x64xf32, #tpu.memory_space<vmem>>, vector<1x16xf32>,
          %swap3A_596 = vector.shape_cast %swap3A_595 : vector<1x16xf32> to vector<16xf32>
          %swap3A_597 = vector.shape_cast %bitcast_convert_type3A_590 : vector<16xf32> to vector<1x16xf32>
          tpu.vector_store %arg12[%swap3A_593, %swap3A_594], %swap3A_597 {strides = array<i32>} : memref<128x64xf32, #tpu.memory_space<vmem>>, vector<1x16xf32>,
          %swap3A_598 = arith.index_cast %scan3A_571 : i32 to index
          %swap3A_599 = arith.constant 48 : index
          %swap3A_600 = tpu.vector_load %arg12[%swap3A_598, %swap3A_599] {strides = array<i32>} : memref<128x64xf32, #tpu.memory_space<vmem>>, vector<1x16xf32>,
          %swap3A_601 = vector.shape_cast %swap3A_600 : vector<1x16xf32> to vector<16xf32>
          %swap3A_602 = vector.shape_cast %bitcast_convert_type3A_592 : vector<16xf32> to vector<1x16xf32>
          tpu.vector_store %arg12[%swap3A_598, %swap3A_599], %swap3A_602 {strides = array<i32>} : memref<128x64xf32, #tpu.memory_space<vmem>>, vector<1x16xf32>,
        }
        %scan3A_524 = arith.constant 128 : i32
        %dma_start3A_525 = arith.constant 0 : i32
        %dma_start3A_526 = tpu.memref_slice %arg7[%add3A_508, %dma_start3A_525] : memref<88x128xi32, #tpu.memory_space<vmem>> -> memref<1x128xi32, #tpu.memory_space<vmem>>
        %dma_start3A_527 = tpu.memref_squeeze %dma_start3A_526 : memref<1x128xi32, #tpu.memory_space<vmem>> -> memref<128xi32, #tpu.memory_space<vmem>>
        %dma_start3A_528 = arith.constant 0 : i32
        %dma_start3A_529 = arith.constant 0 : i32
        %dma_start3A_530 = tpu.memref_slice %arg14[%dma_start3A_528, %dma_start3A_529] : memref<10240x64xf32, #tpu.memory_space<vmem_shared>> -> memref<10240x64xf32, #tpu.memory_space<vmem_shared>>
        tpu.enqueue_indirect_dma source(%arg12 : memref<128x64xf32, #tpu.memory_space<vmem>>) target(%dma_start3A_530 : memref<10240x64xf32, #tpu.memory_space<vmem_shared>>) offsets(%dma_start3A_527 : memref<128xi32, #tpu.memory_space<vmem>>) semaphore(%arg19 : memref<!tpu.dma_semaphore, #tpu.memory_space<semaphore_mem>>) {add = true}
        %add3A_531 = arith.constant 4 : i32
        %add3A_532 = arith.addi %add3A_508, %add3A_531 : i32
        %lt3A_533 = arith.constant 88 : i32
        %lt3A_534 = arith.cmpi slt, %add3A_532, %lt3A_533 : i32
        %convert_element_type3A_535 = arith.extui %lt3A_534 : i1 to i32
        %cond3A_536 = arith.constant 0 : i32
        %cond3A_537 = arith.cmpi ne, %convert_element_type3A_535, %cond3A_536 : i32
        scf.if %cond3A_537 {
          %add3A_571 = arith.constant 4 : i32
          %add3A_572 = arith.addi %add3A_508, %add3A_571 : i32
          %dma_start3A_573 = arith.constant 0 : i32
          %dma_start3A_574 = tpu.memref_slice %arg6[%add3A_572, %dma_start3A_573] : memref<88x128xi32, #tpu.memory_space<vmem>> -> memref<1x128xi32, #tpu.memory_space<vmem>>
          %dma_start3A_575 = tpu.memref_squeeze %dma_start3A_574 : memref<1x128xi32, #tpu.memory_space<vmem>> -> memref<128xi32, #tpu.memory_space<vmem>>
          %dma_start3A_576 = arith.constant 0 : i32
          %dma_start3A_577 = arith.constant 0 : i32
          %dma_start3A_578 = tpu.memref_slice %arg4[%dma_start3A_576, %dma_start3A_577] : memref<10000x32xi32, #tpu.memory_space<hbm>> -> memref<10000x32xi32, #tpu.memory_space<hbm>>
          tpu.enqueue_indirect_dma source(%dma_start3A_578 : memref<10000x32xi32, #tpu.memory_space<hbm>>) target(%arg10 : memref<128x32xi32, #tpu.memory_space<vmem>>) offsets(%dma_start3A_575 : memref<128xi32, #tpu.memory_space<vmem>>) semaphore(%arg17 : memref<!tpu.dma_semaphore, #tpu.memory_space<semaphore_mem>>)
        } else {
        }
        %mul3A_538 = arith.constant 4 : i32
        %mul3A_539 = arith.muli %mul3A_538, %scan3A_440 : i32
        %add3A_540 = arith.constant 3 : i32
        %add3A_541 = arith.addi %mul3A_539, %add3A_540 : i32
        %dma_wait3A_542 = arith.constant 0 : i32
        %dma_wait3A_543 = tpu.memref_slice %arg6[%add3A_541, %dma_wait3A_542] : memref<88x128xi32, #tpu.memory_space<vmem>> -> memref<1x128xi32, #tpu.memory_space<vmem>>
        %dma_wait3A_544 = tpu.memref_squeeze %dma_wait3A_543 : memref<1x128xi32, #tpu.memory_space<vmem>> -> memref<128xi32, #tpu.memory_space<vmem>>
        %dma_wait3A_545 = arith.constant 0 : i32
        %dma_wait3A_546 = arith.constant 0 : i32
        %dma_wait3A_547 = tpu.memref_slice %arg4[%dma_wait3A_545, %dma_wait3A_546] : memref<10000x32xi32, #tpu.memory_space<hbm>> -> memref<10000x32xi32, #tpu.memory_space<hbm>>
        tpu.wait_indirect_dma semaphore(%arg18 : memref<!tpu.dma_semaphore, #tpu.memory_space<semaphore_mem>>) src(%dma_wait3A_547 : memref<10000x32xi32, #tpu.memory_space<hbm>>) dst(%arg11 : memref<128x32xi32, #tpu.memory_space<vmem>>)
        %ge3A_548 = arith.constant 2 : i32
        %ge3A_549 = arith.cmpi sge, %add3A_541, %ge3A_548 : i32
        %convert_element_type3A_550 = arith.extui %ge3A_549 : i1 to i32
        %cond3A_551 = arith.constant 0 : i32
        %cond3A_552 = arith.cmpi ne, %convert_element_type3A_550, %cond3A_551 : i32
        scf.if %cond3A_552 {
          %sub3A = arith.constant 2 : i32
          %sub3A_571 = arith.subi %add3A_541, %sub3A : i32
          %dma_wait3A_572 = arith.constant 0 : i32
          %dma_wait3A_573 = tpu.memref_slice %arg7[%sub3A_571, %dma_wait3A_572] : memref<88x128xi32, #tpu.memory_space<vmem>> -> memref<1x128xi32, #tpu.memory_space<vmem>>
          %dma_wait3A_574 = tpu.memref_squeeze %dma_wait3A_573 : memref<1x128xi32, #tpu.memory_space<vmem>> -> memref<128xi32, #tpu.memory_space<vmem>>
          %dma_wait3A_575 = arith.constant 0 : i32
          %dma_wait3A_576 = arith.constant 0 : i32
          %dma_wait3A_577 = tpu.memref_slice %arg14[%dma_wait3A_575, %dma_wait3A_576] : memref<10240x64xf32, #tpu.memory_space<vmem_shared>> -> memref<10240x64xf32, #tpu.memory_space<vmem_shared>>
          tpu.wait_indirect_dma semaphore(%arg20 : memref<!tpu.dma_semaphore, #tpu.memory_space<semaphore_mem>>) src(%arg13 : memref<128x64xf32, #tpu.memory_space<vmem>>) dst(%dma_wait3A_577 : memref<10240x64xf32, #tpu.memory_space<vmem_shared>>)
        } else {
        }
        %scan3A_553 = arith.constant 0 : i32
        %scan3A_554 = arith.constant 128 : i32
        %scan3A_555 = arith.addi %scan3A_553, %scan3A_554 : i32
        %scan3A_556 = arith.constant 1 : i32
        scf.for %scan3A_571 = %scan3A_553 to %scan3A_555 step %scan3A_556  : i32 {
          %get3A = arith.index_cast %scan3A_571 : i32 to index
          %get3A_572 = arith.constant 0 : index
          %get3A_573 = tpu.vector_load %arg11[%get3A, %get3A_572] {strides = array<i32>} : memref<128x32xi32, #tpu.memory_space<vmem>>, vector<1x16xi32>,
          %get3A_574 = vector.shape_cast %get3A_573 : vector<1x16xi32> to vector<16xi32>
          %shift_left3A = arith.shli %get3A_574, %broadcast_in_dim3A_73 : vector<16xi32>
          %bitcast_convert_type3A = tpu.bitcast %shift_left3A : vector<16xi32> -> vector<16xf32>
          %and3A = arith.andi %get3A_574, %broadcast_in_dim3A_71 : vector<16xi32>
          %bitcast_convert_type3A_575 = tpu.bitcast %and3A : vector<16xi32> -> vector<16xf32>
          %swap3A = arith.index_cast %scan3A_571 : i32 to index
          %swap3A_576 = arith.constant 0 : index
          %swap3A_577 = tpu.vector_load %arg13[%swap3A, %swap3A_576] {strides = array<i32>} : memref<128x64xf32, #tpu.memory_space<vmem>>, vector<1x16xf32>,
          %swap3A_578 = vector.shape_cast %swap3A_577 : vector<1x16xf32> to vector<16xf32>
          %swap3A_579 = vector.shape_cast %bitcast_convert_type3A : vector<16xf32> to vector<1x16xf32>
          tpu.vector_store %arg13[%swap3A, %swap3A_576], %swap3A_579 {strides = array<i32>} : memref<128x64xf32, #tpu.memory_space<vmem>>, vector<1x16xf32>,
          %swap3A_580 = arith.index_cast %scan3A_571 : i32 to index
          %swap3A_581 = arith.constant 32 : index
          %swap3A_582 = tpu.vector_load %arg13[%swap3A_580, %swap3A_581] {strides = array<i32>} : memref<128x64xf32, #tpu.memory_space<vmem>>, vector<1x16xf32>,
          %swap3A_583 = vector.shape_cast %swap3A_582 : vector<1x16xf32> to vector<16xf32>
          %swap3A_584 = vector.shape_cast %bitcast_convert_type3A_575 : vector<16xf32> to vector<1x16xf32>
          tpu.vector_store %arg13[%swap3A_580, %swap3A_581], %swap3A_584 {strides = array<i32>} : memref<128x64xf32, #tpu.memory_space<vmem>>, vector<1x16xf32>,
          %get3A_585 = arith.index_cast %scan3A_571 : i32 to index
          %get3A_586 = arith.constant 16 : index
          %get3A_587 = tpu.vector_load %arg11[%get3A_585, %get3A_586] {strides = array<i32>} : memref<128x32xi32, #tpu.memory_space<vmem>>, vector<1x16xi32>,
          %get3A_588 = vector.shape_cast %get3A_587 : vector<1x16xi32> to vector<16xi32>
          %shift_left3A_589 = arith.shli %get3A_588, %broadcast_in_dim3A_73 : vector<16xi32>
          %bitcast_convert_type3A_590 = tpu.bitcast %shift_left3A_589 : vector<16xi32> -> vector<16xf32>
          %and3A_591 = arith.andi %get3A_588, %broadcast_in_dim3A_71 : vector<16xi32>
          %bitcast_convert_type3A_592 = tpu.bitcast %and3A_591 : vector<16xi32> -> vector<16xf32>
          %swap3A_593 = arith.index_cast %scan3A_571 : i32 to index
          %swap3A_594 = arith.constant 16 : index
          %swap3A_595 = tpu.vector_load %arg13[%swap3A_593, %swap3A_594] {strides = array<i32>} : memref<128x64xf32, #tpu.memory_space<vmem>>, vector<1x16xf32>,
          %swap3A_596 = vector.shape_cast %swap3A_595 : vector<1x16xf32> to vector<16xf32>
          %swap3A_597 = vector.shape_cast %bitcast_convert_type3A_590 : vector<16xf32> to vector<1x16xf32>
          tpu.vector_store %arg13[%swap3A_593, %swap3A_594], %swap3A_597 {strides = array<i32>} : memref<128x64xf32, #tpu.memory_space<vmem>>, vector<1x16xf32>,
          %swap3A_598 = arith.index_cast %scan3A_571 : i32 to index
          %swap3A_599 = arith.constant 48 : index
          %swap3A_600 = tpu.vector_load %arg13[%swap3A_598, %swap3A_599] {strides = array<i32>} : memref<128x64xf32, #tpu.memory_space<vmem>>, vector<1x16xf32>,
          %swap3A_601 = vector.shape_cast %swap3A_600 : vector<1x16xf32> to vector<16xf32>
          %swap3A_602 = vector.shape_cast %bitcast_convert_type3A_592 : vector<16xf32> to vector<1x16xf32>
          tpu.vector_store %arg13[%swap3A_598, %swap3A_599], %swap3A_602 {strides = array<i32>} : memref<128x64xf32, #tpu.memory_space<vmem>>, vector<1x16xf32>,
        }
        %scan3A_557 = arith.constant 128 : i32
        %dma_start3A_558 = arith.constant 0 : i32
        %dma_start3A_559 = tpu.memref_slice %arg7[%add3A_541, %dma_start3A_558] : memref<88x128xi32, #tpu.memory_space<vmem>> -> memref<1x128xi32, #tpu.memory_space<vmem>>
        %dma_start3A_560 = tpu.memref_squeeze %dma_start3A_559 : memref<1x128xi32, #tpu.memory_space<vmem>> -> memref<128xi32, #tpu.memory_space<vmem>>
        %dma_start3A_561 = arith.constant 0 : i32
        %dma_start3A_562 = arith.constant 0 : i32
        %dma_start3A_563 = tpu.memref_slice %arg14[%dma_start3A_561, %dma_start3A_562] : memref<10240x64xf32, #tpu.memory_space<vmem_shared>> -> memref<10240x64xf32, #tpu.memory_space<vmem_shared>>
        tpu.enqueue_indirect_dma source(%arg13 : memref<128x64xf32, #tpu.memory_space<vmem>>) target(%dma_start3A_563 : memref<10240x64xf32, #tpu.memory_space<vmem_shared>>) offsets(%dma_start3A_560 : memref<128xi32, #tpu.memory_space<vmem>>) semaphore(%arg20 : memref<!tpu.dma_semaphore, #tpu.memory_space<semaphore_mem>>) {add = true}
        %add3A_564 = arith.constant 4 : i32
        %add3A_565 = arith.addi %add3A_541, %add3A_564 : i32
        %lt3A_566 = arith.constant 88 : i32
        %lt3A_567 = arith.cmpi slt, %add3A_565, %lt3A_566 : i32
        %convert_element_type3A_568 = arith.extui %lt3A_567 : i1 to i32
        %cond3A_569 = arith.constant 0 : i32
        %cond3A_570 = arith.cmpi ne, %convert_element_type3A_568, %cond3A_569 : i32
        scf.if %cond3A_570 {
          %add3A_571 = arith.constant 4 : i32
          %add3A_572 = arith.addi %add3A_541, %add3A_571 : i32
          %dma_start3A_573 = arith.constant 0 : i32
          %dma_start3A_574 = tpu.memref_slice %arg6[%add3A_572, %dma_start3A_573] : memref<88x128xi32, #tpu.memory_space<vmem>> -> memref<1x128xi32, #tpu.memory_space<vmem>>
          %dma_start3A_575 = tpu.memref_squeeze %dma_start3A_574 : memref<1x128xi32, #tpu.memory_space<vmem>> -> memref<128xi32, #tpu.memory_space<vmem>>
          %dma_start3A_576 = arith.constant 0 : i32
          %dma_start3A_577 = arith.constant 0 : i32
          %dma_start3A_578 = tpu.memref_slice %arg4[%dma_start3A_576, %dma_start3A_577] : memref<10000x32xi32, #tpu.memory_space<hbm>> -> memref<10000x32xi32, #tpu.memory_space<hbm>>
          tpu.enqueue_indirect_dma source(%dma_start3A_578 : memref<10000x32xi32, #tpu.memory_space<hbm>>) target(%arg11 : memref<128x32xi32, #tpu.memory_space<vmem>>) offsets(%dma_start3A_575 : memref<128xi32, #tpu.memory_space<vmem>>) semaphore(%arg18 : memref<!tpu.dma_semaphore, #tpu.memory_space<semaphore_mem>>)
        } else {
        }
      }
      %scan3A_425 = arith.constant 22 : i32
      %dma_wait3A_426 = arith.constant 86 : i32
      %dma_wait3A_427 = arith.constant 0 : i32
      %dma_wait3A_428 = tpu.memref_slice %arg7[%dma_wait3A_426, %dma_wait3A_427] : memref<88x128xi32, #tpu.memory_space<vmem>> -> memref<1x128xi32, #tpu.memory_space<vmem>>
      %dma_wait3A_429 = tpu.memref_squeeze %dma_wait3A_428 : memref<1x128xi32, #tpu.memory_space<vmem>> -> memref<128xi32, #tpu.memory_space<vmem>>
      %dma_wait3A_430 = arith.constant 0 : i32
      %dma_wait3A_431 = arith.constant 0 : i32
      %dma_wait3A_432 = tpu.memref_slice %arg14[%dma_wait3A_430, %dma_wait3A_431] : memref<10240x64xf32, #tpu.memory_space<vmem_shared>> -> memref<10240x64xf32, #tpu.memory_space<vmem_shared>>
      tpu.wait_indirect_dma semaphore(%arg19 : memref<!tpu.dma_semaphore, #tpu.memory_space<semaphore_mem>>) src(%arg12 : memref<128x64xf32, #tpu.memory_space<vmem>>) dst(%dma_wait3A_432 : memref<10240x64xf32, #tpu.memory_space<vmem_shared>>)
      %dma_wait3A_433 = arith.constant 87 : i32
      %dma_wait3A_434 = arith.constant 0 : i32
      %dma_wait3A_435 = tpu.memref_slice %arg7[%dma_wait3A_433, %dma_wait3A_434] : memref<88x128xi32, #tpu.memory_space<vmem>> -> memref<1x128xi32, #tpu.memory_space<vmem>>
      %dma_wait3A_436 = tpu.memref_squeeze %dma_wait3A_435 : memref<1x128xi32, #tpu.memory_space<vmem>> -> memref<128xi32, #tpu.memory_space<vmem>>
      %dma_wait3A_437 = arith.constant 0 : i32
      %dma_wait3A_438 = arith.constant 0 : i32
      %dma_wait3A_439 = tpu.memref_slice %arg14[%dma_wait3A_437, %dma_wait3A_438] : memref<10240x64xf32, #tpu.memory_space<vmem_shared>> -> memref<10240x64xf32, #tpu.memory_space<vmem_shared>>
      tpu.wait_indirect_dma semaphore(%arg20 : memref<!tpu.dma_semaphore, #tpu.memory_space<semaphore_mem>>) src(%arg13 : memref<128x64xf32, #tpu.memory_space<vmem>>) dst(%dma_wait3A_439 : memref<10240x64xf32, #tpu.memory_space<vmem_shared>>)
    } else {
    }
    %eq3A_76 = arith.constant 1 : i32
    %eq3A_77 = arith.cmpi eq, %arg0, %eq3A_76 : i32
    %convert_element_type3A_78 = arith.extui %eq3A_77 : i1 to i32
    %cond3A_79 = arith.constant 0 : i32
    %cond3A_80 = arith.cmpi ne, %convert_element_type3A_78, %cond3A_79 : i32
    scf.if %cond3A_80 {
      %mul3A_340 = arith.constant 72 : i32
      %mul3A_341 = arith.muli %arg1, %mul3A_340 : i32
      %add3A_342 = arith.constant 1408 : i32
      %add3A_343 = arith.addi %add3A_342, %mul3A_341 : i32
      "tpu.region"() ({
        %run_scoped3A = tpu.sem_alloc : memref<!tpu.dma_semaphore, #tpu.memory_space<semaphore_mem>>
        %dma_start3A_442 = arith.constant 0 : i32
        %dma_start3A_443 = arith.constant 0 : i32
        %dma_start3A_444 = tpu.memref_slice %arg6[%dma_start3A_442, %dma_start3A_443] : memref<88x128xi32, #tpu.memory_space<vmem>> -> memref<72x128xi32, #tpu.memory_space<vmem>>
        %dma_start3A_445 = arith.constant 0 : i32
        %dma_start3A_446 = tpu.memref_slice %arg2[%add3A_343, %dma_start3A_445] : memref<2560x128xi32, #tpu.memory_space<hbm>> -> memref<72x128xi32, #tpu.memory_space<hbm>>
        %dma_start3A_447 = arith.constant 0 : i32
        %dma_start3A_448 = arith.constant 0 : i32
        %dma_start3A_449 = tpu.memref_slice %arg6[%dma_start3A_447, %dma_start3A_448] : memref<88x128xi32, #tpu.memory_space<vmem>> -> memref<72x128xi32, #tpu.memory_space<vmem>>
        %dma_start3A_450 = arith.constant 0 : i32
        %dma_start3A_451 = tpu.memref_slice %arg2[%add3A_343, %dma_start3A_450] : memref<2560x128xi32, #tpu.memory_space<hbm>> -> memref<72x128xi32, #tpu.memory_space<hbm>>
        tpu.enqueue_dma source(%dma_start3A_451 : memref<72x128xi32, #tpu.memory_space<hbm>>) target(%dma_start3A_449 : memref<72x128xi32, #tpu.memory_space<vmem>>) target_semaphore(%run_scoped3A : memref<!tpu.dma_semaphore, #tpu.memory_space<semaphore_mem>>)
        %dma_wait3A_452 = arith.constant 0 : i32
        %dma_wait3A_453 = arith.constant 0 : i32
        %dma_wait3A_454 = tpu.memref_slice %arg6[%dma_wait3A_452, %dma_wait3A_453] : memref<88x128xi32, #tpu.memory_space<vmem>> -> memref<72x128xi32, #tpu.memory_space<vmem>>
        %dma_wait3A_455 = arith.constant 0 : i32
        %dma_wait3A_456 = tpu.memref_slice %arg2[%add3A_343, %dma_wait3A_455] : memref<2560x128xi32, #tpu.memory_space<hbm>> -> memref<72x128xi32, #tpu.memory_space<hbm>>
        %dma_wait3A_457 = arith.constant 0 : i32
        %dma_wait3A_458 = arith.constant 0 : i32
        %dma_wait3A_459 = tpu.memref_slice %arg6[%dma_wait3A_457, %dma_wait3A_458] : memref<88x128xi32, #tpu.memory_space<vmem>> -> memref<72x128xi32, #tpu.memory_space<vmem>>
        %dma_wait3A_460 = arith.constant 0 : i32
        %dma_wait3A_461 = tpu.memref_slice %arg2[%add3A_343, %dma_wait3A_460] : memref<2560x128xi32, #tpu.memory_space<hbm>> -> memref<72x128xi32, #tpu.memory_space<hbm>>
        tpu.wait_dma2 semaphore(%run_scoped3A : memref<!tpu.dma_semaphore, #tpu.memory_space<semaphore_mem>>) src(%dma_wait3A_461 : memref<72x128xi32, #tpu.memory_space<hbm>>) dst(%dma_wait3A_459 : memref<72x128xi32, #tpu.memory_space<vmem>>)
        tpu.yield
      }) : () -> ()
      "tpu.region"() ({
        %run_scoped3A = tpu.sem_alloc : memref<!tpu.dma_semaphore, #tpu.memory_space<semaphore_mem>>
        %dma_start3A_442 = arith.constant 0 : i32
        %dma_start3A_443 = arith.constant 0 : i32
        %dma_start3A_444 = tpu.memref_slice %arg7[%dma_start3A_442, %dma_start3A_443] : memref<88x128xi32, #tpu.memory_space<vmem>> -> memref<72x128xi32, #tpu.memory_space<vmem>>
        %dma_start3A_445 = arith.constant 0 : i32
        %dma_start3A_446 = tpu.memref_slice %arg3[%add3A_343, %dma_start3A_445] : memref<2560x128xi32, #tpu.memory_space<hbm>> -> memref<72x128xi32, #tpu.memory_space<hbm>>
        %dma_start3A_447 = arith.constant 0 : i32
        %dma_start3A_448 = arith.constant 0 : i32
        %dma_start3A_449 = tpu.memref_slice %arg7[%dma_start3A_447, %dma_start3A_448] : memref<88x128xi32, #tpu.memory_space<vmem>> -> memref<72x128xi32, #tpu.memory_space<vmem>>
        %dma_start3A_450 = arith.constant 0 : i32
        %dma_start3A_451 = tpu.memref_slice %arg3[%add3A_343, %dma_start3A_450] : memref<2560x128xi32, #tpu.memory_space<hbm>> -> memref<72x128xi32, #tpu.memory_space<hbm>>
        tpu.enqueue_dma source(%dma_start3A_451 : memref<72x128xi32, #tpu.memory_space<hbm>>) target(%dma_start3A_449 : memref<72x128xi32, #tpu.memory_space<vmem>>) target_semaphore(%run_scoped3A : memref<!tpu.dma_semaphore, #tpu.memory_space<semaphore_mem>>)
        %dma_wait3A_452 = arith.constant 0 : i32
        %dma_wait3A_453 = arith.constant 0 : i32
        %dma_wait3A_454 = tpu.memref_slice %arg7[%dma_wait3A_452, %dma_wait3A_453] : memref<88x128xi32, #tpu.memory_space<vmem>> -> memref<72x128xi32, #tpu.memory_space<vmem>>
        %dma_wait3A_455 = arith.constant 0 : i32
        %dma_wait3A_456 = tpu.memref_slice %arg3[%add3A_343, %dma_wait3A_455] : memref<2560x128xi32, #tpu.memory_space<hbm>> -> memref<72x128xi32, #tpu.memory_space<hbm>>
        %dma_wait3A_457 = arith.constant 0 : i32
        %dma_wait3A_458 = arith.constant 0 : i32
        %dma_wait3A_459 = tpu.memref_slice %arg7[%dma_wait3A_457, %dma_wait3A_458] : memref<88x128xi32, #tpu.memory_space<vmem>> -> memref<72x128xi32, #tpu.memory_space<vmem>>
        %dma_wait3A_460 = arith.constant 0 : i32
        %dma_wait3A_461 = tpu.memref_slice %arg3[%add3A_343, %dma_wait3A_460] : memref<2560x128xi32, #tpu.memory_space<hbm>> -> memref<72x128xi32, #tpu.memory_space<hbm>>
        tpu.wait_dma2 semaphore(%run_scoped3A : memref<!tpu.dma_semaphore, #tpu.memory_space<semaphore_mem>>) src(%dma_wait3A_461 : memref<72x128xi32, #tpu.memory_space<hbm>>) dst(%dma_wait3A_459 : memref<72x128xi32, #tpu.memory_space<vmem>>)
        tpu.yield
      }) : () -> ()
      %dma_wait3A_344 = arith.constant 0 : i32
      %dma_wait3A_345 = arith.constant 0 : i32
      %dma_wait3A_346 = tpu.memref_slice %arg12[%dma_wait3A_344, %dma_wait3A_345] : memref<128x64xf32, #tpu.memory_space<vmem>> -> memref<128x64xf32, #tpu.memory_space<vmem>>
      %dma_wait3A_347 = arith.constant 0 : i32
      %dma_wait3A_348 = tpu.memref_slice %arg14[%add3A_5, %dma_wait3A_347] : memref<10240x64xf32, #tpu.memory_space<vmem_shared>> -> memref<128x64xf32, #tpu.memory_space<vmem_shared>>
      %dma_wait3A_349 = arith.constant 0 : i32
      %dma_wait3A_350 = tpu.memref_slice %arg14[%add3A_5, %dma_wait3A_349] : memref<10240x64xf32, #tpu.memory_space<vmem_shared>> -> memref<128x64xf32, #tpu.memory_space<vmem_shared>>
      %dma_wait3A_351 = arith.constant 0 : i32
      %dma_wait3A_352 = arith.constant 0 : i32
      %dma_wait3A_353 = tpu.memref_slice %arg12[%dma_wait3A_351, %dma_wait3A_352] : memref<128x64xf32, #tpu.memory_space<vmem>> -> memref<128x64xf32, #tpu.memory_space<vmem>>
      tpu.wait_dma2 semaphore(%arg19 : memref<!tpu.dma_semaphore, #tpu.memory_space<semaphore_mem>>) src(%dma_wait3A_353 : memref<128x64xf32, #tpu.memory_space<vmem>>) dst(%dma_wait3A_350 : memref<128x64xf32, #tpu.memory_space<vmem_shared>>)
      %dma_wait3A_354 = arith.constant 0 : i32
      %dma_wait3A_355 = arith.constant 0 : i32
      %dma_wait3A_356 = tpu.memref_slice %arg13[%dma_wait3A_354, %dma_wait3A_355] : memref<128x64xf32, #tpu.memory_space<vmem>> -> memref<128x64xf32, #tpu.memory_space<vmem>>
      %dma_wait3A_357 = arith.constant 0 : i32
      %dma_wait3A_358 = tpu.memref_slice %arg14[%add3A_18, %dma_wait3A_357] : memref<10240x64xf32, #tpu.memory_space<vmem_shared>> -> memref<128x64xf32, #tpu.memory_space<vmem_shared>>
      %dma_wait3A_359 = arith.constant 0 : i32
      %dma_wait3A_360 = tpu.memref_slice %arg14[%add3A_18, %dma_wait3A_359] : memref<10240x64xf32, #tpu.memory_space<vmem_shared>> -> memref<128x64xf32, #tpu.memory_space<vmem_shared>>
      %dma_wait3A_361 = arith.constant 0 : i32
      %dma_wait3A_362 = arith.constant 0 : i32
      %dma_wait3A_363 = tpu.memref_slice %arg13[%dma_wait3A_361, %dma_wait3A_362] : memref<128x64xf32, #tpu.memory_space<vmem>> -> memref<128x64xf32, #tpu.memory_space<vmem>>
      tpu.wait_dma2 semaphore(%arg20 : memref<!tpu.dma_semaphore, #tpu.memory_space<semaphore_mem>>) src(%dma_wait3A_363 : memref<128x64xf32, #tpu.memory_space<vmem>>) dst(%dma_wait3A_360 : memref<128x64xf32, #tpu.memory_space<vmem_shared>>)
      %dma_wait3A_364 = arith.constant 0 : i32
      %dma_wait3A_365 = arith.constant 0 : i32
      %dma_wait3A_366 = tpu.memref_slice %arg12[%dma_wait3A_364, %dma_wait3A_365] : memref<128x64xf32, #tpu.memory_space<vmem>> -> memref<128x64xf32, #tpu.memory_space<vmem>>
      %dma_wait3A_367 = arith.constant 0 : i32
      %dma_wait3A_368 = tpu.memref_slice %arg14[%add3A_32, %dma_wait3A_367] : memref<10240x64xf32, #tpu.memory_space<vmem_shared>> -> memref<128x64xf32, #tpu.memory_space<vmem_shared>>
      %dma_wait3A_369 = arith.constant 0 : i32
      %dma_wait3A_370 = tpu.memref_slice %arg14[%add3A_32, %dma_wait3A_369] : memref<10240x64xf32, #tpu.memory_space<vmem_shared>> -> memref<128x64xf32, #tpu.memory_space<vmem_shared>>
      %dma_wait3A_371 = arith.constant 0 : i32
      %dma_wait3A_372 = arith.constant 0 : i32
      %dma_wait3A_373 = tpu.memref_slice %arg12[%dma_wait3A_371, %dma_wait3A_372] : memref<128x64xf32, #tpu.memory_space<vmem>> -> memref<128x64xf32, #tpu.memory_space<vmem>>
      tpu.wait_dma2 semaphore(%arg15 : memref<!tpu.dma_semaphore, #tpu.memory_space<semaphore_mem>>) src(%dma_wait3A_373 : memref<128x64xf32, #tpu.memory_space<vmem>>) dst(%dma_wait3A_370 : memref<128x64xf32, #tpu.memory_space<vmem_shared>>)
      %dma_wait3A_374 = arith.constant 0 : i32
      %dma_wait3A_375 = arith.constant 0 : i32
      %dma_wait3A_376 = tpu.memref_slice %arg13[%dma_wait3A_374, %dma_wait3A_375] : memref<128x64xf32, #tpu.memory_space<vmem>> -> memref<128x64xf32, #tpu.memory_space<vmem>>
      %dma_wait3A_377 = arith.constant 0 : i32
      %dma_wait3A_378 = tpu.memref_slice %arg14[%add3A_46, %dma_wait3A_377] : memref<10240x64xf32, #tpu.memory_space<vmem_shared>> -> memref<128x64xf32, #tpu.memory_space<vmem_shared>>
      %dma_wait3A_379 = arith.constant 0 : i32
      %dma_wait3A_380 = tpu.memref_slice %arg14[%add3A_46, %dma_wait3A_379] : memref<10240x64xf32, #tpu.memory_space<vmem_shared>> -> memref<128x64xf32, #tpu.memory_space<vmem_shared>>
      %dma_wait3A_381 = arith.constant 0 : i32
      %dma_wait3A_382 = arith.constant 0 : i32
      %dma_wait3A_383 = tpu.memref_slice %arg13[%dma_wait3A_381, %dma_wait3A_382] : memref<128x64xf32, #tpu.memory_space<vmem>> -> memref<128x64xf32, #tpu.memory_space<vmem>>
      tpu.wait_dma2 semaphore(%arg16 : memref<!tpu.dma_semaphore, #tpu.memory_space<semaphore_mem>>) src(%dma_wait3A_383 : memref<128x64xf32, #tpu.memory_space<vmem>>) dst(%dma_wait3A_380 : memref<128x64xf32, #tpu.memory_space<vmem_shared>>)
      %dma_wait3A_384 = arith.constant 0 : i32
      %dma_wait3A_385 = arith.constant 0 : i32
      %dma_wait3A_386 = tpu.memref_slice %arg12[%dma_wait3A_384, %dma_wait3A_385] : memref<128x64xf32, #tpu.memory_space<vmem>> -> memref<128x64xf32, #tpu.memory_space<vmem>>
      %dma_wait3A_387 = arith.constant 0 : i32
      %dma_wait3A_388 = tpu.memref_slice %arg14[%add3A_60, %dma_wait3A_387] : memref<10240x64xf32, #tpu.memory_space<vmem_shared>> -> memref<128x64xf32, #tpu.memory_space<vmem_shared>>
      %dma_wait3A_389 = arith.constant 0 : i32
      %dma_wait3A_390 = tpu.memref_slice %arg14[%add3A_60, %dma_wait3A_389] : memref<10240x64xf32, #tpu.memory_space<vmem_shared>> -> memref<128x64xf32, #tpu.memory_space<vmem_shared>>
      %dma_wait3A_391 = arith.constant 0 : i32
      %dma_wait3A_392 = arith.constant 0 : i32
      %dma_wait3A_393 = tpu.memref_slice %arg12[%dma_wait3A_391, %dma_wait3A_392] : memref<128x64xf32, #tpu.memory_space<vmem>> -> memref<128x64xf32, #tpu.memory_space<vmem>>
      tpu.wait_dma2 semaphore(%arg17 : memref<!tpu.dma_semaphore, #tpu.memory_space<semaphore_mem>>) src(%dma_wait3A_393 : memref<128x64xf32, #tpu.memory_space<vmem>>) dst(%dma_wait3A_390 : memref<128x64xf32, #tpu.memory_space<vmem_shared>>)
      %barrier3A_394 = arith.constant 0 : index
      tpu.barrier barrier_id(%barrier3A_394)
      %dma_start3A_395 = arith.constant 0 : i32
      %dma_start3A_396 = arith.constant 0 : i32
      %dma_start3A_397 = tpu.memref_slice %arg6[%dma_start3A_395, %dma_start3A_396] : memref<88x128xi32, #tpu.memory_space<vmem>> -> memref<1x128xi32, #tpu.memory_space<vmem>>
      %dma_start3A_398 = tpu.memref_squeeze %dma_start3A_397 : memref<1x128xi32, #tpu.memory_space<vmem>> -> memref<128xi32, #tpu.memory_space<vmem>>
      %dma_start3A_399 = arith.constant 0 : i32
      %dma_start3A_400 = arith.constant 0 : i32
      %dma_start3A_401 = tpu.memref_slice %arg4[%dma_start3A_399, %dma_start3A_400] : memref<10000x32xi32, #tpu.memory_space<hbm>> -> memref<10000x32xi32, #tpu.memory_space<hbm>>
      tpu.enqueue_indirect_dma source(%dma_start3A_401 : memref<10000x32xi32, #tpu.memory_space<hbm>>) target(%arg8 : memref<128x32xi32, #tpu.memory_space<vmem>>) offsets(%dma_start3A_398 : memref<128xi32, #tpu.memory_space<vmem>>) semaphore(%arg15 : memref<!tpu.dma_semaphore, #tpu.memory_space<semaphore_mem>>)
      %dma_start3A_402 = arith.constant 1 : i32
      %dma_start3A_403 = arith.constant 0 : i32
      %dma_start3A_404 = tpu.memref_slice %arg6[%dma_start3A_402, %dma_start3A_403] : memref<88x128xi32, #tpu.memory_space<vmem>> -> memref<1x128xi32, #tpu.memory_space<vmem>>
      %dma_start3A_405 = tpu.memref_squeeze %dma_start3A_404 : memref<1x128xi32, #tpu.memory_space<vmem>> -> memref<128xi32, #tpu.memory_space<vmem>>
      %dma_start3A_406 = arith.constant 0 : i32
      %dma_start3A_407 = arith.constant 0 : i32
      %dma_start3A_408 = tpu.memref_slice %arg4[%dma_start3A_406, %dma_start3A_407] : memref<10000x32xi32, #tpu.memory_space<hbm>> -> memref<10000x32xi32, #tpu.memory_space<hbm>>
      tpu.enqueue_indirect_dma source(%dma_start3A_408 : memref<10000x32xi32, #tpu.memory_space<hbm>>) target(%arg9 : memref<128x32xi32, #tpu.memory_space<vmem>>) offsets(%dma_start3A_405 : memref<128xi32, #tpu.memory_space<vmem>>) semaphore(%arg16 : memref<!tpu.dma_semaphore, #tpu.memory_space<semaphore_mem>>)
      %dma_start3A_409 = arith.constant 2 : i32
      %dma_start3A_410 = arith.constant 0 : i32
      %dma_start3A_411 = tpu.memref_slice %arg6[%dma_start3A_409, %dma_start3A_410] : memref<88x128xi32, #tpu.memory_space<vmem>> -> memref<1x128xi32, #tpu.memory_space<vmem>>
      %dma_start3A_412 = tpu.memref_squeeze %dma_start3A_411 : memref<1x128xi32, #tpu.memory_space<vmem>> -> memref<128xi32, #tpu.memory_space<vmem>>
      %dma_start3A_413 = arith.constant 0 : i32
      %dma_start3A_414 = arith.constant 0 : i32
      %dma_start3A_415 = tpu.memref_slice %arg4[%dma_start3A_413, %dma_start3A_414] : memref<10000x32xi32, #tpu.memory_space<hbm>> -> memref<10000x32xi32, #tpu.memory_space<hbm>>
      tpu.enqueue_indirect_dma source(%dma_start3A_415 : memref<10000x32xi32, #tpu.memory_space<hbm>>) target(%arg10 : memref<128x32xi32, #tpu.memory_space<vmem>>) offsets(%dma_start3A_412 : memref<128xi32, #tpu.memory_space<vmem>>) semaphore(%arg17 : memref<!tpu.dma_semaphore, #tpu.memory_space<semaphore_mem>>)
      %dma_start3A_416 = arith.constant 3 : i32
      %dma_start3A_417 = arith.constant 0 : i32
      %dma_start3A_418 = tpu.memref_slice %arg6[%dma_start3A_416, %dma_start3A_417] : memref<88x128xi32, #tpu.memory_space<vmem>> -> memref<1x128xi32, #tpu.memory_space<vmem>>
      %dma_start3A_419 = tpu.memref_squeeze %dma_start3A_418 : memref<1x128xi32, #tpu.memory_space<vmem>> -> memref<128xi32, #tpu.memory_space<vmem>>
      %dma_start3A_420 = arith.constant 0 : i32
      %dma_start3A_421 = arith.constant 0 : i32
      %dma_start3A_422 = tpu.memref_slice %arg4[%dma_start3A_420, %dma_start3A_421] : memref<10000x32xi32, #tpu.memory_space<hbm>> -> memref<10000x32xi32, #tpu.memory_space<hbm>>
      tpu.enqueue_indirect_dma source(%dma_start3A_422 : memref<10000x32xi32, #tpu.memory_space<hbm>>) target(%arg11 : memref<128x32xi32, #tpu.memory_space<vmem>>) offsets(%dma_start3A_419 : memref<128xi32, #tpu.memory_space<vmem>>) semaphore(%arg18 : memref<!tpu.dma_semaphore, #tpu.memory_space<semaphore_mem>>)
      %scan3A_423 = arith.constant 0 : i32
      %scan3A_424 = arith.constant 18 : i32
      %scan3A_425 = arith.addi %scan3A_423, %scan3A_424 : i32
      %scan3A_426 = arith.constant 1 : i32
      scf.for %scan3A_442 = %scan3A_423 to %scan3A_425 step %scan3A_426  : i32 {
        %mul3A_443 = arith.constant 4 : i32
        %mul3A_444 = arith.muli %mul3A_443, %scan3A_442 : i32
        %add3A_445 = arith.constant 0 : i32
        %add3A_446 = arith.addi %mul3A_444, %add3A_445 : i32
        %dma_wait3A_447 = arith.constant 0 : i32
        %dma_wait3A_448 = tpu.memref_slice %arg6[%add3A_446, %dma_wait3A_447] : memref<88x128xi32, #tpu.memory_space<vmem>> -> memref<1x128xi32, #tpu.memory_space<vmem>>
        %dma_wait3A_449 = tpu.memref_squeeze %dma_wait3A_448 : memref<1x128xi32, #tpu.memory_space<vmem>> -> memref<128xi32, #tpu.memory_space<vmem>>
        %dma_wait3A_450 = arith.constant 0 : i32
        %dma_wait3A_451 = arith.constant 0 : i32
        %dma_wait3A_452 = tpu.memref_slice %arg4[%dma_wait3A_450, %dma_wait3A_451] : memref<10000x32xi32, #tpu.memory_space<hbm>> -> memref<10000x32xi32, #tpu.memory_space<hbm>>
        tpu.wait_indirect_dma semaphore(%arg15 : memref<!tpu.dma_semaphore, #tpu.memory_space<semaphore_mem>>) src(%dma_wait3A_452 : memref<10000x32xi32, #tpu.memory_space<hbm>>) dst(%arg8 : memref<128x32xi32, #tpu.memory_space<vmem>>)
        %ge3A = arith.constant 2 : i32
        %ge3A_453 = arith.cmpi sge, %add3A_446, %ge3A : i32
        %convert_element_type3A_454 = arith.extui %ge3A_453 : i1 to i32
        %cond3A_455 = arith.constant 0 : i32
        %cond3A_456 = arith.cmpi ne, %convert_element_type3A_454, %cond3A_455 : i32
        scf.if %cond3A_456 {
          %sub3A = arith.constant 2 : i32
          %sub3A_573 = arith.subi %add3A_446, %sub3A : i32
          %dma_wait3A_574 = arith.constant 0 : i32
          %dma_wait3A_575 = tpu.memref_slice %arg7[%sub3A_573, %dma_wait3A_574] : memref<88x128xi32, #tpu.memory_space<vmem>> -> memref<1x128xi32, #tpu.memory_space<vmem>>
          %dma_wait3A_576 = tpu.memref_squeeze %dma_wait3A_575 : memref<1x128xi32, #tpu.memory_space<vmem>> -> memref<128xi32, #tpu.memory_space<vmem>>
          %dma_wait3A_577 = arith.constant 0 : i32
          %dma_wait3A_578 = arith.constant 0 : i32
          %dma_wait3A_579 = tpu.memref_slice %arg14[%dma_wait3A_577, %dma_wait3A_578] : memref<10240x64xf32, #tpu.memory_space<vmem_shared>> -> memref<10240x64xf32, #tpu.memory_space<vmem_shared>>
          tpu.wait_indirect_dma semaphore(%arg19 : memref<!tpu.dma_semaphore, #tpu.memory_space<semaphore_mem>>) src(%arg12 : memref<128x64xf32, #tpu.memory_space<vmem>>) dst(%dma_wait3A_579 : memref<10240x64xf32, #tpu.memory_space<vmem_shared>>)
        } else {
        }
        %scan3A_457 = arith.constant 0 : i32
        %scan3A_458 = arith.constant 128 : i32
        %scan3A_459 = arith.addi %scan3A_457, %scan3A_458 : i32
        %scan3A_460 = arith.constant 1 : i32
        scf.for %scan3A_573 = %scan3A_457 to %scan3A_459 step %scan3A_460  : i32 {
          %get3A = arith.index_cast %scan3A_573 : i32 to index
          %get3A_574 = arith.constant 0 : index
          %get3A_575 = tpu.vector_load %arg8[%get3A, %get3A_574] {strides = array<i32>} : memref<128x32xi32, #tpu.memory_space<vmem>>, vector<1x16xi32>,
          %get3A_576 = vector.shape_cast %get3A_575 : vector<1x16xi32> to vector<16xi32>
          %shift_left3A = arith.shli %get3A_576, %broadcast_in_dim3A_73 : vector<16xi32>
          %bitcast_convert_type3A = tpu.bitcast %shift_left3A : vector<16xi32> -> vector<16xf32>
          %and3A = arith.andi %get3A_576, %broadcast_in_dim3A_71 : vector<16xi32>
          %bitcast_convert_type3A_577 = tpu.bitcast %and3A : vector<16xi32> -> vector<16xf32>
          %swap3A = arith.index_cast %scan3A_573 : i32 to index
          %swap3A_578 = arith.constant 0 : index
          %swap3A_579 = tpu.vector_load %arg12[%swap3A, %swap3A_578] {strides = array<i32>} : memref<128x64xf32, #tpu.memory_space<vmem>>, vector<1x16xf32>,
          %swap3A_580 = vector.shape_cast %swap3A_579 : vector<1x16xf32> to vector<16xf32>
          %swap3A_581 = vector.shape_cast %bitcast_convert_type3A : vector<16xf32> to vector<1x16xf32>
          tpu.vector_store %arg12[%swap3A, %swap3A_578], %swap3A_581 {strides = array<i32>} : memref<128x64xf32, #tpu.memory_space<vmem>>, vector<1x16xf32>,
          %swap3A_582 = arith.index_cast %scan3A_573 : i32 to index
          %swap3A_583 = arith.constant 32 : index
          %swap3A_584 = tpu.vector_load %arg12[%swap3A_582, %swap3A_583] {strides = array<i32>} : memref<128x64xf32, #tpu.memory_space<vmem>>, vector<1x16xf32>,
          %swap3A_585 = vector.shape_cast %swap3A_584 : vector<1x16xf32> to vector<16xf32>
          %swap3A_586 = vector.shape_cast %bitcast_convert_type3A_577 : vector<16xf32> to vector<1x16xf32>
          tpu.vector_store %arg12[%swap3A_582, %swap3A_583], %swap3A_586 {strides = array<i32>} : memref<128x64xf32, #tpu.memory_space<vmem>>, vector<1x16xf32>,
          %get3A_587 = arith.index_cast %scan3A_573 : i32 to index
          %get3A_588 = arith.constant 16 : index
          %get3A_589 = tpu.vector_load %arg8[%get3A_587, %get3A_588] {strides = array<i32>} : memref<128x32xi32, #tpu.memory_space<vmem>>, vector<1x16xi32>,
          %get3A_590 = vector.shape_cast %get3A_589 : vector<1x16xi32> to vector<16xi32>
          %shift_left3A_591 = arith.shli %get3A_590, %broadcast_in_dim3A_73 : vector<16xi32>
          %bitcast_convert_type3A_592 = tpu.bitcast %shift_left3A_591 : vector<16xi32> -> vector<16xf32>
          %and3A_593 = arith.andi %get3A_590, %broadcast_in_dim3A_71 : vector<16xi32>
          %bitcast_convert_type3A_594 = tpu.bitcast %and3A_593 : vector<16xi32> -> vector<16xf32>
          %swap3A_595 = arith.index_cast %scan3A_573 : i32 to index
          %swap3A_596 = arith.constant 16 : index
          %swap3A_597 = tpu.vector_load %arg12[%swap3A_595, %swap3A_596] {strides = array<i32>} : memref<128x64xf32, #tpu.memory_space<vmem>>, vector<1x16xf32>,
          %swap3A_598 = vector.shape_cast %swap3A_597 : vector<1x16xf32> to vector<16xf32>
          %swap3A_599 = vector.shape_cast %bitcast_convert_type3A_592 : vector<16xf32> to vector<1x16xf32>
          tpu.vector_store %arg12[%swap3A_595, %swap3A_596], %swap3A_599 {strides = array<i32>} : memref<128x64xf32, #tpu.memory_space<vmem>>, vector<1x16xf32>,
          %swap3A_600 = arith.index_cast %scan3A_573 : i32 to index
          %swap3A_601 = arith.constant 48 : index
          %swap3A_602 = tpu.vector_load %arg12[%swap3A_600, %swap3A_601] {strides = array<i32>} : memref<128x64xf32, #tpu.memory_space<vmem>>, vector<1x16xf32>,
          %swap3A_603 = vector.shape_cast %swap3A_602 : vector<1x16xf32> to vector<16xf32>
          %swap3A_604 = vector.shape_cast %bitcast_convert_type3A_594 : vector<16xf32> to vector<1x16xf32>
          tpu.vector_store %arg12[%swap3A_600, %swap3A_601], %swap3A_604 {strides = array<i32>} : memref<128x64xf32, #tpu.memory_space<vmem>>, vector<1x16xf32>,
        }
        %scan3A_461 = arith.constant 128 : i32
        %dma_start3A_462 = arith.constant 0 : i32
        %dma_start3A_463 = tpu.memref_slice %arg7[%add3A_446, %dma_start3A_462] : memref<88x128xi32, #tpu.memory_space<vmem>> -> memref<1x128xi32, #tpu.memory_space<vmem>>
        %dma_start3A_464 = tpu.memref_squeeze %dma_start3A_463 : memref<1x128xi32, #tpu.memory_space<vmem>> -> memref<128xi32, #tpu.memory_space<vmem>>
        %dma_start3A_465 = arith.constant 0 : i32
        %dma_start3A_466 = arith.constant 0 : i32
        %dma_start3A_467 = tpu.memref_slice %arg14[%dma_start3A_465, %dma_start3A_466] : memref<10240x64xf32, #tpu.memory_space<vmem_shared>> -> memref<10240x64xf32, #tpu.memory_space<vmem_shared>>
        tpu.enqueue_indirect_dma source(%arg12 : memref<128x64xf32, #tpu.memory_space<vmem>>) target(%dma_start3A_467 : memref<10240x64xf32, #tpu.memory_space<vmem_shared>>) offsets(%dma_start3A_464 : memref<128xi32, #tpu.memory_space<vmem>>) semaphore(%arg19 : memref<!tpu.dma_semaphore, #tpu.memory_space<semaphore_mem>>) {add = true}
        %add3A_468 = arith.constant 4 : i32
        %add3A_469 = arith.addi %add3A_446, %add3A_468 : i32
        %lt3A = arith.constant 72 : i32
        %lt3A_470 = arith.cmpi slt, %add3A_469, %lt3A : i32
        %convert_element_type3A_471 = arith.extui %lt3A_470 : i1 to i32
        %cond3A_472 = arith.constant 0 : i32
        %cond3A_473 = arith.cmpi ne, %convert_element_type3A_471, %cond3A_472 : i32
        scf.if %cond3A_473 {
          %add3A_573 = arith.constant 4 : i32
          %add3A_574 = arith.addi %add3A_446, %add3A_573 : i32
          %dma_start3A_575 = arith.constant 0 : i32
          %dma_start3A_576 = tpu.memref_slice %arg6[%add3A_574, %dma_start3A_575] : memref<88x128xi32, #tpu.memory_space<vmem>> -> memref<1x128xi32, #tpu.memory_space<vmem>>
          %dma_start3A_577 = tpu.memref_squeeze %dma_start3A_576 : memref<1x128xi32, #tpu.memory_space<vmem>> -> memref<128xi32, #tpu.memory_space<vmem>>
          %dma_start3A_578 = arith.constant 0 : i32
          %dma_start3A_579 = arith.constant 0 : i32
          %dma_start3A_580 = tpu.memref_slice %arg4[%dma_start3A_578, %dma_start3A_579] : memref<10000x32xi32, #tpu.memory_space<hbm>> -> memref<10000x32xi32, #tpu.memory_space<hbm>>
          tpu.enqueue_indirect_dma source(%dma_start3A_580 : memref<10000x32xi32, #tpu.memory_space<hbm>>) target(%arg8 : memref<128x32xi32, #tpu.memory_space<vmem>>) offsets(%dma_start3A_577 : memref<128xi32, #tpu.memory_space<vmem>>) semaphore(%arg15 : memref<!tpu.dma_semaphore, #tpu.memory_space<semaphore_mem>>)
        } else {
        }
        %mul3A_474 = arith.constant 4 : i32
        %mul3A_475 = arith.muli %mul3A_474, %scan3A_442 : i32
        %add3A_476 = arith.constant 1 : i32
        %add3A_477 = arith.addi %mul3A_475, %add3A_476 : i32
        %dma_wait3A_478 = arith.constant 0 : i32
        %dma_wait3A_479 = tpu.memref_slice %arg6[%add3A_477, %dma_wait3A_478] : memref<88x128xi32, #tpu.memory_space<vmem>> -> memref<1x128xi32, #tpu.memory_space<vmem>>
        %dma_wait3A_480 = tpu.memref_squeeze %dma_wait3A_479 : memref<1x128xi32, #tpu.memory_space<vmem>> -> memref<128xi32, #tpu.memory_space<vmem>>
        %dma_wait3A_481 = arith.constant 0 : i32
        %dma_wait3A_482 = arith.constant 0 : i32
        %dma_wait3A_483 = tpu.memref_slice %arg4[%dma_wait3A_481, %dma_wait3A_482] : memref<10000x32xi32, #tpu.memory_space<hbm>> -> memref<10000x32xi32, #tpu.memory_space<hbm>>
        tpu.wait_indirect_dma semaphore(%arg16 : memref<!tpu.dma_semaphore, #tpu.memory_space<semaphore_mem>>) src(%dma_wait3A_483 : memref<10000x32xi32, #tpu.memory_space<hbm>>) dst(%arg9 : memref<128x32xi32, #tpu.memory_space<vmem>>)
        %ge3A_484 = arith.constant 2 : i32
        %ge3A_485 = arith.cmpi sge, %add3A_477, %ge3A_484 : i32
        %convert_element_type3A_486 = arith.extui %ge3A_485 : i1 to i32
        %cond3A_487 = arith.constant 0 : i32
        %cond3A_488 = arith.cmpi ne, %convert_element_type3A_486, %cond3A_487 : i32
        scf.if %cond3A_488 {
          %sub3A = arith.constant 2 : i32
          %sub3A_573 = arith.subi %add3A_477, %sub3A : i32
          %dma_wait3A_574 = arith.constant 0 : i32
          %dma_wait3A_575 = tpu.memref_slice %arg7[%sub3A_573, %dma_wait3A_574] : memref<88x128xi32, #tpu.memory_space<vmem>> -> memref<1x128xi32, #tpu.memory_space<vmem>>
          %dma_wait3A_576 = tpu.memref_squeeze %dma_wait3A_575 : memref<1x128xi32, #tpu.memory_space<vmem>> -> memref<128xi32, #tpu.memory_space<vmem>>
          %dma_wait3A_577 = arith.constant 0 : i32
          %dma_wait3A_578 = arith.constant 0 : i32
          %dma_wait3A_579 = tpu.memref_slice %arg14[%dma_wait3A_577, %dma_wait3A_578] : memref<10240x64xf32, #tpu.memory_space<vmem_shared>> -> memref<10240x64xf32, #tpu.memory_space<vmem_shared>>
          tpu.wait_indirect_dma semaphore(%arg20 : memref<!tpu.dma_semaphore, #tpu.memory_space<semaphore_mem>>) src(%arg13 : memref<128x64xf32, #tpu.memory_space<vmem>>) dst(%dma_wait3A_579 : memref<10240x64xf32, #tpu.memory_space<vmem_shared>>)
        } else {
        }
        %scan3A_489 = arith.constant 0 : i32
        %scan3A_490 = arith.constant 128 : i32
        %scan3A_491 = arith.addi %scan3A_489, %scan3A_490 : i32
        %scan3A_492 = arith.constant 1 : i32
        scf.for %scan3A_573 = %scan3A_489 to %scan3A_491 step %scan3A_492  : i32 {
          %get3A = arith.index_cast %scan3A_573 : i32 to index
          %get3A_574 = arith.constant 0 : index
          %get3A_575 = tpu.vector_load %arg9[%get3A, %get3A_574] {strides = array<i32>} : memref<128x32xi32, #tpu.memory_space<vmem>>, vector<1x16xi32>,
          %get3A_576 = vector.shape_cast %get3A_575 : vector<1x16xi32> to vector<16xi32>
          %shift_left3A = arith.shli %get3A_576, %broadcast_in_dim3A_73 : vector<16xi32>
          %bitcast_convert_type3A = tpu.bitcast %shift_left3A : vector<16xi32> -> vector<16xf32>
          %and3A = arith.andi %get3A_576, %broadcast_in_dim3A_71 : vector<16xi32>
          %bitcast_convert_type3A_577 = tpu.bitcast %and3A : vector<16xi32> -> vector<16xf32>
          %swap3A = arith.index_cast %scan3A_573 : i32 to index
          %swap3A_578 = arith.constant 0 : index
          %swap3A_579 = tpu.vector_load %arg13[%swap3A, %swap3A_578] {strides = array<i32>} : memref<128x64xf32, #tpu.memory_space<vmem>>, vector<1x16xf32>,
          %swap3A_580 = vector.shape_cast %swap3A_579 : vector<1x16xf32> to vector<16xf32>
          %swap3A_581 = vector.shape_cast %bitcast_convert_type3A : vector<16xf32> to vector<1x16xf32>
          tpu.vector_store %arg13[%swap3A, %swap3A_578], %swap3A_581 {strides = array<i32>} : memref<128x64xf32, #tpu.memory_space<vmem>>, vector<1x16xf32>,
          %swap3A_582 = arith.index_cast %scan3A_573 : i32 to index
          %swap3A_583 = arith.constant 32 : index
          %swap3A_584 = tpu.vector_load %arg13[%swap3A_582, %swap3A_583] {strides = array<i32>} : memref<128x64xf32, #tpu.memory_space<vmem>>, vector<1x16xf32>,
          %swap3A_585 = vector.shape_cast %swap3A_584 : vector<1x16xf32> to vector<16xf32>
          %swap3A_586 = vector.shape_cast %bitcast_convert_type3A_577 : vector<16xf32> to vector<1x16xf32>
          tpu.vector_store %arg13[%swap3A_582, %swap3A_583], %swap3A_586 {strides = array<i32>} : memref<128x64xf32, #tpu.memory_space<vmem>>, vector<1x16xf32>,
          %get3A_587 = arith.index_cast %scan3A_573 : i32 to index
          %get3A_588 = arith.constant 16 : index
          %get3A_589 = tpu.vector_load %arg9[%get3A_587, %get3A_588] {strides = array<i32>} : memref<128x32xi32, #tpu.memory_space<vmem>>, vector<1x16xi32>,
          %get3A_590 = vector.shape_cast %get3A_589 : vector<1x16xi32> to vector<16xi32>
          %shift_left3A_591 = arith.shli %get3A_590, %broadcast_in_dim3A_73 : vector<16xi32>
          %bitcast_convert_type3A_592 = tpu.bitcast %shift_left3A_591 : vector<16xi32> -> vector<16xf32>
          %and3A_593 = arith.andi %get3A_590, %broadcast_in_dim3A_71 : vector<16xi32>
          %bitcast_convert_type3A_594 = tpu.bitcast %and3A_593 : vector<16xi32> -> vector<16xf32>
          %swap3A_595 = arith.index_cast %scan3A_573 : i32 to index
          %swap3A_596 = arith.constant 16 : index
          %swap3A_597 = tpu.vector_load %arg13[%swap3A_595, %swap3A_596] {strides = array<i32>} : memref<128x64xf32, #tpu.memory_space<vmem>>, vector<1x16xf32>,
          %swap3A_598 = vector.shape_cast %swap3A_597 : vector<1x16xf32> to vector<16xf32>
          %swap3A_599 = vector.shape_cast %bitcast_convert_type3A_592 : vector<16xf32> to vector<1x16xf32>
          tpu.vector_store %arg13[%swap3A_595, %swap3A_596], %swap3A_599 {strides = array<i32>} : memref<128x64xf32, #tpu.memory_space<vmem>>, vector<1x16xf32>,
          %swap3A_600 = arith.index_cast %scan3A_573 : i32 to index
          %swap3A_601 = arith.constant 48 : index
          %swap3A_602 = tpu.vector_load %arg13[%swap3A_600, %swap3A_601] {strides = array<i32>} : memref<128x64xf32, #tpu.memory_space<vmem>>, vector<1x16xf32>,
          %swap3A_603 = vector.shape_cast %swap3A_602 : vector<1x16xf32> to vector<16xf32>
          %swap3A_604 = vector.shape_cast %bitcast_convert_type3A_594 : vector<16xf32> to vector<1x16xf32>
          tpu.vector_store %arg13[%swap3A_600, %swap3A_601], %swap3A_604 {strides = array<i32>} : memref<128x64xf32, #tpu.memory_space<vmem>>, vector<1x16xf32>,
        }
        %scan3A_493 = arith.constant 128 : i32
        %dma_start3A_494 = arith.constant 0 : i32
        %dma_start3A_495 = tpu.memref_slice %arg7[%add3A_477, %dma_start3A_494] : memref<88x128xi32, #tpu.memory_space<vmem>> -> memref<1x128xi32, #tpu.memory_space<vmem>>
        %dma_start3A_496 = tpu.memref_squeeze %dma_start3A_495 : memref<1x128xi32, #tpu.memory_space<vmem>> -> memref<128xi32, #tpu.memory_space<vmem>>
        %dma_start3A_497 = arith.constant 0 : i32
        %dma_start3A_498 = arith.constant 0 : i32
        %dma_start3A_499 = tpu.memref_slice %arg14[%dma_start3A_497, %dma_start3A_498] : memref<10240x64xf32, #tpu.memory_space<vmem_shared>> -> memref<10240x64xf32, #tpu.memory_space<vmem_shared>>
        tpu.enqueue_indirect_dma source(%arg13 : memref<128x64xf32, #tpu.memory_space<vmem>>) target(%dma_start3A_499 : memref<10240x64xf32, #tpu.memory_space<vmem_shared>>) offsets(%dma_start3A_496 : memref<128xi32, #tpu.memory_space<vmem>>) semaphore(%arg20 : memref<!tpu.dma_semaphore, #tpu.memory_space<semaphore_mem>>) {add = true}
        %add3A_500 = arith.constant 4 : i32
        %add3A_501 = arith.addi %add3A_477, %add3A_500 : i32
        %lt3A_502 = arith.constant 72 : i32
        %lt3A_503 = arith.cmpi slt, %add3A_501, %lt3A_502 : i32
        %convert_element_type3A_504 = arith.extui %lt3A_503 : i1 to i32
        %cond3A_505 = arith.constant 0 : i32
        %cond3A_506 = arith.cmpi ne, %convert_element_type3A_504, %cond3A_505 : i32
        scf.if %cond3A_506 {
          %add3A_573 = arith.constant 4 : i32
          %add3A_574 = arith.addi %add3A_477, %add3A_573 : i32
          %dma_start3A_575 = arith.constant 0 : i32
          %dma_start3A_576 = tpu.memref_slice %arg6[%add3A_574, %dma_start3A_575] : memref<88x128xi32, #tpu.memory_space<vmem>> -> memref<1x128xi32, #tpu.memory_space<vmem>>
          %dma_start3A_577 = tpu.memref_squeeze %dma_start3A_576 : memref<1x128xi32, #tpu.memory_space<vmem>> -> memref<128xi32, #tpu.memory_space<vmem>>
          %dma_start3A_578 = arith.constant 0 : i32
          %dma_start3A_579 = arith.constant 0 : i32
          %dma_start3A_580 = tpu.memref_slice %arg4[%dma_start3A_578, %dma_start3A_579] : memref<10000x32xi32, #tpu.memory_space<hbm>> -> memref<10000x32xi32, #tpu.memory_space<hbm>>
          tpu.enqueue_indirect_dma source(%dma_start3A_580 : memref<10000x32xi32, #tpu.memory_space<hbm>>) target(%arg9 : memref<128x32xi32, #tpu.memory_space<vmem>>) offsets(%dma_start3A_577 : memref<128xi32, #tpu.memory_space<vmem>>) semaphore(%arg16 : memref<!tpu.dma_semaphore, #tpu.memory_space<semaphore_mem>>)
        } else {
        }
        %mul3A_507 = arith.constant 4 : i32
        %mul3A_508 = arith.muli %mul3A_507, %scan3A_442 : i32
        %add3A_509 = arith.constant 2 : i32
        %add3A_510 = arith.addi %mul3A_508, %add3A_509 : i32
        %dma_wait3A_511 = arith.constant 0 : i32
        %dma_wait3A_512 = tpu.memref_slice %arg6[%add3A_510, %dma_wait3A_511] : memref<88x128xi32, #tpu.memory_space<vmem>> -> memref<1x128xi32, #tpu.memory_space<vmem>>
        %dma_wait3A_513 = tpu.memref_squeeze %dma_wait3A_512 : memref<1x128xi32, #tpu.memory_space<vmem>> -> memref<128xi32, #tpu.memory_space<vmem>>
        %dma_wait3A_514 = arith.constant 0 : i32
        %dma_wait3A_515 = arith.constant 0 : i32
        %dma_wait3A_516 = tpu.memref_slice %arg4[%dma_wait3A_514, %dma_wait3A_515] : memref<10000x32xi32, #tpu.memory_space<hbm>> -> memref<10000x32xi32, #tpu.memory_space<hbm>>
        tpu.wait_indirect_dma semaphore(%arg17 : memref<!tpu.dma_semaphore, #tpu.memory_space<semaphore_mem>>) src(%dma_wait3A_516 : memref<10000x32xi32, #tpu.memory_space<hbm>>) dst(%arg10 : memref<128x32xi32, #tpu.memory_space<vmem>>)
        %ge3A_517 = arith.constant 2 : i32
        %ge3A_518 = arith.cmpi sge, %add3A_510, %ge3A_517 : i32
        %convert_element_type3A_519 = arith.extui %ge3A_518 : i1 to i32
        %cond3A_520 = arith.constant 0 : i32
        %cond3A_521 = arith.cmpi ne, %convert_element_type3A_519, %cond3A_520 : i32
        scf.if %cond3A_521 {
          %sub3A = arith.constant 2 : i32
          %sub3A_573 = arith.subi %add3A_510, %sub3A : i32
          %dma_wait3A_574 = arith.constant 0 : i32
          %dma_wait3A_575 = tpu.memref_slice %arg7[%sub3A_573, %dma_wait3A_574] : memref<88x128xi32, #tpu.memory_space<vmem>> -> memref<1x128xi32, #tpu.memory_space<vmem>>
          %dma_wait3A_576 = tpu.memref_squeeze %dma_wait3A_575 : memref<1x128xi32, #tpu.memory_space<vmem>> -> memref<128xi32, #tpu.memory_space<vmem>>
          %dma_wait3A_577 = arith.constant 0 : i32
          %dma_wait3A_578 = arith.constant 0 : i32
          %dma_wait3A_579 = tpu.memref_slice %arg14[%dma_wait3A_577, %dma_wait3A_578] : memref<10240x64xf32, #tpu.memory_space<vmem_shared>> -> memref<10240x64xf32, #tpu.memory_space<vmem_shared>>
          tpu.wait_indirect_dma semaphore(%arg19 : memref<!tpu.dma_semaphore, #tpu.memory_space<semaphore_mem>>) src(%arg12 : memref<128x64xf32, #tpu.memory_space<vmem>>) dst(%dma_wait3A_579 : memref<10240x64xf32, #tpu.memory_space<vmem_shared>>)
        } else {
        }
        %scan3A_522 = arith.constant 0 : i32
        %scan3A_523 = arith.constant 128 : i32
        %scan3A_524 = arith.addi %scan3A_522, %scan3A_523 : i32
        %scan3A_525 = arith.constant 1 : i32
        scf.for %scan3A_573 = %scan3A_522 to %scan3A_524 step %scan3A_525  : i32 {
          %get3A = arith.index_cast %scan3A_573 : i32 to index
          %get3A_574 = arith.constant 0 : index
          %get3A_575 = tpu.vector_load %arg10[%get3A, %get3A_574] {strides = array<i32>} : memref<128x32xi32, #tpu.memory_space<vmem>>, vector<1x16xi32>,
          %get3A_576 = vector.shape_cast %get3A_575 : vector<1x16xi32> to vector<16xi32>
          %shift_left3A = arith.shli %get3A_576, %broadcast_in_dim3A_73 : vector<16xi32>
          %bitcast_convert_type3A = tpu.bitcast %shift_left3A : vector<16xi32> -> vector<16xf32>
          %and3A = arith.andi %get3A_576, %broadcast_in_dim3A_71 : vector<16xi32>
          %bitcast_convert_type3A_577 = tpu.bitcast %and3A : vector<16xi32> -> vector<16xf32>
          %swap3A = arith.index_cast %scan3A_573 : i32 to index
          %swap3A_578 = arith.constant 0 : index
          %swap3A_579 = tpu.vector_load %arg12[%swap3A, %swap3A_578] {strides = array<i32>} : memref<128x64xf32, #tpu.memory_space<vmem>>, vector<1x16xf32>,
          %swap3A_580 = vector.shape_cast %swap3A_579 : vector<1x16xf32> to vector<16xf32>
          %swap3A_581 = vector.shape_cast %bitcast_convert_type3A : vector<16xf32> to vector<1x16xf32>
          tpu.vector_store %arg12[%swap3A, %swap3A_578], %swap3A_581 {strides = array<i32>} : memref<128x64xf32, #tpu.memory_space<vmem>>, vector<1x16xf32>,
          %swap3A_582 = arith.index_cast %scan3A_573 : i32 to index
          %swap3A_583 = arith.constant 32 : index
          %swap3A_584 = tpu.vector_load %arg12[%swap3A_582, %swap3A_583] {strides = array<i32>} : memref<128x64xf32, #tpu.memory_space<vmem>>, vector<1x16xf32>,
          %swap3A_585 = vector.shape_cast %swap3A_584 : vector<1x16xf32> to vector<16xf32>
          %swap3A_586 = vector.shape_cast %bitcast_convert_type3A_577 : vector<16xf32> to vector<1x16xf32>
          tpu.vector_store %arg12[%swap3A_582, %swap3A_583], %swap3A_586 {strides = array<i32>} : memref<128x64xf32, #tpu.memory_space<vmem>>, vector<1x16xf32>,
          %get3A_587 = arith.index_cast %scan3A_573 : i32 to index
          %get3A_588 = arith.constant 16 : index
          %get3A_589 = tpu.vector_load %arg10[%get3A_587, %get3A_588] {strides = array<i32>} : memref<128x32xi32, #tpu.memory_space<vmem>>, vector<1x16xi32>,
          %get3A_590 = vector.shape_cast %get3A_589 : vector<1x16xi32> to vector<16xi32>
          %shift_left3A_591 = arith.shli %get3A_590, %broadcast_in_dim3A_73 : vector<16xi32>
          %bitcast_convert_type3A_592 = tpu.bitcast %shift_left3A_591 : vector<16xi32> -> vector<16xf32>
          %and3A_593 = arith.andi %get3A_590, %broadcast_in_dim3A_71 : vector<16xi32>
          %bitcast_convert_type3A_594 = tpu.bitcast %and3A_593 : vector<16xi32> -> vector<16xf32>
          %swap3A_595 = arith.index_cast %scan3A_573 : i32 to index
          %swap3A_596 = arith.constant 16 : index
          %swap3A_597 = tpu.vector_load %arg12[%swap3A_595, %swap3A_596] {strides = array<i32>} : memref<128x64xf32, #tpu.memory_space<vmem>>, vector<1x16xf32>,
          %swap3A_598 = vector.shape_cast %swap3A_597 : vector<1x16xf32> to vector<16xf32>
          %swap3A_599 = vector.shape_cast %bitcast_convert_type3A_592 : vector<16xf32> to vector<1x16xf32>
          tpu.vector_store %arg12[%swap3A_595, %swap3A_596], %swap3A_599 {strides = array<i32>} : memref<128x64xf32, #tpu.memory_space<vmem>>, vector<1x16xf32>,
          %swap3A_600 = arith.index_cast %scan3A_573 : i32 to index
          %swap3A_601 = arith.constant 48 : index
          %swap3A_602 = tpu.vector_load %arg12[%swap3A_600, %swap3A_601] {strides = array<i32>} : memref<128x64xf32, #tpu.memory_space<vmem>>, vector<1x16xf32>,
          %swap3A_603 = vector.shape_cast %swap3A_602 : vector<1x16xf32> to vector<16xf32>
          %swap3A_604 = vector.shape_cast %bitcast_convert_type3A_594 : vector<16xf32> to vector<1x16xf32>
          tpu.vector_store %arg12[%swap3A_600, %swap3A_601], %swap3A_604 {strides = array<i32>} : memref<128x64xf32, #tpu.memory_space<vmem>>, vector<1x16xf32>,
        }
        %scan3A_526 = arith.constant 128 : i32
        %dma_start3A_527 = arith.constant 0 : i32
        %dma_start3A_528 = tpu.memref_slice %arg7[%add3A_510, %dma_start3A_527] : memref<88x128xi32, #tpu.memory_space<vmem>> -> memref<1x128xi32, #tpu.memory_space<vmem>>
        %dma_start3A_529 = tpu.memref_squeeze %dma_start3A_528 : memref<1x128xi32, #tpu.memory_space<vmem>> -> memref<128xi32, #tpu.memory_space<vmem>>
        %dma_start3A_530 = arith.constant 0 : i32
        %dma_start3A_531 = arith.constant 0 : i32
        %dma_start3A_532 = tpu.memref_slice %arg14[%dma_start3A_530, %dma_start3A_531] : memref<10240x64xf32, #tpu.memory_space<vmem_shared>> -> memref<10240x64xf32, #tpu.memory_space<vmem_shared>>
        tpu.enqueue_indirect_dma source(%arg12 : memref<128x64xf32, #tpu.memory_space<vmem>>) target(%dma_start3A_532 : memref<10240x64xf32, #tpu.memory_space<vmem_shared>>) offsets(%dma_start3A_529 : memref<128xi32, #tpu.memory_space<vmem>>) semaphore(%arg19 : memref<!tpu.dma_semaphore, #tpu.memory_space<semaphore_mem>>) {add = true}
        %add3A_533 = arith.constant 4 : i32
        %add3A_534 = arith.addi %add3A_510, %add3A_533 : i32
        %lt3A_535 = arith.constant 72 : i32
        %lt3A_536 = arith.cmpi slt, %add3A_534, %lt3A_535 : i32
        %convert_element_type3A_537 = arith.extui %lt3A_536 : i1 to i32
        %cond3A_538 = arith.constant 0 : i32
        %cond3A_539 = arith.cmpi ne, %convert_element_type3A_537, %cond3A_538 : i32
        scf.if %cond3A_539 {
          %add3A_573 = arith.constant 4 : i32
          %add3A_574 = arith.addi %add3A_510, %add3A_573 : i32
          %dma_start3A_575 = arith.constant 0 : i32
          %dma_start3A_576 = tpu.memref_slice %arg6[%add3A_574, %dma_start3A_575] : memref<88x128xi32, #tpu.memory_space<vmem>> -> memref<1x128xi32, #tpu.memory_space<vmem>>
          %dma_start3A_577 = tpu.memref_squeeze %dma_start3A_576 : memref<1x128xi32, #tpu.memory_space<vmem>> -> memref<128xi32, #tpu.memory_space<vmem>>
          %dma_start3A_578 = arith.constant 0 : i32
          %dma_start3A_579 = arith.constant 0 : i32
          %dma_start3A_580 = tpu.memref_slice %arg4[%dma_start3A_578, %dma_start3A_579] : memref<10000x32xi32, #tpu.memory_space<hbm>> -> memref<10000x32xi32, #tpu.memory_space<hbm>>
          tpu.enqueue_indirect_dma source(%dma_start3A_580 : memref<10000x32xi32, #tpu.memory_space<hbm>>) target(%arg10 : memref<128x32xi32, #tpu.memory_space<vmem>>) offsets(%dma_start3A_577 : memref<128xi32, #tpu.memory_space<vmem>>) semaphore(%arg17 : memref<!tpu.dma_semaphore, #tpu.memory_space<semaphore_mem>>)
        } else {
        }
        %mul3A_540 = arith.constant 4 : i32
        %mul3A_541 = arith.muli %mul3A_540, %scan3A_442 : i32
        %add3A_542 = arith.constant 3 : i32
        %add3A_543 = arith.addi %mul3A_541, %add3A_542 : i32
        %dma_wait3A_544 = arith.constant 0 : i32
        %dma_wait3A_545 = tpu.memref_slice %arg6[%add3A_543, %dma_wait3A_544] : memref<88x128xi32, #tpu.memory_space<vmem>> -> memref<1x128xi32, #tpu.memory_space<vmem>>
        %dma_wait3A_546 = tpu.memref_squeeze %dma_wait3A_545 : memref<1x128xi32, #tpu.memory_space<vmem>> -> memref<128xi32, #tpu.memory_space<vmem>>
        %dma_wait3A_547 = arith.constant 0 : i32
        %dma_wait3A_548 = arith.constant 0 : i32
        %dma_wait3A_549 = tpu.memref_slice %arg4[%dma_wait3A_547, %dma_wait3A_548] : memref<10000x32xi32, #tpu.memory_space<hbm>> -> memref<10000x32xi32, #tpu.memory_space<hbm>>
        tpu.wait_indirect_dma semaphore(%arg18 : memref<!tpu.dma_semaphore, #tpu.memory_space<semaphore_mem>>) src(%dma_wait3A_549 : memref<10000x32xi32, #tpu.memory_space<hbm>>) dst(%arg11 : memref<128x32xi32, #tpu.memory_space<vmem>>)
        %ge3A_550 = arith.constant 2 : i32
        %ge3A_551 = arith.cmpi sge, %add3A_543, %ge3A_550 : i32
        %convert_element_type3A_552 = arith.extui %ge3A_551 : i1 to i32
        %cond3A_553 = arith.constant 0 : i32
        %cond3A_554 = arith.cmpi ne, %convert_element_type3A_552, %cond3A_553 : i32
        scf.if %cond3A_554 {
          %sub3A = arith.constant 2 : i32
          %sub3A_573 = arith.subi %add3A_543, %sub3A : i32
          %dma_wait3A_574 = arith.constant 0 : i32
          %dma_wait3A_575 = tpu.memref_slice %arg7[%sub3A_573, %dma_wait3A_574] : memref<88x128xi32, #tpu.memory_space<vmem>> -> memref<1x128xi32, #tpu.memory_space<vmem>>
          %dma_wait3A_576 = tpu.memref_squeeze %dma_wait3A_575 : memref<1x128xi32, #tpu.memory_space<vmem>> -> memref<128xi32, #tpu.memory_space<vmem>>
          %dma_wait3A_577 = arith.constant 0 : i32
          %dma_wait3A_578 = arith.constant 0 : i32
          %dma_wait3A_579 = tpu.memref_slice %arg14[%dma_wait3A_577, %dma_wait3A_578] : memref<10240x64xf32, #tpu.memory_space<vmem_shared>> -> memref<10240x64xf32, #tpu.memory_space<vmem_shared>>
          tpu.wait_indirect_dma semaphore(%arg20 : memref<!tpu.dma_semaphore, #tpu.memory_space<semaphore_mem>>) src(%arg13 : memref<128x64xf32, #tpu.memory_space<vmem>>) dst(%dma_wait3A_579 : memref<10240x64xf32, #tpu.memory_space<vmem_shared>>)
        } else {
        }
        %scan3A_555 = arith.constant 0 : i32
        %scan3A_556 = arith.constant 128 : i32
        %scan3A_557 = arith.addi %scan3A_555, %scan3A_556 : i32
        %scan3A_558 = arith.constant 1 : i32
        scf.for %scan3A_573 = %scan3A_555 to %scan3A_557 step %scan3A_558  : i32 {
          %get3A = arith.index_cast %scan3A_573 : i32 to index
          %get3A_574 = arith.constant 0 : index
          %get3A_575 = tpu.vector_load %arg11[%get3A, %get3A_574] {strides = array<i32>} : memref<128x32xi32, #tpu.memory_space<vmem>>, vector<1x16xi32>,
          %get3A_576 = vector.shape_cast %get3A_575 : vector<1x16xi32> to vector<16xi32>
          %shift_left3A = arith.shli %get3A_576, %broadcast_in_dim3A_73 : vector<16xi32>
          %bitcast_convert_type3A = tpu.bitcast %shift_left3A : vector<16xi32> -> vector<16xf32>
          %and3A = arith.andi %get3A_576, %broadcast_in_dim3A_71 : vector<16xi32>
          %bitcast_convert_type3A_577 = tpu.bitcast %and3A : vector<16xi32> -> vector<16xf32>
          %swap3A = arith.index_cast %scan3A_573 : i32 to index
          %swap3A_578 = arith.constant 0 : index
          %swap3A_579 = tpu.vector_load %arg13[%swap3A, %swap3A_578] {strides = array<i32>} : memref<128x64xf32, #tpu.memory_space<vmem>>, vector<1x16xf32>,
          %swap3A_580 = vector.shape_cast %swap3A_579 : vector<1x16xf32> to vector<16xf32>
          %swap3A_581 = vector.shape_cast %bitcast_convert_type3A : vector<16xf32> to vector<1x16xf32>
          tpu.vector_store %arg13[%swap3A, %swap3A_578], %swap3A_581 {strides = array<i32>} : memref<128x64xf32, #tpu.memory_space<vmem>>, vector<1x16xf32>,
          %swap3A_582 = arith.index_cast %scan3A_573 : i32 to index
          %swap3A_583 = arith.constant 32 : index
          %swap3A_584 = tpu.vector_load %arg13[%swap3A_582, %swap3A_583] {strides = array<i32>} : memref<128x64xf32, #tpu.memory_space<vmem>>, vector<1x16xf32>,
          %swap3A_585 = vector.shape_cast %swap3A_584 : vector<1x16xf32> to vector<16xf32>
          %swap3A_586 = vector.shape_cast %bitcast_convert_type3A_577 : vector<16xf32> to vector<1x16xf32>
          tpu.vector_store %arg13[%swap3A_582, %swap3A_583], %swap3A_586 {strides = array<i32>} : memref<128x64xf32, #tpu.memory_space<vmem>>, vector<1x16xf32>,
          %get3A_587 = arith.index_cast %scan3A_573 : i32 to index
          %get3A_588 = arith.constant 16 : index
          %get3A_589 = tpu.vector_load %arg11[%get3A_587, %get3A_588] {strides = array<i32>} : memref<128x32xi32, #tpu.memory_space<vmem>>, vector<1x16xi32>,
          %get3A_590 = vector.shape_cast %get3A_589 : vector<1x16xi32> to vector<16xi32>
          %shift_left3A_591 = arith.shli %get3A_590, %broadcast_in_dim3A_73 : vector<16xi32>
          %bitcast_convert_type3A_592 = tpu.bitcast %shift_left3A_591 : vector<16xi32> -> vector<16xf32>
          %and3A_593 = arith.andi %get3A_590, %broadcast_in_dim3A_71 : vector<16xi32>
          %bitcast_convert_type3A_594 = tpu.bitcast %and3A_593 : vector<16xi32> -> vector<16xf32>
          %swap3A_595 = arith.index_cast %scan3A_573 : i32 to index
          %swap3A_596 = arith.constant 16 : index
          %swap3A_597 = tpu.vector_load %arg13[%swap3A_595, %swap3A_596] {strides = array<i32>} : memref<128x64xf32, #tpu.memory_space<vmem>>, vector<1x16xf32>,
          %swap3A_598 = vector.shape_cast %swap3A_597 : vector<1x16xf32> to vector<16xf32>
          %swap3A_599 = vector.shape_cast %bitcast_convert_type3A_592 : vector<16xf32> to vector<1x16xf32>
          tpu.vector_store %arg13[%swap3A_595, %swap3A_596], %swap3A_599 {strides = array<i32>} : memref<128x64xf32, #tpu.memory_space<vmem>>, vector<1x16xf32>,
          %swap3A_600 = arith.index_cast %scan3A_573 : i32 to index
          %swap3A_601 = arith.constant 48 : index
          %swap3A_602 = tpu.vector_load %arg13[%swap3A_600, %swap3A_601] {strides = array<i32>} : memref<128x64xf32, #tpu.memory_space<vmem>>, vector<1x16xf32>,
          %swap3A_603 = vector.shape_cast %swap3A_602 : vector<1x16xf32> to vector<16xf32>
          %swap3A_604 = vector.shape_cast %bitcast_convert_type3A_594 : vector<16xf32> to vector<1x16xf32>
          tpu.vector_store %arg13[%swap3A_600, %swap3A_601], %swap3A_604 {strides = array<i32>} : memref<128x64xf32, #tpu.memory_space<vmem>>, vector<1x16xf32>,
        }
        %scan3A_559 = arith.constant 128 : i32
        %dma_start3A_560 = arith.constant 0 : i32
        %dma_start3A_561 = tpu.memref_slice %arg7[%add3A_543, %dma_start3A_560] : memref<88x128xi32, #tpu.memory_space<vmem>> -> memref<1x128xi32, #tpu.memory_space<vmem>>
        %dma_start3A_562 = tpu.memref_squeeze %dma_start3A_561 : memref<1x128xi32, #tpu.memory_space<vmem>> -> memref<128xi32, #tpu.memory_space<vmem>>
        %dma_start3A_563 = arith.constant 0 : i32
        %dma_start3A_564 = arith.constant 0 : i32
        %dma_start3A_565 = tpu.memref_slice %arg14[%dma_start3A_563, %dma_start3A_564] : memref<10240x64xf32, #tpu.memory_space<vmem_shared>> -> memref<10240x64xf32, #tpu.memory_space<vmem_shared>>
        tpu.enqueue_indirect_dma source(%arg13 : memref<128x64xf32, #tpu.memory_space<vmem>>) target(%dma_start3A_565 : memref<10240x64xf32, #tpu.memory_space<vmem_shared>>) offsets(%dma_start3A_562 : memref<128xi32, #tpu.memory_space<vmem>>) semaphore(%arg20 : memref<!tpu.dma_semaphore, #tpu.memory_space<semaphore_mem>>) {add = true}
        %add3A_566 = arith.constant 4 : i32
        %add3A_567 = arith.addi %add3A_543, %add3A_566 : i32
        %lt3A_568 = arith.constant 72 : i32
        %lt3A_569 = arith.cmpi slt, %add3A_567, %lt3A_568 : i32
        %convert_element_type3A_570 = arith.extui %lt3A_569 : i1 to i32
        %cond3A_571 = arith.constant 0 : i32
        %cond3A_572 = arith.cmpi ne, %convert_element_type3A_570, %cond3A_571 : i32
        scf.if %cond3A_572 {
          %add3A_573 = arith.constant 4 : i32
          %add3A_574 = arith.addi %add3A_543, %add3A_573 : i32
          %dma_start3A_575 = arith.constant 0 : i32
          %dma_start3A_576 = tpu.memref_slice %arg6[%add3A_574, %dma_start3A_575] : memref<88x128xi32, #tpu.memory_space<vmem>> -> memref<1x128xi32, #tpu.memory_space<vmem>>
          %dma_start3A_577 = tpu.memref_squeeze %dma_start3A_576 : memref<1x128xi32, #tpu.memory_space<vmem>> -> memref<128xi32, #tpu.memory_space<vmem>>
          %dma_start3A_578 = arith.constant 0 : i32
          %dma_start3A_579 = arith.constant 0 : i32
          %dma_start3A_580 = tpu.memref_slice %arg4[%dma_start3A_578, %dma_start3A_579] : memref<10000x32xi32, #tpu.memory_space<hbm>> -> memref<10000x32xi32, #tpu.memory_space<hbm>>
          tpu.enqueue_indirect_dma source(%dma_start3A_580 : memref<10000x32xi32, #tpu.memory_space<hbm>>) target(%arg11 : memref<128x32xi32, #tpu.memory_space<vmem>>) offsets(%dma_start3A_577 : memref<128xi32, #tpu.memory_space<vmem>>) semaphore(%arg18 : memref<!tpu.dma_semaphore, #tpu.memory_space<semaphore_mem>>)
        } else {
        }
      }
      %scan3A_427 = arith.constant 18 : i32
      %dma_wait3A_428 = arith.constant 70 : i32
      %dma_wait3A_429 = arith.constant 0 : i32
      %dma_wait3A_430 = tpu.memref_slice %arg7[%dma_wait3A_428, %dma_wait3A_429] : memref<88x128xi32, #tpu.memory_space<vmem>> -> memref<1x128xi32, #tpu.memory_space<vmem>>
      %dma_wait3A_431 = tpu.memref_squeeze %dma_wait3A_430 : memref<1x128xi32, #tpu.memory_space<vmem>> -> memref<128xi32, #tpu.memory_space<vmem>>
      %dma_wait3A_432 = arith.constant 0 : i32
      %dma_wait3A_433 = arith.constant 0 : i32
      %dma_wait3A_434 = tpu.memref_slice %arg14[%dma_wait3A_432, %dma_wait3A_433] : memref<10240x64xf32, #tpu.memory_space<vmem_shared>> -> memref<10240x64xf32, #tpu.memory_space<vmem_shared>>
      tpu.wait_indirect_dma semaphore(%arg19 : memref<!tpu.dma_semaphore, #tpu.memory_space<semaphore_mem>>) src(%arg12 : memref<128x64xf32, #tpu.memory_space<vmem>>) dst(%dma_wait3A_434 : memref<10240x64xf32, #tpu.memory_space<vmem_shared>>)
      %dma_wait3A_435 = arith.constant 71 : i32
      %dma_wait3A_436 = arith.constant 0 : i32
      %dma_wait3A_437 = tpu.memref_slice %arg7[%dma_wait3A_435, %dma_wait3A_436] : memref<88x128xi32, #tpu.memory_space<vmem>> -> memref<1x128xi32, #tpu.memory_space<vmem>>
      %dma_wait3A_438 = tpu.memref_squeeze %dma_wait3A_437 : memref<1x128xi32, #tpu.memory_space<vmem>> -> memref<128xi32, #tpu.memory_space<vmem>>
      %dma_wait3A_439 = arith.constant 0 : i32
      %dma_wait3A_440 = arith.constant 0 : i32
      %dma_wait3A_441 = tpu.memref_slice %arg14[%dma_wait3A_439, %dma_wait3A_440] : memref<10240x64xf32, #tpu.memory_space<vmem_shared>> -> memref<10240x64xf32, #tpu.memory_space<vmem_shared>>
      tpu.wait_indirect_dma semaphore(%arg20 : memref<!tpu.dma_semaphore, #tpu.memory_space<semaphore_mem>>) src(%arg13 : memref<128x64xf32, #tpu.memory_space<vmem>>) dst(%dma_wait3A_441 : memref<10240x64xf32, #tpu.memory_space<vmem_shared>>)
    } else {
    }
    %barrier3A = arith.constant 0 : index
    tpu.barrier barrier_id(%barrier3A)
    %mul3A_81 = arith.constant 640 : i32
    %mul3A_82 = arith.muli %arg1, %mul3A_81 : i32
    %add3A_83 = arith.constant 0 : i32
    %add3A_84 = arith.addi %mul3A_82, %add3A_83 : i32
    %dma_start3A_85 = arith.constant 0 : i32
    %dma_start3A_86 = arith.constant 0 : i32
    %dma_start3A_87 = tpu.memref_slice %arg12[%dma_start3A_85, %dma_start3A_86] : memref<128x64xf32, #tpu.memory_space<vmem>> -> memref<128x64xf32, #tpu.memory_space<vmem>>
    %dma_start3A_88 = arith.constant 0 : i32
    %dma_start3A_89 = tpu.memref_slice %arg14[%add3A_84, %dma_start3A_88] : memref<10240x64xf32, #tpu.memory_space<vmem_shared>> -> memref<128x64xf32, #tpu.memory_space<vmem_shared>>
    %dma_start3A_90 = arith.constant 0 : i32
    %dma_start3A_91 = arith.constant 0 : i32
    %dma_start3A_92 = tpu.memref_slice %arg12[%dma_start3A_90, %dma_start3A_91] : memref<128x64xf32, #tpu.memory_space<vmem>> -> memref<128x64xf32, #tpu.memory_space<vmem>>
    %dma_start3A_93 = arith.constant 0 : i32
    %dma_start3A_94 = tpu.memref_slice %arg14[%add3A_84, %dma_start3A_93] : memref<10240x64xf32, #tpu.memory_space<vmem_shared>> -> memref<128x64xf32, #tpu.memory_space<vmem_shared>>
    tpu.enqueue_dma source(%dma_start3A_94 : memref<128x64xf32, #tpu.memory_space<vmem_shared>>) target(%dma_start3A_92 : memref<128x64xf32, #tpu.memory_space<vmem>>) target_semaphore(%arg15 : memref<!tpu.dma_semaphore, #tpu.memory_space<semaphore_mem>>)
    %mul3A_95 = arith.constant 640 : i32
    %mul3A_96 = arith.muli %arg1, %mul3A_95 : i32
    %add3A_97 = arith.constant 128 : i32
    %add3A_98 = arith.addi %mul3A_96, %add3A_97 : i32
    %dma_start3A_99 = arith.constant 0 : i32
    %dma_start3A_100 = arith.constant 0 : i32
    %dma_start3A_101 = tpu.memref_slice %arg13[%dma_start3A_99, %dma_start3A_100] : memref<128x64xf32, #tpu.memory_space<vmem>> -> memref<128x64xf32, #tpu.memory_space<vmem>>
    %dma_start3A_102 = arith.constant 0 : i32
    %dma_start3A_103 = tpu.memref_slice %arg14[%add3A_98, %dma_start3A_102] : memref<10240x64xf32, #tpu.memory_space<vmem_shared>> -> memref<128x64xf32, #tpu.memory_space<vmem_shared>>
    %dma_start3A_104 = arith.constant 0 : i32
    %dma_start3A_105 = arith.constant 0 : i32
    %dma_start3A_106 = tpu.memref_slice %arg13[%dma_start3A_104, %dma_start3A_105] : memref<128x64xf32, #tpu.memory_space<vmem>> -> memref<128x64xf32, #tpu.memory_space<vmem>>
    %dma_start3A_107 = arith.constant 0 : i32
    %dma_start3A_108 = tpu.memref_slice %arg14[%add3A_98, %dma_start3A_107] : memref<10240x64xf32, #tpu.memory_space<vmem_shared>> -> memref<128x64xf32, #tpu.memory_space<vmem_shared>>
    tpu.enqueue_dma source(%dma_start3A_108 : memref<128x64xf32, #tpu.memory_space<vmem_shared>>) target(%dma_start3A_106 : memref<128x64xf32, #tpu.memory_space<vmem>>) target_semaphore(%arg16 : memref<!tpu.dma_semaphore, #tpu.memory_space<semaphore_mem>>)
    %dma_wait3A = arith.constant 0 : i32
    %dma_wait3A_109 = arith.constant 0 : i32
    %dma_wait3A_110 = tpu.memref_slice %arg12[%dma_wait3A, %dma_wait3A_109] : memref<128x64xf32, #tpu.memory_space<vmem>> -> memref<128x64xf32, #tpu.memory_space<vmem>>
    %dma_wait3A_111 = arith.constant 0 : i32
    %dma_wait3A_112 = tpu.memref_slice %arg14[%add3A_84, %dma_wait3A_111] : memref<10240x64xf32, #tpu.memory_space<vmem_shared>> -> memref<128x64xf32, #tpu.memory_space<vmem_shared>>
    %dma_wait3A_113 = arith.constant 0 : i32
    %dma_wait3A_114 = arith.constant 0 : i32
    %dma_wait3A_115 = tpu.memref_slice %arg12[%dma_wait3A_113, %dma_wait3A_114] : memref<128x64xf32, #tpu.memory_space<vmem>> -> memref<128x64xf32, #tpu.memory_space<vmem>>
    %dma_wait3A_116 = arith.constant 0 : i32
    %dma_wait3A_117 = tpu.memref_slice %arg14[%add3A_84, %dma_wait3A_116] : memref<10240x64xf32, #tpu.memory_space<vmem_shared>> -> memref<128x64xf32, #tpu.memory_space<vmem_shared>>
    tpu.wait_dma2 semaphore(%arg15 : memref<!tpu.dma_semaphore, #tpu.memory_space<semaphore_mem>>) src(%dma_wait3A_117 : memref<128x64xf32, #tpu.memory_space<vmem_shared>>) dst(%dma_wait3A_115 : memref<128x64xf32, #tpu.memory_space<vmem>>)
    %mul3A_118 = arith.constant 640 : i32
    %mul3A_119 = arith.muli %arg1, %mul3A_118 : i32
    %add3A_120 = arith.constant 0 : i32
    %add3A_121 = arith.addi %mul3A_119, %add3A_120 : i32
    %dma_start3A_122 = arith.constant 0 : i32
    %dma_start3A_123 = arith.constant 0 : i32
    %dma_start3A_124 = tpu.memref_slice %arg12[%dma_start3A_122, %dma_start3A_123] : memref<128x64xf32, #tpu.memory_space<vmem>> -> memref<128x64xf32, #tpu.memory_space<vmem>>
    %dma_start3A_125 = arith.constant 0 : i32
    %dma_start3A_126 = tpu.memref_slice %arg5[%arg0, %add3A_121, %dma_start3A_125] : memref<2x10240x64xf32, #tpu.memory_space<hbm>> -> memref<1x128x64xf32, #tpu.memory_space<hbm>>
    %dma_start3A_127 = tpu.memref_squeeze %dma_start3A_126 : memref<1x128x64xf32, #tpu.memory_space<hbm>> -> memref<128x64xf32, #tpu.memory_space<hbm>>
    %dma_start3A_128 = arith.constant 0 : i32
    %dma_start3A_129 = tpu.memref_slice %arg5[%arg0, %add3A_121, %dma_start3A_128] : memref<2x10240x64xf32, #tpu.memory_space<hbm>> -> memref<1x128x64xf32, #tpu.memory_space<hbm>>
    %dma_start3A_130 = tpu.memref_squeeze %dma_start3A_129 : memref<1x128x64xf32, #tpu.memory_space<hbm>> -> memref<128x64xf32, #tpu.memory_space<hbm>>
    %dma_start3A_131 = arith.constant 0 : i32
    %dma_start3A_132 = arith.constant 0 : i32
    %dma_start3A_133 = tpu.memref_slice %arg12[%dma_start3A_131, %dma_start3A_132] : memref<128x64xf32, #tpu.memory_space<vmem>> -> memref<128x64xf32, #tpu.memory_space<vmem>>
    tpu.enqueue_dma source(%dma_start3A_133 : memref<128x64xf32, #tpu.memory_space<vmem>>) target(%dma_start3A_130 : memref<128x64xf32, #tpu.memory_space<hbm>>) target_semaphore(%arg19 : memref<!tpu.dma_semaphore, #tpu.memory_space<semaphore_mem>>)
    %dma_wait3A_134 = arith.constant 0 : i32
    %dma_wait3A_135 = arith.constant 0 : i32
    %dma_wait3A_136 = tpu.memref_slice %arg13[%dma_wait3A_134, %dma_wait3A_135] : memref<128x64xf32, #tpu.memory_space<vmem>> -> memref<128x64xf32, #tpu.memory_space<vmem>>
    %dma_wait3A_137 = arith.constant 0 : i32
    %dma_wait3A_138 = tpu.memref_slice %arg14[%add3A_98, %dma_wait3A_137] : memref<10240x64xf32, #tpu.memory_space<vmem_shared>> -> memref<128x64xf32, #tpu.memory_space<vmem_shared>>
    %dma_wait3A_139 = arith.constant 0 : i32
    %dma_wait3A_140 = arith.constant 0 : i32
    %dma_wait3A_141 = tpu.memref_slice %arg13[%dma_wait3A_139, %dma_wait3A_140] : memref<128x64xf32, #tpu.memory_space<vmem>> -> memref<128x64xf32, #tpu.memory_space<vmem>>
    %dma_wait3A_142 = arith.constant 0 : i32
    %dma_wait3A_143 = tpu.memref_slice %arg14[%add3A_98, %dma_wait3A_142] : memref<10240x64xf32, #tpu.memory_space<vmem_shared>> -> memref<128x64xf32, #tpu.memory_space<vmem_shared>>
    tpu.wait_dma2 semaphore(%arg16 : memref<!tpu.dma_semaphore, #tpu.memory_space<semaphore_mem>>) src(%dma_wait3A_143 : memref<128x64xf32, #tpu.memory_space<vmem_shared>>) dst(%dma_wait3A_141 : memref<128x64xf32, #tpu.memory_space<vmem>>)
    %mul3A_144 = arith.constant 640 : i32
    %mul3A_145 = arith.muli %arg1, %mul3A_144 : i32
    %add3A_146 = arith.constant 128 : i32
    %add3A_147 = arith.addi %mul3A_145, %add3A_146 : i32
    %dma_start3A_148 = arith.constant 0 : i32
    %dma_start3A_149 = arith.constant 0 : i32
    %dma_start3A_150 = tpu.memref_slice %arg13[%dma_start3A_148, %dma_start3A_149] : memref<128x64xf32, #tpu.memory_space<vmem>> -> memref<128x64xf32, #tpu.memory_space<vmem>>
    %dma_start3A_151 = arith.constant 0 : i32
    %dma_start3A_152 = tpu.memref_slice %arg5[%arg0, %add3A_147, %dma_start3A_151] : memref<2x10240x64xf32, #tpu.memory_space<hbm>> -> memref<1x128x64xf32, #tpu.memory_space<hbm>>
    %dma_start3A_153 = tpu.memref_squeeze %dma_start3A_152 : memref<1x128x64xf32, #tpu.memory_space<hbm>> -> memref<128x64xf32, #tpu.memory_space<hbm>>
    %dma_start3A_154 = arith.constant 0 : i32
    %dma_start3A_155 = tpu.memref_slice %arg5[%arg0, %add3A_147, %dma_start3A_154] : memref<2x10240x64xf32, #tpu.memory_space<hbm>> -> memref<1x128x64xf32, #tpu.memory_space<hbm>>
    %dma_start3A_156 = tpu.memref_squeeze %dma_start3A_155 : memref<1x128x64xf32, #tpu.memory_space<hbm>> -> memref<128x64xf32, #tpu.memory_space<hbm>>
    %dma_start3A_157 = arith.constant 0 : i32
    %dma_start3A_158 = arith.constant 0 : i32
    %dma_start3A_159 = tpu.memref_slice %arg13[%dma_start3A_157, %dma_start3A_158] : memref<128x64xf32, #tpu.memory_space<vmem>> -> memref<128x64xf32, #tpu.memory_space<vmem>>
    tpu.enqueue_dma source(%dma_start3A_159 : memref<128x64xf32, #tpu.memory_space<vmem>>) target(%dma_start3A_156 : memref<128x64xf32, #tpu.memory_space<hbm>>) target_semaphore(%arg20 : memref<!tpu.dma_semaphore, #tpu.memory_space<semaphore_mem>>)
    %dma_wait3A_160 = arith.constant 0 : i32
    %dma_wait3A_161 = arith.constant 0 : i32
    %dma_wait3A_162 = tpu.memref_slice %arg12[%dma_wait3A_160, %dma_wait3A_161] : memref<128x64xf32, #tpu.memory_space<vmem>> -> memref<128x64xf32, #tpu.memory_space<vmem>>
    %dma_wait3A_163 = arith.constant 0 : i32
    %dma_wait3A_164 = tpu.memref_slice %arg5[%arg0, %add3A_121, %dma_wait3A_163] : memref<2x10240x64xf32, #tpu.memory_space<hbm>> -> memref<1x128x64xf32, #tpu.memory_space<hbm>>
    %dma_wait3A_165 = tpu.memref_squeeze %dma_wait3A_164 : memref<1x128x64xf32, #tpu.memory_space<hbm>> -> memref<128x64xf32, #tpu.memory_space<hbm>>
    %dma_wait3A_166 = arith.constant 0 : i32
    %dma_wait3A_167 = tpu.memref_slice %arg5[%arg0, %add3A_121, %dma_wait3A_166] : memref<2x10240x64xf32, #tpu.memory_space<hbm>> -> memref<1x128x64xf32, #tpu.memory_space<hbm>>
    %dma_wait3A_168 = tpu.memref_squeeze %dma_wait3A_167 : memref<1x128x64xf32, #tpu.memory_space<hbm>> -> memref<128x64xf32, #tpu.memory_space<hbm>>
    %dma_wait3A_169 = arith.constant 0 : i32
    %dma_wait3A_170 = arith.constant 0 : i32
    %dma_wait3A_171 = tpu.memref_slice %arg12[%dma_wait3A_169, %dma_wait3A_170] : memref<128x64xf32, #tpu.memory_space<vmem>> -> memref<128x64xf32, #tpu.memory_space<vmem>>
    tpu.wait_dma2 semaphore(%arg19 : memref<!tpu.dma_semaphore, #tpu.memory_space<semaphore_mem>>) src(%dma_wait3A_171 : memref<128x64xf32, #tpu.memory_space<vmem>>) dst(%dma_wait3A_168 : memref<128x64xf32, #tpu.memory_space<hbm>>)
    %mul3A_172 = arith.constant 640 : i32
    %mul3A_173 = arith.muli %arg1, %mul3A_172 : i32
    %add3A_174 = arith.constant 256 : i32
    %add3A_175 = arith.addi %mul3A_173, %add3A_174 : i32
    %dma_start3A_176 = arith.constant 0 : i32
    %dma_start3A_177 = arith.constant 0 : i32
    %dma_start3A_178 = tpu.memref_slice %arg12[%dma_start3A_176, %dma_start3A_177] : memref<128x64xf32, #tpu.memory_space<vmem>> -> memref<128x64xf32, #tpu.memory_space<vmem>>
    %dma_start3A_179 = arith.constant 0 : i32
    %dma_start3A_180 = tpu.memref_slice %arg14[%add3A_175, %dma_start3A_179] : memref<10240x64xf32, #tpu.memory_space<vmem_shared>> -> memref<128x64xf32, #tpu.memory_space<vmem_shared>>
    %dma_start3A_181 = arith.constant 0 : i32
    %dma_start3A_182 = arith.constant 0 : i32
    %dma_start3A_183 = tpu.memref_slice %arg12[%dma_start3A_181, %dma_start3A_182] : memref<128x64xf32, #tpu.memory_space<vmem>> -> memref<128x64xf32, #tpu.memory_space<vmem>>
    %dma_start3A_184 = arith.constant 0 : i32
    %dma_start3A_185 = tpu.memref_slice %arg14[%add3A_175, %dma_start3A_184] : memref<10240x64xf32, #tpu.memory_space<vmem_shared>> -> memref<128x64xf32, #tpu.memory_space<vmem_shared>>
    tpu.enqueue_dma source(%dma_start3A_185 : memref<128x64xf32, #tpu.memory_space<vmem_shared>>) target(%dma_start3A_183 : memref<128x64xf32, #tpu.memory_space<vmem>>) target_semaphore(%arg15 : memref<!tpu.dma_semaphore, #tpu.memory_space<semaphore_mem>>)
    %dma_wait3A_186 = arith.constant 0 : i32
    %dma_wait3A_187 = arith.constant 0 : i32
    %dma_wait3A_188 = tpu.memref_slice %arg12[%dma_wait3A_186, %dma_wait3A_187] : memref<128x64xf32, #tpu.memory_space<vmem>> -> memref<128x64xf32, #tpu.memory_space<vmem>>
    %dma_wait3A_189 = arith.constant 0 : i32
    %dma_wait3A_190 = tpu.memref_slice %arg14[%add3A_175, %dma_wait3A_189] : memref<10240x64xf32, #tpu.memory_space<vmem_shared>> -> memref<128x64xf32, #tpu.memory_space<vmem_shared>>
    %dma_wait3A_191 = arith.constant 0 : i32
    %dma_wait3A_192 = arith.constant 0 : i32
    %dma_wait3A_193 = tpu.memref_slice %arg12[%dma_wait3A_191, %dma_wait3A_192] : memref<128x64xf32, #tpu.memory_space<vmem>> -> memref<128x64xf32, #tpu.memory_space<vmem>>
    %dma_wait3A_194 = arith.constant 0 : i32
    %dma_wait3A_195 = tpu.memref_slice %arg14[%add3A_175, %dma_wait3A_194] : memref<10240x64xf32, #tpu.memory_space<vmem_shared>> -> memref<128x64xf32, #tpu.memory_space<vmem_shared>>
    tpu.wait_dma2 semaphore(%arg15 : memref<!tpu.dma_semaphore, #tpu.memory_space<semaphore_mem>>) src(%dma_wait3A_195 : memref<128x64xf32, #tpu.memory_space<vmem_shared>>) dst(%dma_wait3A_193 : memref<128x64xf32, #tpu.memory_space<vmem>>)
    %mul3A_196 = arith.constant 640 : i32
    %mul3A_197 = arith.muli %arg1, %mul3A_196 : i32
    %add3A_198 = arith.constant 256 : i32
    %add3A_199 = arith.addi %mul3A_197, %add3A_198 : i32
    %dma_start3A_200 = arith.constant 0 : i32
    %dma_start3A_201 = arith.constant 0 : i32
    %dma_start3A_202 = tpu.memref_slice %arg12[%dma_start3A_200, %dma_start3A_201] : memref<128x64xf32, #tpu.memory_space<vmem>> -> memref<128x64xf32, #tpu.memory_space<vmem>>
    %dma_start3A_203 = arith.constant 0 : i32
    %dma_start3A_204 = tpu.memref_slice %arg5[%arg0, %add3A_199, %dma_start3A_203] : memref<2x10240x64xf32, #tpu.memory_space<hbm>> -> memref<1x128x64xf32, #tpu.memory_space<hbm>>
    %dma_start3A_205 = tpu.memref_squeeze %dma_start3A_204 : memref<1x128x64xf32, #tpu.memory_space<hbm>> -> memref<128x64xf32, #tpu.memory_space<hbm>>
    %dma_start3A_206 = arith.constant 0 : i32
    %dma_start3A_207 = tpu.memref_slice %arg5[%arg0, %add3A_199, %dma_start3A_206] : memref<2x10240x64xf32, #tpu.memory_space<hbm>> -> memref<1x128x64xf32, #tpu.memory_space<hbm>>
    %dma_start3A_208 = tpu.memref_squeeze %dma_start3A_207 : memref<1x128x64xf32, #tpu.memory_space<hbm>> -> memref<128x64xf32, #tpu.memory_space<hbm>>
    %dma_start3A_209 = arith.constant 0 : i32
    %dma_start3A_210 = arith.constant 0 : i32
    %dma_start3A_211 = tpu.memref_slice %arg12[%dma_start3A_209, %dma_start3A_210] : memref<128x64xf32, #tpu.memory_space<vmem>> -> memref<128x64xf32, #tpu.memory_space<vmem>>
    tpu.enqueue_dma source(%dma_start3A_211 : memref<128x64xf32, #tpu.memory_space<vmem>>) target(%dma_start3A_208 : memref<128x64xf32, #tpu.memory_space<hbm>>) target_semaphore(%arg19 : memref<!tpu.dma_semaphore, #tpu.memory_space<semaphore_mem>>)
    %dma_wait3A_212 = arith.constant 0 : i32
    %dma_wait3A_213 = arith.constant 0 : i32
    %dma_wait3A_214 = tpu.memref_slice %arg13[%dma_wait3A_212, %dma_wait3A_213] : memref<128x64xf32, #tpu.memory_space<vmem>> -> memref<128x64xf32, #tpu.memory_space<vmem>>
    %dma_wait3A_215 = arith.constant 0 : i32
    %dma_wait3A_216 = tpu.memref_slice %arg5[%arg0, %add3A_147, %dma_wait3A_215] : memref<2x10240x64xf32, #tpu.memory_space<hbm>> -> memref<1x128x64xf32, #tpu.memory_space<hbm>>
    %dma_wait3A_217 = tpu.memref_squeeze %dma_wait3A_216 : memref<1x128x64xf32, #tpu.memory_space<hbm>> -> memref<128x64xf32, #tpu.memory_space<hbm>>
    %dma_wait3A_218 = arith.constant 0 : i32
    %dma_wait3A_219 = tpu.memref_slice %arg5[%arg0, %add3A_147, %dma_wait3A_218] : memref<2x10240x64xf32, #tpu.memory_space<hbm>> -> memref<1x128x64xf32, #tpu.memory_space<hbm>>
    %dma_wait3A_220 = tpu.memref_squeeze %dma_wait3A_219 : memref<1x128x64xf32, #tpu.memory_space<hbm>> -> memref<128x64xf32, #tpu.memory_space<hbm>>
    %dma_wait3A_221 = arith.constant 0 : i32
    %dma_wait3A_222 = arith.constant 0 : i32
    %dma_wait3A_223 = tpu.memref_slice %arg13[%dma_wait3A_221, %dma_wait3A_222] : memref<128x64xf32, #tpu.memory_space<vmem>> -> memref<128x64xf32, #tpu.memory_space<vmem>>
    tpu.wait_dma2 semaphore(%arg20 : memref<!tpu.dma_semaphore, #tpu.memory_space<semaphore_mem>>) src(%dma_wait3A_223 : memref<128x64xf32, #tpu.memory_space<vmem>>) dst(%dma_wait3A_220 : memref<128x64xf32, #tpu.memory_space<hbm>>)
    %mul3A_224 = arith.constant 640 : i32
    %mul3A_225 = arith.muli %arg1, %mul3A_224 : i32
    %add3A_226 = arith.constant 384 : i32
    %add3A_227 = arith.addi %mul3A_225, %add3A_226 : i32
    %dma_start3A_228 = arith.constant 0 : i32
    %dma_start3A_229 = arith.constant 0 : i32
    %dma_start3A_230 = tpu.memref_slice %arg13[%dma_start3A_228, %dma_start3A_229] : memref<128x64xf32, #tpu.memory_space<vmem>> -> memref<128x64xf32, #tpu.memory_space<vmem>>
    %dma_start3A_231 = arith.constant 0 : i32
    %dma_start3A_232 = tpu.memref_slice %arg14[%add3A_227, %dma_start3A_231] : memref<10240x64xf32, #tpu.memory_space<vmem_shared>> -> memref<128x64xf32, #tpu.memory_space<vmem_shared>>
    %dma_start3A_233 = arith.constant 0 : i32
    %dma_start3A_234 = arith.constant 0 : i32
    %dma_start3A_235 = tpu.memref_slice %arg13[%dma_start3A_233, %dma_start3A_234] : memref<128x64xf32, #tpu.memory_space<vmem>> -> memref<128x64xf32, #tpu.memory_space<vmem>>
    %dma_start3A_236 = arith.constant 0 : i32
    %dma_start3A_237 = tpu.memref_slice %arg14[%add3A_227, %dma_start3A_236] : memref<10240x64xf32, #tpu.memory_space<vmem_shared>> -> memref<128x64xf32, #tpu.memory_space<vmem_shared>>
    tpu.enqueue_dma source(%dma_start3A_237 : memref<128x64xf32, #tpu.memory_space<vmem_shared>>) target(%dma_start3A_235 : memref<128x64xf32, #tpu.memory_space<vmem>>) target_semaphore(%arg16 : memref<!tpu.dma_semaphore, #tpu.memory_space<semaphore_mem>>)
    %dma_wait3A_238 = arith.constant 0 : i32
    %dma_wait3A_239 = arith.constant 0 : i32
    %dma_wait3A_240 = tpu.memref_slice %arg13[%dma_wait3A_238, %dma_wait3A_239] : memref<128x64xf32, #tpu.memory_space<vmem>> -> memref<128x64xf32, #tpu.memory_space<vmem>>
    %dma_wait3A_241 = arith.constant 0 : i32
    %dma_wait3A_242 = tpu.memref_slice %arg14[%add3A_227, %dma_wait3A_241] : memref<10240x64xf32, #tpu.memory_space<vmem_shared>> -> memref<128x64xf32, #tpu.memory_space<vmem_shared>>
    %dma_wait3A_243 = arith.constant 0 : i32
    %dma_wait3A_244 = arith.constant 0 : i32
    %dma_wait3A_245 = tpu.memref_slice %arg13[%dma_wait3A_243, %dma_wait3A_244] : memref<128x64xf32, #tpu.memory_space<vmem>> -> memref<128x64xf32, #tpu.memory_space<vmem>>
    %dma_wait3A_246 = arith.constant 0 : i32
    %dma_wait3A_247 = tpu.memref_slice %arg14[%add3A_227, %dma_wait3A_246] : memref<10240x64xf32, #tpu.memory_space<vmem_shared>> -> memref<128x64xf32, #tpu.memory_space<vmem_shared>>
    tpu.wait_dma2 semaphore(%arg16 : memref<!tpu.dma_semaphore, #tpu.memory_space<semaphore_mem>>) src(%dma_wait3A_247 : memref<128x64xf32, #tpu.memory_space<vmem_shared>>) dst(%dma_wait3A_245 : memref<128x64xf32, #tpu.memory_space<vmem>>)
    %mul3A_248 = arith.constant 640 : i32
    %mul3A_249 = arith.muli %arg1, %mul3A_248 : i32
    %add3A_250 = arith.constant 384 : i32
    %add3A_251 = arith.addi %mul3A_249, %add3A_250 : i32
    %dma_start3A_252 = arith.constant 0 : i32
    %dma_start3A_253 = arith.constant 0 : i32
    %dma_start3A_254 = tpu.memref_slice %arg13[%dma_start3A_252, %dma_start3A_253] : memref<128x64xf32, #tpu.memory_space<vmem>> -> memref<128x64xf32, #tpu.memory_space<vmem>>
    %dma_start3A_255 = arith.constant 0 : i32
    %dma_start3A_256 = tpu.memref_slice %arg5[%arg0, %add3A_251, %dma_start3A_255] : memref<2x10240x64xf32, #tpu.memory_space<hbm>> -> memref<1x128x64xf32, #tpu.memory_space<hbm>>
    %dma_start3A_257 = tpu.memref_squeeze %dma_start3A_256 : memref<1x128x64xf32, #tpu.memory_space<hbm>> -> memref<128x64xf32, #tpu.memory_space<hbm>>
    %dma_start3A_258 = arith.constant 0 : i32
    %dma_start3A_259 = tpu.memref_slice %arg5[%arg0, %add3A_251, %dma_start3A_258] : memref<2x10240x64xf32, #tpu.memory_space<hbm>> -> memref<1x128x64xf32, #tpu.memory_space<hbm>>
    %dma_start3A_260 = tpu.memref_squeeze %dma_start3A_259 : memref<1x128x64xf32, #tpu.memory_space<hbm>> -> memref<128x64xf32, #tpu.memory_space<hbm>>
    %dma_start3A_261 = arith.constant 0 : i32
    %dma_start3A_262 = arith.constant 0 : i32
    %dma_start3A_263 = tpu.memref_slice %arg13[%dma_start3A_261, %dma_start3A_262] : memref<128x64xf32, #tpu.memory_space<vmem>> -> memref<128x64xf32, #tpu.memory_space<vmem>>
    tpu.enqueue_dma source(%dma_start3A_263 : memref<128x64xf32, #tpu.memory_space<vmem>>) target(%dma_start3A_260 : memref<128x64xf32, #tpu.memory_space<hbm>>) target_semaphore(%arg20 : memref<!tpu.dma_semaphore, #tpu.memory_space<semaphore_mem>>)
    %dma_wait3A_264 = arith.constant 0 : i32
    %dma_wait3A_265 = arith.constant 0 : i32
    %dma_wait3A_266 = tpu.memref_slice %arg12[%dma_wait3A_264, %dma_wait3A_265] : memref<128x64xf32, #tpu.memory_space<vmem>> -> memref<128x64xf32, #tpu.memory_space<vmem>>
    %dma_wait3A_267 = arith.constant 0 : i32
    %dma_wait3A_268 = tpu.memref_slice %arg5[%arg0, %add3A_199, %dma_wait3A_267] : memref<2x10240x64xf32, #tpu.memory_space<hbm>> -> memref<1x128x64xf32, #tpu.memory_space<hbm>>
    %dma_wait3A_269 = tpu.memref_squeeze %dma_wait3A_268 : memref<1x128x64xf32, #tpu.memory_space<hbm>> -> memref<128x64xf32, #tpu.memory_space<hbm>>
    %dma_wait3A_270 = arith.constant 0 : i32
    %dma_wait3A_271 = tpu.memref_slice %arg5[%arg0, %add3A_199, %dma_wait3A_270] : memref<2x10240x64xf32, #tpu.memory_space<hbm>> -> memref<1x128x64xf32, #tpu.memory_space<hbm>>
    %dma_wait3A_272 = tpu.memref_squeeze %dma_wait3A_271 : memref<1x128x64xf32, #tpu.memory_space<hbm>> -> memref<128x64xf32, #tpu.memory_space<hbm>>
    %dma_wait3A_273 = arith.constant 0 : i32
    %dma_wait3A_274 = arith.constant 0 : i32
    %dma_wait3A_275 = tpu.memref_slice %arg12[%dma_wait3A_273, %dma_wait3A_274] : memref<128x64xf32, #tpu.memory_space<vmem>> -> memref<128x64xf32, #tpu.memory_space<vmem>>
    tpu.wait_dma2 semaphore(%arg19 : memref<!tpu.dma_semaphore, #tpu.memory_space<semaphore_mem>>) src(%dma_wait3A_275 : memref<128x64xf32, #tpu.memory_space<vmem>>) dst(%dma_wait3A_272 : memref<128x64xf32, #tpu.memory_space<hbm>>)
    %mul3A_276 = arith.constant 640 : i32
    %mul3A_277 = arith.muli %arg1, %mul3A_276 : i32
    %add3A_278 = arith.constant 512 : i32
    %add3A_279 = arith.addi %mul3A_277, %add3A_278 : i32
    %dma_start3A_280 = arith.constant 0 : i32
    %dma_start3A_281 = arith.constant 0 : i32
    %dma_start3A_282 = tpu.memref_slice %arg12[%dma_start3A_280, %dma_start3A_281] : memref<128x64xf32, #tpu.memory_space<vmem>> -> memref<128x64xf32, #tpu.memory_space<vmem>>
    %dma_start3A_283 = arith.constant 0 : i32
    %dma_start3A_284 = tpu.memref_slice %arg14[%add3A_279, %dma_start3A_283] : memref<10240x64xf32, #tpu.memory_space<vmem_shared>> -> memref<128x64xf32, #tpu.memory_space<vmem_shared>>
    %dma_start3A_285 = arith.constant 0 : i32
    %dma_start3A_286 = arith.constant 0 : i32
    %dma_start3A_287 = tpu.memref_slice %arg12[%dma_start3A_285, %dma_start3A_286] : memref<128x64xf32, #tpu.memory_space<vmem>> -> memref<128x64xf32, #tpu.memory_space<vmem>>
    %dma_start3A_288 = arith.constant 0 : i32
    %dma_start3A_289 = tpu.memref_slice %arg14[%add3A_279, %dma_start3A_288] : memref<10240x64xf32, #tpu.memory_space<vmem_shared>> -> memref<128x64xf32, #tpu.memory_space<vmem_shared>>
    tpu.enqueue_dma source(%dma_start3A_289 : memref<128x64xf32, #tpu.memory_space<vmem_shared>>) target(%dma_start3A_287 : memref<128x64xf32, #tpu.memory_space<vmem>>) target_semaphore(%arg15 : memref<!tpu.dma_semaphore, #tpu.memory_space<semaphore_mem>>)
    %dma_wait3A_290 = arith.constant 0 : i32
    %dma_wait3A_291 = arith.constant 0 : i32
    %dma_wait3A_292 = tpu.memref_slice %arg12[%dma_wait3A_290, %dma_wait3A_291] : memref<128x64xf32, #tpu.memory_space<vmem>> -> memref<128x64xf32, #tpu.memory_space<vmem>>
    %dma_wait3A_293 = arith.constant 0 : i32
    %dma_wait3A_294 = tpu.memref_slice %arg14[%add3A_279, %dma_wait3A_293] : memref<10240x64xf32, #tpu.memory_space<vmem_shared>> -> memref<128x64xf32, #tpu.memory_space<vmem_shared>>
    %dma_wait3A_295 = arith.constant 0 : i32
    %dma_wait3A_296 = arith.constant 0 : i32
    %dma_wait3A_297 = tpu.memref_slice %arg12[%dma_wait3A_295, %dma_wait3A_296] : memref<128x64xf32, #tpu.memory_space<vmem>> -> memref<128x64xf32, #tpu.memory_space<vmem>>
    %dma_wait3A_298 = arith.constant 0 : i32
    %dma_wait3A_299 = tpu.memref_slice %arg14[%add3A_279, %dma_wait3A_298] : memref<10240x64xf32, #tpu.memory_space<vmem_shared>> -> memref<128x64xf32, #tpu.memory_space<vmem_shared>>
    tpu.wait_dma2 semaphore(%arg15 : memref<!tpu.dma_semaphore, #tpu.memory_space<semaphore_mem>>) src(%dma_wait3A_299 : memref<128x64xf32, #tpu.memory_space<vmem_shared>>) dst(%dma_wait3A_297 : memref<128x64xf32, #tpu.memory_space<vmem>>)
    %mul3A_300 = arith.constant 640 : i32
    %mul3A_301 = arith.muli %arg1, %mul3A_300 : i32
    %add3A_302 = arith.constant 512 : i32
    %add3A_303 = arith.addi %mul3A_301, %add3A_302 : i32
    %dma_start3A_304 = arith.constant 0 : i32
    %dma_start3A_305 = arith.constant 0 : i32
    %dma_start3A_306 = tpu.memref_slice %arg12[%dma_start3A_304, %dma_start3A_305] : memref<128x64xf32, #tpu.memory_space<vmem>> -> memref<128x64xf32, #tpu.memory_space<vmem>>
    %dma_start3A_307 = arith.constant 0 : i32
    %dma_start3A_308 = tpu.memref_slice %arg5[%arg0, %add3A_303, %dma_start3A_307] : memref<2x10240x64xf32, #tpu.memory_space<hbm>> -> memref<1x128x64xf32, #tpu.memory_space<hbm>>
    %dma_start3A_309 = tpu.memref_squeeze %dma_start3A_308 : memref<1x128x64xf32, #tpu.memory_space<hbm>> -> memref<128x64xf32, #tpu.memory_space<hbm>>
    %dma_start3A_310 = arith.constant 0 : i32
    %dma_start3A_311 = tpu.memref_slice %arg5[%arg0, %add3A_303, %dma_start3A_310] : memref<2x10240x64xf32, #tpu.memory_space<hbm>> -> memref<1x128x64xf32, #tpu.memory_space<hbm>>
    %dma_start3A_312 = tpu.memref_squeeze %dma_start3A_311 : memref<1x128x64xf32, #tpu.memory_space<hbm>> -> memref<128x64xf32, #tpu.memory_space<hbm>>
    %dma_start3A_313 = arith.constant 0 : i32
    %dma_start3A_314 = arith.constant 0 : i32
    %dma_start3A_315 = tpu.memref_slice %arg12[%dma_start3A_313, %dma_start3A_314] : memref<128x64xf32, #tpu.memory_space<vmem>> -> memref<128x64xf32, #tpu.memory_space<vmem>>
    tpu.enqueue_dma source(%dma_start3A_315 : memref<128x64xf32, #tpu.memory_space<vmem>>) target(%dma_start3A_312 : memref<128x64xf32, #tpu.memory_space<hbm>>) target_semaphore(%arg19 : memref<!tpu.dma_semaphore, #tpu.memory_space<semaphore_mem>>)
    %dma_wait3A_316 = arith.constant 0 : i32
    %dma_wait3A_317 = arith.constant 0 : i32
    %dma_wait3A_318 = tpu.memref_slice %arg13[%dma_wait3A_316, %dma_wait3A_317] : memref<128x64xf32, #tpu.memory_space<vmem>> -> memref<128x64xf32, #tpu.memory_space<vmem>>
    %dma_wait3A_319 = arith.constant 0 : i32
    %dma_wait3A_320 = tpu.memref_slice %arg5[%arg0, %add3A_251, %dma_wait3A_319] : memref<2x10240x64xf32, #tpu.memory_space<hbm>> -> memref<1x128x64xf32, #tpu.memory_space<hbm>>
    %dma_wait3A_321 = tpu.memref_squeeze %dma_wait3A_320 : memref<1x128x64xf32, #tpu.memory_space<hbm>> -> memref<128x64xf32, #tpu.memory_space<hbm>>
    %dma_wait3A_322 = arith.constant 0 : i32
    %dma_wait3A_323 = tpu.memref_slice %arg5[%arg0, %add3A_251, %dma_wait3A_322] : memref<2x10240x64xf32, #tpu.memory_space<hbm>> -> memref<1x128x64xf32, #tpu.memory_space<hbm>>
    %dma_wait3A_324 = tpu.memref_squeeze %dma_wait3A_323 : memref<1x128x64xf32, #tpu.memory_space<hbm>> -> memref<128x64xf32, #tpu.memory_space<hbm>>
    %dma_wait3A_325 = arith.constant 0 : i32
    %dma_wait3A_326 = arith.constant 0 : i32
    %dma_wait3A_327 = tpu.memref_slice %arg13[%dma_wait3A_325, %dma_wait3A_326] : memref<128x64xf32, #tpu.memory_space<vmem>> -> memref<128x64xf32, #tpu.memory_space<vmem>>
    tpu.wait_dma2 semaphore(%arg20 : memref<!tpu.dma_semaphore, #tpu.memory_space<semaphore_mem>>) src(%dma_wait3A_327 : memref<128x64xf32, #tpu.memory_space<vmem>>) dst(%dma_wait3A_324 : memref<128x64xf32, #tpu.memory_space<hbm>>)
    %dma_wait3A_328 = arith.constant 0 : i32
    %dma_wait3A_329 = arith.constant 0 : i32
    %dma_wait3A_330 = tpu.memref_slice %arg12[%dma_wait3A_328, %dma_wait3A_329] : memref<128x64xf32, #tpu.memory_space<vmem>> -> memref<128x64xf32, #tpu.memory_space<vmem>>
    %dma_wait3A_331 = arith.constant 0 : i32
    %dma_wait3A_332 = tpu.memref_slice %arg5[%arg0, %add3A_303, %dma_wait3A_331] : memref<2x10240x64xf32, #tpu.memory_space<hbm>> -> memref<1x128x64xf32, #tpu.memory_space<hbm>>
    %dma_wait3A_333 = tpu.memref_squeeze %dma_wait3A_332 : memref<1x128x64xf32, #tpu.memory_space<hbm>> -> memref<128x64xf32, #tpu.memory_space<hbm>>
    %dma_wait3A_334 = arith.constant 0 : i32
    %dma_wait3A_335 = tpu.memref_slice %arg5[%arg0, %add3A_303, %dma_wait3A_334] : memref<2x10240x64xf32, #tpu.memory_space<hbm>> -> memref<1x128x64xf32, #tpu.memory_space<hbm>>
    %dma_wait3A_336 = tpu.memref_squeeze %dma_wait3A_335 : memref<1x128x64xf32, #tpu.memory_space<hbm>> -> memref<128x64xf32, #tpu.memory_space<hbm>>
    %dma_wait3A_337 = arith.constant 0 : i32
    %dma_wait3A_338 = arith.constant 0 : i32
    %dma_wait3A_339 = tpu.memref_slice %arg12[%dma_wait3A_337, %dma_wait3A_338] : memref<128x64xf32, #tpu.memory_space<vmem>> -> memref<128x64xf32, #tpu.memory_space<vmem>>
    tpu.wait_dma2 semaphore(%arg19 : memref<!tpu.dma_semaphore, #tpu.memory_space<semaphore_mem>>) src(%dma_wait3A_339 : memref<128x64xf32, #tpu.memory_space<vmem>>) dst(%dma_wait3A_336 : memref<128x64xf32, #tpu.memory_space<hbm>>)
    return
  }
}

#map = affine_map<(d0, d1) -> (0, 0)>
#map1 = affine_map<(d0, d1) -> (0, 0, 0)>
module attributes {stable_mosaic.version = 14 : i64} {
  func.func @k(%arg0: i32, %arg1: i32, %arg2: memref<2560x128xi32, #tpu.memory_space<hbm>>, %arg3: memref<2560x128xi32, #tpu.memory_space<hbm>>, %arg4: memref<10000x16xf32, #tpu.memory_space<hbm>>, %arg5: memref<2x10240x16xf32, #tpu.memory_space<hbm>>, %arg6: memref<88x128xi32, #tpu.memory_space<vmem>>, %arg7: memref<88x128xi32, #tpu.memory_space<vmem>>, %arg8: memref<128x16xf32, #tpu.memory_space<vmem>>, %arg9: memref<128x16xf32, #tpu.memory_space<vmem>>, %arg10: memref<128x16xf32, #tpu.memory_space<vmem>>, %arg11: memref<128x16xf32, #tpu.memory_space<vmem>>, %arg12: memref<10240x16xf32, #tpu.memory_space<vmem_shared>>, %arg13: memref<!tpu.dma_semaphore, #tpu.memory_space<semaphore_mem>>, %arg14: memref<!tpu.dma_semaphore, #tpu.memory_space<semaphore_mem>>, %arg15: memref<!tpu.dma_semaphore, #tpu.memory_space<semaphore_mem>>, %arg16: memref<!tpu.dma_semaphore, #tpu.memory_space<semaphore_mem>>, %arg17: memref<!tpu.dma_semaphore, #tpu.memory_space<semaphore_mem>>, %arg18: memref<!tpu.dma_semaphore, #tpu.memory_space<semaphore_mem>>, %arg19: memref<!tpu.dma_semaphore, #tpu.memory_space<semaphore_mem>>, %arg20: memref<!tpu.dma_semaphore, #tpu.memory_space<semaphore_mem>>) attributes {dimension_semantics = [#tpu.dimension_semantics<core_parallel>, #tpu.dimension_semantics<subcore_parallel>], iteration_bounds = array<i64: 2, 16>, scalar_prefetch = 0 : i64, scratch_operands = 15 : i64, tpu.core_type = #tpu.core_type<sc_vector_subcore>, window_params = [{transform_indices = #map}, {transform_indices = #map}, {transform_indices = #map}, {transform_indices = #map1}]} {
    %scan3A = arith.constant 0 : i32
    %scan3A_0 = arith.constant 128 : i32
    %scan3A_1 = arith.addi %scan3A, %scan3A_0 : i32
    %scan3A_2 = arith.constant 1 : i32
    scf.for %scan3A_337 = %scan3A to %scan3A_1 step %scan3A_2  : i32 {
      %broadcast_in_dim3A = arith.constant 0.000000e+00 : f32
      %broadcast_in_dim3A_338 = vector.broadcast %broadcast_in_dim3A : f32 to vector<16xf32>
      %swap3A = arith.index_cast %scan3A_337 : i32 to index
      %swap3A_339 = arith.constant 0 : index
      %swap3A_340 = tpu.vector_load %arg8[%swap3A, %swap3A_339] {strides = array<i32>} : memref<128x16xf32, #tpu.memory_space<vmem>>, vector<1x16xf32>,
      %swap3A_341 = vector.shape_cast %swap3A_340 : vector<1x16xf32> to vector<16xf32>
      %swap3A_342 = vector.shape_cast %broadcast_in_dim3A_338 : vector<16xf32> to vector<1x16xf32>
      tpu.vector_store %arg8[%swap3A, %swap3A_339], %swap3A_342 {strides = array<i32>} : memref<128x16xf32, #tpu.memory_space<vmem>>, vector<1x16xf32>,
      %broadcast_in_dim3A_343 = arith.constant 0.000000e+00 : f32
      %broadcast_in_dim3A_344 = vector.broadcast %broadcast_in_dim3A_343 : f32 to vector<16xf32>
      %swap3A_345 = arith.index_cast %scan3A_337 : i32 to index
      %swap3A_346 = arith.constant 0 : index
      %swap3A_347 = tpu.vector_load %arg9[%swap3A_345, %swap3A_346] {strides = array<i32>} : memref<128x16xf32, #tpu.memory_space<vmem>>, vector<1x16xf32>,
      %swap3A_348 = vector.shape_cast %swap3A_347 : vector<1x16xf32> to vector<16xf32>
      %swap3A_349 = vector.shape_cast %broadcast_in_dim3A_344 : vector<16xf32> to vector<1x16xf32>
      tpu.vector_store %arg9[%swap3A_345, %swap3A_346], %swap3A_349 {strides = array<i32>} : memref<128x16xf32, #tpu.memory_space<vmem>>, vector<1x16xf32>,
      %broadcast_in_dim3A_350 = arith.constant 0.000000e+00 : f32
      %broadcast_in_dim3A_351 = vector.broadcast %broadcast_in_dim3A_350 : f32 to vector<16xf32>
      %swap3A_352 = arith.index_cast %scan3A_337 : i32 to index
      %swap3A_353 = arith.constant 0 : index
      %swap3A_354 = tpu.vector_load %arg10[%swap3A_352, %swap3A_353] {strides = array<i32>} : memref<128x16xf32, #tpu.memory_space<vmem>>, vector<1x16xf32>,
      %swap3A_355 = vector.shape_cast %swap3A_354 : vector<1x16xf32> to vector<16xf32>
      %swap3A_356 = vector.shape_cast %broadcast_in_dim3A_351 : vector<16xf32> to vector<1x16xf32>
      tpu.vector_store %arg10[%swap3A_352, %swap3A_353], %swap3A_356 {strides = array<i32>} : memref<128x16xf32, #tpu.memory_space<vmem>>, vector<1x16xf32>,
      %broadcast_in_dim3A_357 = arith.constant 0.000000e+00 : f32
      %broadcast_in_dim3A_358 = vector.broadcast %broadcast_in_dim3A_357 : f32 to vector<16xf32>
      %swap3A_359 = arith.index_cast %scan3A_337 : i32 to index
      %swap3A_360 = arith.constant 0 : index
      %swap3A_361 = tpu.vector_load %arg11[%swap3A_359, %swap3A_360] {strides = array<i32>} : memref<128x16xf32, #tpu.memory_space<vmem>>, vector<1x16xf32>,
      %swap3A_362 = vector.shape_cast %swap3A_361 : vector<1x16xf32> to vector<16xf32>
      %swap3A_363 = vector.shape_cast %broadcast_in_dim3A_358 : vector<16xf32> to vector<1x16xf32>
      tpu.vector_store %arg11[%swap3A_359, %swap3A_360], %swap3A_363 {strides = array<i32>} : memref<128x16xf32, #tpu.memory_space<vmem>>, vector<1x16xf32>,
    }
    %scan3A_3 = arith.constant 128 : i32
    %mul3A = arith.constant 640 : i32
    %mul3A_4 = arith.muli %arg1, %mul3A : i32
    %add3A = arith.constant 0 : i32
    %add3A_5 = arith.addi %mul3A_4, %add3A : i32
    %dma_start3A = arith.constant 0 : i32
    %dma_start3A_6 = arith.constant 0 : i32
    %dma_start3A_7 = tpu.memref_slice %arg8[%dma_start3A, %dma_start3A_6] : memref<128x16xf32, #tpu.memory_space<vmem>> -> memref<128x16xf32, #tpu.memory_space<vmem>>
    %dma_start3A_8 = arith.constant 0 : i32
    %dma_start3A_9 = tpu.memref_slice %arg12[%add3A_5, %dma_start3A_8] : memref<10240x16xf32, #tpu.memory_space<vmem_shared>> -> memref<128x16xf32, #tpu.memory_space<vmem_shared>>
    %dma_start3A_10 = arith.constant 0 : i32
    %dma_start3A_11 = tpu.memref_slice %arg12[%add3A_5, %dma_start3A_10] : memref<10240x16xf32, #tpu.memory_space<vmem_shared>> -> memref<128x16xf32, #tpu.memory_space<vmem_shared>>
    %dma_start3A_12 = arith.constant 0 : i32
    %dma_start3A_13 = arith.constant 0 : i32
    %dma_start3A_14 = tpu.memref_slice %arg8[%dma_start3A_12, %dma_start3A_13] : memref<128x16xf32, #tpu.memory_space<vmem>> -> memref<128x16xf32, #tpu.memory_space<vmem>>
    tpu.enqueue_dma source(%dma_start3A_14 : memref<128x16xf32, #tpu.memory_space<vmem>>) target(%dma_start3A_11 : memref<128x16xf32, #tpu.memory_space<vmem_shared>>) target_semaphore(%arg13 : memref<!tpu.dma_semaphore, #tpu.memory_space<semaphore_mem>>)
    %mul3A_15 = arith.constant 640 : i32
    %mul3A_16 = arith.muli %arg1, %mul3A_15 : i32
    %add3A_17 = arith.constant 128 : i32
    %add3A_18 = arith.addi %mul3A_16, %add3A_17 : i32
    %dma_start3A_19 = arith.constant 0 : i32
    %dma_start3A_20 = arith.constant 0 : i32
    %dma_start3A_21 = tpu.memref_slice %arg9[%dma_start3A_19, %dma_start3A_20] : memref<128x16xf32, #tpu.memory_space<vmem>> -> memref<128x16xf32, #tpu.memory_space<vmem>>
    %dma_start3A_22 = arith.constant 0 : i32
    %dma_start3A_23 = tpu.memref_slice %arg12[%add3A_18, %dma_start3A_22] : memref<10240x16xf32, #tpu.memory_space<vmem_shared>> -> memref<128x16xf32, #tpu.memory_space<vmem_shared>>
    %dma_start3A_24 = arith.constant 0 : i32
    %dma_start3A_25 = tpu.memref_slice %arg12[%add3A_18, %dma_start3A_24] : memref<10240x16xf32, #tpu.memory_space<vmem_shared>> -> memref<128x16xf32, #tpu.memory_space<vmem_shared>>
    %dma_start3A_26 = arith.constant 0 : i32
    %dma_start3A_27 = arith.constant 0 : i32
    %dma_start3A_28 = tpu.memref_slice %arg9[%dma_start3A_26, %dma_start3A_27] : memref<128x16xf32, #tpu.memory_space<vmem>> -> memref<128x16xf32, #tpu.memory_space<vmem>>
    tpu.enqueue_dma source(%dma_start3A_28 : memref<128x16xf32, #tpu.memory_space<vmem>>) target(%dma_start3A_25 : memref<128x16xf32, #tpu.memory_space<vmem_shared>>) target_semaphore(%arg14 : memref<!tpu.dma_semaphore, #tpu.memory_space<semaphore_mem>>)
    %mul3A_29 = arith.constant 640 : i32
    %mul3A_30 = arith.muli %arg1, %mul3A_29 : i32
    %add3A_31 = arith.constant 256 : i32
    %add3A_32 = arith.addi %mul3A_30, %add3A_31 : i32
    %dma_start3A_33 = arith.constant 0 : i32
    %dma_start3A_34 = arith.constant 0 : i32
    %dma_start3A_35 = tpu.memref_slice %arg10[%dma_start3A_33, %dma_start3A_34] : memref<128x16xf32, #tpu.memory_space<vmem>> -> memref<128x16xf32, #tpu.memory_space<vmem>>
    %dma_start3A_36 = arith.constant 0 : i32
    %dma_start3A_37 = tpu.memref_slice %arg12[%add3A_32, %dma_start3A_36] : memref<10240x16xf32, #tpu.memory_space<vmem_shared>> -> memref<128x16xf32, #tpu.memory_space<vmem_shared>>
    %dma_start3A_38 = arith.constant 0 : i32
    %dma_start3A_39 = tpu.memref_slice %arg12[%add3A_32, %dma_start3A_38] : memref<10240x16xf32, #tpu.memory_space<vmem_shared>> -> memref<128x16xf32, #tpu.memory_space<vmem_shared>>
    %dma_start3A_40 = arith.constant 0 : i32
    %dma_start3A_41 = arith.constant 0 : i32
    %dma_start3A_42 = tpu.memref_slice %arg10[%dma_start3A_40, %dma_start3A_41] : memref<128x16xf32, #tpu.memory_space<vmem>> -> memref<128x16xf32, #tpu.memory_space<vmem>>
    tpu.enqueue_dma source(%dma_start3A_42 : memref<128x16xf32, #tpu.memory_space<vmem>>) target(%dma_start3A_39 : memref<128x16xf32, #tpu.memory_space<vmem_shared>>) target_semaphore(%arg15 : memref<!tpu.dma_semaphore, #tpu.memory_space<semaphore_mem>>)
    %mul3A_43 = arith.constant 640 : i32
    %mul3A_44 = arith.muli %arg1, %mul3A_43 : i32
    %add3A_45 = arith.constant 384 : i32
    %add3A_46 = arith.addi %mul3A_44, %add3A_45 : i32
    %dma_start3A_47 = arith.constant 0 : i32
    %dma_start3A_48 = arith.constant 0 : i32
    %dma_start3A_49 = tpu.memref_slice %arg11[%dma_start3A_47, %dma_start3A_48] : memref<128x16xf32, #tpu.memory_space<vmem>> -> memref<128x16xf32, #tpu.memory_space<vmem>>
    %dma_start3A_50 = arith.constant 0 : i32
    %dma_start3A_51 = tpu.memref_slice %arg12[%add3A_46, %dma_start3A_50] : memref<10240x16xf32, #tpu.memory_space<vmem_shared>> -> memref<128x16xf32, #tpu.memory_space<vmem_shared>>
    %dma_start3A_52 = arith.constant 0 : i32
    %dma_start3A_53 = tpu.memref_slice %arg12[%add3A_46, %dma_start3A_52] : memref<10240x16xf32, #tpu.memory_space<vmem_shared>> -> memref<128x16xf32, #tpu.memory_space<vmem_shared>>
    %dma_start3A_54 = arith.constant 0 : i32
    %dma_start3A_55 = arith.constant 0 : i32
    %dma_start3A_56 = tpu.memref_slice %arg11[%dma_start3A_54, %dma_start3A_55] : memref<128x16xf32, #tpu.memory_space<vmem>> -> memref<128x16xf32, #tpu.memory_space<vmem>>
    tpu.enqueue_dma source(%dma_start3A_56 : memref<128x16xf32, #tpu.memory_space<vmem>>) target(%dma_start3A_53 : memref<128x16xf32, #tpu.memory_space<vmem_shared>>) target_semaphore(%arg16 : memref<!tpu.dma_semaphore, #tpu.memory_space<semaphore_mem>>)
    %mul3A_57 = arith.constant 640 : i32
    %mul3A_58 = arith.muli %arg1, %mul3A_57 : i32
    %add3A_59 = arith.constant 512 : i32
    %add3A_60 = arith.addi %mul3A_58, %add3A_59 : i32
    %dma_start3A_61 = arith.constant 0 : i32
    %dma_start3A_62 = arith.constant 0 : i32
    %dma_start3A_63 = tpu.memref_slice %arg8[%dma_start3A_61, %dma_start3A_62] : memref<128x16xf32, #tpu.memory_space<vmem>> -> memref<128x16xf32, #tpu.memory_space<vmem>>
    %dma_start3A_64 = arith.constant 0 : i32
    %dma_start3A_65 = tpu.memref_slice %arg12[%add3A_60, %dma_start3A_64] : memref<10240x16xf32, #tpu.memory_space<vmem_shared>> -> memref<128x16xf32, #tpu.memory_space<vmem_shared>>
    %dma_start3A_66 = arith.constant 0 : i32
    %dma_start3A_67 = tpu.memref_slice %arg12[%add3A_60, %dma_start3A_66] : memref<10240x16xf32, #tpu.memory_space<vmem_shared>> -> memref<128x16xf32, #tpu.memory_space<vmem_shared>>
    %dma_start3A_68 = arith.constant 0 : i32
    %dma_start3A_69 = arith.constant 0 : i32
    %dma_start3A_70 = tpu.memref_slice %arg8[%dma_start3A_68, %dma_start3A_69] : memref<128x16xf32, #tpu.memory_space<vmem>> -> memref<128x16xf32, #tpu.memory_space<vmem>>
    tpu.enqueue_dma source(%dma_start3A_70 : memref<128x16xf32, #tpu.memory_space<vmem>>) target(%dma_start3A_67 : memref<128x16xf32, #tpu.memory_space<vmem_shared>>) target_semaphore(%arg17 : memref<!tpu.dma_semaphore, #tpu.memory_space<semaphore_mem>>)
    %eq3A = arith.constant 0 : i32
    %eq3A_71 = arith.cmpi eq, %arg0, %eq3A : i32
    %convert_element_type3A = arith.extui %eq3A_71 : i1 to i32
    %cond3A = arith.constant 0 : i32
    %cond3A_72 = arith.cmpi ne, %convert_element_type3A, %cond3A : i32
    scf.if %cond3A_72 {
      %mul3A_337 = arith.constant 88 : i32
      %mul3A_338 = arith.muli %arg1, %mul3A_337 : i32
      "tpu.region"() ({
        %run_scoped3A = tpu.sem_alloc : memref<!tpu.dma_semaphore, #tpu.memory_space<semaphore_mem>>
        %dma_start3A_451 = arith.constant 0 : i32
        %dma_start3A_452 = arith.constant 0 : i32
        %dma_start3A_453 = tpu.memref_slice %arg6[%dma_start3A_451, %dma_start3A_452] : memref<88x128xi32, #tpu.memory_space<vmem>> -> memref<88x128xi32, #tpu.memory_space<vmem>>
        %dma_start3A_454 = arith.constant 0 : i32
        %dma_start3A_455 = tpu.memref_slice %arg2[%mul3A_338, %dma_start3A_454] : memref<2560x128xi32, #tpu.memory_space<hbm>> -> memref<88x128xi32, #tpu.memory_space<hbm>>
        %dma_start3A_456 = arith.constant 0 : i32
        %dma_start3A_457 = arith.constant 0 : i32
        %dma_start3A_458 = tpu.memref_slice %arg6[%dma_start3A_456, %dma_start3A_457] : memref<88x128xi32, #tpu.memory_space<vmem>> -> memref<88x128xi32, #tpu.memory_space<vmem>>
        %dma_start3A_459 = arith.constant 0 : i32
        %dma_start3A_460 = tpu.memref_slice %arg2[%mul3A_338, %dma_start3A_459] : memref<2560x128xi32, #tpu.memory_space<hbm>> -> memref<88x128xi32, #tpu.memory_space<hbm>>
        tpu.enqueue_dma source(%dma_start3A_460 : memref<88x128xi32, #tpu.memory_space<hbm>>) target(%dma_start3A_458 : memref<88x128xi32, #tpu.memory_space<vmem>>) target_semaphore(%run_scoped3A : memref<!tpu.dma_semaphore, #tpu.memory_space<semaphore_mem>>)
        %dma_wait3A_461 = arith.constant 0 : i32
        %dma_wait3A_462 = arith.constant 0 : i32
        %dma_wait3A_463 = tpu.memref_slice %arg6[%dma_wait3A_461, %dma_wait3A_462] : memref<88x128xi32, #tpu.memory_space<vmem>> -> memref<88x128xi32, #tpu.memory_space<vmem>>
        %dma_wait3A_464 = arith.constant 0 : i32
        %dma_wait3A_465 = tpu.memref_slice %arg2[%mul3A_338, %dma_wait3A_464] : memref<2560x128xi32, #tpu.memory_space<hbm>> -> memref<88x128xi32, #tpu.memory_space<hbm>>
        %dma_wait3A_466 = arith.constant 0 : i32
        %dma_wait3A_467 = arith.constant 0 : i32
        %dma_wait3A_468 = tpu.memref_slice %arg6[%dma_wait3A_466, %dma_wait3A_467] : memref<88x128xi32, #tpu.memory_space<vmem>> -> memref<88x128xi32, #tpu.memory_space<vmem>>
        %dma_wait3A_469 = arith.constant 0 : i32
        %dma_wait3A_470 = tpu.memref_slice %arg2[%mul3A_338, %dma_wait3A_469] : memref<2560x128xi32, #tpu.memory_space<hbm>> -> memref<88x128xi32, #tpu.memory_space<hbm>>
        tpu.wait_dma2 semaphore(%run_scoped3A : memref<!tpu.dma_semaphore, #tpu.memory_space<semaphore_mem>>) src(%dma_wait3A_470 : memref<88x128xi32, #tpu.memory_space<hbm>>) dst(%dma_wait3A_468 : memref<88x128xi32, #tpu.memory_space<vmem>>)
        tpu.yield
      }) : () -> ()
      "tpu.region"() ({
        %run_scoped3A = tpu.sem_alloc : memref<!tpu.dma_semaphore, #tpu.memory_space<semaphore_mem>>
        %dma_start3A_451 = arith.constant 0 : i32
        %dma_start3A_452 = arith.constant 0 : i32
        %dma_start3A_453 = tpu.memref_slice %arg7[%dma_start3A_451, %dma_start3A_452] : memref<88x128xi32, #tpu.memory_space<vmem>> -> memref<88x128xi32, #tpu.memory_space<vmem>>
        %dma_start3A_454 = arith.constant 0 : i32
        %dma_start3A_455 = tpu.memref_slice %arg3[%mul3A_338, %dma_start3A_454] : memref<2560x128xi32, #tpu.memory_space<hbm>> -> memref<88x128xi32, #tpu.memory_space<hbm>>
        %dma_start3A_456 = arith.constant 0 : i32
        %dma_start3A_457 = arith.constant 0 : i32
        %dma_start3A_458 = tpu.memref_slice %arg7[%dma_start3A_456, %dma_start3A_457] : memref<88x128xi32, #tpu.memory_space<vmem>> -> memref<88x128xi32, #tpu.memory_space<vmem>>
        %dma_start3A_459 = arith.constant 0 : i32
        %dma_start3A_460 = tpu.memref_slice %arg3[%mul3A_338, %dma_start3A_459] : memref<2560x128xi32, #tpu.memory_space<hbm>> -> memref<88x128xi32, #tpu.memory_space<hbm>>
        tpu.enqueue_dma source(%dma_start3A_460 : memref<88x128xi32, #tpu.memory_space<hbm>>) target(%dma_start3A_458 : memref<88x128xi32, #tpu.memory_space<vmem>>) target_semaphore(%run_scoped3A : memref<!tpu.dma_semaphore, #tpu.memory_space<semaphore_mem>>)
        %dma_wait3A_461 = arith.constant 0 : i32
        %dma_wait3A_462 = arith.constant 0 : i32
        %dma_wait3A_463 = tpu.memref_slice %arg7[%dma_wait3A_461, %dma_wait3A_462] : memref<88x128xi32, #tpu.memory_space<vmem>> -> memref<88x128xi32, #tpu.memory_space<vmem>>
        %dma_wait3A_464 = arith.constant 0 : i32
        %dma_wait3A_465 = tpu.memref_slice %arg3[%mul3A_338, %dma_wait3A_464] : memref<2560x128xi32, #tpu.memory_space<hbm>> -> memref<88x128xi32, #tpu.memory_space<hbm>>
        %dma_wait3A_466 = arith.constant 0 : i32
        %dma_wait3A_467 = arith.constant 0 : i32
        %dma_wait3A_468 = tpu.memref_slice %arg7[%dma_wait3A_466, %dma_wait3A_467] : memref<88x128xi32, #tpu.memory_space<vmem>> -> memref<88x128xi32, #tpu.memory_space<vmem>>
        %dma_wait3A_469 = arith.constant 0 : i32
        %dma_wait3A_470 = tpu.memref_slice %arg3[%mul3A_338, %dma_wait3A_469] : memref<2560x128xi32, #tpu.memory_space<hbm>> -> memref<88x128xi32, #tpu.memory_space<hbm>>
        tpu.wait_dma2 semaphore(%run_scoped3A : memref<!tpu.dma_semaphore, #tpu.memory_space<semaphore_mem>>) src(%dma_wait3A_470 : memref<88x128xi32, #tpu.memory_space<hbm>>) dst(%dma_wait3A_468 : memref<88x128xi32, #tpu.memory_space<vmem>>)
        tpu.yield
      }) : () -> ()
      %dma_wait3A_339 = arith.constant 0 : i32
      %dma_wait3A_340 = arith.constant 0 : i32
      %dma_wait3A_341 = tpu.memref_slice %arg8[%dma_wait3A_339, %dma_wait3A_340] : memref<128x16xf32, #tpu.memory_space<vmem>> -> memref<128x16xf32, #tpu.memory_space<vmem>>
      %dma_wait3A_342 = arith.constant 0 : i32
      %dma_wait3A_343 = tpu.memref_slice %arg12[%add3A_5, %dma_wait3A_342] : memref<10240x16xf32, #tpu.memory_space<vmem_shared>> -> memref<128x16xf32, #tpu.memory_space<vmem_shared>>
      %dma_wait3A_344 = arith.constant 0 : i32
      %dma_wait3A_345 = tpu.memref_slice %arg12[%add3A_5, %dma_wait3A_344] : memref<10240x16xf32, #tpu.memory_space<vmem_shared>> -> memref<128x16xf32, #tpu.memory_space<vmem_shared>>
      %dma_wait3A_346 = arith.constant 0 : i32
      %dma_wait3A_347 = arith.constant 0 : i32
      %dma_wait3A_348 = tpu.memref_slice %arg8[%dma_wait3A_346, %dma_wait3A_347] : memref<128x16xf32, #tpu.memory_space<vmem>> -> memref<128x16xf32, #tpu.memory_space<vmem>>
      tpu.wait_dma2 semaphore(%arg13 : memref<!tpu.dma_semaphore, #tpu.memory_space<semaphore_mem>>) src(%dma_wait3A_348 : memref<128x16xf32, #tpu.memory_space<vmem>>) dst(%dma_wait3A_345 : memref<128x16xf32, #tpu.memory_space<vmem_shared>>)
      %dma_wait3A_349 = arith.constant 0 : i32
      %dma_wait3A_350 = arith.constant 0 : i32
      %dma_wait3A_351 = tpu.memref_slice %arg9[%dma_wait3A_349, %dma_wait3A_350] : memref<128x16xf32, #tpu.memory_space<vmem>> -> memref<128x16xf32, #tpu.memory_space<vmem>>
      %dma_wait3A_352 = arith.constant 0 : i32
      %dma_wait3A_353 = tpu.memref_slice %arg12[%add3A_18, %dma_wait3A_352] : memref<10240x16xf32, #tpu.memory_space<vmem_shared>> -> memref<128x16xf32, #tpu.memory_space<vmem_shared>>
      %dma_wait3A_354 = arith.constant 0 : i32
      %dma_wait3A_355 = tpu.memref_slice %arg12[%add3A_18, %dma_wait3A_354] : memref<10240x16xf32, #tpu.memory_space<vmem_shared>> -> memref<128x16xf32, #tpu.memory_space<vmem_shared>>
      %dma_wait3A_356 = arith.constant 0 : i32
      %dma_wait3A_357 = arith.constant 0 : i32
      %dma_wait3A_358 = tpu.memref_slice %arg9[%dma_wait3A_356, %dma_wait3A_357] : memref<128x16xf32, #tpu.memory_space<vmem>> -> memref<128x16xf32, #tpu.memory_space<vmem>>
      tpu.wait_dma2 semaphore(%arg14 : memref<!tpu.dma_semaphore, #tpu.memory_space<semaphore_mem>>) src(%dma_wait3A_358 : memref<128x16xf32, #tpu.memory_space<vmem>>) dst(%dma_wait3A_355 : memref<128x16xf32, #tpu.memory_space<vmem_shared>>)
      %dma_wait3A_359 = arith.constant 0 : i32
      %dma_wait3A_360 = arith.constant 0 : i32
      %dma_wait3A_361 = tpu.memref_slice %arg10[%dma_wait3A_359, %dma_wait3A_360] : memref<128x16xf32, #tpu.memory_space<vmem>> -> memref<128x16xf32, #tpu.memory_space<vmem>>
      %dma_wait3A_362 = arith.constant 0 : i32
      %dma_wait3A_363 = tpu.memref_slice %arg12[%add3A_32, %dma_wait3A_362] : memref<10240x16xf32, #tpu.memory_space<vmem_shared>> -> memref<128x16xf32, #tpu.memory_space<vmem_shared>>
      %dma_wait3A_364 = arith.constant 0 : i32
      %dma_wait3A_365 = tpu.memref_slice %arg12[%add3A_32, %dma_wait3A_364] : memref<10240x16xf32, #tpu.memory_space<vmem_shared>> -> memref<128x16xf32, #tpu.memory_space<vmem_shared>>
      %dma_wait3A_366 = arith.constant 0 : i32
      %dma_wait3A_367 = arith.constant 0 : i32
      %dma_wait3A_368 = tpu.memref_slice %arg10[%dma_wait3A_366, %dma_wait3A_367] : memref<128x16xf32, #tpu.memory_space<vmem>> -> memref<128x16xf32, #tpu.memory_space<vmem>>
      tpu.wait_dma2 semaphore(%arg15 : memref<!tpu.dma_semaphore, #tpu.memory_space<semaphore_mem>>) src(%dma_wait3A_368 : memref<128x16xf32, #tpu.memory_space<vmem>>) dst(%dma_wait3A_365 : memref<128x16xf32, #tpu.memory_space<vmem_shared>>)
      %dma_wait3A_369 = arith.constant 0 : i32
      %dma_wait3A_370 = arith.constant 0 : i32
      %dma_wait3A_371 = tpu.memref_slice %arg11[%dma_wait3A_369, %dma_wait3A_370] : memref<128x16xf32, #tpu.memory_space<vmem>> -> memref<128x16xf32, #tpu.memory_space<vmem>>
      %dma_wait3A_372 = arith.constant 0 : i32
      %dma_wait3A_373 = tpu.memref_slice %arg12[%add3A_46, %dma_wait3A_372] : memref<10240x16xf32, #tpu.memory_space<vmem_shared>> -> memref<128x16xf32, #tpu.memory_space<vmem_shared>>
      %dma_wait3A_374 = arith.constant 0 : i32
      %dma_wait3A_375 = tpu.memref_slice %arg12[%add3A_46, %dma_wait3A_374] : memref<10240x16xf32, #tpu.memory_space<vmem_shared>> -> memref<128x16xf32, #tpu.memory_space<vmem_shared>>
      %dma_wait3A_376 = arith.constant 0 : i32
      %dma_wait3A_377 = arith.constant 0 : i32
      %dma_wait3A_378 = tpu.memref_slice %arg11[%dma_wait3A_376, %dma_wait3A_377] : memref<128x16xf32, #tpu.memory_space<vmem>> -> memref<128x16xf32, #tpu.memory_space<vmem>>
      tpu.wait_dma2 semaphore(%arg16 : memref<!tpu.dma_semaphore, #tpu.memory_space<semaphore_mem>>) src(%dma_wait3A_378 : memref<128x16xf32, #tpu.memory_space<vmem>>) dst(%dma_wait3A_375 : memref<128x16xf32, #tpu.memory_space<vmem_shared>>)
      %dma_wait3A_379 = arith.constant 0 : i32
      %dma_wait3A_380 = arith.constant 0 : i32
      %dma_wait3A_381 = tpu.memref_slice %arg8[%dma_wait3A_379, %dma_wait3A_380] : memref<128x16xf32, #tpu.memory_space<vmem>> -> memref<128x16xf32, #tpu.memory_space<vmem>>
      %dma_wait3A_382 = arith.constant 0 : i32
      %dma_wait3A_383 = tpu.memref_slice %arg12[%add3A_60, %dma_wait3A_382] : memref<10240x16xf32, #tpu.memory_space<vmem_shared>> -> memref<128x16xf32, #tpu.memory_space<vmem_shared>>
      %dma_wait3A_384 = arith.constant 0 : i32
      %dma_wait3A_385 = tpu.memref_slice %arg12[%add3A_60, %dma_wait3A_384] : memref<10240x16xf32, #tpu.memory_space<vmem_shared>> -> memref<128x16xf32, #tpu.memory_space<vmem_shared>>
      %dma_wait3A_386 = arith.constant 0 : i32
      %dma_wait3A_387 = arith.constant 0 : i32
      %dma_wait3A_388 = tpu.memref_slice %arg8[%dma_wait3A_386, %dma_wait3A_387] : memref<128x16xf32, #tpu.memory_space<vmem>> -> memref<128x16xf32, #tpu.memory_space<vmem>>
      tpu.wait_dma2 semaphore(%arg17 : memref<!tpu.dma_semaphore, #tpu.memory_space<semaphore_mem>>) src(%dma_wait3A_388 : memref<128x16xf32, #tpu.memory_space<vmem>>) dst(%dma_wait3A_385 : memref<128x16xf32, #tpu.memory_space<vmem_shared>>)
      %barrier3A_389 = arith.constant 0 : index
      tpu.barrier barrier_id(%barrier3A_389)
      %dma_start3A_390 = arith.constant 0 : i32
      %dma_start3A_391 = arith.constant 0 : i32
      %dma_start3A_392 = tpu.memref_slice %arg6[%dma_start3A_390, %dma_start3A_391] : memref<88x128xi32, #tpu.memory_space<vmem>> -> memref<1x128xi32, #tpu.memory_space<vmem>>
      %dma_start3A_393 = tpu.memref_squeeze %dma_start3A_392 : memref<1x128xi32, #tpu.memory_space<vmem>> -> memref<128xi32, #tpu.memory_space<vmem>>
      %dma_start3A_394 = arith.constant 0 : i32
      %dma_start3A_395 = arith.constant 0 : i32
      %dma_start3A_396 = tpu.memref_slice %arg4[%dma_start3A_394, %dma_start3A_395] : memref<10000x16xf32, #tpu.memory_space<hbm>> -> memref<10000x16xf32, #tpu.memory_space<hbm>>
      tpu.enqueue_indirect_dma source(%dma_start3A_396 : memref<10000x16xf32, #tpu.memory_space<hbm>>) target(%arg8 : memref<128x16xf32, #tpu.memory_space<vmem>>) offsets(%dma_start3A_393 : memref<128xi32, #tpu.memory_space<vmem>>) semaphore(%arg13 : memref<!tpu.dma_semaphore, #tpu.memory_space<semaphore_mem>>)
      %dma_start3A_397 = arith.constant 1 : i32
      %dma_start3A_398 = arith.constant 0 : i32
      %dma_start3A_399 = tpu.memref_slice %arg6[%dma_start3A_397, %dma_start3A_398] : memref<88x128xi32, #tpu.memory_space<vmem>> -> memref<1x128xi32, #tpu.memory_space<vmem>>
      %dma_start3A_400 = tpu.memref_squeeze %dma_start3A_399 : memref<1x128xi32, #tpu.memory_space<vmem>> -> memref<128xi32, #tpu.memory_space<vmem>>
      %dma_start3A_401 = arith.constant 0 : i32
      %dma_start3A_402 = arith.constant 0 : i32
      %dma_start3A_403 = tpu.memref_slice %arg4[%dma_start3A_401, %dma_start3A_402] : memref<10000x16xf32, #tpu.memory_space<hbm>> -> memref<10000x16xf32, #tpu.memory_space<hbm>>
      tpu.enqueue_indirect_dma source(%dma_start3A_403 : memref<10000x16xf32, #tpu.memory_space<hbm>>) target(%arg9 : memref<128x16xf32, #tpu.memory_space<vmem>>) offsets(%dma_start3A_400 : memref<128xi32, #tpu.memory_space<vmem>>) semaphore(%arg14 : memref<!tpu.dma_semaphore, #tpu.memory_space<semaphore_mem>>)
      %dma_start3A_404 = arith.constant 2 : i32
      %dma_start3A_405 = arith.constant 0 : i32
      %dma_start3A_406 = tpu.memref_slice %arg6[%dma_start3A_404, %dma_start3A_405] : memref<88x128xi32, #tpu.memory_space<vmem>> -> memref<1x128xi32, #tpu.memory_space<vmem>>
      %dma_start3A_407 = tpu.memref_squeeze %dma_start3A_406 : memref<1x128xi32, #tpu.memory_space<vmem>> -> memref<128xi32, #tpu.memory_space<vmem>>
      %dma_start3A_408 = arith.constant 0 : i32
      %dma_start3A_409 = arith.constant 0 : i32
      %dma_start3A_410 = tpu.memref_slice %arg4[%dma_start3A_408, %dma_start3A_409] : memref<10000x16xf32, #tpu.memory_space<hbm>> -> memref<10000x16xf32, #tpu.memory_space<hbm>>
      tpu.enqueue_indirect_dma source(%dma_start3A_410 : memref<10000x16xf32, #tpu.memory_space<hbm>>) target(%arg10 : memref<128x16xf32, #tpu.memory_space<vmem>>) offsets(%dma_start3A_407 : memref<128xi32, #tpu.memory_space<vmem>>) semaphore(%arg15 : memref<!tpu.dma_semaphore, #tpu.memory_space<semaphore_mem>>)
      %dma_start3A_411 = arith.constant 3 : i32
      %dma_start3A_412 = arith.constant 0 : i32
      %dma_start3A_413 = tpu.memref_slice %arg6[%dma_start3A_411, %dma_start3A_412] : memref<88x128xi32, #tpu.memory_space<vmem>> -> memref<1x128xi32, #tpu.memory_space<vmem>>
      %dma_start3A_414 = tpu.memref_squeeze %dma_start3A_413 : memref<1x128xi32, #tpu.memory_space<vmem>> -> memref<128xi32, #tpu.memory_space<vmem>>
      %dma_start3A_415 = arith.constant 0 : i32
      %dma_start3A_416 = arith.constant 0 : i32
      %dma_start3A_417 = tpu.memref_slice %arg4[%dma_start3A_415, %dma_start3A_416] : memref<10000x16xf32, #tpu.memory_space<hbm>> -> memref<10000x16xf32, #tpu.memory_space<hbm>>
      tpu.enqueue_indirect_dma source(%dma_start3A_417 : memref<10000x16xf32, #tpu.memory_space<hbm>>) target(%arg11 : memref<128x16xf32, #tpu.memory_space<vmem>>) offsets(%dma_start3A_414 : memref<128xi32, #tpu.memory_space<vmem>>) semaphore(%arg16 : memref<!tpu.dma_semaphore, #tpu.memory_space<semaphore_mem>>)
      %scan3A_418 = arith.constant 0 : i32
      %scan3A_419 = arith.constant 22 : i32
      %scan3A_420 = arith.addi %scan3A_418, %scan3A_419 : i32
      %scan3A_421 = arith.constant 1 : i32
      scf.for %scan3A_451 = %scan3A_418 to %scan3A_420 step %scan3A_421  : i32 {
        %mul3A_452 = arith.constant 4 : i32
        %mul3A_453 = arith.muli %mul3A_452, %scan3A_451 : i32
        %add3A_454 = arith.constant 0 : i32
        %add3A_455 = arith.addi %mul3A_453, %add3A_454 : i32
        %dma_wait3A_456 = arith.constant 0 : i32
        %dma_wait3A_457 = tpu.memref_slice %arg6[%add3A_455, %dma_wait3A_456] : memref<88x128xi32, #tpu.memory_space<vmem>> -> memref<1x128xi32, #tpu.memory_space<vmem>>
        %dma_wait3A_458 = tpu.memref_squeeze %dma_wait3A_457 : memref<1x128xi32, #tpu.memory_space<vmem>> -> memref<128xi32, #tpu.memory_space<vmem>>
        %dma_wait3A_459 = arith.constant 0 : i32
        %dma_wait3A_460 = arith.constant 0 : i32
        %dma_wait3A_461 = tpu.memref_slice %arg4[%dma_wait3A_459, %dma_wait3A_460] : memref<10000x16xf32, #tpu.memory_space<hbm>> -> memref<10000x16xf32, #tpu.memory_space<hbm>>
        tpu.wait_indirect_dma semaphore(%arg13 : memref<!tpu.dma_semaphore, #tpu.memory_space<semaphore_mem>>) src(%dma_wait3A_461 : memref<10000x16xf32, #tpu.memory_space<hbm>>) dst(%arg8 : memref<128x16xf32, #tpu.memory_space<vmem>>)
        %dma_start3A_462 = arith.constant 0 : i32
        %dma_start3A_463 = tpu.memref_slice %arg7[%add3A_455, %dma_start3A_462] : memref<88x128xi32, #tpu.memory_space<vmem>> -> memref<1x128xi32, #tpu.memory_space<vmem>>
        %dma_start3A_464 = tpu.memref_squeeze %dma_start3A_463 : memref<1x128xi32, #tpu.memory_space<vmem>> -> memref<128xi32, #tpu.memory_space<vmem>>
        %dma_start3A_465 = arith.constant 0 : i32
        %dma_start3A_466 = arith.constant 0 : i32
        %dma_start3A_467 = tpu.memref_slice %arg12[%dma_start3A_465, %dma_start3A_466] : memref<10240x16xf32, #tpu.memory_space<vmem_shared>> -> memref<10240x16xf32, #tpu.memory_space<vmem_shared>>
        tpu.enqueue_indirect_dma source(%arg8 : memref<128x16xf32, #tpu.memory_space<vmem>>) target(%dma_start3A_467 : memref<10240x16xf32, #tpu.memory_space<vmem_shared>>) offsets(%dma_start3A_464 : memref<128xi32, #tpu.memory_space<vmem>>) semaphore(%arg17 : memref<!tpu.dma_semaphore, #tpu.memory_space<semaphore_mem>>) {add = true}
        %add3A_468 = arith.constant 4 : i32
        %add3A_469 = arith.addi %add3A_455, %add3A_468 : i32
        %lt3A = arith.constant 88 : i32
        %lt3A_470 = arith.cmpi slt, %add3A_469, %lt3A : i32
        %convert_element_type3A_471 = arith.extui %lt3A_470 : i1 to i32
        %cond3A_472 = arith.constant 0 : i32
        %cond3A_473 = arith.cmpi ne, %convert_element_type3A_471, %cond3A_472 : i32
        scf.if %cond3A_473 {
          %dma_wait3A_543 = arith.constant 0 : i32
          %dma_wait3A_544 = tpu.memref_slice %arg7[%add3A_455, %dma_wait3A_543] : memref<88x128xi32, #tpu.memory_space<vmem>> -> memref<1x128xi32, #tpu.memory_space<vmem>>
          %dma_wait3A_545 = tpu.memref_squeeze %dma_wait3A_544 : memref<1x128xi32, #tpu.memory_space<vmem>> -> memref<128xi32, #tpu.memory_space<vmem>>
          %dma_wait3A_546 = arith.constant 0 : i32
          %dma_wait3A_547 = arith.constant 0 : i32
          %dma_wait3A_548 = tpu.memref_slice %arg12[%dma_wait3A_546, %dma_wait3A_547] : memref<10240x16xf32, #tpu.memory_space<vmem_shared>> -> memref<10240x16xf32, #tpu.memory_space<vmem_shared>>
          tpu.wait_indirect_dma semaphore(%arg17 : memref<!tpu.dma_semaphore, #tpu.memory_space<semaphore_mem>>) src(%arg8 : memref<128x16xf32, #tpu.memory_space<vmem>>) dst(%dma_wait3A_548 : memref<10240x16xf32, #tpu.memory_space<vmem_shared>>)
          %add3A_549 = arith.constant 4 : i32
          %add3A_550 = arith.addi %add3A_455, %add3A_549 : i32
          %dma_start3A_551 = arith.constant 0 : i32
          %dma_start3A_552 = tpu.memref_slice %arg6[%add3A_550, %dma_start3A_551] : memref<88x128xi32, #tpu.memory_space<vmem>> -> memref<1x128xi32, #tpu.memory_space<vmem>>
          %dma_start3A_553 = tpu.memref_squeeze %dma_start3A_552 : memref<1x128xi32, #tpu.memory_space<vmem>> -> memref<128xi32, #tpu.memory_space<vmem>>
          %dma_start3A_554 = arith.constant 0 : i32
          %dma_start3A_555 = arith.constant 0 : i32
          %dma_start3A_556 = tpu.memref_slice %arg4[%dma_start3A_554, %dma_start3A_555] : memref<10000x16xf32, #tpu.memory_space<hbm>> -> memref<10000x16xf32, #tpu.memory_space<hbm>>
          tpu.enqueue_indirect_dma source(%dma_start3A_556 : memref<10000x16xf32, #tpu.memory_space<hbm>>) target(%arg8 : memref<128x16xf32, #tpu.memory_space<vmem>>) offsets(%dma_start3A_553 : memref<128xi32, #tpu.memory_space<vmem>>) semaphore(%arg13 : memref<!tpu.dma_semaphore, #tpu.memory_space<semaphore_mem>>)
        } else {
        }
        %mul3A_474 = arith.constant 4 : i32
        %mul3A_475 = arith.muli %mul3A_474, %scan3A_451 : i32
        %add3A_476 = arith.constant 1 : i32
        %add3A_477 = arith.addi %mul3A_475, %add3A_476 : i32
        %dma_wait3A_478 = arith.constant 0 : i32
        %dma_wait3A_479 = tpu.memref_slice %arg6[%add3A_477, %dma_wait3A_478] : memref<88x128xi32, #tpu.memory_space<vmem>> -> memref<1x128xi32, #tpu.memory_space<vmem>>
        %dma_wait3A_480 = tpu.memref_squeeze %dma_wait3A_479 : memref<1x128xi32, #tpu.memory_space<vmem>> -> memref<128xi32, #tpu.memory_space<vmem>>
        %dma_wait3A_481 = arith.constant 0 : i32
        %dma_wait3A_482 = arith.constant 0 : i32
        %dma_wait3A_483 = tpu.memref_slice %arg4[%dma_wait3A_481, %dma_wait3A_482] : memref<10000x16xf32, #tpu.memory_space<hbm>> -> memref<10000x16xf32, #tpu.memory_space<hbm>>
        tpu.wait_indirect_dma semaphore(%arg14 : memref<!tpu.dma_semaphore, #tpu.memory_space<semaphore_mem>>) src(%dma_wait3A_483 : memref<10000x16xf32, #tpu.memory_space<hbm>>) dst(%arg9 : memref<128x16xf32, #tpu.memory_space<vmem>>)
        %dma_start3A_484 = arith.constant 0 : i32
        %dma_start3A_485 = tpu.memref_slice %arg7[%add3A_477, %dma_start3A_484] : memref<88x128xi32, #tpu.memory_space<vmem>> -> memref<1x128xi32, #tpu.memory_space<vmem>>
        %dma_start3A_486 = tpu.memref_squeeze %dma_start3A_485 : memref<1x128xi32, #tpu.memory_space<vmem>> -> memref<128xi32, #tpu.memory_space<vmem>>
        %dma_start3A_487 = arith.constant 0 : i32
        %dma_start3A_488 = arith.constant 0 : i32
        %dma_start3A_489 = tpu.memref_slice %arg12[%dma_start3A_487, %dma_start3A_488] : memref<10240x16xf32, #tpu.memory_space<vmem_shared>> -> memref<10240x16xf32, #tpu.memory_space<vmem_shared>>
        tpu.enqueue_indirect_dma source(%arg9 : memref<128x16xf32, #tpu.memory_space<vmem>>) target(%dma_start3A_489 : memref<10240x16xf32, #tpu.memory_space<vmem_shared>>) offsets(%dma_start3A_486 : memref<128xi32, #tpu.memory_space<vmem>>) semaphore(%arg18 : memref<!tpu.dma_semaphore, #tpu.memory_space<semaphore_mem>>) {add = true}
        %add3A_490 = arith.constant 4 : i32
        %add3A_491 = arith.addi %add3A_477, %add3A_490 : i32
        %lt3A_492 = arith.constant 88 : i32
        %lt3A_493 = arith.cmpi slt, %add3A_491, %lt3A_492 : i32
        %convert_element_type3A_494 = arith.extui %lt3A_493 : i1 to i32
        %cond3A_495 = arith.constant 0 : i32
        %cond3A_496 = arith.cmpi ne, %convert_element_type3A_494, %cond3A_495 : i32
        scf.if %cond3A_496 {
          %dma_wait3A_543 = arith.constant 0 : i32
          %dma_wait3A_544 = tpu.memref_slice %arg7[%add3A_477, %dma_wait3A_543] : memref<88x128xi32, #tpu.memory_space<vmem>> -> memref<1x128xi32, #tpu.memory_space<vmem>>
          %dma_wait3A_545 = tpu.memref_squeeze %dma_wait3A_544 : memref<1x128xi32, #tpu.memory_space<vmem>> -> memref<128xi32, #tpu.memory_space<vmem>>
          %dma_wait3A_546 = arith.constant 0 : i32
          %dma_wait3A_547 = arith.constant 0 : i32
          %dma_wait3A_548 = tpu.memref_slice %arg12[%dma_wait3A_546, %dma_wait3A_547] : memref<10240x16xf32, #tpu.memory_space<vmem_shared>> -> memref<10240x16xf32, #tpu.memory_space<vmem_shared>>
          tpu.wait_indirect_dma semaphore(%arg18 : memref<!tpu.dma_semaphore, #tpu.memory_space<semaphore_mem>>) src(%arg9 : memref<128x16xf32, #tpu.memory_space<vmem>>) dst(%dma_wait3A_548 : memref<10240x16xf32, #tpu.memory_space<vmem_shared>>)
          %add3A_549 = arith.constant 4 : i32
          %add3A_550 = arith.addi %add3A_477, %add3A_549 : i32
          %dma_start3A_551 = arith.constant 0 : i32
          %dma_start3A_552 = tpu.memref_slice %arg6[%add3A_550, %dma_start3A_551] : memref<88x128xi32, #tpu.memory_space<vmem>> -> memref<1x128xi32, #tpu.memory_space<vmem>>
          %dma_start3A_553 = tpu.memref_squeeze %dma_start3A_552 : memref<1x128xi32, #tpu.memory_space<vmem>> -> memref<128xi32, #tpu.memory_space<vmem>>
          %dma_start3A_554 = arith.constant 0 : i32
          %dma_start3A_555 = arith.constant 0 : i32
          %dma_start3A_556 = tpu.memref_slice %arg4[%dma_start3A_554, %dma_start3A_555] : memref<10000x16xf32, #tpu.memory_space<hbm>> -> memref<10000x16xf32, #tpu.memory_space<hbm>>
          tpu.enqueue_indirect_dma source(%dma_start3A_556 : memref<10000x16xf32, #tpu.memory_space<hbm>>) target(%arg9 : memref<128x16xf32, #tpu.memory_space<vmem>>) offsets(%dma_start3A_553 : memref<128xi32, #tpu.memory_space<vmem>>) semaphore(%arg14 : memref<!tpu.dma_semaphore, #tpu.memory_space<semaphore_mem>>)
        } else {
        }
        %mul3A_497 = arith.constant 4 : i32
        %mul3A_498 = arith.muli %mul3A_497, %scan3A_451 : i32
        %add3A_499 = arith.constant 2 : i32
        %add3A_500 = arith.addi %mul3A_498, %add3A_499 : i32
        %dma_wait3A_501 = arith.constant 0 : i32
        %dma_wait3A_502 = tpu.memref_slice %arg6[%add3A_500, %dma_wait3A_501] : memref<88x128xi32, #tpu.memory_space<vmem>> -> memref<1x128xi32, #tpu.memory_space<vmem>>
        %dma_wait3A_503 = tpu.memref_squeeze %dma_wait3A_502 : memref<1x128xi32, #tpu.memory_space<vmem>> -> memref<128xi32, #tpu.memory_space<vmem>>
        %dma_wait3A_504 = arith.constant 0 : i32
        %dma_wait3A_505 = arith.constant 0 : i32
        %dma_wait3A_506 = tpu.memref_slice %arg4[%dma_wait3A_504, %dma_wait3A_505] : memref<10000x16xf32, #tpu.memory_space<hbm>> -> memref<10000x16xf32, #tpu.memory_space<hbm>>
        tpu.wait_indirect_dma semaphore(%arg15 : memref<!tpu.dma_semaphore, #tpu.memory_space<semaphore_mem>>) src(%dma_wait3A_506 : memref<10000x16xf32, #tpu.memory_space<hbm>>) dst(%arg10 : memref<128x16xf32, #tpu.memory_space<vmem>>)
        %dma_start3A_507 = arith.constant 0 : i32
        %dma_start3A_508 = tpu.memref_slice %arg7[%add3A_500, %dma_start3A_507] : memref<88x128xi32, #tpu.memory_space<vmem>> -> memref<1x128xi32, #tpu.memory_space<vmem>>
        %dma_start3A_509 = tpu.memref_squeeze %dma_start3A_508 : memref<1x128xi32, #tpu.memory_space<vmem>> -> memref<128xi32, #tpu.memory_space<vmem>>
        %dma_start3A_510 = arith.constant 0 : i32
        %dma_start3A_511 = arith.constant 0 : i32
        %dma_start3A_512 = tpu.memref_slice %arg12[%dma_start3A_510, %dma_start3A_511] : memref<10240x16xf32, #tpu.memory_space<vmem_shared>> -> memref<10240x16xf32, #tpu.memory_space<vmem_shared>>
        tpu.enqueue_indirect_dma source(%arg10 : memref<128x16xf32, #tpu.memory_space<vmem>>) target(%dma_start3A_512 : memref<10240x16xf32, #tpu.memory_space<vmem_shared>>) offsets(%dma_start3A_509 : memref<128xi32, #tpu.memory_space<vmem>>) semaphore(%arg19 : memref<!tpu.dma_semaphore, #tpu.memory_space<semaphore_mem>>) {add = true}
        %add3A_513 = arith.constant 4 : i32
        %add3A_514 = arith.addi %add3A_500, %add3A_513 : i32
        %lt3A_515 = arith.constant 88 : i32
        %lt3A_516 = arith.cmpi slt, %add3A_514, %lt3A_515 : i32
        %convert_element_type3A_517 = arith.extui %lt3A_516 : i1 to i32
        %cond3A_518 = arith.constant 0 : i32
        %cond3A_519 = arith.cmpi ne, %convert_element_type3A_517, %cond3A_518 : i32
        scf.if %cond3A_519 {
          %dma_wait3A_543 = arith.constant 0 : i32
          %dma_wait3A_544 = tpu.memref_slice %arg7[%add3A_500, %dma_wait3A_543] : memref<88x128xi32, #tpu.memory_space<vmem>> -> memref<1x128xi32, #tpu.memory_space<vmem>>
          %dma_wait3A_545 = tpu.memref_squeeze %dma_wait3A_544 : memref<1x128xi32, #tpu.memory_space<vmem>> -> memref<128xi32, #tpu.memory_space<vmem>>
          %dma_wait3A_546 = arith.constant 0 : i32
          %dma_wait3A_547 = arith.constant 0 : i32
          %dma_wait3A_548 = tpu.memref_slice %arg12[%dma_wait3A_546, %dma_wait3A_547] : memref<10240x16xf32, #tpu.memory_space<vmem_shared>> -> memref<10240x16xf32, #tpu.memory_space<vmem_shared>>
          tpu.wait_indirect_dma semaphore(%arg19 : memref<!tpu.dma_semaphore, #tpu.memory_space<semaphore_mem>>) src(%arg10 : memref<128x16xf32, #tpu.memory_space<vmem>>) dst(%dma_wait3A_548 : memref<10240x16xf32, #tpu.memory_space<vmem_shared>>)
          %add3A_549 = arith.constant 4 : i32
          %add3A_550 = arith.addi %add3A_500, %add3A_549 : i32
          %dma_start3A_551 = arith.constant 0 : i32
          %dma_start3A_552 = tpu.memref_slice %arg6[%add3A_550, %dma_start3A_551] : memref<88x128xi32, #tpu.memory_space<vmem>> -> memref<1x128xi32, #tpu.memory_space<vmem>>
          %dma_start3A_553 = tpu.memref_squeeze %dma_start3A_552 : memref<1x128xi32, #tpu.memory_space<vmem>> -> memref<128xi32, #tpu.memory_space<vmem>>
          %dma_start3A_554 = arith.constant 0 : i32
          %dma_start3A_555 = arith.constant 0 : i32
          %dma_start3A_556 = tpu.memref_slice %arg4[%dma_start3A_554, %dma_start3A_555] : memref<10000x16xf32, #tpu.memory_space<hbm>> -> memref<10000x16xf32, #tpu.memory_space<hbm>>
          tpu.enqueue_indirect_dma source(%dma_start3A_556 : memref<10000x16xf32, #tpu.memory_space<hbm>>) target(%arg10 : memref<128x16xf32, #tpu.memory_space<vmem>>) offsets(%dma_start3A_553 : memref<128xi32, #tpu.memory_space<vmem>>) semaphore(%arg15 : memref<!tpu.dma_semaphore, #tpu.memory_space<semaphore_mem>>)
        } else {
        }
        %mul3A_520 = arith.constant 4 : i32
        %mul3A_521 = arith.muli %mul3A_520, %scan3A_451 : i32
        %add3A_522 = arith.constant 3 : i32
        %add3A_523 = arith.addi %mul3A_521, %add3A_522 : i32
        %dma_wait3A_524 = arith.constant 0 : i32
        %dma_wait3A_525 = tpu.memref_slice %arg6[%add3A_523, %dma_wait3A_524] : memref<88x128xi32, #tpu.memory_space<vmem>> -> memref<1x128xi32, #tpu.memory_space<vmem>>
        %dma_wait3A_526 = tpu.memref_squeeze %dma_wait3A_525 : memref<1x128xi32, #tpu.memory_space<vmem>> -> memref<128xi32, #tpu.memory_space<vmem>>
        %dma_wait3A_527 = arith.constant 0 : i32
        %dma_wait3A_528 = arith.constant 0 : i32
        %dma_wait3A_529 = tpu.memref_slice %arg4[%dma_wait3A_527, %dma_wait3A_528] : memref<10000x16xf32, #tpu.memory_space<hbm>> -> memref<10000x16xf32, #tpu.memory_space<hbm>>
        tpu.wait_indirect_dma semaphore(%arg16 : memref<!tpu.dma_semaphore, #tpu.memory_space<semaphore_mem>>) src(%dma_wait3A_529 : memref<10000x16xf32, #tpu.memory_space<hbm>>) dst(%arg11 : memref<128x16xf32, #tpu.memory_space<vmem>>)
        %dma_start3A_530 = arith.constant 0 : i32
        %dma_start3A_531 = tpu.memref_slice %arg7[%add3A_523, %dma_start3A_530] : memref<88x128xi32, #tpu.memory_space<vmem>> -> memref<1x128xi32, #tpu.memory_space<vmem>>
        %dma_start3A_532 = tpu.memref_squeeze %dma_start3A_531 : memref<1x128xi32, #tpu.memory_space<vmem>> -> memref<128xi32, #tpu.memory_space<vmem>>
        %dma_start3A_533 = arith.constant 0 : i32
        %dma_start3A_534 = arith.constant 0 : i32
        %dma_start3A_535 = tpu.memref_slice %arg12[%dma_start3A_533, %dma_start3A_534] : memref<10240x16xf32, #tpu.memory_space<vmem_shared>> -> memref<10240x16xf32, #tpu.memory_space<vmem_shared>>
        tpu.enqueue_indirect_dma source(%arg11 : memref<128x16xf32, #tpu.memory_space<vmem>>) target(%dma_start3A_535 : memref<10240x16xf32, #tpu.memory_space<vmem_shared>>) offsets(%dma_start3A_532 : memref<128xi32, #tpu.memory_space<vmem>>) semaphore(%arg20 : memref<!tpu.dma_semaphore, #tpu.memory_space<semaphore_mem>>) {add = true}
        %add3A_536 = arith.constant 4 : i32
        %add3A_537 = arith.addi %add3A_523, %add3A_536 : i32
        %lt3A_538 = arith.constant 88 : i32
        %lt3A_539 = arith.cmpi slt, %add3A_537, %lt3A_538 : i32
        %convert_element_type3A_540 = arith.extui %lt3A_539 : i1 to i32
        %cond3A_541 = arith.constant 0 : i32
        %cond3A_542 = arith.cmpi ne, %convert_element_type3A_540, %cond3A_541 : i32
        scf.if %cond3A_542 {
          %dma_wait3A_543 = arith.constant 0 : i32
          %dma_wait3A_544 = tpu.memref_slice %arg7[%add3A_523, %dma_wait3A_543] : memref<88x128xi32, #tpu.memory_space<vmem>> -> memref<1x128xi32, #tpu.memory_space<vmem>>
          %dma_wait3A_545 = tpu.memref_squeeze %dma_wait3A_544 : memref<1x128xi32, #tpu.memory_space<vmem>> -> memref<128xi32, #tpu.memory_space<vmem>>
          %dma_wait3A_546 = arith.constant 0 : i32
          %dma_wait3A_547 = arith.constant 0 : i32
          %dma_wait3A_548 = tpu.memref_slice %arg12[%dma_wait3A_546, %dma_wait3A_547] : memref<10240x16xf32, #tpu.memory_space<vmem_shared>> -> memref<10240x16xf32, #tpu.memory_space<vmem_shared>>
          tpu.wait_indirect_dma semaphore(%arg20 : memref<!tpu.dma_semaphore, #tpu.memory_space<semaphore_mem>>) src(%arg11 : memref<128x16xf32, #tpu.memory_space<vmem>>) dst(%dma_wait3A_548 : memref<10240x16xf32, #tpu.memory_space<vmem_shared>>)
          %add3A_549 = arith.constant 4 : i32
          %add3A_550 = arith.addi %add3A_523, %add3A_549 : i32
          %dma_start3A_551 = arith.constant 0 : i32
          %dma_start3A_552 = tpu.memref_slice %arg6[%add3A_550, %dma_start3A_551] : memref<88x128xi32, #tpu.memory_space<vmem>> -> memref<1x128xi32, #tpu.memory_space<vmem>>
          %dma_start3A_553 = tpu.memref_squeeze %dma_start3A_552 : memref<1x128xi32, #tpu.memory_space<vmem>> -> memref<128xi32, #tpu.memory_space<vmem>>
          %dma_start3A_554 = arith.constant 0 : i32
          %dma_start3A_555 = arith.constant 0 : i32
          %dma_start3A_556 = tpu.memref_slice %arg4[%dma_start3A_554, %dma_start3A_555] : memref<10000x16xf32, #tpu.memory_space<hbm>> -> memref<10000x16xf32, #tpu.memory_space<hbm>>
          tpu.enqueue_indirect_dma source(%dma_start3A_556 : memref<10000x16xf32, #tpu.memory_space<hbm>>) target(%arg11 : memref<128x16xf32, #tpu.memory_space<vmem>>) offsets(%dma_start3A_553 : memref<128xi32, #tpu.memory_space<vmem>>) semaphore(%arg16 : memref<!tpu.dma_semaphore, #tpu.memory_space<semaphore_mem>>)
        } else {
        }
      }
      %scan3A_422 = arith.constant 22 : i32
      %dma_wait3A_423 = arith.constant 84 : i32
      %dma_wait3A_424 = arith.constant 0 : i32
      %dma_wait3A_425 = tpu.memref_slice %arg7[%dma_wait3A_423, %dma_wait3A_424] : memref<88x128xi32, #tpu.memory_space<vmem>> -> memref<1x128xi32, #tpu.memory_space<vmem>>
      %dma_wait3A_426 = tpu.memref_squeeze %dma_wait3A_425 : memref<1x128xi32, #tpu.memory_space<vmem>> -> memref<128xi32, #tpu.memory_space<vmem>>
      %dma_wait3A_427 = arith.constant 0 : i32
      %dma_wait3A_428 = arith.constant 0 : i32
      %dma_wait3A_429 = tpu.memref_slice %arg12[%dma_wait3A_427, %dma_wait3A_428] : memref<10240x16xf32, #tpu.memory_space<vmem_shared>> -> memref<10240x16xf32, #tpu.memory_space<vmem_shared>>
      tpu.wait_indirect_dma semaphore(%arg17 : memref<!tpu.dma_semaphore, #tpu.memory_space<semaphore_mem>>) src(%arg8 : memref<128x16xf32, #tpu.memory_space<vmem>>) dst(%dma_wait3A_429 : memref<10240x16xf32, #tpu.memory_space<vmem_shared>>)
      %dma_wait3A_430 = arith.constant 85 : i32
      %dma_wait3A_431 = arith.constant 0 : i32
      %dma_wait3A_432 = tpu.memref_slice %arg7[%dma_wait3A_430, %dma_wait3A_431] : memref<88x128xi32, #tpu.memory_space<vmem>> -> memref<1x128xi32, #tpu.memory_space<vmem>>
      %dma_wait3A_433 = tpu.memref_squeeze %dma_wait3A_432 : memref<1x128xi32, #tpu.memory_space<vmem>> -> memref<128xi32, #tpu.memory_space<vmem>>
      %dma_wait3A_434 = arith.constant 0 : i32
      %dma_wait3A_435 = arith.constant 0 : i32
      %dma_wait3A_436 = tpu.memref_slice %arg12[%dma_wait3A_434, %dma_wait3A_435] : memref<10240x16xf32, #tpu.memory_space<vmem_shared>> -> memref<10240x16xf32, #tpu.memory_space<vmem_shared>>
      tpu.wait_indirect_dma semaphore(%arg18 : memref<!tpu.dma_semaphore, #tpu.memory_space<semaphore_mem>>) src(%arg9 : memref<128x16xf32, #tpu.memory_space<vmem>>) dst(%dma_wait3A_436 : memref<10240x16xf32, #tpu.memory_space<vmem_shared>>)
      %dma_wait3A_437 = arith.constant 86 : i32
      %dma_wait3A_438 = arith.constant 0 : i32
      %dma_wait3A_439 = tpu.memref_slice %arg7[%dma_wait3A_437, %dma_wait3A_438] : memref<88x128xi32, #tpu.memory_space<vmem>> -> memref<1x128xi32, #tpu.memory_space<vmem>>
      %dma_wait3A_440 = tpu.memref_squeeze %dma_wait3A_439 : memref<1x128xi32, #tpu.memory_space<vmem>> -> memref<128xi32, #tpu.memory_space<vmem>>
      %dma_wait3A_441 = arith.constant 0 : i32
      %dma_wait3A_442 = arith.constant 0 : i32
      %dma_wait3A_443 = tpu.memref_slice %arg12[%dma_wait3A_441, %dma_wait3A_442] : memref<10240x16xf32, #tpu.memory_space<vmem_shared>> -> memref<10240x16xf32, #tpu.memory_space<vmem_shared>>
      tpu.wait_indirect_dma semaphore(%arg19 : memref<!tpu.dma_semaphore, #tpu.memory_space<semaphore_mem>>) src(%arg10 : memref<128x16xf32, #tpu.memory_space<vmem>>) dst(%dma_wait3A_443 : memref<10240x16xf32, #tpu.memory_space<vmem_shared>>)
      %dma_wait3A_444 = arith.constant 87 : i32
      %dma_wait3A_445 = arith.constant 0 : i32
      %dma_wait3A_446 = tpu.memref_slice %arg7[%dma_wait3A_444, %dma_wait3A_445] : memref<88x128xi32, #tpu.memory_space<vmem>> -> memref<1x128xi32, #tpu.memory_space<vmem>>
      %dma_wait3A_447 = tpu.memref_squeeze %dma_wait3A_446 : memref<1x128xi32, #tpu.memory_space<vmem>> -> memref<128xi32, #tpu.memory_space<vmem>>
      %dma_wait3A_448 = arith.constant 0 : i32
      %dma_wait3A_449 = arith.constant 0 : i32
      %dma_wait3A_450 = tpu.memref_slice %arg12[%dma_wait3A_448, %dma_wait3A_449] : memref<10240x16xf32, #tpu.memory_space<vmem_shared>> -> memref<10240x16xf32, #tpu.memory_space<vmem_shared>>
      tpu.wait_indirect_dma semaphore(%arg20 : memref<!tpu.dma_semaphore, #tpu.memory_space<semaphore_mem>>) src(%arg11 : memref<128x16xf32, #tpu.memory_space<vmem>>) dst(%dma_wait3A_450 : memref<10240x16xf32, #tpu.memory_space<vmem_shared>>)
    } else {
    }
    %eq3A_73 = arith.constant 1 : i32
    %eq3A_74 = arith.cmpi eq, %arg0, %eq3A_73 : i32
    %convert_element_type3A_75 = arith.extui %eq3A_74 : i1 to i32
    %cond3A_76 = arith.constant 0 : i32
    %cond3A_77 = arith.cmpi ne, %convert_element_type3A_75, %cond3A_76 : i32
    scf.if %cond3A_77 {
      %mul3A_337 = arith.constant 72 : i32
      %mul3A_338 = arith.muli %arg1, %mul3A_337 : i32
      %add3A_339 = arith.constant 1408 : i32
      %add3A_340 = arith.addi %add3A_339, %mul3A_338 : i32
      "tpu.region"() ({
        %run_scoped3A = tpu.sem_alloc : memref<!tpu.dma_semaphore, #tpu.memory_space<semaphore_mem>>
        %dma_start3A_453 = arith.constant 0 : i32
        %dma_start3A_454 = arith.constant 0 : i32
        %dma_start3A_455 = tpu.memref_slice %arg6[%dma_start3A_453, %dma_start3A_454] : memref<88x128xi32, #tpu.memory_space<vmem>> -> memref<72x128xi32, #tpu.memory_space<vmem>>
        %dma_start3A_456 = arith.constant 0 : i32
        %dma_start3A_457 = tpu.memref_slice %arg2[%add3A_340, %dma_start3A_456] : memref<2560x128xi32, #tpu.memory_space<hbm>> -> memref<72x128xi32, #tpu.memory_space<hbm>>
        %dma_start3A_458 = arith.constant 0 : i32
        %dma_start3A_459 = arith.constant 0 : i32
        %dma_start3A_460 = tpu.memref_slice %arg6[%dma_start3A_458, %dma_start3A_459] : memref<88x128xi32, #tpu.memory_space<vmem>> -> memref<72x128xi32, #tpu.memory_space<vmem>>
        %dma_start3A_461 = arith.constant 0 : i32
        %dma_start3A_462 = tpu.memref_slice %arg2[%add3A_340, %dma_start3A_461] : memref<2560x128xi32, #tpu.memory_space<hbm>> -> memref<72x128xi32, #tpu.memory_space<hbm>>
        tpu.enqueue_dma source(%dma_start3A_462 : memref<72x128xi32, #tpu.memory_space<hbm>>) target(%dma_start3A_460 : memref<72x128xi32, #tpu.memory_space<vmem>>) target_semaphore(%run_scoped3A : memref<!tpu.dma_semaphore, #tpu.memory_space<semaphore_mem>>)
        %dma_wait3A_463 = arith.constant 0 : i32
        %dma_wait3A_464 = arith.constant 0 : i32
        %dma_wait3A_465 = tpu.memref_slice %arg6[%dma_wait3A_463, %dma_wait3A_464] : memref<88x128xi32, #tpu.memory_space<vmem>> -> memref<72x128xi32, #tpu.memory_space<vmem>>
        %dma_wait3A_466 = arith.constant 0 : i32
        %dma_wait3A_467 = tpu.memref_slice %arg2[%add3A_340, %dma_wait3A_466] : memref<2560x128xi32, #tpu.memory_space<hbm>> -> memref<72x128xi32, #tpu.memory_space<hbm>>
        %dma_wait3A_468 = arith.constant 0 : i32
        %dma_wait3A_469 = arith.constant 0 : i32
        %dma_wait3A_470 = tpu.memref_slice %arg6[%dma_wait3A_468, %dma_wait3A_469] : memref<88x128xi32, #tpu.memory_space<vmem>> -> memref<72x128xi32, #tpu.memory_space<vmem>>
        %dma_wait3A_471 = arith.constant 0 : i32
        %dma_wait3A_472 = tpu.memref_slice %arg2[%add3A_340, %dma_wait3A_471] : memref<2560x128xi32, #tpu.memory_space<hbm>> -> memref<72x128xi32, #tpu.memory_space<hbm>>
        tpu.wait_dma2 semaphore(%run_scoped3A : memref<!tpu.dma_semaphore, #tpu.memory_space<semaphore_mem>>) src(%dma_wait3A_472 : memref<72x128xi32, #tpu.memory_space<hbm>>) dst(%dma_wait3A_470 : memref<72x128xi32, #tpu.memory_space<vmem>>)
        tpu.yield
      }) : () -> ()
      "tpu.region"() ({
        %run_scoped3A = tpu.sem_alloc : memref<!tpu.dma_semaphore, #tpu.memory_space<semaphore_mem>>
        %dma_start3A_453 = arith.constant 0 : i32
        %dma_start3A_454 = arith.constant 0 : i32
        %dma_start3A_455 = tpu.memref_slice %arg7[%dma_start3A_453, %dma_start3A_454] : memref<88x128xi32, #tpu.memory_space<vmem>> -> memref<72x128xi32, #tpu.memory_space<vmem>>
        %dma_start3A_456 = arith.constant 0 : i32
        %dma_start3A_457 = tpu.memref_slice %arg3[%add3A_340, %dma_start3A_456] : memref<2560x128xi32, #tpu.memory_space<hbm>> -> memref<72x128xi32, #tpu.memory_space<hbm>>
        %dma_start3A_458 = arith.constant 0 : i32
        %dma_start3A_459 = arith.constant 0 : i32
        %dma_start3A_460 = tpu.memref_slice %arg7[%dma_start3A_458, %dma_start3A_459] : memref<88x128xi32, #tpu.memory_space<vmem>> -> memref<72x128xi32, #tpu.memory_space<vmem>>
        %dma_start3A_461 = arith.constant 0 : i32
        %dma_start3A_462 = tpu.memref_slice %arg3[%add3A_340, %dma_start3A_461] : memref<2560x128xi32, #tpu.memory_space<hbm>> -> memref<72x128xi32, #tpu.memory_space<hbm>>
        tpu.enqueue_dma source(%dma_start3A_462 : memref<72x128xi32, #tpu.memory_space<hbm>>) target(%dma_start3A_460 : memref<72x128xi32, #tpu.memory_space<vmem>>) target_semaphore(%run_scoped3A : memref<!tpu.dma_semaphore, #tpu.memory_space<semaphore_mem>>)
        %dma_wait3A_463 = arith.constant 0 : i32
        %dma_wait3A_464 = arith.constant 0 : i32
        %dma_wait3A_465 = tpu.memref_slice %arg7[%dma_wait3A_463, %dma_wait3A_464] : memref<88x128xi32, #tpu.memory_space<vmem>> -> memref<72x128xi32, #tpu.memory_space<vmem>>
        %dma_wait3A_466 = arith.constant 0 : i32
        %dma_wait3A_467 = tpu.memref_slice %arg3[%add3A_340, %dma_wait3A_466] : memref<2560x128xi32, #tpu.memory_space<hbm>> -> memref<72x128xi32, #tpu.memory_space<hbm>>
        %dma_wait3A_468 = arith.constant 0 : i32
        %dma_wait3A_469 = arith.constant 0 : i32
        %dma_wait3A_470 = tpu.memref_slice %arg7[%dma_wait3A_468, %dma_wait3A_469] : memref<88x128xi32, #tpu.memory_space<vmem>> -> memref<72x128xi32, #tpu.memory_space<vmem>>
        %dma_wait3A_471 = arith.constant 0 : i32
        %dma_wait3A_472 = tpu.memref_slice %arg3[%add3A_340, %dma_wait3A_471] : memref<2560x128xi32, #tpu.memory_space<hbm>> -> memref<72x128xi32, #tpu.memory_space<hbm>>
        tpu.wait_dma2 semaphore(%run_scoped3A : memref<!tpu.dma_semaphore, #tpu.memory_space<semaphore_mem>>) src(%dma_wait3A_472 : memref<72x128xi32, #tpu.memory_space<hbm>>) dst(%dma_wait3A_470 : memref<72x128xi32, #tpu.memory_space<vmem>>)
        tpu.yield
      }) : () -> ()
      %dma_wait3A_341 = arith.constant 0 : i32
      %dma_wait3A_342 = arith.constant 0 : i32
      %dma_wait3A_343 = tpu.memref_slice %arg8[%dma_wait3A_341, %dma_wait3A_342] : memref<128x16xf32, #tpu.memory_space<vmem>> -> memref<128x16xf32, #tpu.memory_space<vmem>>
      %dma_wait3A_344 = arith.constant 0 : i32
      %dma_wait3A_345 = tpu.memref_slice %arg12[%add3A_5, %dma_wait3A_344] : memref<10240x16xf32, #tpu.memory_space<vmem_shared>> -> memref<128x16xf32, #tpu.memory_space<vmem_shared>>
      %dma_wait3A_346 = arith.constant 0 : i32
      %dma_wait3A_347 = tpu.memref_slice %arg12[%add3A_5, %dma_wait3A_346] : memref<10240x16xf32, #tpu.memory_space<vmem_shared>> -> memref<128x16xf32, #tpu.memory_space<vmem_shared>>
      %dma_wait3A_348 = arith.constant 0 : i32
      %dma_wait3A_349 = arith.constant 0 : i32
      %dma_wait3A_350 = tpu.memref_slice %arg8[%dma_wait3A_348, %dma_wait3A_349] : memref<128x16xf32, #tpu.memory_space<vmem>> -> memref<128x16xf32, #tpu.memory_space<vmem>>
      tpu.wait_dma2 semaphore(%arg13 : memref<!tpu.dma_semaphore, #tpu.memory_space<semaphore_mem>>) src(%dma_wait3A_350 : memref<128x16xf32, #tpu.memory_space<vmem>>) dst(%dma_wait3A_347 : memref<128x16xf32, #tpu.memory_space<vmem_shared>>)
      %dma_wait3A_351 = arith.constant 0 : i32
      %dma_wait3A_352 = arith.constant 0 : i32
      %dma_wait3A_353 = tpu.memref_slice %arg9[%dma_wait3A_351, %dma_wait3A_352] : memref<128x16xf32, #tpu.memory_space<vmem>> -> memref<128x16xf32, #tpu.memory_space<vmem>>
      %dma_wait3A_354 = arith.constant 0 : i32
      %dma_wait3A_355 = tpu.memref_slice %arg12[%add3A_18, %dma_wait3A_354] : memref<10240x16xf32, #tpu.memory_space<vmem_shared>> -> memref<128x16xf32, #tpu.memory_space<vmem_shared>>
      %dma_wait3A_356 = arith.constant 0 : i32
      %dma_wait3A_357 = tpu.memref_slice %arg12[%add3A_18, %dma_wait3A_356] : memref<10240x16xf32, #tpu.memory_space<vmem_shared>> -> memref<128x16xf32, #tpu.memory_space<vmem_shared>>
      %dma_wait3A_358 = arith.constant 0 : i32
      %dma_wait3A_359 = arith.constant 0 : i32
      %dma_wait3A_360 = tpu.memref_slice %arg9[%dma_wait3A_358, %dma_wait3A_359] : memref<128x16xf32, #tpu.memory_space<vmem>> -> memref<128x16xf32, #tpu.memory_space<vmem>>
      tpu.wait_dma2 semaphore(%arg14 : memref<!tpu.dma_semaphore, #tpu.memory_space<semaphore_mem>>) src(%dma_wait3A_360 : memref<128x16xf32, #tpu.memory_space<vmem>>) dst(%dma_wait3A_357 : memref<128x16xf32, #tpu.memory_space<vmem_shared>>)
      %dma_wait3A_361 = arith.constant 0 : i32
      %dma_wait3A_362 = arith.constant 0 : i32
      %dma_wait3A_363 = tpu.memref_slice %arg10[%dma_wait3A_361, %dma_wait3A_362] : memref<128x16xf32, #tpu.memory_space<vmem>> -> memref<128x16xf32, #tpu.memory_space<vmem>>
      %dma_wait3A_364 = arith.constant 0 : i32
      %dma_wait3A_365 = tpu.memref_slice %arg12[%add3A_32, %dma_wait3A_364] : memref<10240x16xf32, #tpu.memory_space<vmem_shared>> -> memref<128x16xf32, #tpu.memory_space<vmem_shared>>
      %dma_wait3A_366 = arith.constant 0 : i32
      %dma_wait3A_367 = tpu.memref_slice %arg12[%add3A_32, %dma_wait3A_366] : memref<10240x16xf32, #tpu.memory_space<vmem_shared>> -> memref<128x16xf32, #tpu.memory_space<vmem_shared>>
      %dma_wait3A_368 = arith.constant 0 : i32
      %dma_wait3A_369 = arith.constant 0 : i32
      %dma_wait3A_370 = tpu.memref_slice %arg10[%dma_wait3A_368, %dma_wait3A_369] : memref<128x16xf32, #tpu.memory_space<vmem>> -> memref<128x16xf32, #tpu.memory_space<vmem>>
      tpu.wait_dma2 semaphore(%arg15 : memref<!tpu.dma_semaphore, #tpu.memory_space<semaphore_mem>>) src(%dma_wait3A_370 : memref<128x16xf32, #tpu.memory_space<vmem>>) dst(%dma_wait3A_367 : memref<128x16xf32, #tpu.memory_space<vmem_shared>>)
      %dma_wait3A_371 = arith.constant 0 : i32
      %dma_wait3A_372 = arith.constant 0 : i32
      %dma_wait3A_373 = tpu.memref_slice %arg11[%dma_wait3A_371, %dma_wait3A_372] : memref<128x16xf32, #tpu.memory_space<vmem>> -> memref<128x16xf32, #tpu.memory_space<vmem>>
      %dma_wait3A_374 = arith.constant 0 : i32
      %dma_wait3A_375 = tpu.memref_slice %arg12[%add3A_46, %dma_wait3A_374] : memref<10240x16xf32, #tpu.memory_space<vmem_shared>> -> memref<128x16xf32, #tpu.memory_space<vmem_shared>>
      %dma_wait3A_376 = arith.constant 0 : i32
      %dma_wait3A_377 = tpu.memref_slice %arg12[%add3A_46, %dma_wait3A_376] : memref<10240x16xf32, #tpu.memory_space<vmem_shared>> -> memref<128x16xf32, #tpu.memory_space<vmem_shared>>
      %dma_wait3A_378 = arith.constant 0 : i32
      %dma_wait3A_379 = arith.constant 0 : i32
      %dma_wait3A_380 = tpu.memref_slice %arg11[%dma_wait3A_378, %dma_wait3A_379] : memref<128x16xf32, #tpu.memory_space<vmem>> -> memref<128x16xf32, #tpu.memory_space<vmem>>
      tpu.wait_dma2 semaphore(%arg16 : memref<!tpu.dma_semaphore, #tpu.memory_space<semaphore_mem>>) src(%dma_wait3A_380 : memref<128x16xf32, #tpu.memory_space<vmem>>) dst(%dma_wait3A_377 : memref<128x16xf32, #tpu.memory_space<vmem_shared>>)
      %dma_wait3A_381 = arith.constant 0 : i32
      %dma_wait3A_382 = arith.constant 0 : i32
      %dma_wait3A_383 = tpu.memref_slice %arg8[%dma_wait3A_381, %dma_wait3A_382] : memref<128x16xf32, #tpu.memory_space<vmem>> -> memref<128x16xf32, #tpu.memory_space<vmem>>
      %dma_wait3A_384 = arith.constant 0 : i32
      %dma_wait3A_385 = tpu.memref_slice %arg12[%add3A_60, %dma_wait3A_384] : memref<10240x16xf32, #tpu.memory_space<vmem_shared>> -> memref<128x16xf32, #tpu.memory_space<vmem_shared>>
      %dma_wait3A_386 = arith.constant 0 : i32
      %dma_wait3A_387 = tpu.memref_slice %arg12[%add3A_60, %dma_wait3A_386] : memref<10240x16xf32, #tpu.memory_space<vmem_shared>> -> memref<128x16xf32, #tpu.memory_space<vmem_shared>>
      %dma_wait3A_388 = arith.constant 0 : i32
      %dma_wait3A_389 = arith.constant 0 : i32
      %dma_wait3A_390 = tpu.memref_slice %arg8[%dma_wait3A_388, %dma_wait3A_389] : memref<128x16xf32, #tpu.memory_space<vmem>> -> memref<128x16xf32, #tpu.memory_space<vmem>>
      tpu.wait_dma2 semaphore(%arg17 : memref<!tpu.dma_semaphore, #tpu.memory_space<semaphore_mem>>) src(%dma_wait3A_390 : memref<128x16xf32, #tpu.memory_space<vmem>>) dst(%dma_wait3A_387 : memref<128x16xf32, #tpu.memory_space<vmem_shared>>)
      %barrier3A_391 = arith.constant 0 : index
      tpu.barrier barrier_id(%barrier3A_391)
      %dma_start3A_392 = arith.constant 0 : i32
      %dma_start3A_393 = arith.constant 0 : i32
      %dma_start3A_394 = tpu.memref_slice %arg6[%dma_start3A_392, %dma_start3A_393] : memref<88x128xi32, #tpu.memory_space<vmem>> -> memref<1x128xi32, #tpu.memory_space<vmem>>
      %dma_start3A_395 = tpu.memref_squeeze %dma_start3A_394 : memref<1x128xi32, #tpu.memory_space<vmem>> -> memref<128xi32, #tpu.memory_space<vmem>>
      %dma_start3A_396 = arith.constant 0 : i32
      %dma_start3A_397 = arith.constant 0 : i32
      %dma_start3A_398 = tpu.memref_slice %arg4[%dma_start3A_396, %dma_start3A_397] : memref<10000x16xf32, #tpu.memory_space<hbm>> -> memref<10000x16xf32, #tpu.memory_space<hbm>>
      tpu.enqueue_indirect_dma source(%dma_start3A_398 : memref<10000x16xf32, #tpu.memory_space<hbm>>) target(%arg8 : memref<128x16xf32, #tpu.memory_space<vmem>>) offsets(%dma_start3A_395 : memref<128xi32, #tpu.memory_space<vmem>>) semaphore(%arg13 : memref<!tpu.dma_semaphore, #tpu.memory_space<semaphore_mem>>)
      %dma_start3A_399 = arith.constant 1 : i32
      %dma_start3A_400 = arith.constant 0 : i32
      %dma_start3A_401 = tpu.memref_slice %arg6[%dma_start3A_399, %dma_start3A_400] : memref<88x128xi32, #tpu.memory_space<vmem>> -> memref<1x128xi32, #tpu.memory_space<vmem>>
      %dma_start3A_402 = tpu.memref_squeeze %dma_start3A_401 : memref<1x128xi32, #tpu.memory_space<vmem>> -> memref<128xi32, #tpu.memory_space<vmem>>
      %dma_start3A_403 = arith.constant 0 : i32
      %dma_start3A_404 = arith.constant 0 : i32
      %dma_start3A_405 = tpu.memref_slice %arg4[%dma_start3A_403, %dma_start3A_404] : memref<10000x16xf32, #tpu.memory_space<hbm>> -> memref<10000x16xf32, #tpu.memory_space<hbm>>
      tpu.enqueue_indirect_dma source(%dma_start3A_405 : memref<10000x16xf32, #tpu.memory_space<hbm>>) target(%arg9 : memref<128x16xf32, #tpu.memory_space<vmem>>) offsets(%dma_start3A_402 : memref<128xi32, #tpu.memory_space<vmem>>) semaphore(%arg14 : memref<!tpu.dma_semaphore, #tpu.memory_space<semaphore_mem>>)
      %dma_start3A_406 = arith.constant 2 : i32
      %dma_start3A_407 = arith.constant 0 : i32
      %dma_start3A_408 = tpu.memref_slice %arg6[%dma_start3A_406, %dma_start3A_407] : memref<88x128xi32, #tpu.memory_space<vmem>> -> memref<1x128xi32, #tpu.memory_space<vmem>>
      %dma_start3A_409 = tpu.memref_squeeze %dma_start3A_408 : memref<1x128xi32, #tpu.memory_space<vmem>> -> memref<128xi32, #tpu.memory_space<vmem>>
      %dma_start3A_410 = arith.constant 0 : i32
      %dma_start3A_411 = arith.constant 0 : i32
      %dma_start3A_412 = tpu.memref_slice %arg4[%dma_start3A_410, %dma_start3A_411] : memref<10000x16xf32, #tpu.memory_space<hbm>> -> memref<10000x16xf32, #tpu.memory_space<hbm>>
      tpu.enqueue_indirect_dma source(%dma_start3A_412 : memref<10000x16xf32, #tpu.memory_space<hbm>>) target(%arg10 : memref<128x16xf32, #tpu.memory_space<vmem>>) offsets(%dma_start3A_409 : memref<128xi32, #tpu.memory_space<vmem>>) semaphore(%arg15 : memref<!tpu.dma_semaphore, #tpu.memory_space<semaphore_mem>>)
      %dma_start3A_413 = arith.constant 3 : i32
      %dma_start3A_414 = arith.constant 0 : i32
      %dma_start3A_415 = tpu.memref_slice %arg6[%dma_start3A_413, %dma_start3A_414] : memref<88x128xi32, #tpu.memory_space<vmem>> -> memref<1x128xi32, #tpu.memory_space<vmem>>
      %dma_start3A_416 = tpu.memref_squeeze %dma_start3A_415 : memref<1x128xi32, #tpu.memory_space<vmem>> -> memref<128xi32, #tpu.memory_space<vmem>>
      %dma_start3A_417 = arith.constant 0 : i32
      %dma_start3A_418 = arith.constant 0 : i32
      %dma_start3A_419 = tpu.memref_slice %arg4[%dma_start3A_417, %dma_start3A_418] : memref<10000x16xf32, #tpu.memory_space<hbm>> -> memref<10000x16xf32, #tpu.memory_space<hbm>>
      tpu.enqueue_indirect_dma source(%dma_start3A_419 : memref<10000x16xf32, #tpu.memory_space<hbm>>) target(%arg11 : memref<128x16xf32, #tpu.memory_space<vmem>>) offsets(%dma_start3A_416 : memref<128xi32, #tpu.memory_space<vmem>>) semaphore(%arg16 : memref<!tpu.dma_semaphore, #tpu.memory_space<semaphore_mem>>)
      %scan3A_420 = arith.constant 0 : i32
      %scan3A_421 = arith.constant 18 : i32
      %scan3A_422 = arith.addi %scan3A_420, %scan3A_421 : i32
      %scan3A_423 = arith.constant 1 : i32
      scf.for %scan3A_453 = %scan3A_420 to %scan3A_422 step %scan3A_423  : i32 {
        %mul3A_454 = arith.constant 4 : i32
        %mul3A_455 = arith.muli %mul3A_454, %scan3A_453 : i32
        %add3A_456 = arith.constant 0 : i32
        %add3A_457 = arith.addi %mul3A_455, %add3A_456 : i32
        %dma_wait3A_458 = arith.constant 0 : i32
        %dma_wait3A_459 = tpu.memref_slice %arg6[%add3A_457, %dma_wait3A_458] : memref<88x128xi32, #tpu.memory_space<vmem>> -> memref<1x128xi32, #tpu.memory_space<vmem>>
        %dma_wait3A_460 = tpu.memref_squeeze %dma_wait3A_459 : memref<1x128xi32, #tpu.memory_space<vmem>> -> memref<128xi32, #tpu.memory_space<vmem>>
        %dma_wait3A_461 = arith.constant 0 : i32
        %dma_wait3A_462 = arith.constant 0 : i32
        %dma_wait3A_463 = tpu.memref_slice %arg4[%dma_wait3A_461, %dma_wait3A_462] : memref<10000x16xf32, #tpu.memory_space<hbm>> -> memref<10000x16xf32, #tpu.memory_space<hbm>>
        tpu.wait_indirect_dma semaphore(%arg13 : memref<!tpu.dma_semaphore, #tpu.memory_space<semaphore_mem>>) src(%dma_wait3A_463 : memref<10000x16xf32, #tpu.memory_space<hbm>>) dst(%arg8 : memref<128x16xf32, #tpu.memory_space<vmem>>)
        %dma_start3A_464 = arith.constant 0 : i32
        %dma_start3A_465 = tpu.memref_slice %arg7[%add3A_457, %dma_start3A_464] : memref<88x128xi32, #tpu.memory_space<vmem>> -> memref<1x128xi32, #tpu.memory_space<vmem>>
        %dma_start3A_466 = tpu.memref_squeeze %dma_start3A_465 : memref<1x128xi32, #tpu.memory_space<vmem>> -> memref<128xi32, #tpu.memory_space<vmem>>
        %dma_start3A_467 = arith.constant 0 : i32
        %dma_start3A_468 = arith.constant 0 : i32
        %dma_start3A_469 = tpu.memref_slice %arg12[%dma_start3A_467, %dma_start3A_468] : memref<10240x16xf32, #tpu.memory_space<vmem_shared>> -> memref<10240x16xf32, #tpu.memory_space<vmem_shared>>
        tpu.enqueue_indirect_dma source(%arg8 : memref<128x16xf32, #tpu.memory_space<vmem>>) target(%dma_start3A_469 : memref<10240x16xf32, #tpu.memory_space<vmem_shared>>) offsets(%dma_start3A_466 : memref<128xi32, #tpu.memory_space<vmem>>) semaphore(%arg17 : memref<!tpu.dma_semaphore, #tpu.memory_space<semaphore_mem>>) {add = true}
        %add3A_470 = arith.constant 4 : i32
        %add3A_471 = arith.addi %add3A_457, %add3A_470 : i32
        %lt3A = arith.constant 72 : i32
        %lt3A_472 = arith.cmpi slt, %add3A_471, %lt3A : i32
        %convert_element_type3A_473 = arith.extui %lt3A_472 : i1 to i32
        %cond3A_474 = arith.constant 0 : i32
        %cond3A_475 = arith.cmpi ne, %convert_element_type3A_473, %cond3A_474 : i32
        scf.if %cond3A_475 {
          %dma_wait3A_545 = arith.constant 0 : i32
          %dma_wait3A_546 = tpu.memref_slice %arg7[%add3A_457, %dma_wait3A_545] : memref<88x128xi32, #tpu.memory_space<vmem>> -> memref<1x128xi32, #tpu.memory_space<vmem>>
          %dma_wait3A_547 = tpu.memref_squeeze %dma_wait3A_546 : memref<1x128xi32, #tpu.memory_space<vmem>> -> memref<128xi32, #tpu.memory_space<vmem>>
          %dma_wait3A_548 = arith.constant 0 : i32
          %dma_wait3A_549 = arith.constant 0 : i32
          %dma_wait3A_550 = tpu.memref_slice %arg12[%dma_wait3A_548, %dma_wait3A_549] : memref<10240x16xf32, #tpu.memory_space<vmem_shared>> -> memref<10240x16xf32, #tpu.memory_space<vmem_shared>>
          tpu.wait_indirect_dma semaphore(%arg17 : memref<!tpu.dma_semaphore, #tpu.memory_space<semaphore_mem>>) src(%arg8 : memref<128x16xf32, #tpu.memory_space<vmem>>) dst(%dma_wait3A_550 : memref<10240x16xf32, #tpu.memory_space<vmem_shared>>)
          %add3A_551 = arith.constant 4 : i32
          %add3A_552 = arith.addi %add3A_457, %add3A_551 : i32
          %dma_start3A_553 = arith.constant 0 : i32
          %dma_start3A_554 = tpu.memref_slice %arg6[%add3A_552, %dma_start3A_553] : memref<88x128xi32, #tpu.memory_space<vmem>> -> memref<1x128xi32, #tpu.memory_space<vmem>>
          %dma_start3A_555 = tpu.memref_squeeze %dma_start3A_554 : memref<1x128xi32, #tpu.memory_space<vmem>> -> memref<128xi32, #tpu.memory_space<vmem>>
          %dma_start3A_556 = arith.constant 0 : i32
          %dma_start3A_557 = arith.constant 0 : i32
          %dma_start3A_558 = tpu.memref_slice %arg4[%dma_start3A_556, %dma_start3A_557] : memref<10000x16xf32, #tpu.memory_space<hbm>> -> memref<10000x16xf32, #tpu.memory_space<hbm>>
          tpu.enqueue_indirect_dma source(%dma_start3A_558 : memref<10000x16xf32, #tpu.memory_space<hbm>>) target(%arg8 : memref<128x16xf32, #tpu.memory_space<vmem>>) offsets(%dma_start3A_555 : memref<128xi32, #tpu.memory_space<vmem>>) semaphore(%arg13 : memref<!tpu.dma_semaphore, #tpu.memory_space<semaphore_mem>>)
        } else {
        }
        %mul3A_476 = arith.constant 4 : i32
        %mul3A_477 = arith.muli %mul3A_476, %scan3A_453 : i32
        %add3A_478 = arith.constant 1 : i32
        %add3A_479 = arith.addi %mul3A_477, %add3A_478 : i32
        %dma_wait3A_480 = arith.constant 0 : i32
        %dma_wait3A_481 = tpu.memref_slice %arg6[%add3A_479, %dma_wait3A_480] : memref<88x128xi32, #tpu.memory_space<vmem>> -> memref<1x128xi32, #tpu.memory_space<vmem>>
        %dma_wait3A_482 = tpu.memref_squeeze %dma_wait3A_481 : memref<1x128xi32, #tpu.memory_space<vmem>> -> memref<128xi32, #tpu.memory_space<vmem>>
        %dma_wait3A_483 = arith.constant 0 : i32
        %dma_wait3A_484 = arith.constant 0 : i32
        %dma_wait3A_485 = tpu.memref_slice %arg4[%dma_wait3A_483, %dma_wait3A_484] : memref<10000x16xf32, #tpu.memory_space<hbm>> -> memref<10000x16xf32, #tpu.memory_space<hbm>>
        tpu.wait_indirect_dma semaphore(%arg14 : memref<!tpu.dma_semaphore, #tpu.memory_space<semaphore_mem>>) src(%dma_wait3A_485 : memref<10000x16xf32, #tpu.memory_space<hbm>>) dst(%arg9 : memref<128x16xf32, #tpu.memory_space<vmem>>)
        %dma_start3A_486 = arith.constant 0 : i32
        %dma_start3A_487 = tpu.memref_slice %arg7[%add3A_479, %dma_start3A_486] : memref<88x128xi32, #tpu.memory_space<vmem>> -> memref<1x128xi32, #tpu.memory_space<vmem>>
        %dma_start3A_488 = tpu.memref_squeeze %dma_start3A_487 : memref<1x128xi32, #tpu.memory_space<vmem>> -> memref<128xi32, #tpu.memory_space<vmem>>
        %dma_start3A_489 = arith.constant 0 : i32
        %dma_start3A_490 = arith.constant 0 : i32
        %dma_start3A_491 = tpu.memref_slice %arg12[%dma_start3A_489, %dma_start3A_490] : memref<10240x16xf32, #tpu.memory_space<vmem_shared>> -> memref<10240x16xf32, #tpu.memory_space<vmem_shared>>
        tpu.enqueue_indirect_dma source(%arg9 : memref<128x16xf32, #tpu.memory_space<vmem>>) target(%dma_start3A_491 : memref<10240x16xf32, #tpu.memory_space<vmem_shared>>) offsets(%dma_start3A_488 : memref<128xi32, #tpu.memory_space<vmem>>) semaphore(%arg18 : memref<!tpu.dma_semaphore, #tpu.memory_space<semaphore_mem>>) {add = true}
        %add3A_492 = arith.constant 4 : i32
        %add3A_493 = arith.addi %add3A_479, %add3A_492 : i32
        %lt3A_494 = arith.constant 72 : i32
        %lt3A_495 = arith.cmpi slt, %add3A_493, %lt3A_494 : i32
        %convert_element_type3A_496 = arith.extui %lt3A_495 : i1 to i32
        %cond3A_497 = arith.constant 0 : i32
        %cond3A_498 = arith.cmpi ne, %convert_element_type3A_496, %cond3A_497 : i32
        scf.if %cond3A_498 {
          %dma_wait3A_545 = arith.constant 0 : i32
          %dma_wait3A_546 = tpu.memref_slice %arg7[%add3A_479, %dma_wait3A_545] : memref<88x128xi32, #tpu.memory_space<vmem>> -> memref<1x128xi32, #tpu.memory_space<vmem>>
          %dma_wait3A_547 = tpu.memref_squeeze %dma_wait3A_546 : memref<1x128xi32, #tpu.memory_space<vmem>> -> memref<128xi32, #tpu.memory_space<vmem>>
          %dma_wait3A_548 = arith.constant 0 : i32
          %dma_wait3A_549 = arith.constant 0 : i32
          %dma_wait3A_550 = tpu.memref_slice %arg12[%dma_wait3A_548, %dma_wait3A_549] : memref<10240x16xf32, #tpu.memory_space<vmem_shared>> -> memref<10240x16xf32, #tpu.memory_space<vmem_shared>>
          tpu.wait_indirect_dma semaphore(%arg18 : memref<!tpu.dma_semaphore, #tpu.memory_space<semaphore_mem>>) src(%arg9 : memref<128x16xf32, #tpu.memory_space<vmem>>) dst(%dma_wait3A_550 : memref<10240x16xf32, #tpu.memory_space<vmem_shared>>)
          %add3A_551 = arith.constant 4 : i32
          %add3A_552 = arith.addi %add3A_479, %add3A_551 : i32
          %dma_start3A_553 = arith.constant 0 : i32
          %dma_start3A_554 = tpu.memref_slice %arg6[%add3A_552, %dma_start3A_553] : memref<88x128xi32, #tpu.memory_space<vmem>> -> memref<1x128xi32, #tpu.memory_space<vmem>>
          %dma_start3A_555 = tpu.memref_squeeze %dma_start3A_554 : memref<1x128xi32, #tpu.memory_space<vmem>> -> memref<128xi32, #tpu.memory_space<vmem>>
          %dma_start3A_556 = arith.constant 0 : i32
          %dma_start3A_557 = arith.constant 0 : i32
          %dma_start3A_558 = tpu.memref_slice %arg4[%dma_start3A_556, %dma_start3A_557] : memref<10000x16xf32, #tpu.memory_space<hbm>> -> memref<10000x16xf32, #tpu.memory_space<hbm>>
          tpu.enqueue_indirect_dma source(%dma_start3A_558 : memref<10000x16xf32, #tpu.memory_space<hbm>>) target(%arg9 : memref<128x16xf32, #tpu.memory_space<vmem>>) offsets(%dma_start3A_555 : memref<128xi32, #tpu.memory_space<vmem>>) semaphore(%arg14 : memref<!tpu.dma_semaphore, #tpu.memory_space<semaphore_mem>>)
        } else {
        }
        %mul3A_499 = arith.constant 4 : i32
        %mul3A_500 = arith.muli %mul3A_499, %scan3A_453 : i32
        %add3A_501 = arith.constant 2 : i32
        %add3A_502 = arith.addi %mul3A_500, %add3A_501 : i32
        %dma_wait3A_503 = arith.constant 0 : i32
        %dma_wait3A_504 = tpu.memref_slice %arg6[%add3A_502, %dma_wait3A_503] : memref<88x128xi32, #tpu.memory_space<vmem>> -> memref<1x128xi32, #tpu.memory_space<vmem>>
        %dma_wait3A_505 = tpu.memref_squeeze %dma_wait3A_504 : memref<1x128xi32, #tpu.memory_space<vmem>> -> memref<128xi32, #tpu.memory_space<vmem>>
        %dma_wait3A_506 = arith.constant 0 : i32
        %dma_wait3A_507 = arith.constant 0 : i32
        %dma_wait3A_508 = tpu.memref_slice %arg4[%dma_wait3A_506, %dma_wait3A_507] : memref<10000x16xf32, #tpu.memory_space<hbm>> -> memref<10000x16xf32, #tpu.memory_space<hbm>>
        tpu.wait_indirect_dma semaphore(%arg15 : memref<!tpu.dma_semaphore, #tpu.memory_space<semaphore_mem>>) src(%dma_wait3A_508 : memref<10000x16xf32, #tpu.memory_space<hbm>>) dst(%arg10 : memref<128x16xf32, #tpu.memory_space<vmem>>)
        %dma_start3A_509 = arith.constant 0 : i32
        %dma_start3A_510 = tpu.memref_slice %arg7[%add3A_502, %dma_start3A_509] : memref<88x128xi32, #tpu.memory_space<vmem>> -> memref<1x128xi32, #tpu.memory_space<vmem>>
        %dma_start3A_511 = tpu.memref_squeeze %dma_start3A_510 : memref<1x128xi32, #tpu.memory_space<vmem>> -> memref<128xi32, #tpu.memory_space<vmem>>
        %dma_start3A_512 = arith.constant 0 : i32
        %dma_start3A_513 = arith.constant 0 : i32
        %dma_start3A_514 = tpu.memref_slice %arg12[%dma_start3A_512, %dma_start3A_513] : memref<10240x16xf32, #tpu.memory_space<vmem_shared>> -> memref<10240x16xf32, #tpu.memory_space<vmem_shared>>
        tpu.enqueue_indirect_dma source(%arg10 : memref<128x16xf32, #tpu.memory_space<vmem>>) target(%dma_start3A_514 : memref<10240x16xf32, #tpu.memory_space<vmem_shared>>) offsets(%dma_start3A_511 : memref<128xi32, #tpu.memory_space<vmem>>) semaphore(%arg19 : memref<!tpu.dma_semaphore, #tpu.memory_space<semaphore_mem>>) {add = true}
        %add3A_515 = arith.constant 4 : i32
        %add3A_516 = arith.addi %add3A_502, %add3A_515 : i32
        %lt3A_517 = arith.constant 72 : i32
        %lt3A_518 = arith.cmpi slt, %add3A_516, %lt3A_517 : i32
        %convert_element_type3A_519 = arith.extui %lt3A_518 : i1 to i32
        %cond3A_520 = arith.constant 0 : i32
        %cond3A_521 = arith.cmpi ne, %convert_element_type3A_519, %cond3A_520 : i32
        scf.if %cond3A_521 {
          %dma_wait3A_545 = arith.constant 0 : i32
          %dma_wait3A_546 = tpu.memref_slice %arg7[%add3A_502, %dma_wait3A_545] : memref<88x128xi32, #tpu.memory_space<vmem>> -> memref<1x128xi32, #tpu.memory_space<vmem>>
          %dma_wait3A_547 = tpu.memref_squeeze %dma_wait3A_546 : memref<1x128xi32, #tpu.memory_space<vmem>> -> memref<128xi32, #tpu.memory_space<vmem>>
          %dma_wait3A_548 = arith.constant 0 : i32
          %dma_wait3A_549 = arith.constant 0 : i32
          %dma_wait3A_550 = tpu.memref_slice %arg12[%dma_wait3A_548, %dma_wait3A_549] : memref<10240x16xf32, #tpu.memory_space<vmem_shared>> -> memref<10240x16xf32, #tpu.memory_space<vmem_shared>>
          tpu.wait_indirect_dma semaphore(%arg19 : memref<!tpu.dma_semaphore, #tpu.memory_space<semaphore_mem>>) src(%arg10 : memref<128x16xf32, #tpu.memory_space<vmem>>) dst(%dma_wait3A_550 : memref<10240x16xf32, #tpu.memory_space<vmem_shared>>)
          %add3A_551 = arith.constant 4 : i32
          %add3A_552 = arith.addi %add3A_502, %add3A_551 : i32
          %dma_start3A_553 = arith.constant 0 : i32
          %dma_start3A_554 = tpu.memref_slice %arg6[%add3A_552, %dma_start3A_553] : memref<88x128xi32, #tpu.memory_space<vmem>> -> memref<1x128xi32, #tpu.memory_space<vmem>>
          %dma_start3A_555 = tpu.memref_squeeze %dma_start3A_554 : memref<1x128xi32, #tpu.memory_space<vmem>> -> memref<128xi32, #tpu.memory_space<vmem>>
          %dma_start3A_556 = arith.constant 0 : i32
          %dma_start3A_557 = arith.constant 0 : i32
          %dma_start3A_558 = tpu.memref_slice %arg4[%dma_start3A_556, %dma_start3A_557] : memref<10000x16xf32, #tpu.memory_space<hbm>> -> memref<10000x16xf32, #tpu.memory_space<hbm>>
          tpu.enqueue_indirect_dma source(%dma_start3A_558 : memref<10000x16xf32, #tpu.memory_space<hbm>>) target(%arg10 : memref<128x16xf32, #tpu.memory_space<vmem>>) offsets(%dma_start3A_555 : memref<128xi32, #tpu.memory_space<vmem>>) semaphore(%arg15 : memref<!tpu.dma_semaphore, #tpu.memory_space<semaphore_mem>>)
        } else {
        }
        %mul3A_522 = arith.constant 4 : i32
        %mul3A_523 = arith.muli %mul3A_522, %scan3A_453 : i32
        %add3A_524 = arith.constant 3 : i32
        %add3A_525 = arith.addi %mul3A_523, %add3A_524 : i32
        %dma_wait3A_526 = arith.constant 0 : i32
        %dma_wait3A_527 = tpu.memref_slice %arg6[%add3A_525, %dma_wait3A_526] : memref<88x128xi32, #tpu.memory_space<vmem>> -> memref<1x128xi32, #tpu.memory_space<vmem>>
        %dma_wait3A_528 = tpu.memref_squeeze %dma_wait3A_527 : memref<1x128xi32, #tpu.memory_space<vmem>> -> memref<128xi32, #tpu.memory_space<vmem>>
        %dma_wait3A_529 = arith.constant 0 : i32
        %dma_wait3A_530 = arith.constant 0 : i32
        %dma_wait3A_531 = tpu.memref_slice %arg4[%dma_wait3A_529, %dma_wait3A_530] : memref<10000x16xf32, #tpu.memory_space<hbm>> -> memref<10000x16xf32, #tpu.memory_space<hbm>>
        tpu.wait_indirect_dma semaphore(%arg16 : memref<!tpu.dma_semaphore, #tpu.memory_space<semaphore_mem>>) src(%dma_wait3A_531 : memref<10000x16xf32, #tpu.memory_space<hbm>>) dst(%arg11 : memref<128x16xf32, #tpu.memory_space<vmem>>)
        %dma_start3A_532 = arith.constant 0 : i32
        %dma_start3A_533 = tpu.memref_slice %arg7[%add3A_525, %dma_start3A_532] : memref<88x128xi32, #tpu.memory_space<vmem>> -> memref<1x128xi32, #tpu.memory_space<vmem>>
        %dma_start3A_534 = tpu.memref_squeeze %dma_start3A_533 : memref<1x128xi32, #tpu.memory_space<vmem>> -> memref<128xi32, #tpu.memory_space<vmem>>
        %dma_start3A_535 = arith.constant 0 : i32
        %dma_start3A_536 = arith.constant 0 : i32
        %dma_start3A_537 = tpu.memref_slice %arg12[%dma_start3A_535, %dma_start3A_536] : memref<10240x16xf32, #tpu.memory_space<vmem_shared>> -> memref<10240x16xf32, #tpu.memory_space<vmem_shared>>
        tpu.enqueue_indirect_dma source(%arg11 : memref<128x16xf32, #tpu.memory_space<vmem>>) target(%dma_start3A_537 : memref<10240x16xf32, #tpu.memory_space<vmem_shared>>) offsets(%dma_start3A_534 : memref<128xi32, #tpu.memory_space<vmem>>) semaphore(%arg20 : memref<!tpu.dma_semaphore, #tpu.memory_space<semaphore_mem>>) {add = true}
        %add3A_538 = arith.constant 4 : i32
        %add3A_539 = arith.addi %add3A_525, %add3A_538 : i32
        %lt3A_540 = arith.constant 72 : i32
        %lt3A_541 = arith.cmpi slt, %add3A_539, %lt3A_540 : i32
        %convert_element_type3A_542 = arith.extui %lt3A_541 : i1 to i32
        %cond3A_543 = arith.constant 0 : i32
        %cond3A_544 = arith.cmpi ne, %convert_element_type3A_542, %cond3A_543 : i32
        scf.if %cond3A_544 {
          %dma_wait3A_545 = arith.constant 0 : i32
          %dma_wait3A_546 = tpu.memref_slice %arg7[%add3A_525, %dma_wait3A_545] : memref<88x128xi32, #tpu.memory_space<vmem>> -> memref<1x128xi32, #tpu.memory_space<vmem>>
          %dma_wait3A_547 = tpu.memref_squeeze %dma_wait3A_546 : memref<1x128xi32, #tpu.memory_space<vmem>> -> memref<128xi32, #tpu.memory_space<vmem>>
          %dma_wait3A_548 = arith.constant 0 : i32
          %dma_wait3A_549 = arith.constant 0 : i32
          %dma_wait3A_550 = tpu.memref_slice %arg12[%dma_wait3A_548, %dma_wait3A_549] : memref<10240x16xf32, #tpu.memory_space<vmem_shared>> -> memref<10240x16xf32, #tpu.memory_space<vmem_shared>>
          tpu.wait_indirect_dma semaphore(%arg20 : memref<!tpu.dma_semaphore, #tpu.memory_space<semaphore_mem>>) src(%arg11 : memref<128x16xf32, #tpu.memory_space<vmem>>) dst(%dma_wait3A_550 : memref<10240x16xf32, #tpu.memory_space<vmem_shared>>)
          %add3A_551 = arith.constant 4 : i32
          %add3A_552 = arith.addi %add3A_525, %add3A_551 : i32
          %dma_start3A_553 = arith.constant 0 : i32
          %dma_start3A_554 = tpu.memref_slice %arg6[%add3A_552, %dma_start3A_553] : memref<88x128xi32, #tpu.memory_space<vmem>> -> memref<1x128xi32, #tpu.memory_space<vmem>>
          %dma_start3A_555 = tpu.memref_squeeze %dma_start3A_554 : memref<1x128xi32, #tpu.memory_space<vmem>> -> memref<128xi32, #tpu.memory_space<vmem>>
          %dma_start3A_556 = arith.constant 0 : i32
          %dma_start3A_557 = arith.constant 0 : i32
          %dma_start3A_558 = tpu.memref_slice %arg4[%dma_start3A_556, %dma_start3A_557] : memref<10000x16xf32, #tpu.memory_space<hbm>> -> memref<10000x16xf32, #tpu.memory_space<hbm>>
          tpu.enqueue_indirect_dma source(%dma_start3A_558 : memref<10000x16xf32, #tpu.memory_space<hbm>>) target(%arg11 : memref<128x16xf32, #tpu.memory_space<vmem>>) offsets(%dma_start3A_555 : memref<128xi32, #tpu.memory_space<vmem>>) semaphore(%arg16 : memref<!tpu.dma_semaphore, #tpu.memory_space<semaphore_mem>>)
        } else {
        }
      }
      %scan3A_424 = arith.constant 18 : i32
      %dma_wait3A_425 = arith.constant 68 : i32
      %dma_wait3A_426 = arith.constant 0 : i32
      %dma_wait3A_427 = tpu.memref_slice %arg7[%dma_wait3A_425, %dma_wait3A_426] : memref<88x128xi32, #tpu.memory_space<vmem>> -> memref<1x128xi32, #tpu.memory_space<vmem>>
      %dma_wait3A_428 = tpu.memref_squeeze %dma_wait3A_427 : memref<1x128xi32, #tpu.memory_space<vmem>> -> memref<128xi32, #tpu.memory_space<vmem>>
      %dma_wait3A_429 = arith.constant 0 : i32
      %dma_wait3A_430 = arith.constant 0 : i32
      %dma_wait3A_431 = tpu.memref_slice %arg12[%dma_wait3A_429, %dma_wait3A_430] : memref<10240x16xf32, #tpu.memory_space<vmem_shared>> -> memref<10240x16xf32, #tpu.memory_space<vmem_shared>>
      tpu.wait_indirect_dma semaphore(%arg17 : memref<!tpu.dma_semaphore, #tpu.memory_space<semaphore_mem>>) src(%arg8 : memref<128x16xf32, #tpu.memory_space<vmem>>) dst(%dma_wait3A_431 : memref<10240x16xf32, #tpu.memory_space<vmem_shared>>)
      %dma_wait3A_432 = arith.constant 69 : i32
      %dma_wait3A_433 = arith.constant 0 : i32
      %dma_wait3A_434 = tpu.memref_slice %arg7[%dma_wait3A_432, %dma_wait3A_433] : memref<88x128xi32, #tpu.memory_space<vmem>> -> memref<1x128xi32, #tpu.memory_space<vmem>>
      %dma_wait3A_435 = tpu.memref_squeeze %dma_wait3A_434 : memref<1x128xi32, #tpu.memory_space<vmem>> -> memref<128xi32, #tpu.memory_space<vmem>>
      %dma_wait3A_436 = arith.constant 0 : i32
      %dma_wait3A_437 = arith.constant 0 : i32
      %dma_wait3A_438 = tpu.memref_slice %arg12[%dma_wait3A_436, %dma_wait3A_437] : memref<10240x16xf32, #tpu.memory_space<vmem_shared>> -> memref<10240x16xf32, #tpu.memory_space<vmem_shared>>
      tpu.wait_indirect_dma semaphore(%arg18 : memref<!tpu.dma_semaphore, #tpu.memory_space<semaphore_mem>>) src(%arg9 : memref<128x16xf32, #tpu.memory_space<vmem>>) dst(%dma_wait3A_438 : memref<10240x16xf32, #tpu.memory_space<vmem_shared>>)
      %dma_wait3A_439 = arith.constant 70 : i32
      %dma_wait3A_440 = arith.constant 0 : i32
      %dma_wait3A_441 = tpu.memref_slice %arg7[%dma_wait3A_439, %dma_wait3A_440] : memref<88x128xi32, #tpu.memory_space<vmem>> -> memref<1x128xi32, #tpu.memory_space<vmem>>
      %dma_wait3A_442 = tpu.memref_squeeze %dma_wait3A_441 : memref<1x128xi32, #tpu.memory_space<vmem>> -> memref<128xi32, #tpu.memory_space<vmem>>
      %dma_wait3A_443 = arith.constant 0 : i32
      %dma_wait3A_444 = arith.constant 0 : i32
      %dma_wait3A_445 = tpu.memref_slice %arg12[%dma_wait3A_443, %dma_wait3A_444] : memref<10240x16xf32, #tpu.memory_space<vmem_shared>> -> memref<10240x16xf32, #tpu.memory_space<vmem_shared>>
      tpu.wait_indirect_dma semaphore(%arg19 : memref<!tpu.dma_semaphore, #tpu.memory_space<semaphore_mem>>) src(%arg10 : memref<128x16xf32, #tpu.memory_space<vmem>>) dst(%dma_wait3A_445 : memref<10240x16xf32, #tpu.memory_space<vmem_shared>>)
      %dma_wait3A_446 = arith.constant 71 : i32
      %dma_wait3A_447 = arith.constant 0 : i32
      %dma_wait3A_448 = tpu.memref_slice %arg7[%dma_wait3A_446, %dma_wait3A_447] : memref<88x128xi32, #tpu.memory_space<vmem>> -> memref<1x128xi32, #tpu.memory_space<vmem>>
      %dma_wait3A_449 = tpu.memref_squeeze %dma_wait3A_448 : memref<1x128xi32, #tpu.memory_space<vmem>> -> memref<128xi32, #tpu.memory_space<vmem>>
      %dma_wait3A_450 = arith.constant 0 : i32
      %dma_wait3A_451 = arith.constant 0 : i32
      %dma_wait3A_452 = tpu.memref_slice %arg12[%dma_wait3A_450, %dma_wait3A_451] : memref<10240x16xf32, #tpu.memory_space<vmem_shared>> -> memref<10240x16xf32, #tpu.memory_space<vmem_shared>>
      tpu.wait_indirect_dma semaphore(%arg20 : memref<!tpu.dma_semaphore, #tpu.memory_space<semaphore_mem>>) src(%arg11 : memref<128x16xf32, #tpu.memory_space<vmem>>) dst(%dma_wait3A_452 : memref<10240x16xf32, #tpu.memory_space<vmem_shared>>)
    } else {
    }
    %barrier3A = arith.constant 0 : index
    tpu.barrier barrier_id(%barrier3A)
    %mul3A_78 = arith.constant 640 : i32
    %mul3A_79 = arith.muli %arg1, %mul3A_78 : i32
    %add3A_80 = arith.constant 0 : i32
    %add3A_81 = arith.addi %mul3A_79, %add3A_80 : i32
    %dma_start3A_82 = arith.constant 0 : i32
    %dma_start3A_83 = arith.constant 0 : i32
    %dma_start3A_84 = tpu.memref_slice %arg8[%dma_start3A_82, %dma_start3A_83] : memref<128x16xf32, #tpu.memory_space<vmem>> -> memref<128x16xf32, #tpu.memory_space<vmem>>
    %dma_start3A_85 = arith.constant 0 : i32
    %dma_start3A_86 = tpu.memref_slice %arg12[%add3A_81, %dma_start3A_85] : memref<10240x16xf32, #tpu.memory_space<vmem_shared>> -> memref<128x16xf32, #tpu.memory_space<vmem_shared>>
    %dma_start3A_87 = arith.constant 0 : i32
    %dma_start3A_88 = arith.constant 0 : i32
    %dma_start3A_89 = tpu.memref_slice %arg8[%dma_start3A_87, %dma_start3A_88] : memref<128x16xf32, #tpu.memory_space<vmem>> -> memref<128x16xf32, #tpu.memory_space<vmem>>
    %dma_start3A_90 = arith.constant 0 : i32
    %dma_start3A_91 = tpu.memref_slice %arg12[%add3A_81, %dma_start3A_90] : memref<10240x16xf32, #tpu.memory_space<vmem_shared>> -> memref<128x16xf32, #tpu.memory_space<vmem_shared>>
    tpu.enqueue_dma source(%dma_start3A_91 : memref<128x16xf32, #tpu.memory_space<vmem_shared>>) target(%dma_start3A_89 : memref<128x16xf32, #tpu.memory_space<vmem>>) target_semaphore(%arg13 : memref<!tpu.dma_semaphore, #tpu.memory_space<semaphore_mem>>)
    %mul3A_92 = arith.constant 640 : i32
    %mul3A_93 = arith.muli %arg1, %mul3A_92 : i32
    %add3A_94 = arith.constant 128 : i32
    %add3A_95 = arith.addi %mul3A_93, %add3A_94 : i32
    %dma_start3A_96 = arith.constant 0 : i32
    %dma_start3A_97 = arith.constant 0 : i32
    %dma_start3A_98 = tpu.memref_slice %arg9[%dma_start3A_96, %dma_start3A_97] : memref<128x16xf32, #tpu.memory_space<vmem>> -> memref<128x16xf32, #tpu.memory_space<vmem>>
    %dma_start3A_99 = arith.constant 0 : i32
    %dma_start3A_100 = tpu.memref_slice %arg12[%add3A_95, %dma_start3A_99] : memref<10240x16xf32, #tpu.memory_space<vmem_shared>> -> memref<128x16xf32, #tpu.memory_space<vmem_shared>>
    %dma_start3A_101 = arith.constant 0 : i32
    %dma_start3A_102 = arith.constant 0 : i32
    %dma_start3A_103 = tpu.memref_slice %arg9[%dma_start3A_101, %dma_start3A_102] : memref<128x16xf32, #tpu.memory_space<vmem>> -> memref<128x16xf32, #tpu.memory_space<vmem>>
    %dma_start3A_104 = arith.constant 0 : i32
    %dma_start3A_105 = tpu.memref_slice %arg12[%add3A_95, %dma_start3A_104] : memref<10240x16xf32, #tpu.memory_space<vmem_shared>> -> memref<128x16xf32, #tpu.memory_space<vmem_shared>>
    tpu.enqueue_dma source(%dma_start3A_105 : memref<128x16xf32, #tpu.memory_space<vmem_shared>>) target(%dma_start3A_103 : memref<128x16xf32, #tpu.memory_space<vmem>>) target_semaphore(%arg14 : memref<!tpu.dma_semaphore, #tpu.memory_space<semaphore_mem>>)
    %mul3A_106 = arith.constant 640 : i32
    %mul3A_107 = arith.muli %arg1, %mul3A_106 : i32
    %add3A_108 = arith.constant 256 : i32
    %add3A_109 = arith.addi %mul3A_107, %add3A_108 : i32
    %dma_start3A_110 = arith.constant 0 : i32
    %dma_start3A_111 = arith.constant 0 : i32
    %dma_start3A_112 = tpu.memref_slice %arg10[%dma_start3A_110, %dma_start3A_111] : memref<128x16xf32, #tpu.memory_space<vmem>> -> memref<128x16xf32, #tpu.memory_space<vmem>>
    %dma_start3A_113 = arith.constant 0 : i32
    %dma_start3A_114 = tpu.memref_slice %arg12[%add3A_109, %dma_start3A_113] : memref<10240x16xf32, #tpu.memory_space<vmem_shared>> -> memref<128x16xf32, #tpu.memory_space<vmem_shared>>
    %dma_start3A_115 = arith.constant 0 : i32
    %dma_start3A_116 = arith.constant 0 : i32
    %dma_start3A_117 = tpu.memref_slice %arg10[%dma_start3A_115, %dma_start3A_116] : memref<128x16xf32, #tpu.memory_space<vmem>> -> memref<128x16xf32, #tpu.memory_space<vmem>>
    %dma_start3A_118 = arith.constant 0 : i32
    %dma_start3A_119 = tpu.memref_slice %arg12[%add3A_109, %dma_start3A_118] : memref<10240x16xf32, #tpu.memory_space<vmem_shared>> -> memref<128x16xf32, #tpu.memory_space<vmem_shared>>
    tpu.enqueue_dma source(%dma_start3A_119 : memref<128x16xf32, #tpu.memory_space<vmem_shared>>) target(%dma_start3A_117 : memref<128x16xf32, #tpu.memory_space<vmem>>) target_semaphore(%arg15 : memref<!tpu.dma_semaphore, #tpu.memory_space<semaphore_mem>>)
    %mul3A_120 = arith.constant 640 : i32
    %mul3A_121 = arith.muli %arg1, %mul3A_120 : i32
    %add3A_122 = arith.constant 384 : i32
    %add3A_123 = arith.addi %mul3A_121, %add3A_122 : i32
    %dma_start3A_124 = arith.constant 0 : i32
    %dma_start3A_125 = arith.constant 0 : i32
    %dma_start3A_126 = tpu.memref_slice %arg11[%dma_start3A_124, %dma_start3A_125] : memref<128x16xf32, #tpu.memory_space<vmem>> -> memref<128x16xf32, #tpu.memory_space<vmem>>
    %dma_start3A_127 = arith.constant 0 : i32
    %dma_start3A_128 = tpu.memref_slice %arg12[%add3A_123, %dma_start3A_127] : memref<10240x16xf32, #tpu.memory_space<vmem_shared>> -> memref<128x16xf32, #tpu.memory_space<vmem_shared>>
    %dma_start3A_129 = arith.constant 0 : i32
    %dma_start3A_130 = arith.constant 0 : i32
    %dma_start3A_131 = tpu.memref_slice %arg11[%dma_start3A_129, %dma_start3A_130] : memref<128x16xf32, #tpu.memory_space<vmem>> -> memref<128x16xf32, #tpu.memory_space<vmem>>
    %dma_start3A_132 = arith.constant 0 : i32
    %dma_start3A_133 = tpu.memref_slice %arg12[%add3A_123, %dma_start3A_132] : memref<10240x16xf32, #tpu.memory_space<vmem_shared>> -> memref<128x16xf32, #tpu.memory_space<vmem_shared>>
    tpu.enqueue_dma source(%dma_start3A_133 : memref<128x16xf32, #tpu.memory_space<vmem_shared>>) target(%dma_start3A_131 : memref<128x16xf32, #tpu.memory_space<vmem>>) target_semaphore(%arg16 : memref<!tpu.dma_semaphore, #tpu.memory_space<semaphore_mem>>)
    %dma_wait3A = arith.constant 0 : i32
    %dma_wait3A_134 = arith.constant 0 : i32
    %dma_wait3A_135 = tpu.memref_slice %arg8[%dma_wait3A, %dma_wait3A_134] : memref<128x16xf32, #tpu.memory_space<vmem>> -> memref<128x16xf32, #tpu.memory_space<vmem>>
    %dma_wait3A_136 = arith.constant 0 : i32
    %dma_wait3A_137 = tpu.memref_slice %arg12[%add3A_81, %dma_wait3A_136] : memref<10240x16xf32, #tpu.memory_space<vmem_shared>> -> memref<128x16xf32, #tpu.memory_space<vmem_shared>>
    %dma_wait3A_138 = arith.constant 0 : i32
    %dma_wait3A_139 = arith.constant 0 : i32
    %dma_wait3A_140 = tpu.memref_slice %arg8[%dma_wait3A_138, %dma_wait3A_139] : memref<128x16xf32, #tpu.memory_space<vmem>> -> memref<128x16xf32, #tpu.memory_space<vmem>>
    %dma_wait3A_141 = arith.constant 0 : i32
    %dma_wait3A_142 = tpu.memref_slice %arg12[%add3A_81, %dma_wait3A_141] : memref<10240x16xf32, #tpu.memory_space<vmem_shared>> -> memref<128x16xf32, #tpu.memory_space<vmem_shared>>
    tpu.wait_dma2 semaphore(%arg13 : memref<!tpu.dma_semaphore, #tpu.memory_space<semaphore_mem>>) src(%dma_wait3A_142 : memref<128x16xf32, #tpu.memory_space<vmem_shared>>) dst(%dma_wait3A_140 : memref<128x16xf32, #tpu.memory_space<vmem>>)
    %mul3A_143 = arith.constant 640 : i32
    %mul3A_144 = arith.muli %arg1, %mul3A_143 : i32
    %add3A_145 = arith.constant 0 : i32
    %add3A_146 = arith.addi %mul3A_144, %add3A_145 : i32
    %dma_start3A_147 = arith.constant 0 : i32
    %dma_start3A_148 = arith.constant 0 : i32
    %dma_start3A_149 = tpu.memref_slice %arg8[%dma_start3A_147, %dma_start3A_148] : memref<128x16xf32, #tpu.memory_space<vmem>> -> memref<128x16xf32, #tpu.memory_space<vmem>>
    %dma_start3A_150 = arith.constant 0 : i32
    %dma_start3A_151 = tpu.memref_slice %arg5[%arg0, %add3A_146, %dma_start3A_150] : memref<2x10240x16xf32, #tpu.memory_space<hbm>> -> memref<1x128x16xf32, #tpu.memory_space<hbm>>
    %dma_start3A_152 = tpu.memref_squeeze %dma_start3A_151 : memref<1x128x16xf32, #tpu.memory_space<hbm>> -> memref<128x16xf32, #tpu.memory_space<hbm>>
    %dma_start3A_153 = arith.constant 0 : i32
    %dma_start3A_154 = tpu.memref_slice %arg5[%arg0, %add3A_146, %dma_start3A_153] : memref<2x10240x16xf32, #tpu.memory_space<hbm>> -> memref<1x128x16xf32, #tpu.memory_space<hbm>>
    %dma_start3A_155 = tpu.memref_squeeze %dma_start3A_154 : memref<1x128x16xf32, #tpu.memory_space<hbm>> -> memref<128x16xf32, #tpu.memory_space<hbm>>
    %dma_start3A_156 = arith.constant 0 : i32
    %dma_start3A_157 = arith.constant 0 : i32
    %dma_start3A_158 = tpu.memref_slice %arg8[%dma_start3A_156, %dma_start3A_157] : memref<128x16xf32, #tpu.memory_space<vmem>> -> memref<128x16xf32, #tpu.memory_space<vmem>>
    tpu.enqueue_dma source(%dma_start3A_158 : memref<128x16xf32, #tpu.memory_space<vmem>>) target(%dma_start3A_155 : memref<128x16xf32, #tpu.memory_space<hbm>>) target_semaphore(%arg17 : memref<!tpu.dma_semaphore, #tpu.memory_space<semaphore_mem>>)
    %dma_wait3A_159 = arith.constant 0 : i32
    %dma_wait3A_160 = arith.constant 0 : i32
    %dma_wait3A_161 = tpu.memref_slice %arg9[%dma_wait3A_159, %dma_wait3A_160] : memref<128x16xf32, #tpu.memory_space<vmem>> -> memref<128x16xf32, #tpu.memory_space<vmem>>
    %dma_wait3A_162 = arith.constant 0 : i32
    %dma_wait3A_163 = tpu.memref_slice %arg12[%add3A_95, %dma_wait3A_162] : memref<10240x16xf32, #tpu.memory_space<vmem_shared>> -> memref<128x16xf32, #tpu.memory_space<vmem_shared>>
    %dma_wait3A_164 = arith.constant 0 : i32
    %dma_wait3A_165 = arith.constant 0 : i32
    %dma_wait3A_166 = tpu.memref_slice %arg9[%dma_wait3A_164, %dma_wait3A_165] : memref<128x16xf32, #tpu.memory_space<vmem>> -> memref<128x16xf32, #tpu.memory_space<vmem>>
    %dma_wait3A_167 = arith.constant 0 : i32
    %dma_wait3A_168 = tpu.memref_slice %arg12[%add3A_95, %dma_wait3A_167] : memref<10240x16xf32, #tpu.memory_space<vmem_shared>> -> memref<128x16xf32, #tpu.memory_space<vmem_shared>>
    tpu.wait_dma2 semaphore(%arg14 : memref<!tpu.dma_semaphore, #tpu.memory_space<semaphore_mem>>) src(%dma_wait3A_168 : memref<128x16xf32, #tpu.memory_space<vmem_shared>>) dst(%dma_wait3A_166 : memref<128x16xf32, #tpu.memory_space<vmem>>)
    %mul3A_169 = arith.constant 640 : i32
    %mul3A_170 = arith.muli %arg1, %mul3A_169 : i32
    %add3A_171 = arith.constant 128 : i32
    %add3A_172 = arith.addi %mul3A_170, %add3A_171 : i32
    %dma_start3A_173 = arith.constant 0 : i32
    %dma_start3A_174 = arith.constant 0 : i32
    %dma_start3A_175 = tpu.memref_slice %arg9[%dma_start3A_173, %dma_start3A_174] : memref<128x16xf32, #tpu.memory_space<vmem>> -> memref<128x16xf32, #tpu.memory_space<vmem>>
    %dma_start3A_176 = arith.constant 0 : i32
    %dma_start3A_177 = tpu.memref_slice %arg5[%arg0, %add3A_172, %dma_start3A_176] : memref<2x10240x16xf32, #tpu.memory_space<hbm>> -> memref<1x128x16xf32, #tpu.memory_space<hbm>>
    %dma_start3A_178 = tpu.memref_squeeze %dma_start3A_177 : memref<1x128x16xf32, #tpu.memory_space<hbm>> -> memref<128x16xf32, #tpu.memory_space<hbm>>
    %dma_start3A_179 = arith.constant 0 : i32
    %dma_start3A_180 = tpu.memref_slice %arg5[%arg0, %add3A_172, %dma_start3A_179] : memref<2x10240x16xf32, #tpu.memory_space<hbm>> -> memref<1x128x16xf32, #tpu.memory_space<hbm>>
    %dma_start3A_181 = tpu.memref_squeeze %dma_start3A_180 : memref<1x128x16xf32, #tpu.memory_space<hbm>> -> memref<128x16xf32, #tpu.memory_space<hbm>>
    %dma_start3A_182 = arith.constant 0 : i32
    %dma_start3A_183 = arith.constant 0 : i32
    %dma_start3A_184 = tpu.memref_slice %arg9[%dma_start3A_182, %dma_start3A_183] : memref<128x16xf32, #tpu.memory_space<vmem>> -> memref<128x16xf32, #tpu.memory_space<vmem>>
    tpu.enqueue_dma source(%dma_start3A_184 : memref<128x16xf32, #tpu.memory_space<vmem>>) target(%dma_start3A_181 : memref<128x16xf32, #tpu.memory_space<hbm>>) target_semaphore(%arg18 : memref<!tpu.dma_semaphore, #tpu.memory_space<semaphore_mem>>)
    %dma_wait3A_185 = arith.constant 0 : i32
    %dma_wait3A_186 = arith.constant 0 : i32
    %dma_wait3A_187 = tpu.memref_slice %arg10[%dma_wait3A_185, %dma_wait3A_186] : memref<128x16xf32, #tpu.memory_space<vmem>> -> memref<128x16xf32, #tpu.memory_space<vmem>>
    %dma_wait3A_188 = arith.constant 0 : i32
    %dma_wait3A_189 = tpu.memref_slice %arg12[%add3A_109, %dma_wait3A_188] : memref<10240x16xf32, #tpu.memory_space<vmem_shared>> -> memref<128x16xf32, #tpu.memory_space<vmem_shared>>
    %dma_wait3A_190 = arith.constant 0 : i32
    %dma_wait3A_191 = arith.constant 0 : i32
    %dma_wait3A_192 = tpu.memref_slice %arg10[%dma_wait3A_190, %dma_wait3A_191] : memref<128x16xf32, #tpu.memory_space<vmem>> -> memref<128x16xf32, #tpu.memory_space<vmem>>
    %dma_wait3A_193 = arith.constant 0 : i32
    %dma_wait3A_194 = tpu.memref_slice %arg12[%add3A_109, %dma_wait3A_193] : memref<10240x16xf32, #tpu.memory_space<vmem_shared>> -> memref<128x16xf32, #tpu.memory_space<vmem_shared>>
    tpu.wait_dma2 semaphore(%arg15 : memref<!tpu.dma_semaphore, #tpu.memory_space<semaphore_mem>>) src(%dma_wait3A_194 : memref<128x16xf32, #tpu.memory_space<vmem_shared>>) dst(%dma_wait3A_192 : memref<128x16xf32, #tpu.memory_space<vmem>>)
    %mul3A_195 = arith.constant 640 : i32
    %mul3A_196 = arith.muli %arg1, %mul3A_195 : i32
    %add3A_197 = arith.constant 256 : i32
    %add3A_198 = arith.addi %mul3A_196, %add3A_197 : i32
    %dma_start3A_199 = arith.constant 0 : i32
    %dma_start3A_200 = arith.constant 0 : i32
    %dma_start3A_201 = tpu.memref_slice %arg10[%dma_start3A_199, %dma_start3A_200] : memref<128x16xf32, #tpu.memory_space<vmem>> -> memref<128x16xf32, #tpu.memory_space<vmem>>
    %dma_start3A_202 = arith.constant 0 : i32
    %dma_start3A_203 = tpu.memref_slice %arg5[%arg0, %add3A_198, %dma_start3A_202] : memref<2x10240x16xf32, #tpu.memory_space<hbm>> -> memref<1x128x16xf32, #tpu.memory_space<hbm>>
    %dma_start3A_204 = tpu.memref_squeeze %dma_start3A_203 : memref<1x128x16xf32, #tpu.memory_space<hbm>> -> memref<128x16xf32, #tpu.memory_space<hbm>>
    %dma_start3A_205 = arith.constant 0 : i32
    %dma_start3A_206 = tpu.memref_slice %arg5[%arg0, %add3A_198, %dma_start3A_205] : memref<2x10240x16xf32, #tpu.memory_space<hbm>> -> memref<1x128x16xf32, #tpu.memory_space<hbm>>
    %dma_start3A_207 = tpu.memref_squeeze %dma_start3A_206 : memref<1x128x16xf32, #tpu.memory_space<hbm>> -> memref<128x16xf32, #tpu.memory_space<hbm>>
    %dma_start3A_208 = arith.constant 0 : i32
    %dma_start3A_209 = arith.constant 0 : i32
    %dma_start3A_210 = tpu.memref_slice %arg10[%dma_start3A_208, %dma_start3A_209] : memref<128x16xf32, #tpu.memory_space<vmem>> -> memref<128x16xf32, #tpu.memory_space<vmem>>
    tpu.enqueue_dma source(%dma_start3A_210 : memref<128x16xf32, #tpu.memory_space<vmem>>) target(%dma_start3A_207 : memref<128x16xf32, #tpu.memory_space<hbm>>) target_semaphore(%arg19 : memref<!tpu.dma_semaphore, #tpu.memory_space<semaphore_mem>>)
    %dma_wait3A_211 = arith.constant 0 : i32
    %dma_wait3A_212 = arith.constant 0 : i32
    %dma_wait3A_213 = tpu.memref_slice %arg11[%dma_wait3A_211, %dma_wait3A_212] : memref<128x16xf32, #tpu.memory_space<vmem>> -> memref<128x16xf32, #tpu.memory_space<vmem>>
    %dma_wait3A_214 = arith.constant 0 : i32
    %dma_wait3A_215 = tpu.memref_slice %arg12[%add3A_123, %dma_wait3A_214] : memref<10240x16xf32, #tpu.memory_space<vmem_shared>> -> memref<128x16xf32, #tpu.memory_space<vmem_shared>>
    %dma_wait3A_216 = arith.constant 0 : i32
    %dma_wait3A_217 = arith.constant 0 : i32
    %dma_wait3A_218 = tpu.memref_slice %arg11[%dma_wait3A_216, %dma_wait3A_217] : memref<128x16xf32, #tpu.memory_space<vmem>> -> memref<128x16xf32, #tpu.memory_space<vmem>>
    %dma_wait3A_219 = arith.constant 0 : i32
    %dma_wait3A_220 = tpu.memref_slice %arg12[%add3A_123, %dma_wait3A_219] : memref<10240x16xf32, #tpu.memory_space<vmem_shared>> -> memref<128x16xf32, #tpu.memory_space<vmem_shared>>
    tpu.wait_dma2 semaphore(%arg16 : memref<!tpu.dma_semaphore, #tpu.memory_space<semaphore_mem>>) src(%dma_wait3A_220 : memref<128x16xf32, #tpu.memory_space<vmem_shared>>) dst(%dma_wait3A_218 : memref<128x16xf32, #tpu.memory_space<vmem>>)
    %mul3A_221 = arith.constant 640 : i32
    %mul3A_222 = arith.muli %arg1, %mul3A_221 : i32
    %add3A_223 = arith.constant 384 : i32
    %add3A_224 = arith.addi %mul3A_222, %add3A_223 : i32
    %dma_start3A_225 = arith.constant 0 : i32
    %dma_start3A_226 = arith.constant 0 : i32
    %dma_start3A_227 = tpu.memref_slice %arg11[%dma_start3A_225, %dma_start3A_226] : memref<128x16xf32, #tpu.memory_space<vmem>> -> memref<128x16xf32, #tpu.memory_space<vmem>>
    %dma_start3A_228 = arith.constant 0 : i32
    %dma_start3A_229 = tpu.memref_slice %arg5[%arg0, %add3A_224, %dma_start3A_228] : memref<2x10240x16xf32, #tpu.memory_space<hbm>> -> memref<1x128x16xf32, #tpu.memory_space<hbm>>
    %dma_start3A_230 = tpu.memref_squeeze %dma_start3A_229 : memref<1x128x16xf32, #tpu.memory_space<hbm>> -> memref<128x16xf32, #tpu.memory_space<hbm>>
    %dma_start3A_231 = arith.constant 0 : i32
    %dma_start3A_232 = tpu.memref_slice %arg5[%arg0, %add3A_224, %dma_start3A_231] : memref<2x10240x16xf32, #tpu.memory_space<hbm>> -> memref<1x128x16xf32, #tpu.memory_space<hbm>>
    %dma_start3A_233 = tpu.memref_squeeze %dma_start3A_232 : memref<1x128x16xf32, #tpu.memory_space<hbm>> -> memref<128x16xf32, #tpu.memory_space<hbm>>
    %dma_start3A_234 = arith.constant 0 : i32
    %dma_start3A_235 = arith.constant 0 : i32
    %dma_start3A_236 = tpu.memref_slice %arg11[%dma_start3A_234, %dma_start3A_235] : memref<128x16xf32, #tpu.memory_space<vmem>> -> memref<128x16xf32, #tpu.memory_space<vmem>>
    tpu.enqueue_dma source(%dma_start3A_236 : memref<128x16xf32, #tpu.memory_space<vmem>>) target(%dma_start3A_233 : memref<128x16xf32, #tpu.memory_space<hbm>>) target_semaphore(%arg20 : memref<!tpu.dma_semaphore, #tpu.memory_space<semaphore_mem>>)
    %dma_wait3A_237 = arith.constant 0 : i32
    %dma_wait3A_238 = arith.constant 0 : i32
    %dma_wait3A_239 = tpu.memref_slice %arg8[%dma_wait3A_237, %dma_wait3A_238] : memref<128x16xf32, #tpu.memory_space<vmem>> -> memref<128x16xf32, #tpu.memory_space<vmem>>
    %dma_wait3A_240 = arith.constant 0 : i32
    %dma_wait3A_241 = tpu.memref_slice %arg5[%arg0, %add3A_146, %dma_wait3A_240] : memref<2x10240x16xf32, #tpu.memory_space<hbm>> -> memref<1x128x16xf32, #tpu.memory_space<hbm>>
    %dma_wait3A_242 = tpu.memref_squeeze %dma_wait3A_241 : memref<1x128x16xf32, #tpu.memory_space<hbm>> -> memref<128x16xf32, #tpu.memory_space<hbm>>
    %dma_wait3A_243 = arith.constant 0 : i32
    %dma_wait3A_244 = tpu.memref_slice %arg5[%arg0, %add3A_146, %dma_wait3A_243] : memref<2x10240x16xf32, #tpu.memory_space<hbm>> -> memref<1x128x16xf32, #tpu.memory_space<hbm>>
    %dma_wait3A_245 = tpu.memref_squeeze %dma_wait3A_244 : memref<1x128x16xf32, #tpu.memory_space<hbm>> -> memref<128x16xf32, #tpu.memory_space<hbm>>
    %dma_wait3A_246 = arith.constant 0 : i32
    %dma_wait3A_247 = arith.constant 0 : i32
    %dma_wait3A_248 = tpu.memref_slice %arg8[%dma_wait3A_246, %dma_wait3A_247] : memref<128x16xf32, #tpu.memory_space<vmem>> -> memref<128x16xf32, #tpu.memory_space<vmem>>
    tpu.wait_dma2 semaphore(%arg17 : memref<!tpu.dma_semaphore, #tpu.memory_space<semaphore_mem>>) src(%dma_wait3A_248 : memref<128x16xf32, #tpu.memory_space<vmem>>) dst(%dma_wait3A_245 : memref<128x16xf32, #tpu.memory_space<hbm>>)
    %mul3A_249 = arith.constant 640 : i32
    %mul3A_250 = arith.muli %arg1, %mul3A_249 : i32
    %add3A_251 = arith.constant 512 : i32
    %add3A_252 = arith.addi %mul3A_250, %add3A_251 : i32
    %dma_start3A_253 = arith.constant 0 : i32
    %dma_start3A_254 = arith.constant 0 : i32
    %dma_start3A_255 = tpu.memref_slice %arg8[%dma_start3A_253, %dma_start3A_254] : memref<128x16xf32, #tpu.memory_space<vmem>> -> memref<128x16xf32, #tpu.memory_space<vmem>>
    %dma_start3A_256 = arith.constant 0 : i32
    %dma_start3A_257 = tpu.memref_slice %arg12[%add3A_252, %dma_start3A_256] : memref<10240x16xf32, #tpu.memory_space<vmem_shared>> -> memref<128x16xf32, #tpu.memory_space<vmem_shared>>
    %dma_start3A_258 = arith.constant 0 : i32
    %dma_start3A_259 = arith.constant 0 : i32
    %dma_start3A_260 = tpu.memref_slice %arg8[%dma_start3A_258, %dma_start3A_259] : memref<128x16xf32, #tpu.memory_space<vmem>> -> memref<128x16xf32, #tpu.memory_space<vmem>>
    %dma_start3A_261 = arith.constant 0 : i32
    %dma_start3A_262 = tpu.memref_slice %arg12[%add3A_252, %dma_start3A_261] : memref<10240x16xf32, #tpu.memory_space<vmem_shared>> -> memref<128x16xf32, #tpu.memory_space<vmem_shared>>
    tpu.enqueue_dma source(%dma_start3A_262 : memref<128x16xf32, #tpu.memory_space<vmem_shared>>) target(%dma_start3A_260 : memref<128x16xf32, #tpu.memory_space<vmem>>) target_semaphore(%arg13 : memref<!tpu.dma_semaphore, #tpu.memory_space<semaphore_mem>>)
    %dma_wait3A_263 = arith.constant 0 : i32
    %dma_wait3A_264 = arith.constant 0 : i32
    %dma_wait3A_265 = tpu.memref_slice %arg8[%dma_wait3A_263, %dma_wait3A_264] : memref<128x16xf32, #tpu.memory_space<vmem>> -> memref<128x16xf32, #tpu.memory_space<vmem>>
    %dma_wait3A_266 = arith.constant 0 : i32
    %dma_wait3A_267 = tpu.memref_slice %arg12[%add3A_252, %dma_wait3A_266] : memref<10240x16xf32, #tpu.memory_space<vmem_shared>> -> memref<128x16xf32, #tpu.memory_space<vmem_shared>>
    %dma_wait3A_268 = arith.constant 0 : i32
    %dma_wait3A_269 = arith.constant 0 : i32
    %dma_wait3A_270 = tpu.memref_slice %arg8[%dma_wait3A_268, %dma_wait3A_269] : memref<128x16xf32, #tpu.memory_space<vmem>> -> memref<128x16xf32, #tpu.memory_space<vmem>>
    %dma_wait3A_271 = arith.constant 0 : i32
    %dma_wait3A_272 = tpu.memref_slice %arg12[%add3A_252, %dma_wait3A_271] : memref<10240x16xf32, #tpu.memory_space<vmem_shared>> -> memref<128x16xf32, #tpu.memory_space<vmem_shared>>
    tpu.wait_dma2 semaphore(%arg13 : memref<!tpu.dma_semaphore, #tpu.memory_space<semaphore_mem>>) src(%dma_wait3A_272 : memref<128x16xf32, #tpu.memory_space<vmem_shared>>) dst(%dma_wait3A_270 : memref<128x16xf32, #tpu.memory_space<vmem>>)
    %mul3A_273 = arith.constant 640 : i32
    %mul3A_274 = arith.muli %arg1, %mul3A_273 : i32
    %add3A_275 = arith.constant 512 : i32
    %add3A_276 = arith.addi %mul3A_274, %add3A_275 : i32
    %dma_start3A_277 = arith.constant 0 : i32
    %dma_start3A_278 = arith.constant 0 : i32
    %dma_start3A_279 = tpu.memref_slice %arg8[%dma_start3A_277, %dma_start3A_278] : memref<128x16xf32, #tpu.memory_space<vmem>> -> memref<128x16xf32, #tpu.memory_space<vmem>>
    %dma_start3A_280 = arith.constant 0 : i32
    %dma_start3A_281 = tpu.memref_slice %arg5[%arg0, %add3A_276, %dma_start3A_280] : memref<2x10240x16xf32, #tpu.memory_space<hbm>> -> memref<1x128x16xf32, #tpu.memory_space<hbm>>
    %dma_start3A_282 = tpu.memref_squeeze %dma_start3A_281 : memref<1x128x16xf32, #tpu.memory_space<hbm>> -> memref<128x16xf32, #tpu.memory_space<hbm>>
    %dma_start3A_283 = arith.constant 0 : i32
    %dma_start3A_284 = tpu.memref_slice %arg5[%arg0, %add3A_276, %dma_start3A_283] : memref<2x10240x16xf32, #tpu.memory_space<hbm>> -> memref<1x128x16xf32, #tpu.memory_space<hbm>>
    %dma_start3A_285 = tpu.memref_squeeze %dma_start3A_284 : memref<1x128x16xf32, #tpu.memory_space<hbm>> -> memref<128x16xf32, #tpu.memory_space<hbm>>
    %dma_start3A_286 = arith.constant 0 : i32
    %dma_start3A_287 = arith.constant 0 : i32
    %dma_start3A_288 = tpu.memref_slice %arg8[%dma_start3A_286, %dma_start3A_287] : memref<128x16xf32, #tpu.memory_space<vmem>> -> memref<128x16xf32, #tpu.memory_space<vmem>>
    tpu.enqueue_dma source(%dma_start3A_288 : memref<128x16xf32, #tpu.memory_space<vmem>>) target(%dma_start3A_285 : memref<128x16xf32, #tpu.memory_space<hbm>>) target_semaphore(%arg17 : memref<!tpu.dma_semaphore, #tpu.memory_space<semaphore_mem>>)
    %dma_wait3A_289 = arith.constant 0 : i32
    %dma_wait3A_290 = arith.constant 0 : i32
    %dma_wait3A_291 = tpu.memref_slice %arg9[%dma_wait3A_289, %dma_wait3A_290] : memref<128x16xf32, #tpu.memory_space<vmem>> -> memref<128x16xf32, #tpu.memory_space<vmem>>
    %dma_wait3A_292 = arith.constant 0 : i32
    %dma_wait3A_293 = tpu.memref_slice %arg5[%arg0, %add3A_172, %dma_wait3A_292] : memref<2x10240x16xf32, #tpu.memory_space<hbm>> -> memref<1x128x16xf32, #tpu.memory_space<hbm>>
    %dma_wait3A_294 = tpu.memref_squeeze %dma_wait3A_293 : memref<1x128x16xf32, #tpu.memory_space<hbm>> -> memref<128x16xf32, #tpu.memory_space<hbm>>
    %dma_wait3A_295 = arith.constant 0 : i32
    %dma_wait3A_296 = tpu.memref_slice %arg5[%arg0, %add3A_172, %dma_wait3A_295] : memref<2x10240x16xf32, #tpu.memory_space<hbm>> -> memref<1x128x16xf32, #tpu.memory_space<hbm>>
    %dma_wait3A_297 = tpu.memref_squeeze %dma_wait3A_296 : memref<1x128x16xf32, #tpu.memory_space<hbm>> -> memref<128x16xf32, #tpu.memory_space<hbm>>
    %dma_wait3A_298 = arith.constant 0 : i32
    %dma_wait3A_299 = arith.constant 0 : i32
    %dma_wait3A_300 = tpu.memref_slice %arg9[%dma_wait3A_298, %dma_wait3A_299] : memref<128x16xf32, #tpu.memory_space<vmem>> -> memref<128x16xf32, #tpu.memory_space<vmem>>
    tpu.wait_dma2 semaphore(%arg18 : memref<!tpu.dma_semaphore, #tpu.memory_space<semaphore_mem>>) src(%dma_wait3A_300 : memref<128x16xf32, #tpu.memory_space<vmem>>) dst(%dma_wait3A_297 : memref<128x16xf32, #tpu.memory_space<hbm>>)
    %dma_wait3A_301 = arith.constant 0 : i32
    %dma_wait3A_302 = arith.constant 0 : i32
    %dma_wait3A_303 = tpu.memref_slice %arg10[%dma_wait3A_301, %dma_wait3A_302] : memref<128x16xf32, #tpu.memory_space<vmem>> -> memref<128x16xf32, #tpu.memory_space<vmem>>
    %dma_wait3A_304 = arith.constant 0 : i32
    %dma_wait3A_305 = tpu.memref_slice %arg5[%arg0, %add3A_198, %dma_wait3A_304] : memref<2x10240x16xf32, #tpu.memory_space<hbm>> -> memref<1x128x16xf32, #tpu.memory_space<hbm>>
    %dma_wait3A_306 = tpu.memref_squeeze %dma_wait3A_305 : memref<1x128x16xf32, #tpu.memory_space<hbm>> -> memref<128x16xf32, #tpu.memory_space<hbm>>
    %dma_wait3A_307 = arith.constant 0 : i32
    %dma_wait3A_308 = tpu.memref_slice %arg5[%arg0, %add3A_198, %dma_wait3A_307] : memref<2x10240x16xf32, #tpu.memory_space<hbm>> -> memref<1x128x16xf32, #tpu.memory_space<hbm>>
    %dma_wait3A_309 = tpu.memref_squeeze %dma_wait3A_308 : memref<1x128x16xf32, #tpu.memory_space<hbm>> -> memref<128x16xf32, #tpu.memory_space<hbm>>
    %dma_wait3A_310 = arith.constant 0 : i32
    %dma_wait3A_311 = arith.constant 0 : i32
    %dma_wait3A_312 = tpu.memref_slice %arg10[%dma_wait3A_310, %dma_wait3A_311] : memref<128x16xf32, #tpu.memory_space<vmem>> -> memref<128x16xf32, #tpu.memory_space<vmem>>
    tpu.wait_dma2 semaphore(%arg19 : memref<!tpu.dma_semaphore, #tpu.memory_space<semaphore_mem>>) src(%dma_wait3A_312 : memref<128x16xf32, #tpu.memory_space<vmem>>) dst(%dma_wait3A_309 : memref<128x16xf32, #tpu.memory_space<hbm>>)
    %dma_wait3A_313 = arith.constant 0 : i32
    %dma_wait3A_314 = arith.constant 0 : i32
    %dma_wait3A_315 = tpu.memref_slice %arg11[%dma_wait3A_313, %dma_wait3A_314] : memref<128x16xf32, #tpu.memory_space<vmem>> -> memref<128x16xf32, #tpu.memory_space<vmem>>
    %dma_wait3A_316 = arith.constant 0 : i32
    %dma_wait3A_317 = tpu.memref_slice %arg5[%arg0, %add3A_224, %dma_wait3A_316] : memref<2x10240x16xf32, #tpu.memory_space<hbm>> -> memref<1x128x16xf32, #tpu.memory_space<hbm>>
    %dma_wait3A_318 = tpu.memref_squeeze %dma_wait3A_317 : memref<1x128x16xf32, #tpu.memory_space<hbm>> -> memref<128x16xf32, #tpu.memory_space<hbm>>
    %dma_wait3A_319 = arith.constant 0 : i32
    %dma_wait3A_320 = tpu.memref_slice %arg5[%arg0, %add3A_224, %dma_wait3A_319] : memref<2x10240x16xf32, #tpu.memory_space<hbm>> -> memref<1x128x16xf32, #tpu.memory_space<hbm>>
    %dma_wait3A_321 = tpu.memref_squeeze %dma_wait3A_320 : memref<1x128x16xf32, #tpu.memory_space<hbm>> -> memref<128x16xf32, #tpu.memory_space<hbm>>
    %dma_wait3A_322 = arith.constant 0 : i32
    %dma_wait3A_323 = arith.constant 0 : i32
    %dma_wait3A_324 = tpu.memref_slice %arg11[%dma_wait3A_322, %dma_wait3A_323] : memref<128x16xf32, #tpu.memory_space<vmem>> -> memref<128x16xf32, #tpu.memory_space<vmem>>
    tpu.wait_dma2 semaphore(%arg20 : memref<!tpu.dma_semaphore, #tpu.memory_space<semaphore_mem>>) src(%dma_wait3A_324 : memref<128x16xf32, #tpu.memory_space<vmem>>) dst(%dma_wait3A_321 : memref<128x16xf32, #tpu.memory_space<hbm>>)
    %dma_wait3A_325 = arith.constant 0 : i32
    %dma_wait3A_326 = arith.constant 0 : i32
    %dma_wait3A_327 = tpu.memref_slice %arg8[%dma_wait3A_325, %dma_wait3A_326] : memref<128x16xf32, #tpu.memory_space<vmem>> -> memref<128x16xf32, #tpu.memory_space<vmem>>
    %dma_wait3A_328 = arith.constant 0 : i32
    %dma_wait3A_329 = tpu.memref_slice %arg5[%arg0, %add3A_276, %dma_wait3A_328] : memref<2x10240x16xf32, #tpu.memory_space<hbm>> -> memref<1x128x16xf32, #tpu.memory_space<hbm>>
    %dma_wait3A_330 = tpu.memref_squeeze %dma_wait3A_329 : memref<1x128x16xf32, #tpu.memory_space<hbm>> -> memref<128x16xf32, #tpu.memory_space<hbm>>
    %dma_wait3A_331 = arith.constant 0 : i32
    %dma_wait3A_332 = tpu.memref_slice %arg5[%arg0, %add3A_276, %dma_wait3A_331] : memref<2x10240x16xf32, #tpu.memory_space<hbm>> -> memref<1x128x16xf32, #tpu.memory_space<hbm>>
    %dma_wait3A_333 = tpu.memref_squeeze %dma_wait3A_332 : memref<1x128x16xf32, #tpu.memory_space<hbm>> -> memref<128x16xf32, #tpu.memory_space<hbm>>
    %dma_wait3A_334 = arith.constant 0 : i32
    %dma_wait3A_335 = arith.constant 0 : i32
    %dma_wait3A_336 = tpu.memref_slice %arg8[%dma_wait3A_334, %dma_wait3A_335] : memref<128x16xf32, #tpu.memory_space<vmem>> -> memref<128x16xf32, #tpu.memory_space<vmem>>
    tpu.wait_dma2 semaphore(%arg17 : memref<!tpu.dma_semaphore, #tpu.memory_space<semaphore_mem>>) src(%dma_wait3A_336 : memref<128x16xf32, #tpu.memory_space<vmem>>) dst(%dma_wait3A_333 : memref<128x16xf32, #tpu.memory_space<hbm>>)
    return
  }
}

#map = affine_map<(d0, d1) -> (0, 0)>
#map1 = affine_map<(d0, d1) -> (0)>
module attributes {stable_mosaic.version = 14 : i64} {
  func.func @k(%arg0: i32, %arg1: i32, %arg2: memref<2560x128xi32, #tpu.memory_space<hbm>>, %arg3: memref<20480xf32, #tpu.memory_space<hbm>>, %arg4: memref<88x128xi32, #tpu.memory_space<vmem>>, %arg5: memref<128xf32, #tpu.memory_space<vmem>>, %arg6: memref<640xf32, #tpu.memory_space<vmem>>, %arg7: memref<10240xf32, #tpu.memory_space<vmem_shared>>, %arg8: memref<!tpu.dma_semaphore, #tpu.memory_space<semaphore_mem>>) attributes {dimension_semantics = [#tpu.dimension_semantics<core_parallel>, #tpu.dimension_semantics<subcore_parallel>], iteration_bounds = array<i64: 2, 16>, scalar_prefetch = 0 : i64, scratch_operands = 5 : i64, tpu.core_type = #tpu.core_type<sc_vector_subcore>, window_params = [{transform_indices = #map}, {transform_indices = #map1}]} {
    %broadcast_in_dim3A = arith.constant 1.000000e+00 : f32
    %broadcast_in_dim3A_0 = vector.broadcast %broadcast_in_dim3A : f32 to vector<16xf32>
    %swap3A = arith.constant 0 : index
    %swap3A_1 = tpu.vector_load %arg5[%swap3A] {strides = array<i32>} : memref<128xf32, #tpu.memory_space<vmem>>, vector<16xf32>,
    %swap3A_2 = vector.shape_cast %swap3A_1 : vector<16xf32> to vector<16xf32>
    %swap3A_3 = vector.shape_cast %broadcast_in_dim3A_0 : vector<16xf32> to vector<16xf32>
    tpu.vector_store %arg5[%swap3A], %swap3A_3 {strides = array<i32>} : memref<128xf32, #tpu.memory_space<vmem>>, vector<16xf32>,
    %broadcast_in_dim3A_4 = arith.constant 1.000000e+00 : f32
    %broadcast_in_dim3A_5 = vector.broadcast %broadcast_in_dim3A_4 : f32 to vector<16xf32>
    %swap3A_6 = arith.constant 16 : index
    %swap3A_7 = tpu.vector_load %arg5[%swap3A_6] {strides = array<i32>} : memref<128xf32, #tpu.memory_space<vmem>>, vector<16xf32>,
    %swap3A_8 = vector.shape_cast %swap3A_7 : vector<16xf32> to vector<16xf32>
    %swap3A_9 = vector.shape_cast %broadcast_in_dim3A_5 : vector<16xf32> to vector<16xf32>
    tpu.vector_store %arg5[%swap3A_6], %swap3A_9 {strides = array<i32>} : memref<128xf32, #tpu.memory_space<vmem>>, vector<16xf32>,
    %broadcast_in_dim3A_10 = arith.constant 1.000000e+00 : f32
    %broadcast_in_dim3A_11 = vector.broadcast %broadcast_in_dim3A_10 : f32 to vector<16xf32>
    %swap3A_12 = arith.constant 32 : index
    %swap3A_13 = tpu.vector_load %arg5[%swap3A_12] {strides = array<i32>} : memref<128xf32, #tpu.memory_space<vmem>>, vector<16xf32>,
    %swap3A_14 = vector.shape_cast %swap3A_13 : vector<16xf32> to vector<16xf32>
    %swap3A_15 = vector.shape_cast %broadcast_in_dim3A_11 : vector<16xf32> to vector<16xf32>
    tpu.vector_store %arg5[%swap3A_12], %swap3A_15 {strides = array<i32>} : memref<128xf32, #tpu.memory_space<vmem>>, vector<16xf32>,
    %broadcast_in_dim3A_16 = arith.constant 1.000000e+00 : f32
    %broadcast_in_dim3A_17 = vector.broadcast %broadcast_in_dim3A_16 : f32 to vector<16xf32>
    %swap3A_18 = arith.constant 48 : index
    %swap3A_19 = tpu.vector_load %arg5[%swap3A_18] {strides = array<i32>} : memref<128xf32, #tpu.memory_space<vmem>>, vector<16xf32>,
    %swap3A_20 = vector.shape_cast %swap3A_19 : vector<16xf32> to vector<16xf32>
    %swap3A_21 = vector.shape_cast %broadcast_in_dim3A_17 : vector<16xf32> to vector<16xf32>
    tpu.vector_store %arg5[%swap3A_18], %swap3A_21 {strides = array<i32>} : memref<128xf32, #tpu.memory_space<vmem>>, vector<16xf32>,
    %broadcast_in_dim3A_22 = arith.constant 1.000000e+00 : f32
    %broadcast_in_dim3A_23 = vector.broadcast %broadcast_in_dim3A_22 : f32 to vector<16xf32>
    %swap3A_24 = arith.constant 64 : index
    %swap3A_25 = tpu.vector_load %arg5[%swap3A_24] {strides = array<i32>} : memref<128xf32, #tpu.memory_space<vmem>>, vector<16xf32>,
    %swap3A_26 = vector.shape_cast %swap3A_25 : vector<16xf32> to vector<16xf32>
    %swap3A_27 = vector.shape_cast %broadcast_in_dim3A_23 : vector<16xf32> to vector<16xf32>
    tpu.vector_store %arg5[%swap3A_24], %swap3A_27 {strides = array<i32>} : memref<128xf32, #tpu.memory_space<vmem>>, vector<16xf32>,
    %broadcast_in_dim3A_28 = arith.constant 1.000000e+00 : f32
    %broadcast_in_dim3A_29 = vector.broadcast %broadcast_in_dim3A_28 : f32 to vector<16xf32>
    %swap3A_30 = arith.constant 80 : index
    %swap3A_31 = tpu.vector_load %arg5[%swap3A_30] {strides = array<i32>} : memref<128xf32, #tpu.memory_space<vmem>>, vector<16xf32>,
    %swap3A_32 = vector.shape_cast %swap3A_31 : vector<16xf32> to vector<16xf32>
    %swap3A_33 = vector.shape_cast %broadcast_in_dim3A_29 : vector<16xf32> to vector<16xf32>
    tpu.vector_store %arg5[%swap3A_30], %swap3A_33 {strides = array<i32>} : memref<128xf32, #tpu.memory_space<vmem>>, vector<16xf32>,
    %broadcast_in_dim3A_34 = arith.constant 1.000000e+00 : f32
    %broadcast_in_dim3A_35 = vector.broadcast %broadcast_in_dim3A_34 : f32 to vector<16xf32>
    %swap3A_36 = arith.constant 96 : index
    %swap3A_37 = tpu.vector_load %arg5[%swap3A_36] {strides = array<i32>} : memref<128xf32, #tpu.memory_space<vmem>>, vector<16xf32>,
    %swap3A_38 = vector.shape_cast %swap3A_37 : vector<16xf32> to vector<16xf32>
    %swap3A_39 = vector.shape_cast %broadcast_in_dim3A_35 : vector<16xf32> to vector<16xf32>
    tpu.vector_store %arg5[%swap3A_36], %swap3A_39 {strides = array<i32>} : memref<128xf32, #tpu.memory_space<vmem>>, vector<16xf32>,
    %broadcast_in_dim3A_40 = arith.constant 1.000000e+00 : f32
    %broadcast_in_dim3A_41 = vector.broadcast %broadcast_in_dim3A_40 : f32 to vector<16xf32>
    %swap3A_42 = arith.constant 112 : index
    %swap3A_43 = tpu.vector_load %arg5[%swap3A_42] {strides = array<i32>} : memref<128xf32, #tpu.memory_space<vmem>>, vector<16xf32>,
    %swap3A_44 = vector.shape_cast %swap3A_43 : vector<16xf32> to vector<16xf32>
    %swap3A_45 = vector.shape_cast %broadcast_in_dim3A_41 : vector<16xf32> to vector<16xf32>
    tpu.vector_store %arg5[%swap3A_42], %swap3A_45 {strides = array<i32>} : memref<128xf32, #tpu.memory_space<vmem>>, vector<16xf32>,
    %scan3A = arith.constant 0 : i32
    %scan3A_46 = arith.constant 40 : i32
    %scan3A_47 = arith.addi %scan3A, %scan3A_46 : i32
    %scan3A_48 = arith.constant 1 : i32
    scf.for %scan3A_64 = %scan3A to %scan3A_47 step %scan3A_48  : i32 {
      %broadcast_in_dim3A_65 = arith.constant 0.000000e+00 : f32
      %broadcast_in_dim3A_66 = vector.broadcast %broadcast_in_dim3A_65 : f32 to vector<16xf32>
      %mul3A_67 = arith.constant 16 : i32
      %mul3A_68 = arith.muli %scan3A_64, %mul3A_67 : i32
      %swap3A_69 = arith.index_cast %mul3A_68 : i32 to index
      %swap3A_70 = tpu.vector_load %arg6[%swap3A_69] {strides = array<i32>} : memref<640xf32, #tpu.memory_space<vmem>>, vector<16xf32>,
      %swap3A_71 = vector.shape_cast %swap3A_70 : vector<16xf32> to vector<16xf32>
      %swap3A_72 = vector.shape_cast %broadcast_in_dim3A_66 : vector<16xf32> to vector<16xf32>
      tpu.vector_store %arg6[%swap3A_69], %swap3A_72 {strides = array<i32>} : memref<640xf32, #tpu.memory_space<vmem>>, vector<16xf32>,
    }
    %scan3A_49 = arith.constant 40 : i32
    %mul3A = arith.constant 640 : i32
    %mul3A_50 = arith.muli %arg1, %mul3A : i32
    "tpu.region"() ({
      %run_scoped3A = tpu.sem_alloc : memref<!tpu.dma_semaphore, #tpu.memory_space<semaphore_mem>>
      %dma_start3A = tpu.memref_slice %arg7[%mul3A_50] : memref<10240xf32, #tpu.memory_space<vmem_shared>> -> memref<640xf32, #tpu.memory_space<vmem_shared>>
      %dma_start3A_64 = tpu.memref_slice %arg7[%mul3A_50] : memref<10240xf32, #tpu.memory_space<vmem_shared>> -> memref<640xf32, #tpu.memory_space<vmem_shared>>
      tpu.enqueue_dma source(%arg6 : memref<640xf32, #tpu.memory_space<vmem>>) target(%dma_start3A_64 : memref<640xf32, #tpu.memory_space<vmem_shared>>) target_semaphore(%run_scoped3A : memref<!tpu.dma_semaphore, #tpu.memory_space<semaphore_mem>>)
      %dma_wait3A = tpu.memref_slice %arg7[%mul3A_50] : memref<10240xf32, #tpu.memory_space<vmem_shared>> -> memref<640xf32, #tpu.memory_space<vmem_shared>>
      %dma_wait3A_65 = tpu.memref_slice %arg7[%mul3A_50] : memref<10240xf32, #tpu.memory_space<vmem_shared>> -> memref<640xf32, #tpu.memory_space<vmem_shared>>
      tpu.wait_dma2 semaphore(%run_scoped3A : memref<!tpu.dma_semaphore, #tpu.memory_space<semaphore_mem>>) src(%arg6 : memref<640xf32, #tpu.memory_space<vmem>>) dst(%dma_wait3A_65 : memref<640xf32, #tpu.memory_space<vmem_shared>>)
      tpu.yield
    }) : () -> ()
    %eq3A = arith.constant 0 : i32
    %eq3A_51 = arith.cmpi eq, %arg0, %eq3A : i32
    %convert_element_type3A = arith.extui %eq3A_51 : i1 to i32
    %cond3A = arith.constant 0 : i32
    %cond3A_52 = arith.cmpi ne, %convert_element_type3A, %cond3A : i32
    scf.if %cond3A_52 {
      %mul3A_64 = arith.constant 88 : i32
      %mul3A_65 = arith.muli %arg1, %mul3A_64 : i32
      "tpu.region"() ({
        %run_scoped3A = tpu.sem_alloc : memref<!tpu.dma_semaphore, #tpu.memory_space<semaphore_mem>>
        %dma_start3A_124 = arith.constant 0 : i32
        %dma_start3A_125 = arith.constant 0 : i32
        %dma_start3A_126 = tpu.memref_slice %arg4[%dma_start3A_124, %dma_start3A_125] : memref<88x128xi32, #tpu.memory_space<vmem>> -> memref<88x128xi32, #tpu.memory_space<vmem>>
        %dma_start3A_127 = arith.constant 0 : i32
        %dma_start3A_128 = tpu.memref_slice %arg2[%mul3A_65, %dma_start3A_127] : memref<2560x128xi32, #tpu.memory_space<hbm>> -> memref<88x128xi32, #tpu.memory_space<hbm>>
        %dma_start3A_129 = arith.constant 0 : i32
        %dma_start3A_130 = arith.constant 0 : i32
        %dma_start3A_131 = tpu.memref_slice %arg4[%dma_start3A_129, %dma_start3A_130] : memref<88x128xi32, #tpu.memory_space<vmem>> -> memref<88x128xi32, #tpu.memory_space<vmem>>
        %dma_start3A_132 = arith.constant 0 : i32
        %dma_start3A_133 = tpu.memref_slice %arg2[%mul3A_65, %dma_start3A_132] : memref<2560x128xi32, #tpu.memory_space<hbm>> -> memref<88x128xi32, #tpu.memory_space<hbm>>
        tpu.enqueue_dma source(%dma_start3A_133 : memref<88x128xi32, #tpu.memory_space<hbm>>) target(%dma_start3A_131 : memref<88x128xi32, #tpu.memory_space<vmem>>) target_semaphore(%run_scoped3A : memref<!tpu.dma_semaphore, #tpu.memory_space<semaphore_mem>>)
        %dma_wait3A = arith.constant 0 : i32
        %dma_wait3A_134 = arith.constant 0 : i32
        %dma_wait3A_135 = tpu.memref_slice %arg4[%dma_wait3A, %dma_wait3A_134] : memref<88x128xi32, #tpu.memory_space<vmem>> -> memref<88x128xi32, #tpu.memory_space<vmem>>
        %dma_wait3A_136 = arith.constant 0 : i32
        %dma_wait3A_137 = tpu.memref_slice %arg2[%mul3A_65, %dma_wait3A_136] : memref<2560x128xi32, #tpu.memory_space<hbm>> -> memref<88x128xi32, #tpu.memory_space<hbm>>
        %dma_wait3A_138 = arith.constant 0 : i32
        %dma_wait3A_139 = arith.constant 0 : i32
        %dma_wait3A_140 = tpu.memref_slice %arg4[%dma_wait3A_138, %dma_wait3A_139] : memref<88x128xi32, #tpu.memory_space<vmem>> -> memref<88x128xi32, #tpu.memory_space<vmem>>
        %dma_wait3A_141 = arith.constant 0 : i32
        %dma_wait3A_142 = tpu.memref_slice %arg2[%mul3A_65, %dma_wait3A_141] : memref<2560x128xi32, #tpu.memory_space<hbm>> -> memref<88x128xi32, #tpu.memory_space<hbm>>
        tpu.wait_dma2 semaphore(%run_scoped3A : memref<!tpu.dma_semaphore, #tpu.memory_space<semaphore_mem>>) src(%dma_wait3A_142 : memref<88x128xi32, #tpu.memory_space<hbm>>) dst(%dma_wait3A_140 : memref<88x128xi32, #tpu.memory_space<vmem>>)
        tpu.yield
      }) : () -> ()
      %barrier3A_66 = arith.constant 0 : index
      tpu.barrier barrier_id(%barrier3A_66)
      %dma_start3A = arith.constant 0 : i32
      %dma_start3A_67 = arith.constant 0 : i32
      %dma_start3A_68 = tpu.memref_slice %arg4[%dma_start3A, %dma_start3A_67] : memref<88x128xi32, #tpu.memory_space<vmem>> -> memref<1x128xi32, #tpu.memory_space<vmem>>
      %dma_start3A_69 = tpu.memref_squeeze %dma_start3A_68 : memref<1x128xi32, #tpu.memory_space<vmem>> -> memref<128xi32, #tpu.memory_space<vmem>>
      %dma_start3A_70 = arith.constant 0 : i32
      %dma_start3A_71 = tpu.memref_slice %arg7[%dma_start3A_70] : memref<10240xf32, #tpu.memory_space<vmem_shared>> -> memref<10240xf32, #tpu.memory_space<vmem_shared>>
      tpu.enqueue_indirect_dma source(%arg5 : memref<128xf32, #tpu.memory_space<vmem>>) target(%dma_start3A_71 : memref<10240xf32, #tpu.memory_space<vmem_shared>>) offsets(%dma_start3A_69 : memref<128xi32, #tpu.memory_space<vmem>>) semaphore(%arg8 : memref<!tpu.dma_semaphore, #tpu.memory_space<semaphore_mem>>) {add = true}
      %dma_start3A_72 = arith.constant 1 : i32
      %dma_start3A_73 = arith.constant 0 : i32
      %dma_start3A_74 = tpu.memref_slice %arg4[%dma_start3A_72, %dma_start3A_73] : memref<88x128xi32, #tpu.memory_space<vmem>> -> memref<1x128xi32, #tpu.memory_space<vmem>>
      %dma_start3A_75 = tpu.memref_squeeze %dma_start3A_74 : memref<1x128xi32, #tpu.memory_space<vmem>> -> memref<128xi32, #tpu.memory_space<vmem>>
      %dma_start3A_76 = arith.constant 0 : i32
      %dma_start3A_77 = tpu.memref_slice %arg7[%dma_start3A_76] : memref<10240xf32, #tpu.memory_space<vmem_shared>> -> memref<10240xf32, #tpu.memory_space<vmem_shared>>
      tpu.enqueue_indirect_dma source(%arg5 : memref<128xf32, #tpu.memory_space<vmem>>) target(%dma_start3A_77 : memref<10240xf32, #tpu.memory_space<vmem_shared>>) offsets(%dma_start3A_75 : memref<128xi32, #tpu.memory_space<vmem>>) semaphore(%arg8 : memref<!tpu.dma_semaphore, #tpu.memory_space<semaphore_mem>>) {add = true}
      %dma_start3A_78 = arith.constant 2 : i32
      %dma_start3A_79 = arith.constant 0 : i32
      %dma_start3A_80 = tpu.memref_slice %arg4[%dma_start3A_78, %dma_start3A_79] : memref<88x128xi32, #tpu.memory_space<vmem>> -> memref<1x128xi32, #tpu.memory_space<vmem>>
      %dma_start3A_81 = tpu.memref_squeeze %dma_start3A_80 : memref<1x128xi32, #tpu.memory_space<vmem>> -> memref<128xi32, #tpu.memory_space<vmem>>
      %dma_start3A_82 = arith.constant 0 : i32
      %dma_start3A_83 = tpu.memref_slice %arg7[%dma_start3A_82] : memref<10240xf32, #tpu.memory_space<vmem_shared>> -> memref<10240xf32, #tpu.memory_space<vmem_shared>>
      tpu.enqueue_indirect_dma source(%arg5 : memref<128xf32, #tpu.memory_space<vmem>>) target(%dma_start3A_83 : memref<10240xf32, #tpu.memory_space<vmem_shared>>) offsets(%dma_start3A_81 : memref<128xi32, #tpu.memory_space<vmem>>) semaphore(%arg8 : memref<!tpu.dma_semaphore, #tpu.memory_space<semaphore_mem>>) {add = true}
      %dma_start3A_84 = arith.constant 3 : i32
      %dma_start3A_85 = arith.constant 0 : i32
      %dma_start3A_86 = tpu.memref_slice %arg4[%dma_start3A_84, %dma_start3A_85] : memref<88x128xi32, #tpu.memory_space<vmem>> -> memref<1x128xi32, #tpu.memory_space<vmem>>
      %dma_start3A_87 = tpu.memref_squeeze %dma_start3A_86 : memref<1x128xi32, #tpu.memory_space<vmem>> -> memref<128xi32, #tpu.memory_space<vmem>>
      %dma_start3A_88 = arith.constant 0 : i32
      %dma_start3A_89 = tpu.memref_slice %arg7[%dma_start3A_88] : memref<10240xf32, #tpu.memory_space<vmem_shared>> -> memref<10240xf32, #tpu.memory_space<vmem_shared>>
      tpu.enqueue_indirect_dma source(%arg5 : memref<128xf32, #tpu.memory_space<vmem>>) target(%dma_start3A_89 : memref<10240xf32, #tpu.memory_space<vmem_shared>>) offsets(%dma_start3A_87 : memref<128xi32, #tpu.memory_space<vmem>>) semaphore(%arg8 : memref<!tpu.dma_semaphore, #tpu.memory_space<semaphore_mem>>) {add = true}
      %dma_start3A_90 = arith.constant 4 : i32
      %dma_start3A_91 = arith.constant 0 : i32
      %dma_start3A_92 = tpu.memref_slice %arg4[%dma_start3A_90, %dma_start3A_91] : memref<88x128xi32, #tpu.memory_space<vmem>> -> memref<1x128xi32, #tpu.memory_space<vmem>>
      %dma_start3A_93 = tpu.memref_squeeze %dma_start3A_92 : memref<1x128xi32, #tpu.memory_space<vmem>> -> memref<128xi32, #tpu.memory_space<vmem>>
      %dma_start3A_94 = arith.constant 0 : i32
      %dma_start3A_95 = tpu.memref_slice %arg7[%dma_start3A_94] : memref<10240xf32, #tpu.memory_space<vmem_shared>> -> memref<10240xf32, #tpu.memory_space<vmem_shared>>
      tpu.enqueue_indirect_dma source(%arg5 : memref<128xf32, #tpu.memory_space<vmem>>) target(%dma_start3A_95 : memref<10240xf32, #tpu.memory_space<vmem_shared>>) offsets(%dma_start3A_93 : memref<128xi32, #tpu.memory_space<vmem>>) semaphore(%arg8 : memref<!tpu.dma_semaphore, #tpu.memory_space<semaphore_mem>>) {add = true}
      %dma_start3A_96 = arith.constant 5 : i32
      %dma_start3A_97 = arith.constant 0 : i32
      %dma_start3A_98 = tpu.memref_slice %arg4[%dma_start3A_96, %dma_start3A_97] : memref<88x128xi32, #tpu.memory_space<vmem>> -> memref<1x128xi32, #tpu.memory_space<vmem>>
      %dma_start3A_99 = tpu.memref_squeeze %dma_start3A_98 : memref<1x128xi32, #tpu.memory_space<vmem>> -> memref<128xi32, #tpu.memory_space<vmem>>
      %dma_start3A_100 = arith.constant 0 : i32
      %dma_start3A_101 = tpu.memref_slice %arg7[%dma_start3A_100] : memref<10240xf32, #tpu.memory_space<vmem_shared>> -> memref<10240xf32, #tpu.memory_space<vmem_shared>>
      tpu.enqueue_indirect_dma source(%arg5 : memref<128xf32, #tpu.memory_space<vmem>>) target(%dma_start3A_101 : memref<10240xf32, #tpu.memory_space<vmem_shared>>) offsets(%dma_start3A_99 : memref<128xi32, #tpu.memory_space<vmem>>) semaphore(%arg8 : memref<!tpu.dma_semaphore, #tpu.memory_space<semaphore_mem>>) {add = true}
      %dma_start3A_102 = arith.constant 6 : i32
      %dma_start3A_103 = arith.constant 0 : i32
      %dma_start3A_104 = tpu.memref_slice %arg4[%dma_start3A_102, %dma_start3A_103] : memref<88x128xi32, #tpu.memory_space<vmem>> -> memref<1x128xi32, #tpu.memory_space<vmem>>
      %dma_start3A_105 = tpu.memref_squeeze %dma_start3A_104 : memref<1x128xi32, #tpu.memory_space<vmem>> -> memref<128xi32, #tpu.memory_space<vmem>>
      %dma_start3A_106 = arith.constant 0 : i32
      %dma_start3A_107 = tpu.memref_slice %arg7[%dma_start3A_106] : memref<10240xf32, #tpu.memory_space<vmem_shared>> -> memref<10240xf32, #tpu.memory_space<vmem_shared>>
      tpu.enqueue_indirect_dma source(%arg5 : memref<128xf32, #tpu.memory_space<vmem>>) target(%dma_start3A_107 : memref<10240xf32, #tpu.memory_space<vmem_shared>>) offsets(%dma_start3A_105 : memref<128xi32, #tpu.memory_space<vmem>>) semaphore(%arg8 : memref<!tpu.dma_semaphore, #tpu.memory_space<semaphore_mem>>) {add = true}
      %dma_start3A_108 = arith.constant 7 : i32
      %dma_start3A_109 = arith.constant 0 : i32
      %dma_start3A_110 = tpu.memref_slice %arg4[%dma_start3A_108, %dma_start3A_109] : memref<88x128xi32, #tpu.memory_space<vmem>> -> memref<1x128xi32, #tpu.memory_space<vmem>>
      %dma_start3A_111 = tpu.memref_squeeze %dma_start3A_110 : memref<1x128xi32, #tpu.memory_space<vmem>> -> memref<128xi32, #tpu.memory_space<vmem>>
      %dma_start3A_112 = arith.constant 0 : i32
      %dma_start3A_113 = tpu.memref_slice %arg7[%dma_start3A_112] : memref<10240xf32, #tpu.memory_space<vmem_shared>> -> memref<10240xf32, #tpu.memory_space<vmem_shared>>
      tpu.enqueue_indirect_dma source(%arg5 : memref<128xf32, #tpu.memory_space<vmem>>) target(%dma_start3A_113 : memref<10240xf32, #tpu.memory_space<vmem_shared>>) offsets(%dma_start3A_111 : memref<128xi32, #tpu.memory_space<vmem>>) semaphore(%arg8 : memref<!tpu.dma_semaphore, #tpu.memory_space<semaphore_mem>>) {add = true}
      %scan3A_114 = arith.constant 0 : i32
      %scan3A_115 = arith.constant 80 : i32
      %scan3A_116 = arith.addi %scan3A_114, %scan3A_115 : i32
      %scan3A_117 = arith.constant 1 : i32
      scf.for %scan3A_124 = %scan3A_114 to %scan3A_116 step %scan3A_117  : i32 {
        %dma_wait3A = arith.constant 0 : i32
        %dma_wait3A_125 = tpu.memref_slice %arg4[%scan3A_124, %dma_wait3A] : memref<88x128xi32, #tpu.memory_space<vmem>> -> memref<1x128xi32, #tpu.memory_space<vmem>>
        %dma_wait3A_126 = tpu.memref_squeeze %dma_wait3A_125 : memref<1x128xi32, #tpu.memory_space<vmem>> -> memref<128xi32, #tpu.memory_space<vmem>>
        %dma_wait3A_127 = arith.constant 0 : i32
        %dma_wait3A_128 = tpu.memref_slice %arg7[%dma_wait3A_127] : memref<10240xf32, #tpu.memory_space<vmem_shared>> -> memref<10240xf32, #tpu.memory_space<vmem_shared>>
        tpu.wait_indirect_dma semaphore(%arg8 : memref<!tpu.dma_semaphore, #tpu.memory_space<semaphore_mem>>) src(%arg5 : memref<128xf32, #tpu.memory_space<vmem>>) dst(%dma_wait3A_128 : memref<10240xf32, #tpu.memory_space<vmem_shared>>)
        %add3A_129 = arith.constant 8 : i32
        %add3A_130 = arith.addi %scan3A_124, %add3A_129 : i32
        %dma_start3A_131 = arith.constant 0 : i32
        %dma_start3A_132 = tpu.memref_slice %arg4[%add3A_130, %dma_start3A_131] : memref<88x128xi32, #tpu.memory_space<vmem>> -> memref<1x128xi32, #tpu.memory_space<vmem>>
        %dma_start3A_133 = tpu.memref_squeeze %dma_start3A_132 : memref<1x128xi32, #tpu.memory_space<vmem>> -> memref<128xi32, #tpu.memory_space<vmem>>
        %dma_start3A_134 = arith.constant 0 : i32
        %dma_start3A_135 = tpu.memref_slice %arg7[%dma_start3A_134] : memref<10240xf32, #tpu.memory_space<vmem_shared>> -> memref<10240xf32, #tpu.memory_space<vmem_shared>>
        tpu.enqueue_indirect_dma source(%arg5 : memref<128xf32, #tpu.memory_space<vmem>>) target(%dma_start3A_135 : memref<10240xf32, #tpu.memory_space<vmem_shared>>) offsets(%dma_start3A_133 : memref<128xi32, #tpu.memory_space<vmem>>) semaphore(%arg8 : memref<!tpu.dma_semaphore, #tpu.memory_space<semaphore_mem>>) {add = true}
      }
      %scan3A_118 = arith.constant 80 : i32
      %scan3A_119 = arith.constant 80 : i32
      %scan3A_120 = arith.constant 8 : i32
      %scan3A_121 = arith.addi %scan3A_119, %scan3A_120 : i32
      %scan3A_122 = arith.constant 1 : i32
      scf.for %scan3A_124 = %scan3A_119 to %scan3A_121 step %scan3A_122  : i32 {
        %dma_wait3A = arith.constant 0 : i32
        %dma_wait3A_125 = tpu.memref_slice %arg4[%scan3A_124, %dma_wait3A] : memref<88x128xi32, #tpu.memory_space<vmem>> -> memref<1x128xi32, #tpu.memory_space<vmem>>
        %dma_wait3A_126 = tpu.memref_squeeze %dma_wait3A_125 : memref<1x128xi32, #tpu.memory_space<vmem>> -> memref<128xi32, #tpu.memory_space<vmem>>
        %dma_wait3A_127 = arith.constant 0 : i32
        %dma_wait3A_128 = tpu.memref_slice %arg7[%dma_wait3A_127] : memref<10240xf32, #tpu.memory_space<vmem_shared>> -> memref<10240xf32, #tpu.memory_space<vmem_shared>>
        tpu.wait_indirect_dma semaphore(%arg8 : memref<!tpu.dma_semaphore, #tpu.memory_space<semaphore_mem>>) src(%arg5 : memref<128xf32, #tpu.memory_space<vmem>>) dst(%dma_wait3A_128 : memref<10240xf32, #tpu.memory_space<vmem_shared>>)
      }
      %scan3A_123 = arith.constant 8 : i32
    } else {
    }
    %eq3A_53 = arith.constant 1 : i32
    %eq3A_54 = arith.cmpi eq, %arg0, %eq3A_53 : i32
    %convert_element_type3A_55 = arith.extui %eq3A_54 : i1 to i32
    %cond3A_56 = arith.constant 0 : i32
    %cond3A_57 = arith.cmpi ne, %convert_element_type3A_55, %cond3A_56 : i32
    scf.if %cond3A_57 {
      %mul3A_64 = arith.constant 72 : i32
      %mul3A_65 = arith.muli %arg1, %mul3A_64 : i32
      %add3A_66 = arith.constant 1408 : i32
      %add3A_67 = arith.addi %add3A_66, %mul3A_65 : i32
      "tpu.region"() ({
        %run_scoped3A = tpu.sem_alloc : memref<!tpu.dma_semaphore, #tpu.memory_space<semaphore_mem>>
        %dma_start3A_126 = arith.constant 0 : i32
        %dma_start3A_127 = arith.constant 0 : i32
        %dma_start3A_128 = tpu.memref_slice %arg4[%dma_start3A_126, %dma_start3A_127] : memref<88x128xi32, #tpu.memory_space<vmem>> -> memref<72x128xi32, #tpu.memory_space<vmem>>
        %dma_start3A_129 = arith.constant 0 : i32
        %dma_start3A_130 = tpu.memref_slice %arg2[%add3A_67, %dma_start3A_129] : memref<2560x128xi32, #tpu.memory_space<hbm>> -> memref<72x128xi32, #tpu.memory_space<hbm>>
        %dma_start3A_131 = arith.constant 0 : i32
        %dma_start3A_132 = arith.constant 0 : i32
        %dma_start3A_133 = tpu.memref_slice %arg4[%dma_start3A_131, %dma_start3A_132] : memref<88x128xi32, #tpu.memory_space<vmem>> -> memref<72x128xi32, #tpu.memory_space<vmem>>
        %dma_start3A_134 = arith.constant 0 : i32
        %dma_start3A_135 = tpu.memref_slice %arg2[%add3A_67, %dma_start3A_134] : memref<2560x128xi32, #tpu.memory_space<hbm>> -> memref<72x128xi32, #tpu.memory_space<hbm>>
        tpu.enqueue_dma source(%dma_start3A_135 : memref<72x128xi32, #tpu.memory_space<hbm>>) target(%dma_start3A_133 : memref<72x128xi32, #tpu.memory_space<vmem>>) target_semaphore(%run_scoped3A : memref<!tpu.dma_semaphore, #tpu.memory_space<semaphore_mem>>)
        %dma_wait3A = arith.constant 0 : i32
        %dma_wait3A_136 = arith.constant 0 : i32
        %dma_wait3A_137 = tpu.memref_slice %arg4[%dma_wait3A, %dma_wait3A_136] : memref<88x128xi32, #tpu.memory_space<vmem>> -> memref<72x128xi32, #tpu.memory_space<vmem>>
        %dma_wait3A_138 = arith.constant 0 : i32
        %dma_wait3A_139 = tpu.memref_slice %arg2[%add3A_67, %dma_wait3A_138] : memref<2560x128xi32, #tpu.memory_space<hbm>> -> memref<72x128xi32, #tpu.memory_space<hbm>>
        %dma_wait3A_140 = arith.constant 0 : i32
        %dma_wait3A_141 = arith.constant 0 : i32
        %dma_wait3A_142 = tpu.memref_slice %arg4[%dma_wait3A_140, %dma_wait3A_141] : memref<88x128xi32, #tpu.memory_space<vmem>> -> memref<72x128xi32, #tpu.memory_space<vmem>>
        %dma_wait3A_143 = arith.constant 0 : i32
        %dma_wait3A_144 = tpu.memref_slice %arg2[%add3A_67, %dma_wait3A_143] : memref<2560x128xi32, #tpu.memory_space<hbm>> -> memref<72x128xi32, #tpu.memory_space<hbm>>
        tpu.wait_dma2 semaphore(%run_scoped3A : memref<!tpu.dma_semaphore, #tpu.memory_space<semaphore_mem>>) src(%dma_wait3A_144 : memref<72x128xi32, #tpu.memory_space<hbm>>) dst(%dma_wait3A_142 : memref<72x128xi32, #tpu.memory_space<vmem>>)
        tpu.yield
      }) : () -> ()
      %barrier3A_68 = arith.constant 0 : index
      tpu.barrier barrier_id(%barrier3A_68)
      %dma_start3A = arith.constant 0 : i32
      %dma_start3A_69 = arith.constant 0 : i32
      %dma_start3A_70 = tpu.memref_slice %arg4[%dma_start3A, %dma_start3A_69] : memref<88x128xi32, #tpu.memory_space<vmem>> -> memref<1x128xi32, #tpu.memory_space<vmem>>
      %dma_start3A_71 = tpu.memref_squeeze %dma_start3A_70 : memref<1x128xi32, #tpu.memory_space<vmem>> -> memref<128xi32, #tpu.memory_space<vmem>>
      %dma_start3A_72 = arith.constant 0 : i32
      %dma_start3A_73 = tpu.memref_slice %arg7[%dma_start3A_72] : memref<10240xf32, #tpu.memory_space<vmem_shared>> -> memref<10240xf32, #tpu.memory_space<vmem_shared>>
      tpu.enqueue_indirect_dma source(%arg5 : memref<128xf32, #tpu.memory_space<vmem>>) target(%dma_start3A_73 : memref<10240xf32, #tpu.memory_space<vmem_shared>>) offsets(%dma_start3A_71 : memref<128xi32, #tpu.memory_space<vmem>>) semaphore(%arg8 : memref<!tpu.dma_semaphore, #tpu.memory_space<semaphore_mem>>) {add = true}
      %dma_start3A_74 = arith.constant 1 : i32
      %dma_start3A_75 = arith.constant 0 : i32
      %dma_start3A_76 = tpu.memref_slice %arg4[%dma_start3A_74, %dma_start3A_75] : memref<88x128xi32, #tpu.memory_space<vmem>> -> memref<1x128xi32, #tpu.memory_space<vmem>>
      %dma_start3A_77 = tpu.memref_squeeze %dma_start3A_76 : memref<1x128xi32, #tpu.memory_space<vmem>> -> memref<128xi32, #tpu.memory_space<vmem>>
      %dma_start3A_78 = arith.constant 0 : i32
      %dma_start3A_79 = tpu.memref_slice %arg7[%dma_start3A_78] : memref<10240xf32, #tpu.memory_space<vmem_shared>> -> memref<10240xf32, #tpu.memory_space<vmem_shared>>
      tpu.enqueue_indirect_dma source(%arg5 : memref<128xf32, #tpu.memory_space<vmem>>) target(%dma_start3A_79 : memref<10240xf32, #tpu.memory_space<vmem_shared>>) offsets(%dma_start3A_77 : memref<128xi32, #tpu.memory_space<vmem>>) semaphore(%arg8 : memref<!tpu.dma_semaphore, #tpu.memory_space<semaphore_mem>>) {add = true}
      %dma_start3A_80 = arith.constant 2 : i32
      %dma_start3A_81 = arith.constant 0 : i32
      %dma_start3A_82 = tpu.memref_slice %arg4[%dma_start3A_80, %dma_start3A_81] : memref<88x128xi32, #tpu.memory_space<vmem>> -> memref<1x128xi32, #tpu.memory_space<vmem>>
      %dma_start3A_83 = tpu.memref_squeeze %dma_start3A_82 : memref<1x128xi32, #tpu.memory_space<vmem>> -> memref<128xi32, #tpu.memory_space<vmem>>
      %dma_start3A_84 = arith.constant 0 : i32
      %dma_start3A_85 = tpu.memref_slice %arg7[%dma_start3A_84] : memref<10240xf32, #tpu.memory_space<vmem_shared>> -> memref<10240xf32, #tpu.memory_space<vmem_shared>>
      tpu.enqueue_indirect_dma source(%arg5 : memref<128xf32, #tpu.memory_space<vmem>>) target(%dma_start3A_85 : memref<10240xf32, #tpu.memory_space<vmem_shared>>) offsets(%dma_start3A_83 : memref<128xi32, #tpu.memory_space<vmem>>) semaphore(%arg8 : memref<!tpu.dma_semaphore, #tpu.memory_space<semaphore_mem>>) {add = true}
      %dma_start3A_86 = arith.constant 3 : i32
      %dma_start3A_87 = arith.constant 0 : i32
      %dma_start3A_88 = tpu.memref_slice %arg4[%dma_start3A_86, %dma_start3A_87] : memref<88x128xi32, #tpu.memory_space<vmem>> -> memref<1x128xi32, #tpu.memory_space<vmem>>
      %dma_start3A_89 = tpu.memref_squeeze %dma_start3A_88 : memref<1x128xi32, #tpu.memory_space<vmem>> -> memref<128xi32, #tpu.memory_space<vmem>>
      %dma_start3A_90 = arith.constant 0 : i32
      %dma_start3A_91 = tpu.memref_slice %arg7[%dma_start3A_90] : memref<10240xf32, #tpu.memory_space<vmem_shared>> -> memref<10240xf32, #tpu.memory_space<vmem_shared>>
      tpu.enqueue_indirect_dma source(%arg5 : memref<128xf32, #tpu.memory_space<vmem>>) target(%dma_start3A_91 : memref<10240xf32, #tpu.memory_space<vmem_shared>>) offsets(%dma_start3A_89 : memref<128xi32, #tpu.memory_space<vmem>>) semaphore(%arg8 : memref<!tpu.dma_semaphore, #tpu.memory_space<semaphore_mem>>) {add = true}
      %dma_start3A_92 = arith.constant 4 : i32
      %dma_start3A_93 = arith.constant 0 : i32
      %dma_start3A_94 = tpu.memref_slice %arg4[%dma_start3A_92, %dma_start3A_93] : memref<88x128xi32, #tpu.memory_space<vmem>> -> memref<1x128xi32, #tpu.memory_space<vmem>>
      %dma_start3A_95 = tpu.memref_squeeze %dma_start3A_94 : memref<1x128xi32, #tpu.memory_space<vmem>> -> memref<128xi32, #tpu.memory_space<vmem>>
      %dma_start3A_96 = arith.constant 0 : i32
      %dma_start3A_97 = tpu.memref_slice %arg7[%dma_start3A_96] : memref<10240xf32, #tpu.memory_space<vmem_shared>> -> memref<10240xf32, #tpu.memory_space<vmem_shared>>
      tpu.enqueue_indirect_dma source(%arg5 : memref<128xf32, #tpu.memory_space<vmem>>) target(%dma_start3A_97 : memref<10240xf32, #tpu.memory_space<vmem_shared>>) offsets(%dma_start3A_95 : memref<128xi32, #tpu.memory_space<vmem>>) semaphore(%arg8 : memref<!tpu.dma_semaphore, #tpu.memory_space<semaphore_mem>>) {add = true}
      %dma_start3A_98 = arith.constant 5 : i32
      %dma_start3A_99 = arith.constant 0 : i32
      %dma_start3A_100 = tpu.memref_slice %arg4[%dma_start3A_98, %dma_start3A_99] : memref<88x128xi32, #tpu.memory_space<vmem>> -> memref<1x128xi32, #tpu.memory_space<vmem>>
      %dma_start3A_101 = tpu.memref_squeeze %dma_start3A_100 : memref<1x128xi32, #tpu.memory_space<vmem>> -> memref<128xi32, #tpu.memory_space<vmem>>
      %dma_start3A_102 = arith.constant 0 : i32
      %dma_start3A_103 = tpu.memref_slice %arg7[%dma_start3A_102] : memref<10240xf32, #tpu.memory_space<vmem_shared>> -> memref<10240xf32, #tpu.memory_space<vmem_shared>>
      tpu.enqueue_indirect_dma source(%arg5 : memref<128xf32, #tpu.memory_space<vmem>>) target(%dma_start3A_103 : memref<10240xf32, #tpu.memory_space<vmem_shared>>) offsets(%dma_start3A_101 : memref<128xi32, #tpu.memory_space<vmem>>) semaphore(%arg8 : memref<!tpu.dma_semaphore, #tpu.memory_space<semaphore_mem>>) {add = true}
      %dma_start3A_104 = arith.constant 6 : i32
      %dma_start3A_105 = arith.constant 0 : i32
      %dma_start3A_106 = tpu.memref_slice %arg4[%dma_start3A_104, %dma_start3A_105] : memref<88x128xi32, #tpu.memory_space<vmem>> -> memref<1x128xi32, #tpu.memory_space<vmem>>
      %dma_start3A_107 = tpu.memref_squeeze %dma_start3A_106 : memref<1x128xi32, #tpu.memory_space<vmem>> -> memref<128xi32, #tpu.memory_space<vmem>>
      %dma_start3A_108 = arith.constant 0 : i32
      %dma_start3A_109 = tpu.memref_slice %arg7[%dma_start3A_108] : memref<10240xf32, #tpu.memory_space<vmem_shared>> -> memref<10240xf32, #tpu.memory_space<vmem_shared>>
      tpu.enqueue_indirect_dma source(%arg5 : memref<128xf32, #tpu.memory_space<vmem>>) target(%dma_start3A_109 : memref<10240xf32, #tpu.memory_space<vmem_shared>>) offsets(%dma_start3A_107 : memref<128xi32, #tpu.memory_space<vmem>>) semaphore(%arg8 : memref<!tpu.dma_semaphore, #tpu.memory_space<semaphore_mem>>) {add = true}
      %dma_start3A_110 = arith.constant 7 : i32
      %dma_start3A_111 = arith.constant 0 : i32
      %dma_start3A_112 = tpu.memref_slice %arg4[%dma_start3A_110, %dma_start3A_111] : memref<88x128xi32, #tpu.memory_space<vmem>> -> memref<1x128xi32, #tpu.memory_space<vmem>>
      %dma_start3A_113 = tpu.memref_squeeze %dma_start3A_112 : memref<1x128xi32, #tpu.memory_space<vmem>> -> memref<128xi32, #tpu.memory_space<vmem>>
      %dma_start3A_114 = arith.constant 0 : i32
      %dma_start3A_115 = tpu.memref_slice %arg7[%dma_start3A_114] : memref<10240xf32, #tpu.memory_space<vmem_shared>> -> memref<10240xf32, #tpu.memory_space<vmem_shared>>
      tpu.enqueue_indirect_dma source(%arg5 : memref<128xf32, #tpu.memory_space<vmem>>) target(%dma_start3A_115 : memref<10240xf32, #tpu.memory_space<vmem_shared>>) offsets(%dma_start3A_113 : memref<128xi32, #tpu.memory_space<vmem>>) semaphore(%arg8 : memref<!tpu.dma_semaphore, #tpu.memory_space<semaphore_mem>>) {add = true}
      %scan3A_116 = arith.constant 0 : i32
      %scan3A_117 = arith.constant 64 : i32
      %scan3A_118 = arith.addi %scan3A_116, %scan3A_117 : i32
      %scan3A_119 = arith.constant 1 : i32
      scf.for %scan3A_126 = %scan3A_116 to %scan3A_118 step %scan3A_119  : i32 {
        %dma_wait3A = arith.constant 0 : i32
        %dma_wait3A_127 = tpu.memref_slice %arg4[%scan3A_126, %dma_wait3A] : memref<88x128xi32, #tpu.memory_space<vmem>> -> memref<1x128xi32, #tpu.memory_space<vmem>>
        %dma_wait3A_128 = tpu.memref_squeeze %dma_wait3A_127 : memref<1x128xi32, #tpu.memory_space<vmem>> -> memref<128xi32, #tpu.memory_space<vmem>>
        %dma_wait3A_129 = arith.constant 0 : i32
        %dma_wait3A_130 = tpu.memref_slice %arg7[%dma_wait3A_129] : memref<10240xf32, #tpu.memory_space<vmem_shared>> -> memref<10240xf32, #tpu.memory_space<vmem_shared>>
        tpu.wait_indirect_dma semaphore(%arg8 : memref<!tpu.dma_semaphore, #tpu.memory_space<semaphore_mem>>) src(%arg5 : memref<128xf32, #tpu.memory_space<vmem>>) dst(%dma_wait3A_130 : memref<10240xf32, #tpu.memory_space<vmem_shared>>)
        %add3A_131 = arith.constant 8 : i32
        %add3A_132 = arith.addi %scan3A_126, %add3A_131 : i32
        %dma_start3A_133 = arith.constant 0 : i32
        %dma_start3A_134 = tpu.memref_slice %arg4[%add3A_132, %dma_start3A_133] : memref<88x128xi32, #tpu.memory_space<vmem>> -> memref<1x128xi32, #tpu.memory_space<vmem>>
        %dma_start3A_135 = tpu.memref_squeeze %dma_start3A_134 : memref<1x128xi32, #tpu.memory_space<vmem>> -> memref<128xi32, #tpu.memory_space<vmem>>
        %dma_start3A_136 = arith.constant 0 : i32
        %dma_start3A_137 = tpu.memref_slice %arg7[%dma_start3A_136] : memref<10240xf32, #tpu.memory_space<vmem_shared>> -> memref<10240xf32, #tpu.memory_space<vmem_shared>>
        tpu.enqueue_indirect_dma source(%arg5 : memref<128xf32, #tpu.memory_space<vmem>>) target(%dma_start3A_137 : memref<10240xf32, #tpu.memory_space<vmem_shared>>) offsets(%dma_start3A_135 : memref<128xi32, #tpu.memory_space<vmem>>) semaphore(%arg8 : memref<!tpu.dma_semaphore, #tpu.memory_space<semaphore_mem>>) {add = true}
      }
      %scan3A_120 = arith.constant 64 : i32
      %scan3A_121 = arith.constant 64 : i32
      %scan3A_122 = arith.constant 8 : i32
      %scan3A_123 = arith.addi %scan3A_121, %scan3A_122 : i32
      %scan3A_124 = arith.constant 1 : i32
      scf.for %scan3A_126 = %scan3A_121 to %scan3A_123 step %scan3A_124  : i32 {
        %dma_wait3A = arith.constant 0 : i32
        %dma_wait3A_127 = tpu.memref_slice %arg4[%scan3A_126, %dma_wait3A] : memref<88x128xi32, #tpu.memory_space<vmem>> -> memref<1x128xi32, #tpu.memory_space<vmem>>
        %dma_wait3A_128 = tpu.memref_squeeze %dma_wait3A_127 : memref<1x128xi32, #tpu.memory_space<vmem>> -> memref<128xi32, #tpu.memory_space<vmem>>
        %dma_wait3A_129 = arith.constant 0 : i32
        %dma_wait3A_130 = tpu.memref_slice %arg7[%dma_wait3A_129] : memref<10240xf32, #tpu.memory_space<vmem_shared>> -> memref<10240xf32, #tpu.memory_space<vmem_shared>>
        tpu.wait_indirect_dma semaphore(%arg8 : memref<!tpu.dma_semaphore, #tpu.memory_space<semaphore_mem>>) src(%arg5 : memref<128xf32, #tpu.memory_space<vmem>>) dst(%dma_wait3A_130 : memref<10240xf32, #tpu.memory_space<vmem_shared>>)
      }
      %scan3A_125 = arith.constant 8 : i32
    } else {
    }
    %barrier3A = arith.constant 0 : index
    tpu.barrier barrier_id(%barrier3A)
    %mul3A_58 = arith.constant 640 : i32
    %mul3A_59 = arith.muli %arg1, %mul3A_58 : i32
    "tpu.region"() ({
      %run_scoped3A = tpu.sem_alloc : memref<!tpu.dma_semaphore, #tpu.memory_space<semaphore_mem>>
      %dma_start3A = tpu.memref_slice %arg7[%mul3A_59] : memref<10240xf32, #tpu.memory_space<vmem_shared>> -> memref<640xf32, #tpu.memory_space<vmem_shared>>
      %dma_start3A_64 = tpu.memref_slice %arg7[%mul3A_59] : memref<10240xf32, #tpu.memory_space<vmem_shared>> -> memref<640xf32, #tpu.memory_space<vmem_shared>>
      tpu.enqueue_dma source(%dma_start3A_64 : memref<640xf32, #tpu.memory_space<vmem_shared>>) target(%arg6 : memref<640xf32, #tpu.memory_space<vmem>>) target_semaphore(%run_scoped3A : memref<!tpu.dma_semaphore, #tpu.memory_space<semaphore_mem>>)
      %dma_wait3A = tpu.memref_slice %arg7[%mul3A_59] : memref<10240xf32, #tpu.memory_space<vmem_shared>> -> memref<640xf32, #tpu.memory_space<vmem_shared>>
      %dma_wait3A_65 = tpu.memref_slice %arg7[%mul3A_59] : memref<10240xf32, #tpu.memory_space<vmem_shared>> -> memref<640xf32, #tpu.memory_space<vmem_shared>>
      tpu.wait_dma2 semaphore(%run_scoped3A : memref<!tpu.dma_semaphore, #tpu.memory_space<semaphore_mem>>) src(%dma_wait3A_65 : memref<640xf32, #tpu.memory_space<vmem_shared>>) dst(%arg6 : memref<640xf32, #tpu.memory_space<vmem>>)
      tpu.yield
    }) : () -> ()
    %mul3A_60 = arith.constant 10240 : i32
    %mul3A_61 = arith.muli %arg0, %mul3A_60 : i32
    %mul3A_62 = arith.constant 640 : i32
    %mul3A_63 = arith.muli %arg1, %mul3A_62 : i32
    %add3A = arith.addi %mul3A_61, %mul3A_63 : i32
    "tpu.region"() ({
      %run_scoped3A = tpu.sem_alloc : memref<!tpu.dma_semaphore, #tpu.memory_space<semaphore_mem>>
      %dma_start3A = tpu.memref_slice %arg3[%add3A] : memref<20480xf32, #tpu.memory_space<hbm>> -> memref<640xf32, #tpu.memory_space<hbm>>
      %dma_start3A_64 = tpu.memref_slice %arg3[%add3A] : memref<20480xf32, #tpu.memory_space<hbm>> -> memref<640xf32, #tpu.memory_space<hbm>>
      tpu.enqueue_dma source(%arg6 : memref<640xf32, #tpu.memory_space<vmem>>) target(%dma_start3A_64 : memref<640xf32, #tpu.memory_space<hbm>>) target_semaphore(%run_scoped3A : memref<!tpu.dma_semaphore, #tpu.memory_space<semaphore_mem>>)
      %dma_wait3A = tpu.memref_slice %arg3[%add3A] : memref<20480xf32, #tpu.memory_space<hbm>> -> memref<640xf32, #tpu.memory_space<hbm>>
      %dma_wait3A_65 = tpu.memref_slice %arg3[%add3A] : memref<20480xf32, #tpu.memory_space<hbm>> -> memref<640xf32, #tpu.memory_space<hbm>>
      tpu.wait_dma2 semaphore(%run_scoped3A : memref<!tpu.dma_semaphore, #tpu.memory_space<semaphore_mem>>) src(%arg6 : memref<640xf32, #tpu.memory_space<vmem>>) dst(%dma_wait3A_65 : memref<640xf32, #tpu.memory_space<hbm>>)
      tpu.yield
    }) : () -> ()
    return
  }
}

module attributes {stable_mosaic.version = 14 : i64} {
  func.func @body(%arg0: i32, %arg1: memref<1000x128xf32, #tpu.memory_space<vmem>>, %arg2: memref<128x64xf32, #tpu.memory_space<vmem>>, %arg3: memref<1000x64xf32, #tpu.memory_space<vmem>>) attributes {dimension_semantics = [#tpu.dimension_semantics<arbitrary>], iteration_bounds = array<i64: 10>, scalar_prefetch = 0 : i64, scratch_operands = 0 : i64, tpu.core_type = #tpu.core_type<tc>, window_params = [{transform_indices = @transform_0, window_bounds = array<i64: 1000, 128>}, {pipeline_mode = #tpu.pipeline_mode<synchronous>, transform_indices = @transform_1, window_bounds = array<i64: 128, 64>}, {transform_indices = @transform_2, window_bounds = array<i64: 1000, 64>}]} {
    %get3A = arith.constant 0 : index
    %get3A_0 = arith.constant 0 : index
    %get3A_1 = vector.load %arg1[%get3A, %get3A_0] : memref<1000x128xf32, #tpu.memory_space<vmem>>, vector<1000x128xf32>
    %get3A_2 = arith.constant 0 : index
    %get3A_3 = arith.constant 0 : index
    %get3A_4 = vector.load %arg2[%get3A_2, %get3A_3] : memref<128x64xf32, #tpu.memory_space<vmem>>, vector<128x64xf32>
    %dot_general3A = arith.constant dense<0.000000e+00> : vector<1000x64xf32>
    %dot_general3A_5 = tpu.matmul %get3A_1, %get3A_4, %dot_general3A {dimension_numbers = #tpu.dot_dimension_numbers<[1], [0], [0], [1], [0, 0, 1, 1], [], []>, transpose_lhs_hint = false} : vector<1000x128xf32>, vector<128x64xf32>, vector<1000x64xf32> -> vector<1000x64xf32>
    %swap3A = arith.constant 0 : index
    %swap3A_6 = arith.constant 0 : index
    %swap3A_7 = vector.load %arg3[%swap3A, %swap3A_6] : memref<1000x64xf32, #tpu.memory_space<vmem>>, vector<1000x64xf32>
    tpu.vector_store %arg3[%swap3A, %swap3A_6], %dot_general3A_5 {strides = array<i32>} : memref<1000x64xf32, #tpu.memory_space<vmem>>, vector<1000x64xf32>,
    return
  }
  func.func @transform_0(%arg0: i32) -> (i32, i32) {
    %c0_i32 = arith.constant 0 : i32
    %c0_i32_0 = arith.constant 0 : i32
    return %arg0, %c0_i32 : i32, i32
  }
  func.func @transform_1(%arg0: i32) -> (i32, i32) {
    %c0_i32 = arith.constant 0 : i32
    %c0_i32_0 = arith.constant 0 : i32
    %c0_i32_1 = arith.constant 0 : i32
    return %c0_i32, %c0_i32_0 : i32, i32
  }
  func.func @transform_2(%arg0: i32) -> (i32, i32) {
    %c0_i32 = arith.constant 0 : i32
    %c0_i32_0 = arith.constant 0 : i32
    return %arg0, %c0_i32 : i32, i32
  }
}

module attributes {stable_mosaic.version = 14 : i64} {
  func.func @body(%arg0: i32, %arg1: memref<2x1000x1xf32, #tpu.memory_space<vmem>>, %arg2: memref<1000x64xf32, #tpu.memory_space<vmem>>, %arg3: memref<1000x32xi32, #tpu.memory_space<vmem>>, %arg4: memref<1000x1xf32, #tpu.memory_space<vmem>>) attributes {dimension_semantics = [#tpu.dimension_semantics<arbitrary>], iteration_bounds = array<i64: 10>, scalar_prefetch = 0 : i64, scratch_operands = 0 : i64, tpu.core_type = #tpu.core_type<tc>, window_params = [{transform_indices = @transform_0, window_bounds = array<i64: 2, 1000, 1>}, {transform_indices = @transform_1, window_bounds = array<i64: 1000, 64>}, {transform_indices = @transform_2, window_bounds = array<i64: 1000, 32>}, {transform_indices = @transform_3, window_bounds = array<i64: 1000, 1>}]} {
    %get3A = arith.constant 0 : index
    %get3A_0 = arith.constant 0 : index
    %get3A_1 = arith.constant 0 : index
    %get3A_2 = vector.load %arg1[%get3A, %get3A_0, %get3A_1] : memref<2x1000x1xf32, #tpu.memory_space<vmem>>, vector<1x1000x1xf32>
    %get3A_3 = vector.shape_cast %get3A_2 : vector<1x1000x1xf32> to vector<1000x1xf32>
    %add3A = arith.constant 0.000000e+00 : f32
    %add3A_4 = vector.broadcast %add3A : f32 to vector<1000x1xf32>
    %add3A_5 = arith.addf %add3A_4, %get3A_3 : vector<1000x1xf32>
    %get3A_6 = arith.constant 1 : index
    %get3A_7 = arith.constant 0 : index
    %get3A_8 = arith.constant 0 : index
    %get3A_9 = vector.load %arg1[%get3A_6, %get3A_7, %get3A_8] : memref<2x1000x1xf32, #tpu.memory_space<vmem>>, vector<1x1000x1xf32>
    %get3A_10 = vector.shape_cast %get3A_9 : vector<1x1000x1xf32> to vector<1000x1xf32>
    %add3A_11 = arith.addf %add3A_5, %get3A_10 : vector<1000x1xf32>
    %add3A_12 = arith.constant 1.000000e+00 : f32
    %add3A_13 = vector.broadcast %add3A_12 : f32 to vector<1000x1xf32>
    %add3A_14 = arith.addf %add3A_11, %add3A_13 : vector<1000x1xf32>
    %max3A = arith.constant 1.000000e+00 : f32
    %max3A_15 = vector.broadcast %max3A : f32 to vector<1000x1xf32>
    %max3A_16 = arith.maximumf %add3A_14, %max3A_15 : vector<1000x1xf32>
    %rsqrt3A = math.rsqrt %max3A_16 : vector<1000x1xf32>
    %get3A_17 = arith.constant 0 : index
    %get3A_18 = arith.constant 0 : index
    %get3A_19 = vector.load %arg2[%get3A_17, %get3A_18] : memref<1000x64xf32, #tpu.memory_space<vmem>>, vector<1000x64xf32>
    %mul3A = vector.broadcast %rsqrt3A : vector<1000x1xf32> to vector<1000x64xf32>
    %mul3A_20 = arith.mulf %get3A_19, %mul3A : vector<1000x64xf32>
    %convert_element_type3A = arith.truncf %mul3A_20 : vector<1000x64xf32> to vector<1000x64xbf16>
    %bitcast_convert_type3A = tpu.bitcast %convert_element_type3A : vector<1000x64xbf16> -> vector<1000x64xi16>
    %convert_element_type3A_21 = arith.extui %bitcast_convert_type3A : vector<1000x64xi16> to vector<1000x64xi32>
    %slice3A = vector.extract_strided_slice %convert_element_type3A_21 {offsets = [0, 0], sizes = [1000, 32], strides = [1, 1]} : vector<1000x64xi32> to vector<1000x32xi32>
    %slice3A_22 = vector.extract_strided_slice %convert_element_type3A_21 {offsets = [0, 32], sizes = [1000, 32], strides = [1, 1]} : vector<1000x64xi32> to vector<1000x32xi32>
    %shift_left3A = arith.constant 16 : i32
    %shift_left3A_23 = vector.broadcast %shift_left3A : i32 to vector<1000x32xi32>
    %shift_left3A_24 = arith.shli %slice3A_22, %shift_left3A_23 : vector<1000x32xi32>
    %or3A = arith.ori %slice3A, %shift_left3A_24 : vector<1000x32xi32>
    %bitcast_convert_type3A_25 = tpu.bitcast %or3A : vector<1000x32xi32> -> vector<1000x32xi32>
    %swap3A = arith.constant 0 : index
    %swap3A_26 = arith.constant 0 : index
    %swap3A_27 = vector.load %arg3[%swap3A, %swap3A_26] : memref<1000x32xi32, #tpu.memory_space<vmem>>, vector<1000x32xi32>
    tpu.vector_store %arg3[%swap3A, %swap3A_26], %bitcast_convert_type3A_25 {strides = array<i32>} : memref<1000x32xi32, #tpu.memory_space<vmem>>, vector<1000x32xi32>,
    %swap3A_28 = arith.constant 0 : index
    %swap3A_29 = arith.constant 0 : index
    %swap3A_30 = vector.load %arg4[%swap3A_28, %swap3A_29] : memref<1000x1xf32, #tpu.memory_space<vmem>>, vector<1000x1xf32>
    tpu.vector_store %arg4[%swap3A_28, %swap3A_29], %rsqrt3A {strides = array<i32>} : memref<1000x1xf32, #tpu.memory_space<vmem>>, vector<1000x1xf32>,
    return
  }
  func.func @transform_0(%arg0: i32) -> (i32, i32, i32) {
    %c0_i32 = arith.constant 0 : i32
    %c0_i32_0 = arith.constant 0 : i32
    %c0_i32_1 = arith.constant 0 : i32
    return %c0_i32, %arg0, %c0_i32_0 : i32, i32, i32
  }
  func.func @transform_1(%arg0: i32) -> (i32, i32) {
    %c0_i32 = arith.constant 0 : i32
    %c0_i32_0 = arith.constant 0 : i32
    return %arg0, %c0_i32 : i32, i32
  }
  func.func @transform_2(%arg0: i32) -> (i32, i32) {
    %c0_i32 = arith.constant 0 : i32
    %c0_i32_0 = arith.constant 0 : i32
    return %arg0, %c0_i32 : i32, i32
  }
  func.func @transform_3(%arg0: i32) -> (i32, i32) {
    %c0_i32 = arith.constant 0 : i32
    %c0_i32_0 = arith.constant 0 : i32
    return %arg0, %c0_i32 : i32, i32
  }
}

module attributes {stable_mosaic.version = 14 : i64} {
  func.func @body(%arg0: i32, %arg1: memref<2x1000x64xf32, #tpu.memory_space<vmem>>, %arg2: memref<1000x32xi32, #tpu.memory_space<vmem>>, %arg3: memref<1000x1xf32, #tpu.memory_space<vmem>>, %arg4: memref<64x16xf32, #tpu.memory_space<vmem>>, %arg5: memref<1x64xf32, #tpu.memory_space<vmem>>, %arg6: memref<1000x16xf32, #tpu.memory_space<vmem>>) attributes {dimension_semantics = [#tpu.dimension_semantics<arbitrary>], iteration_bounds = array<i64: 10>, scalar_prefetch = 0 : i64, scratch_operands = 0 : i64, tpu.core_type = #tpu.core_type<tc>, window_params = [{transform_indices = @transform_0, window_bounds = array<i64: 2, 1000, 64>}, {transform_indices = @transform_1, window_bounds = array<i64: 1000, 32>}, {transform_indices = @transform_2, window_bounds = array<i64: 1000, 1>}, {pipeline_mode = #tpu.pipeline_mode<synchronous>, transform_indices = @transform_3, window_bounds = array<i64: 64, 16>}, {pipeline_mode = #tpu.pipeline_mode<synchronous>, transform_indices = @transform_4, window_bounds = array<i64: 1, 64>}, {transform_indices = @transform_5, window_bounds = array<i64: 1000, 16>}]} {
    %get3A = arith.constant 0 : index
    %get3A_0 = arith.constant 0 : index
    %get3A_1 = vector.load %arg2[%get3A, %get3A_0] : memref<1000x32xi32, #tpu.memory_space<vmem>>, vector<1000x32xi32>
    %shift_left3A = arith.constant 16 : i32
    %shift_left3A_2 = vector.broadcast %shift_left3A : i32 to vector<1000x32xi32>
    %shift_left3A_3 = arith.shli %get3A_1, %shift_left3A_2 : vector<1000x32xi32>
    %bitcast_convert_type3A = tpu.bitcast %shift_left3A_3 : vector<1000x32xi32> -> vector<1000x32xf32>
    %and3A = arith.constant -65536 : i32
    %and3A_4 = vector.broadcast %and3A : i32 to vector<1000x32xi32>
    %and3A_5 = arith.andi %get3A_1, %and3A_4 : vector<1000x32xi32>
    %bitcast_convert_type3A_6 = tpu.bitcast %and3A_5 : vector<1000x32xi32> -> vector<1000x32xf32>
    %concatenate3A = tpu.concatenate %bitcast_convert_type3A, %bitcast_convert_type3A_6 in 1 : vector<1000x32xf32>, vector<1000x32xf32> -> vector<1000x64xf32>
    %get3A_7 = arith.constant 0 : index
    %get3A_8 = arith.constant 0 : index
    %get3A_9 = arith.constant 0 : index
    %get3A_10 = vector.load %arg1[%get3A_7, %get3A_8, %get3A_9] : memref<2x1000x64xf32, #tpu.memory_space<vmem>>, vector<1x1000x64xf32>
    %get3A_11 = vector.shape_cast %get3A_10 : vector<1x1000x64xf32> to vector<1000x64xf32>
    %add3A = arith.constant 0.000000e+00 : f32
    %add3A_12 = vector.broadcast %add3A : f32 to vector<1000x64xf32>
    %add3A_13 = arith.addf %add3A_12, %get3A_11 : vector<1000x64xf32>
    %get3A_14 = arith.constant 1 : index
    %get3A_15 = arith.constant 0 : index
    %get3A_16 = arith.constant 0 : index
    %get3A_17 = vector.load %arg1[%get3A_14, %get3A_15, %get3A_16] : memref<2x1000x64xf32, #tpu.memory_space<vmem>>, vector<1x1000x64xf32>
    %get3A_18 = vector.shape_cast %get3A_17 : vector<1x1000x64xf32> to vector<1000x64xf32>
    %add3A_19 = arith.addf %add3A_13, %get3A_18 : vector<1000x64xf32>
    %add3A_20 = arith.addf %add3A_19, %concatenate3A : vector<1000x64xf32>
    %get3A_21 = arith.constant 0 : index
    %get3A_22 = arith.constant 0 : index
    %get3A_23 = vector.load %arg3[%get3A_21, %get3A_22] : memref<1000x1xf32, #tpu.memory_space<vmem>>, vector<1000x1xf32>
    %mul3A = vector.broadcast %get3A_23 : vector<1000x1xf32> to vector<1000x64xf32>
    %mul3A_24 = arith.mulf %add3A_20, %mul3A : vector<1000x64xf32>
    %get3A_25 = arith.constant 0 : index
    %get3A_26 = arith.constant 0 : index
    %get3A_27 = vector.load %arg5[%get3A_25, %get3A_26] : memref<1x64xf32, #tpu.memory_space<vmem>>, vector<1x64xf32>
    %add3A_28 = vector.broadcast %get3A_27 : vector<1x64xf32> to vector<1000x64xf32>
    %add3A_29 = arith.addf %mul3A_24, %add3A_28 : vector<1000x64xf32>
    %max3A = arith.constant 0.000000e+00 : f32
    %max3A_30 = vector.broadcast %max3A : f32 to vector<1000x64xf32>
    %max3A_31 = arith.maximumf %add3A_29, %max3A_30 : vector<1000x64xf32>
    %get3A_32 = arith.constant 0 : index
    %get3A_33 = arith.constant 0 : index
    %get3A_34 = vector.load %arg4[%get3A_32, %get3A_33] : memref<64x16xf32, #tpu.memory_space<vmem>>, vector<64x16xf32>
    %dot_general3A = arith.constant dense<0.000000e+00> : vector<1000x16xf32>
    %dot_general3A_35 = tpu.matmul %max3A_31, %get3A_34, %dot_general3A {dimension_numbers = #tpu.dot_dimension_numbers<[1], [0], [0], [1], [0, 0, 1, 1], [], []>, transpose_lhs_hint = false} : vector<1000x64xf32>, vector<64x16xf32>, vector<1000x16xf32> -> vector<1000x16xf32>
    %get3A_36 = arith.constant 0 : index
    %get3A_37 = arith.constant 0 : index
    %get3A_38 = vector.load %arg3[%get3A_36, %get3A_37] : memref<1000x1xf32, #tpu.memory_space<vmem>>, vector<1000x1xf32>
    %mul3A_39 = vector.broadcast %get3A_38 : vector<1000x1xf32> to vector<1000x16xf32>
    %mul3A_40 = arith.mulf %dot_general3A_35, %mul3A_39 : vector<1000x16xf32>
    %swap3A = arith.constant 0 : index
    %swap3A_41 = arith.constant 0 : index
    %swap3A_42 = vector.load %arg6[%swap3A, %swap3A_41] : memref<1000x16xf32, #tpu.memory_space<vmem>>, vector<1000x16xf32>
    tpu.vector_store %arg6[%swap3A, %swap3A_41], %mul3A_40 {strides = array<i32>} : memref<1000x16xf32, #tpu.memory_space<vmem>>, vector<1000x16xf32>,
    return
  }
  func.func @transform_0(%arg0: i32) -> (i32, i32, i32) {
    %c0_i32 = arith.constant 0 : i32
    %c0_i32_0 = arith.constant 0 : i32
    %c0_i32_1 = arith.constant 0 : i32
    return %c0_i32, %arg0, %c0_i32_0 : i32, i32, i32
  }
  func.func @transform_1(%arg0: i32) -> (i32, i32) {
    %c0_i32 = arith.constant 0 : i32
    %c0_i32_0 = arith.constant 0 : i32
    return %arg0, %c0_i32 : i32, i32
  }
  func.func @transform_2(%arg0: i32) -> (i32, i32) {
    %c0_i32 = arith.constant 0 : i32
    %c0_i32_0 = arith.constant 0 : i32
    return %arg0, %c0_i32 : i32, i32
  }
  func.func @transform_3(%arg0: i32) -> (i32, i32) {
    %c0_i32 = arith.constant 0 : i32
    %c0_i32_0 = arith.constant 0 : i32
    %c0_i32_1 = arith.constant 0 : i32
    return %c0_i32, %c0_i32_0 : i32, i32
  }
  func.func @transform_4(%arg0: i32) -> (i32, i32) {
    %c0_i32 = arith.constant 0 : i32
    %c0_i32_0 = arith.constant 0 : i32
    %c0_i32_1 = arith.constant 0 : i32
    return %c0_i32, %c0_i32_0 : i32, i32
  }
  func.func @transform_5(%arg0: i32) -> (i32, i32) {
    %c0_i32 = arith.constant 0 : i32
    %c0_i32_0 = arith.constant 0 : i32
    return %arg0, %c0_i32 : i32, i32
  }
}

module attributes {stable_mosaic.version = 14 : i64} {
  func.func @body(%arg0: i32, %arg1: memref<2x1000x16xf32, #tpu.memory_space<vmem>>, %arg2: memref<1000x16xf32, #tpu.memory_space<vmem>>, %arg3: memref<1000x1xf32, #tpu.memory_space<vmem>>, %arg4: memref<1x2xf32, #tpu.memory_space<vmem>>, %arg5: memref<1000x2xf32, #tpu.memory_space<vmem>>) attributes {dimension_semantics = [#tpu.dimension_semantics<arbitrary>], iteration_bounds = array<i64: 10>, scalar_prefetch = 0 : i64, scratch_operands = 0 : i64, tpu.core_type = #tpu.core_type<tc>, window_params = [{transform_indices = @transform_0, window_bounds = array<i64: 2, 1000, 16>}, {transform_indices = @transform_1, window_bounds = array<i64: 1000, 16>}, {transform_indices = @transform_2, window_bounds = array<i64: 1000, 1>}, {pipeline_mode = #tpu.pipeline_mode<synchronous>, transform_indices = @transform_3, window_bounds = array<i64: 1, 2>}, {transform_indices = @transform_4, window_bounds = array<i64: 1000, 2>}]} {
    %get3A = arith.constant 0 : index
    %get3A_0 = arith.constant 0 : index
    %get3A_1 = arith.constant 0 : index
    %get3A_2 = vector.load %arg1[%get3A, %get3A_0, %get3A_1] : memref<2x1000x16xf32, #tpu.memory_space<vmem>>, vector<1x1000x16xf32>
    %get3A_3 = vector.shape_cast %get3A_2 : vector<1x1000x16xf32> to vector<1000x16xf32>
    %add3A = arith.constant 0.000000e+00 : f32
    %add3A_4 = vector.broadcast %add3A : f32 to vector<1000x16xf32>
    %add3A_5 = arith.addf %add3A_4, %get3A_3 : vector<1000x16xf32>
    %get3A_6 = arith.constant 1 : index
    %get3A_7 = arith.constant 0 : index
    %get3A_8 = arith.constant 0 : index
    %get3A_9 = vector.load %arg1[%get3A_6, %get3A_7, %get3A_8] : memref<2x1000x16xf32, #tpu.memory_space<vmem>>, vector<1x1000x16xf32>
    %get3A_10 = vector.shape_cast %get3A_9 : vector<1x1000x16xf32> to vector<1000x16xf32>
    %add3A_11 = arith.addf %add3A_5, %get3A_10 : vector<1000x16xf32>
    %get3A_12 = arith.constant 0 : index
    %get3A_13 = arith.constant 0 : index
    %get3A_14 = vector.load %arg2[%get3A_12, %get3A_13] : memref<1000x16xf32, #tpu.memory_space<vmem>>, vector<1000x16xf32>
    %add3A_15 = arith.addf %add3A_11, %get3A_14 : vector<1000x16xf32>
    %get3A_16 = arith.constant 0 : index
    %get3A_17 = arith.constant 0 : index
    %get3A_18 = vector.load %arg3[%get3A_16, %get3A_17] : memref<1000x1xf32, #tpu.memory_space<vmem>>, vector<1000x1xf32>
    %mul3A = vector.broadcast %get3A_18 : vector<1000x1xf32> to vector<1000x16xf32>
    %mul3A_19 = arith.mulf %add3A_15, %mul3A : vector<1000x16xf32>
    %slice3A = vector.extract_strided_slice %mul3A_19 {offsets = [0, 0], sizes = [1000, 2], strides = [1, 1]} : vector<1000x16xf32> to vector<1000x2xf32>
    %get3A_20 = arith.constant 0 : index
    %get3A_21 = arith.constant 0 : index
    %get3A_22 = vector.load %arg4[%get3A_20, %get3A_21] : memref<1x2xf32, #tpu.memory_space<vmem>>, vector<1x2xf32>
    %add3A_23 = vector.broadcast %get3A_22 : vector<1x2xf32> to vector<1000x2xf32>
    %add3A_24 = arith.addf %slice3A, %add3A_23 : vector<1000x2xf32>
    %reduce_max3A = arith.constant dense<0xFF800000> : vector<1000xf32>
    %reduce_max3A_25 = vector.multi_reduction <maximumf>, %add3A_24, %reduce_max3A [1] : vector<1000x2xf32> to vector<1000xf32>
    %broadcast_in_dim3A = vector.shape_cast %reduce_max3A_25 : vector<1000xf32> to vector<1000x1xf32>
    %sub3A = vector.broadcast %broadcast_in_dim3A : vector<1000x1xf32> to vector<1000x2xf32>
    %sub3A_26 = arith.subf %add3A_24, %sub3A : vector<1000x2xf32>
    %exp3A = math.exp %sub3A_26 : vector<1000x2xf32>
    %reduce_sum3A = arith.constant dense<0.000000e+00> : vector<1000xf32>
    %reduce_sum3A_27 = vector.multi_reduction <add>, %exp3A, %reduce_sum3A [1] : vector<1000x2xf32> to vector<1000xf32>
    %broadcast_in_dim3A_28 = vector.shape_cast %reduce_sum3A_27 : vector<1000xf32> to vector<1000x1xf32>
    %log3A = math.log %broadcast_in_dim3A_28 : vector<1000x1xf32>
    %add3A_29 = arith.addf %broadcast_in_dim3A, %log3A : vector<1000x1xf32>
    %sub3A_30 = vector.broadcast %add3A_29 : vector<1000x1xf32> to vector<1000x2xf32>
    %sub3A_31 = arith.subf %add3A_24, %sub3A_30 : vector<1000x2xf32>
    %swap3A = arith.constant 0 : index
    %swap3A_32 = arith.constant 0 : index
    %swap3A_33 = vector.load %arg5[%swap3A, %swap3A_32] : memref<1000x2xf32, #tpu.memory_space<vmem>>, vector<1000x2xf32>
    tpu.vector_store %arg5[%swap3A, %swap3A_32], %sub3A_31 {strides = array<i32>} : memref<1000x2xf32, #tpu.memory_space<vmem>>, vector<1000x2xf32>,
    return
  }
  func.func @transform_0(%arg0: i32) -> (i32, i32, i32) {
    %c0_i32 = arith.constant 0 : i32
    %c0_i32_0 = arith.constant 0 : i32
    %c0_i32_1 = arith.constant 0 : i32
    return %c0_i32, %arg0, %c0_i32_0 : i32, i32, i32
  }
  func.func @transform_1(%arg0: i32) -> (i32, i32) {
    %c0_i32 = arith.constant 0 : i32
    %c0_i32_0 = arith.constant 0 : i32
    return %arg0, %c0_i32 : i32, i32
  }
  func.func @transform_2(%arg0: i32) -> (i32, i32) {
    %c0_i32 = arith.constant 0 : i32
    %c0_i32_0 = arith.constant 0 : i32
    return %arg0, %c0_i32 : i32, i32
  }
  func.func @transform_3(%arg0: i32) -> (i32, i32) {
    %c0_i32 = arith.constant 0 : i32
    %c0_i32_0 = arith.constant 0 : i32
    %c0_i32_1 = arith.constant 0 : i32
    return %c0_i32, %c0_i32_0 : i32, i32
  }
  func.func @transform_4(%arg0: i32) -> (i32, i32) {
    %c0_i32 = arith.constant 0 : i32
    %c0_i32_0 = arith.constant 0 : i32
    return %arg0, %c0_i32 : i32, i32
  }
}

</mosaic_0001>

<sc_bundles>
// kernel: kernel.12.cloned.1.call-start
scs
__scs_entry_jumppad:
0x0: {  	(pc) =	sbr.rel $0x88, $3  }
0x1: {  	(tag) =	ssettag $0x0;
	lr =	simm.s32 $0x1  }
0x2: {  	[smem:$0x3F9B] =	sst lr;
	_ =	strace $0xD0000000  }
0x3: {  	_ = 	snop  }
0x4: {  	_ = 	snop  }
0x5: {  	_ = 	snop  }
0x6: {  	_ = 	snop  }
0x7: {  	_ = 	snop  }
__scs_overlays_trampoline_lowered:
0x8: {  	[smem:$0x3FAA] =	sst s0  }
0x9: {  	[smem:$0x3FAB] =	sst s1  }
0xa: {  	[smem:$0x3FAC] =	sst s2  }
0xb: {  	[smem:$0x3FAD] =	sst s3  }
0xc: {  	[smem:$0x3FAE] =	sst s4  }
0xd: {  	[smem:$0x3FAF] =	sst s5  }
0xe: {  	[smem:$0x3FB0] =	sst s6  }
0xf: {  	[smem:$0x3FB1] =	sst s7  }
0x10: {  	[smem:$0x3FB2] =	sst s8  }
0x11: {  	[smem:$0x3FB3] =	sst s9;
	s0 =	simm.s32 @!p0 $0x0  }
0x12: {  	s1 =	sld [smem:$0x3F99];
	s0 =	simm.s32 @p0 $0x1  }
0x13: {  	[smem:$0x3FB4] =	sst s0;
	s0 =	simm.s32 @!p1 $0x0  }
0x14: {  	s2 =	sld [smem:$0x3F98];
	s0 =	simm.s32 @p1 $0x1  }
0x15: {  	[smem:$0x3FB5] =	sst s0;
	s0 =	simm.s32 @!p2 $0x0  }
0x16: {  	s3 =	sld [smem:$0x3FDB];
	s0 =	simm.s32 @p2 $0x1  }
0x17: {  	s4 =	simm.s32 $0x1BF5;
	[smem:$0x3FB7] =	sst s0  }
0x18: {  	s0 =	sld [smem:$0x3F9A];
	_ =	swait.ge [sflag:s4], $0x0  }
0x19: {  	s7 =	sld [smem:$0x3F9B]  }
0x1a: {  	s8 =	sadd.s32 $0xFFFFE003, lr  }
0x1b: {  	s9 =	sadd.s32 $0xFFFFFEF7, lr;
	s5 =	simm.s32 $0xFFFFFFFF;
	p2 =	slt.u32 s8, $0xFFFFF086  }
0x1c: {  	p1 =	slt.u32 s9, $0xF7A;
	s5 =	simm.s32 @!p2 $0x0  }
0x1d: {  	s5 =	simm.s32 @p1 $0x1;
	p0 =	seq.s32 s7, s2  }
0x1e: {  	s7 =	smul.u32 @!p0 $0xF7A, s2;
	p2 =	seq.s32 @!p0 s5, $0x0  }
0x1f: {  	s9 =	smul.u32 $0xF7A, s1;
	s8 =	simm.s32 @!p0 $0x1BF5;
	p2 =	por !p2, p0  }
0x20: {  	[sflag:s8] =	ssyncset.s32 @!p0 $0xFFFFF086;
	s6 =	sadd.s32 @!p0 s3, s7;
	s7 =	simm.s32 @!p0 $0x108  }
0x21: {  	s3 =	sadd.s32 s3, s9;
	s6 =	sadd.s32 @!p0 $0x88, s6;
	s7 =	simm.s32 @p2 $0x1082  }
0x22: {  	[simem:s7], [sflag:s8] =	dma.local @!p0 [hbm:s6], $0xF7A  }
0x23: {  	s9 =	sor.u32 $0xD0000000, s2;
	s6 =	simm.s32 $0x108;
	_ =	swait.ge @!p0 [sflag:s8], $0x0  }
0x24: {  	s3 =	sadd.s32 $0x88, s3;
	s6 =	simm.s32 @!p1 $0x1082;
	[sflag:s4] =	ssyncset.s32 $0xFFFFF086  }
0x25: {  	[simem:s6], [sflag:s4] =	dma.local [hbm:s3], $0xF7A  }
0x26: {  	[smem:$0x3F9B] =	sst s1;
	(tag) =	ssettag s2;
	_ =	strace s9  }
0x27: {  	s1 =	sld [smem:$0x3FAB]  }
0x28: {  	s2 =	sld [smem:$0x3FAC]  }
0x29: {  	s4 =	sld [smem:$0x3FAE]  }
0x2a: {  	p0 =	seq.s32 s5, $0x0;
	s5 =	sld [smem:$0x3FAF]  }
0x2b: {  	s6 =	sld [smem:$0x3FB0]  }
0x2c: {  	s7 =	sld [smem:$0x3FB1]  }
0x2d: {  	s3 =	simm.s32 $0x108;
	s8 =	sld [smem:$0x3FB2]  }
0x2e: {  	s3 =	simm.s32 @!p0 $0x1082;
	s9 =	sld [smem:$0x3FB3]  }
0x2f: {  	lr =	sadd.s32 s0, s3;
	s0 =	sld [smem:$0x3FAA]  }
0x30: {  	s3 =	sld [smem:$0x3FAD]  }
0x31: {  	[smem:$0x3FB6] =	sst s10  }
0x32: {  	s10 =	sld [smem:$0x3FB4];
	_ =	sdelay $0x3  }
0x33: {  	p0 =	seq.s32 s10, $0x1;
	s10 =	sld [smem:$0x3FB6];
	_ =	sdelay $0x3  }
0x34: {  	[smem:$0x3FB6] =	sst s10  }
0x35: {  	s10 =	sld [smem:$0x3FB5];
	_ =	sdelay $0x3  }
0x36: {  	p1 =	seq.s32 s10, $0x1;
	s10 =	sld [smem:$0x3FB6];
	_ =	sdelay $0x3  }
0x37: {  	[smem:$0x3FB6] =	sst s10  }
0x38: {  	s10 =	sld [smem:$0x3FB7]  }
0x39: {  	_ = 	snop;
	(pc) =	sbr.ind lr, $3  }
0x3a: {  	_ = 	snop  }
0x3b: {  	_ = 	snop  }
0x3c: {  	p2 =	seq.s32 s10, $0x1;
	s10 =	sld [smem:$0x3FB6]  }
0x3d: {  	_ =	shalt  }
0x3e: {  	_ =	shalt  }
0x3f: {  	_ =	shalt  }
0x40: {  	_ =	shalt  }
0x41: {  	_ =	shalt  }
0x42: {  	_ =	shalt  }
0x43: {  	_ =	shalt  }
0x44: {  	_ =	shalt  }
0x45: {  	_ =	shalt  }
0x46: {  	_ =	shalt  }
0x47: {  	_ =	shalt  }
0x48: {  	_ =	shalt  }
0x49: {  	_ =	shalt  }
0x4a: {  	_ =	shalt  }
0x4b: {  	_ =	shalt  }
0x4c: {  	_ =	shalt  }
0x4d: {  	_ =	shalt  }
0x4e: {  	_ =	shalt  }
0x4f: {  	_ =	shalt  }
0x50: {  	_ =	shalt  }
0x51: {  	_ =	shalt  }
0x52: {  	_ =	shalt  }
0x53: {  	_ =	shalt  }
0x54: {  	_ =	shalt  }
0x55: {  	_ =	shalt  }
0x56: {  	_ =	shalt  }
0x57: {  	_ =	shalt  }
0x58: {  	_ =	shalt  }
0x59: {  	_ =	shalt  }
0x5a: {  	_ =	shalt  }
0x5b: {  	_ =	shalt  }
0x5c: {  	_ =	shalt  }
0x5d: {  	_ =	shalt  }
0x5e: {  	_ =	shalt  }
0x5f: {  	_ =	shalt  }
0x60: {  	_ =	shalt  }
0x61: {  	_ =	shalt  }
0x62: {  	_ =	shalt  }
0x63: {  	_ =	shalt  }
0x64: {  	_ =	shalt  }
0x65: {  	_ =	shalt  }
0x66: {  	_ =	shalt  }
0x67: {  	_ =	shalt  }
0x68: {  	_ =	shalt  }
0x69: {  	_ =	shalt  }
0x6a: {  	_ =	shalt  }
0x6b: {  	_ =	shalt  }
0x6c: {  	_ =	shalt  }
0x6d: {  	_ =	shalt  }
0x6e: {  	_ =	shalt  }
0x6f: {  	_ =	shalt  }
0x70: {  	_ =	shalt  }
0x71: {  	_ =	shalt  }
0x72: {  	_ =	shalt  }
0x73: {  	_ =	shalt  }
0x74: {  	_ =	shalt  }
0x75: {  	_ =	shalt  }
0x76: {  	_ =	shalt  }
0x77: {  	_ =	shalt  }
0x78: {  	_ =	shalt  }
0x79: {  	_ =	shalt  }
0x7a: {  	_ =	shalt  }
0x7b: {  	_ =	shalt  }
0x7c: {  	_ =	shalt  }
0x7d: {  	_ =	shalt  }
0x7e: {  	_ =	shalt  }
0x7f: {  	_ =	shalt  }
0x80: {  	_ =	shalt  }
0x81: {  	_ =	shalt  }
0x82: {  	_ =	shalt  }
0x83: {  	_ =	shalt  }
0x84: {  	_ =	shalt  }
0x85: {  	_ =	shalt  }
0x86: {  	_ =	shalt  }
0x87: {  	_ =	shalt  }
.Lfunc_end0:
.L_simem_size_0:
called_computation.1_lowered:
.L_overlay_start_0:
0x88: {  	s2 =	sld [smem:$0x3FD9]  }
0x89: {  	s3 =	sld [smem:$0x3FFE];
	_ =	sdelay $0x1  }
0x8a: {  	s1 =	srdreg.scid  }
0x8b: {  	s0 =	sand.u32 $0x1, s1  }
0x8c: {  	s16 =	sshll.u32 s0, $0xA;
	s2 =	sadd.s32 s3, s2  }
0x8d: {  	s2 =	sadd.s32 s2, s16  }
0x8e: {  	[smem:$0x3FC2] =	sst s2  }
0x8f: {  	_ = 	snop  }
0x90: {  	(tm) =	ssettm $0x1  }
0x91: {  	s17 =	sld [smem:$0x3FFB];
	_ =	sdelay $0x3  }
0x92: {  	_ =	strace s17  }
0x93: {  	s2 =	sld [smem:$0x3FFC];
	_ =	sdelay $0x3  }
0x94: {  	_ =	strace s2  }
0x95: {  	s2 =	sld [smem:$0x3FFD];
	_ =	sdelay $0x3  }
0x96: {  	_ =	strace s2  }
0x97: {  	_ =	strace $0x8FFFFFFF  }
0x98: {  	s18 =	sld [smem:$0x3FDB];
	_ =	sdelay $0x1  }
0x99: {  	s19 =	simm.s32 $_scs_section_size  }
0x9a: {  	s4 =	simm.s32 $_size__tile_overlayer_lowered;
	s5 =	simm.s32 $_tile_overlayer_lowered  }
0x9b: {  	s22 =	simm.s32 $0x1BFF;
	s21 =	sshll.u32 s5, $0x1;
	s2 =	sadd.s32 s19, s18  }
0x9c: {  	s6 =	simm.s32 $0x0;
	s20 =	sshll.u32 s4, $0x1;
	s4 =	sadd.s32 s21, s2  }
0x9d: {  	[timem:s6], [sflag:s22] =	dma.local [hbm:s4], s20  }
0x9e: {  	_ =	swait.ge [sflag:s22], s20  }
0x9f: {  	s3 =	ssub.s32 $0x0, s20;
	[sflag:s22] =	ssyncset.done $0x0  }
0xa0: {  	[sflag:s22] =	ssyncadd.s32 s3;
	_ =	sdelay $0x1  }
0xa1: {  	s23 =	simm.s32 $0x1B8B  }
0xa2: {  	_ =	swait.ge [sflag:s23], $0x1  }
0xa3: {  	[sflag:s23] =	ssyncset.done $0x0  }
0xa4: {  	s25 =	simm.s32 $0x1B8E;
	s24 =	sld [smem:$0x3FFE];
	[sflag:s23] =	ssyncadd.s32 $0xFFFFFFFF  }
0xa5: {  	s26 =	simm.s32 $execute0_lowered;
	[smem:$0x3FD2] =	sst s25  }
0xa6: {  	s4 =	sshll.u32 s26, $0x1;
	_ =	strace $0x80000049;
	[dreg:$0x1] =	wrdreg $0xFFFFFFFF  }
0xa7: {  	s28 =	simm.s32 $_size_execute0_lowered;
	s2 =	sadd.s32 s2, s4;
	[dreg:$0x0] =	wrdreg $0x0  }
0xa8: {  	s4 =	sshll.u32 s28, $0x1;
	[dreg:$0x2] =	wrdreg s2  }
0xa9: {  	[dreg:$0x3] =	wrdreg s4  }
0xaa: {  	[dreg:$0x4] =	wrdreg $0xC0  }
0xab: {  	_ =	task [dreg:s6], $0x5FFFF  }
0xac: {  	[dreg:$0x1] =	wrdreg $0xFFFFFFFF  }
0xad: {  	[dreg:$0x0] =	wrdreg $0x60  }
0xae: {  	[dreg:$0x2] =	wrdreg s24  }
0xaf: {  	[dreg:$0x3] =	wrdreg $0xD8000  }
0xb0: {  	[dreg:$0x4] =	wrdreg $0x9  }
0xb1: {  	_ =	task.clear_ibuf [dreg:s6], $0x5FFFF;
	_ =	strace $0x90000049  }
0xb2: {  	s29 =	simm.s32 $0x9;
	_ =	strace $0x8000004B  }
0xb3: {  	_ =	swait.ge [sflag:s29], $0x1  }
0xb4: {  	[sflag:s29] =	ssyncadd.s32 $0xFFFFFFFF  }
0xb5: {  	_ =	strace $0x9000004B  }
0xb6: {  	_ =	sfence  }
0xb7: {  	s30 =	sld [smem:$0x0];
	_ =	sdelay $0x2  }
0xb8: {  	s31 =	sshll.u32 s1, $0xD;
	s1 =	sshrl.u32 s1, $0x2  }
0xb9: {  	s3 =	sand.u32 $0x4000, s31;
	s1 =	sadd.s32 s1, s30  }
0xba: {  	s0 =	sor.u32 s3, s0;
	s1 =	sshll.u32 s1, $0x11  }
0xbb: {  	s0 =	sor.u32 s1, s0  }
0xbc: {  	s0 =	sadd.s32 $0x8F2B, s0  }
0xbd: {  	[sflag:s0] =	ssyncadd.remote.s32 $0x1  }
0xbe: {  	_ =	sfence.sel $0xFFFF  }
0xbf: {  	[dreg:$0x0] =	wrdreg $0xFFFFFFFF;
	(pc) =	sbr.abs _section_cstart, $3  }
0xc0: {  	[dreg:$0x1] =	wrdreg $0xFFFFFFFF  }
0xc1: {  	_ =	task.clear_ibuf [dreg:s6], $0x2FFFF;
	_ =	strace $0x9FFFFFFF  }
0xc2: {  	(tm) =	ssettm $0x7FFFFFFF  }
0xc3: {  	_ =	shalt  }
tec
execute0_lowered:
.L_overlay_start_1:
0x0: {  	(tag) =	ssettag $0x1  }
0x1: {  	s0 =	rddreg [dreg:$0x0]  }
0x2: {  	s1 =	rddreg [dreg:$0x1];
	s2 =	simm.s32 $0x0  }
0x3: {  	s3 =	srdreg.scid;
	s19 =	stileid.u32;
	s28 =	simm.s32 $0x2  }
0x4: {  	s29 =	simm.s32 $0x3;
	s30 =	simm.s32 $0x80;
	s31 =	simm.s32 $0x5800  }
0x5: {  	[smem:$0x7FF] =	sst s2;
	s10 =	sadd.s32 $0xBA00, s0;
	s12 =	smul.u32 $0xA000, s19  }
0x6: {  	s3 =	sand.u32 $0x1, s3;
	s11 =	sadd.s32 $0x1000, s0;
	s18 =	smul.u32 $0x2400, s19  }
0x7: {  	s4 =	sadd.s32 $0x15A00, s0;
	s0 =	sadd.s32 $0x1F800, s0;
	s19 =	smul.u32 $0x580, s19  }
0x8: {  	_ =	strace $0x8000004A;
	s5 =	ssub.s32 $0x2, s3;
	p0 =	seq.s32 s3, $0x1  }
0x9: {  	s3 =	smul.u32 $0xA0000, s3;
	s6 =	sshrl.u32 s5, $0x1;
	s14 =	sadd.s32 $0x2000, s12  }
0xa: {  	s15 =	sadd.s32 $0x4000, s12;
	s16 =	sadd.s32 $0x6000, s12;
	s17 =	sadd.s32 $0x8000, s12  }
0xb: {  	s18 =	sshrl.u32 s18, $0x3;
	s20 =	sadd.s32 s10, s19;
	s19 =	sadd.s32 s11, s19  }
0xc: {  	s13 =	ssub.s32 s5, s6;
	s5 =	sadd.s32 s12, s1;
	s6 =	sadd.s32 s14, s1  }
0xd: {  	s7 =	sadd.s32 s15, s1;
	s8 =	sadd.s32 s16, s1;
	[dreg:$0x3] =	wrdreg s20  }
0xe: {  	s9 =	sadd.s32 s17, s1;
	[dreg:$0x4] =	wrdreg s19;
	s18 =	sadd.s32 $0x5800, s18  }
0xf: {  	s20 =	sadd.s32 s12, s3;
	s21 =	sadd.s32 s3, s14;
	s24 =	sadd.s32 s3, s15  }
0x10: {  	s25 =	sadd.s32 s3, s16;
	s3 =	sadd.s32 s3, s17;
	s12 =	simm.s32 $0x4  }
0x11: {  	s10 =	sadd.s32 s10, s18;
	s11 =	sadd.s32 s11, s18;
	s22 =	sshrl.u32 s21, $0x3  }
0x12: {  	s26 =	sshrl.u32 s25, $0x3;
	s3 =	sshrl.u32 s3, $0x3;
	s19 =	smax.u32 s13, $0x1  }
0x13: {  	s21 =	simm.s32 $0xB800;
	s25 =	simm.s32 $0x6;
	[dreg:$0x5] =	wrdreg s10  }
0x14: {  	s13 =	simm.s32 $0x0;
	[dreg:$0x6] =	wrdreg s11;
	s10 =	sshrl.u32 s20, $0x3  }
.Ltmp0:
0x15: {  	s23 =	sadd.s32 s0, s22;
	s17 =	sadd.s32 s0, s26;
	(pc) =	sbr.rel .LBB2_1-.Ltmp0, $4  }
0x16: {  	s18 =	sadd.s32 s0, s3;
	s20 =	simm.s32 $0x9800;
	s10 =	sadd.s32 s0, s10  }
0x17: {  	s22 =	simm.s32 $0x7;
	[dreg:$0x7] =	wrdreg s10;
	s10 =	sshrl.u32 s24, $0x3  }
0x18: {  	s26 =	simm.s32 $0x1;
	[dreg:$0x8] =	wrdreg s23;
	s10 =	sadd.s32 s0, s10  }
0x19: {  	v0 =	vimm.f32 $0.0e+00;
	s23 =	simm.s32 $0x8800;
	s24 =	simm.s32 $0x5;
	[dreg:$0x9] =	wrdreg s10  }
.LBB2_34:
0x1a: {  	_ =	swait.ge [sflag:s24], $0x2000  }
0x1b: {  	[sflag:s24] =	ssyncset.done $0x0  }
0x1c: {  	[sflag:s24] =	ssyncadd.s32 $0xFFFFE000  }
0x1d: {  	_ =	swait.ge [sflag:s25], $0x2000  }
0x1e: {  	[sflag:s25] =	ssyncset.done $0x0  }
0x1f: {  	[sflag:s25] =	ssyncadd.s32 $0xFFFFE000  }
0x20: {  	[bflag:$0x0] =	sbarrier.arrive $0xFFFF  }
0x21: {  	[tilespmem:s20], [sflag:$0x1] =	stream.linear.gather [spmem:s5], $0x2000, $0x38;
	[tilespmem:$0x17800] =	vst v63  }
0x22: {  	_ = 	snop  }
0x23: {  	[tilespmem:s21], [sflag:$0x2] =	stream.linear.gather [spmem:s6], $0x2000, $0x38;
	[tilespmem:$0x17800] =	vst v63  }
0x24: {  	_ =	swait.ge [sflag:s26], $0x2000  }
0x25: {  	[sflag:s26] =	ssyncset.done $0x0  }
0x26: {  	s0 =	rddreg [dreg:$0x7];
	[sflag:s26] =	ssyncadd.s32 $0xFFFFE000  }
0x27: {  	[hbm4b:s0+s2] =	stream.linear.scatter [tilespmem:s20], [sflag:$0x5], $0x2000, $0x38;
	[tilespmem:$0x17800] =	vst v63  }
0x28: {  	_ =	swait.ge [sflag:s28], $0x2000  }
0x29: {  	[sflag:s28] =	ssyncset.done $0x0  }
0x2a: {  	s15 =	rddreg [dreg:$0x8];
	[sflag:s28] =	ssyncadd.s32 $0xFFFFE000  }
0x2b: {  	[hbm4b:s15+s2] =	stream.linear.scatter [tilespmem:s21], [sflag:$0x6], $0x2000, $0x38;
	[tilespmem:$0x17800] =	vst v63  }
0x2c: {  	_ =	swait.ge [sflag:s24], $0x2000  }
0x2d: {  	[sflag:s24] =	ssyncset.done $0x0  }
0x2e: {  	[sflag:s24] =	ssyncadd.s32 $0xFFFFE000  }
0x2f: {  	[tilespmem:s20], [sflag:$0x1] =	stream.linear.gather [spmem:s7], $0x2000, $0x38;
	[tilespmem:$0x17800] =	vst v63  }
0x30: {  	_ =	swait.ge [sflag:s26], $0x2000  }
0x31: {  	[sflag:s26] =	ssyncset.done $0x0  }
0x32: {  	s16 =	rddreg [dreg:$0x9];
	[sflag:s26] =	ssyncadd.s32 $0xFFFFE000  }
0x33: {  	[hbm4b:s16+s2] =	stream.linear.scatter [tilespmem:s20], [sflag:$0x5], $0x2000, $0x38;
	[tilespmem:$0x17800] =	vst v63  }
0x34: {  	_ =	swait.ge [sflag:s25], $0x2000  }
0x35: {  	[sflag:s25] =	ssyncset.done $0x0  }
0x36: {  	[sflag:s25] =	ssyncadd.s32 $0xFFFFE000  }
0x37: {  	[tilespmem:s21], [sflag:$0x2] =	stream.linear.gather [spmem:s8], $0x2000, $0x38;
	[tilespmem:$0x17800] =	vst v63  }
0x38: {  	_ =	swait.ge [sflag:s28], $0x2000  }
0x39: {  	[sflag:s28] =	ssyncset.done $0x0  }
0x3a: {  	[sflag:s28] =	ssyncadd.s32 $0xFFFFE000  }
0x3b: {  	[hbm4b:s17+s2] =	stream.linear.scatter [tilespmem:s21], [sflag:$0x6], $0x2000, $0x38;
	[tilespmem:$0x17800] =	vst v63  }
0x3c: {  	_ =	swait.ge [sflag:s24], $0x2000  }
0x3d: {  	[sflag:s24] =	ssyncset.done $0x0  }
0x3e: {  	[sflag:s24] =	ssyncadd.s32 $0xFFFFE000  }
0x3f: {  	[tilespmem:s20], [sflag:$0x1] =	stream.linear.gather [spmem:s9], $0x2000, $0x38;
	[tilespmem:$0x17800] =	vst v63  }
0x40: {  	_ =	swait.ge [sflag:s26], $0x2000  }
0x41: {  	[sflag:s26] =	ssyncset.done $0x0  }
0x42: {  	s13 =	sadd.s32 $0x1, s13;
	[sflag:s26] =	ssyncadd.s32 $0xFFFFE000  }
0x43: {  	[hbm4b:s18+s2] =	stream.linear.scatter [tilespmem:s20], [sflag:$0x5], $0x2000, $0x38;
	[tilespmem:$0x17800] =	vst v63  }
0x44: {  	p1 =	sne.s32 s13, s19;
	_ =	swait.ge [sflag:s25], $0x2000  }
.Ltmp1:
0x45: {  	[sflag:s25] =	ssyncset.done $0x0;
	(pc) =	sbr.rel @!p1 .LBB2_35-.Ltmp1, $4  }
0x46: {  	[sflag:s25] =	ssyncadd.s32 $0xFFFFE000  }
0x47: {  	_ =	swait.ge [sflag:s24], $0x2000  }
0x48: {  	[sflag:s24] =	ssyncset.done $0x0  }
0x49: {  	[sflag:s24] =	ssyncadd.s32 $0xFFFFE000  }
.LBB2_1:
0x4a: {  	s0 =	simm.s32 $0x0;
	s3 =	simm.s32 $0x100  }
.LBB2_2:
0x4b: {  	p1 =	sne.s32 s3, $0x7F00;
	[tilespmem:s0+$0xB830] =	vst v0  }
0x4c: {  	[tilespmem:s0+$0x9800] =	vst v0  }
0x4d: {  	[tilespmem:s0+$0x9810] =	vst v0  }
.Ltmp2:
0x4e: {  	[tilespmem:s0+$0x9820] =	vst v0;
	(pc) =	sbr.rel @p1 .LBB2_2-.Ltmp2, $4  }
0x4f: {  	[tilespmem:s0+$0x9830] =	vst v0  }
0x50: {  	[tilespmem:s0+$0xB800] =	vst v0  }
0x51: {  	[tilespmem:s0+$0xB810] =	vst v0  }
0x52: {  	[tilespmem:s0+$0xB820] =	vst v0;
	s0 =	sshra.s32 s3, $0x2;
	s3 =	sadd.s32 $0x100, s3  }
0x53: {  	[tilespmem:s0+$0xB830] =	vst v0  }
0x54: {  	[tilespmem:s0+$0x9800] =	vst v0  }
0x55: {  	[tilespmem:s0+$0x9810] =	vst v0  }
0x56: {  	[tilespmem:s0+$0x9820] =	vst v0  }
0x57: {  	[tilespmem:s0+$0x9830] =	vst v0  }
0x58: {  	[tilespmem:s0+$0xB800] =	vst v0  }
0x59: {  	[tilespmem:s0+$0xB810] =	vst v0  }
0x5a: {  	[tilespmem:s0+$0xB820] =	vst v0  }
0x5b: {  	[spmem:s5] =	stream.linear.scatter [tilespmem:s20], [sflag:$0x5], $0x2000, $0x38;
	[tilespmem:$0x17800] =	vst v63  }
0x5c: {  	_ = 	snop  }
0x5d: {  	[spmem:s6] =	stream.linear.scatter [tilespmem:s21], [sflag:$0x6], $0x2000, $0x38;
	[tilespmem:$0x17800] =	vst v63  }
0x5e: {  	_ = 	snop  }
0x5f: {  	[spmem:s7] =	stream.linear.scatter [tilespmem:s20], [sflag:$0x1], $0x2000, $0x38;
	[tilespmem:$0x17800] =	vst v63  }
.Ltmp3:
0x60: {  	_ = 	snop;
	(pc) =	sbr.rel @!p0 .LBB2_4-.Ltmp3, $4  }
0x61: {  	_ = 	snop  }
0x62: {  	[spmem:s8] =	stream.linear.scatter [tilespmem:s21], [sflag:$0x2], $0x2000, $0x38;
	[tilespmem:$0x17800] =	vst v63  }
0x63: {  	s0 =	simm.s32 $0x0  }
0x64: {  	[spmem:s9] =	stream.linear.scatter [tilespmem:s20], [sflag:$0x3], $0x2000, $0x38;
	[tilespmem:$0x17800] =	vst v63  }
0x65: {  	s3 =	rddreg [dreg:$0x5]  }
0x66: {  	[tilespmem:s0], [sflag:$0x7] =	stream.linear.gather [hbm4b:s3+s0], $0x2400, $0x38;
	[tilespmem:$0x17800] =	vst v63  }
0x67: {  	_ =	swait.ge [sflag:s22], $0x2400  }
0x68: {  	[sflag:s22] =	ssyncset.done $0x0  }
0x69: {  	s10 =	simm.s32 $0x2C00;
	s16 =	rddreg [dreg:$0x6];
	[sflag:s22] =	ssyncadd.s32 $0xFFFFDC00  }
0x6a: {  	[tilespmem:s10], [sflag:$0x7] =	stream.linear.gather [hbm4b:s16+s0], $0x2400, $0x38;
	[tilespmem:$0x17800] =	vst v63  }
0x6b: {  	_ =	swait.ge [sflag:s22], $0x2400  }
0x6c: {  	[sflag:s22] =	ssyncset.done $0x0  }
0x6d: {  	[sflag:s22] =	ssyncadd.s32 $0xFFFFDC00  }
0x6e: {  	_ =	swait.ge [sflag:s24], $0x2000  }
0x6f: {  	[sflag:s24] =	ssyncset.done $0x0  }
0x70: {  	[sflag:s24] =	ssyncadd.s32 $0xFFFFE000  }
0x71: {  	_ =	swait.ge [sflag:s25], $0x2000  }
0x72: {  	[sflag:s25] =	ssyncset.done $0x0  }
0x73: {  	[sflag:s25] =	ssyncadd.s32 $0xFFFFE000  }
0x74: {  	_ =	swait.ge [sflag:s26], $0x2000  }
0x75: {  	[sflag:s26] =	ssyncset.done $0x0  }
0x76: {  	[sflag:s26] =	ssyncadd.s32 $0xFFFFE000  }
0x77: {  	_ =	swait.ge [sflag:s28], $0x2000  }
0x78: {  	[sflag:s28] =	ssyncset.done $0x0  }
0x79: {  	[sflag:s28] =	ssyncadd.s32 $0xFFFFE000  }
0x7a: {  	_ =	swait.ge [sflag:s29], $0x2000  }
0x7b: {  	[sflag:s29] =	ssyncset.done $0x0  }
0x7c: {  	[sflag:s29] =	ssyncadd.s32 $0xFFFFE000  }
0x7d: {  	[bflag:$0x0] =	sbarrier.arrive $0xFFFF  }
0x7e: {  	[tilespmem:s31], [sflag:$0x1] =	stream.indirect.gather [hbm4b:s4+s30], $0x20, s0, s30, $0xb8;
	[tilespmem:$0x17800] =	vst v63  }
0x7f: {  	s11 =	simm.s32 $0x6800  }
0x80: {  	[tilespmem:s11], [sflag:$0x2] =	stream.indirect.gather [hbm4b:s4+s30], $0x20, s30, s30, $0xb8;
	[tilespmem:$0x17800] =	vst v63  }
0x81: {  	s14 =	simm.s32 $0x100;
	s15 =	simm.s32 $0x7800  }
0x82: {  	[tilespmem:s15], [sflag:$0x3] =	stream.indirect.gather [hbm4b:s4+s30], $0x20, s14, s30, $0xb8;
	[tilespmem:$0x17800] =	vst v63  }
0x83: {  	s16 =	simm.s32 $0x180  }
0x84: {  	[tilespmem:s23], [sflag:$0x4] =	stream.indirect.gather [hbm4b:s4+s30], $0x20, s16, s30, $0xb8;
	[tilespmem:$0x17800] =	vst v63  }
.LBB2_20:
0x85: {  	_ =	swait.ge [sflag:s26], $0x1000  }
0x86: {  	p1 =	seq.s32 s0, $0x0;
	[sflag:s26] =	ssyncset.done $0x0  }
0x87: {  	s3 =	simm.s32 @!p1 $0x5;
	[sflag:s26] =	ssyncadd.s32 $0xFFFFF000  }
0x88: {  	_ =	swait.ge @!p1 [sflag:s3], $0x2000  }
0x89: {  	[sflag:s3] =	ssyncset.done @!p1 $0x0  }
0x8a: {  	s11 =	simm.s32 $0x0;
	[sflag:s3] =	ssyncadd.s32 @!p1 $0xFFFFE000  }
0x8b: {  	v1 =	vld [tilespmem:s11+$0x5800];
	_ =	sdelay $0x4  }
0x8c: {  	s3 =	simm.s32 $0x9820;
	v2 =	vshll.u32 v1, $0x10  }
0x8d: {  	v1 =	vand.u32 $0xFFFF0000, v1;
	[tilespmem:s3+$0xFFFFFFE0] =	vst v2  }
0x8e: {  	[tilespmem:s3+$0x0] =	vst v1  }
0x8f: {  	s10 =	sshll.u32 s0, $0xB;
	s14 =	simm.s32 $0x80;
	v1 =	vld [tilespmem:s11+$0x5810];
	s11 =	simm.s32 $0x9820  }
.LBB2_21:
0x90: {  	_ =	sdelay $0x2  }
0x91: {  	p2 =	sne.s32 s14, $0x3F80  }
0x92: {  	s3 =	sadd.s32 $0x40, s3;
	s15 =	smov.u32 s14;
	s14 =	sadd.s32 $0x80, s14;
	v2 =	vshll.u32 v1, $0x10;
	v1 =	vand.u32 $0xFFFF0000, v1  }
0x93: {  	[tilespmem:s11+$0xFFFFFFF0] =	vst v2  }
0x94: {  	s15 =	sshra.s32 s15, $0x2;
	[tilespmem:s11+$0x10] =	vst v1;
	s11 =	smov.u32 s3  }
0x95: {  	v1 =	vld [tilespmem:s15+$0x5800];
	_ =	sdelay $0x3  }
.Ltmp4:
0x96: {  	(pc) =	sbr.rel @p2 .LBB2_21-.Ltmp4, $4  }
0x97: {  	v2 =	vshll.u32 v1, $0x10;
	v1 =	vand.u32 $0xFFFF0000, v1  }
0x98: {  	[tilespmem:s3+$0xFFFFFFE0] =	vst v2  }
0x99: {  	[tilespmem:s3+$0x0] =	vst v1  }
0x9a: {  	v1 =	vld [tilespmem:s15+$0x5810]  }
0x9b: {  	_ =	sdelay $0x1  }
0x9c: {  	p2 =	sne.s32 s0, $0x11  }
.Ltmp5:
0x9d: {  	_ = 	snop;
	(pc) =	sbr.rel @p2 .LBB2_24-.Ltmp5, $4  }
0x9e: {  	v2 =	vshll.u32 v1, $0x10  }
0x9f: {  	s3 =	sshrl.u32 s10, $0x2;
	v1 =	vand.u32 $0xFFFF0000, v1;
	[tilespmem:s11+$0xFFFFFFF0] =	vst v2  }
0xa0: {  	s16 =	sadd.s32 $0x2C00, s3;
	[tilespmem:s11+$0x10] =	vst v1  }
0xa1: {  	[spmem:s1] =	stream.indirect.scatter.add.f32 [tilespmem:s20], [sflag:$0x5], $0x40, s16, s30, $0xb8;
	[tilespmem:$0x17800] =	vst v63  }
.Ltmp6:
0xa2: {  	(pc) =	sbr.rel .LBB2_25-.Ltmp6, $4  }
0xa3: {  	_ = 	snop  }
0xa4: {  	_ =	swait.ge [sflag:s28], $0x1000  }
0xa5: {  	[sflag:s28] =	ssyncset.done $0x0  }
0xa6: {  	[sflag:s28] =	ssyncadd.s32 $0xFFFFF000  }
.LBB2_24:
.Ltmp7:
0xa7: {  	s11 =	sadd.s32 $0x200, s3;
	(pc) =	sbr.rel @p1 .LBB2_26-.Ltmp7, $4  }
0xa8: {  	[tilespmem:s31], [sflag:$0x1] =	stream.indirect.gather [hbm4b:s4+s30], $0x20, s11, s30, $0xb8;
	[tilespmem:$0x17800] =	vst v63  }
0xa9: {  	_ =	swait.ge [sflag:s28], $0x1000  }
0xaa: {  	[sflag:s28] =	ssyncset.done $0x0  }
0xab: {  	[sflag:s28] =	ssyncadd.s32 $0xFFFFF000  }
.LBB2_25:
0xac: {  	_ =	swait.ge [sflag:s25], $0x2000  }
0xad: {  	[sflag:s25] =	ssyncset.done $0x0  }
0xae: {  	[sflag:s25] =	ssyncadd.s32 $0xFFFFE000  }
.LBB2_26:
0xaf: {  	s14 =	simm.s32 $0x0  }
0xb0: {  	v1 =	vld [tilespmem:s14+$0x6800];
	_ =	sdelay $0x4  }
0xb1: {  	s11 =	simm.s32 $0xB820;
	v2 =	vshll.u32 v1, $0x10  }
0xb2: {  	v1 =	vand.u32 $0xFFFF0000, v1;
	[tilespmem:s11+$0xFFFFFFE0] =	vst v2  }
0xb3: {  	[tilespmem:s11+$0x0] =	vst v1  }
0xb4: {  	s15 =	simm.s32 $0x80;
	v1 =	vld [tilespmem:s14+$0x6810];
	s14 =	simm.s32 $0xB820  }
.LBB2_27:
0xb5: {  	_ =	sdelay $0x2  }
0xb6: {  	p1 =	sne.s32 s15, $0x3F80  }
0xb7: {  	s11 =	sadd.s32 $0x40, s11;
	s16 =	smov.u32 s15;
	s15 =	sadd.s32 $0x80, s15;
	v2 =	vshll.u32 v1, $0x10;
	v1 =	vand.u32 $0xFFFF0000, v1  }
0xb8: {  	[tilespmem:s14+$0xFFFFFFF0] =	vst v2  }
0xb9: {  	s16 =	sshra.s32 s16, $0x2;
	[tilespmem:s14+$0x10] =	vst v1;
	s14 =	smov.u32 s11  }
0xba: {  	v1 =	vld [tilespmem:s16+$0x6800];
	_ =	sdelay $0x3  }
.Ltmp8:
0xbb: {  	(pc) =	sbr.rel @p1 .LBB2_27-.Ltmp8, $4  }
0xbc: {  	v2 =	vshll.u32 v1, $0x10;
	v1 =	vand.u32 $0xFFFF0000, v1  }
0xbd: {  	[tilespmem:s11+$0xFFFFFFE0] =	vst v2  }
0xbe: {  	[tilespmem:s11+$0x0] =	vst v1  }
0xbf: {  	v1 =	vld [tilespmem:s16+$0x6810]  }
0xc0: {  	_ =	sdelay $0x3  }
0xc1: {  	v2 =	vshll.u32 v1, $0x10  }
0xc2: {  	p1 =	seq.s32 s0, $0x11;
	v1 =	vand.u32 $0xFFFF0000, v1;
	[tilespmem:s14+$0xFFFFFFF0] =	vst v2  }
0xc3: {  	s11 =	sadd.s32 $0x2C80, s3;
	s10 =	sshrl.u32 @!p1 s10, $0x2;
	[tilespmem:s14+$0x10] =	vst v1  }
0xc4: {  	[spmem:s1] =	stream.indirect.scatter.add.f32 [tilespmem:s21], [sflag:$0x6], $0x40, s11, s30, $0xb8;
	[tilespmem:$0x17800] =	vst v63  }
0xc5: {  	s15 =	simm.s32 @!p1 $0x6800;
	s14 =	simm.s32 @!p1 $0x80;
	s11 =	sadd.s32 @!p1 $0x280, s10  }
0xc6: {  	[tilespmem:s15], [sflag:$0x2] =	stream.indirect.gather @!p1 [hbm4b:s4+s14], $0x20, s11, s14, $0xb8;
	[tilespmem:$0x17800] =	vst v63  }
0xc7: {  	_ =	swait.ge [sflag:s29], $0x1000  }
0xc8: {  	[sflag:s29] =	ssyncset.done $0x0  }
0xc9: {  	[sflag:s29] =	ssyncadd.s32 $0xFFFFF000  }
0xca: {  	_ =	swait.ge [sflag:s24], $0x2000  }
0xcb: {  	[sflag:s24] =	ssyncset.done $0x0  }
0xcc: {  	s16 =	simm.s32 $0x0;
	[sflag:s24] =	ssyncadd.s32 $0xFFFFE000  }
0xcd: {  	v1 =	vld [tilespmem:s16+$0x7800];
	_ =	sdelay $0x4  }
0xce: {  	s11 =	simm.s32 $0x9820;
	v2 =	vshll.u32 v1, $0x10  }
0xcf: {  	v1 =	vand.u32 $0xFFFF0000, v1;
	[tilespmem:s11+$0xFFFFFFE0] =	vst v2  }
0xd0: {  	[tilespmem:s11+$0x0] =	vst v1  }
0xd1: {  	s15 =	simm.s32 $0x80;
	s14 =	simm.s32 $0x9820;
	v1 =	vld [tilespmem:s16+$0x7810]  }
.LBB2_29:
0xd2: {  	_ =	sdelay $0x2  }
0xd3: {  	p2 =	sne.s32 s15, $0x3F80  }
0xd4: {  	s11 =	sadd.s32 $0x40, s11;
	s16 =	smov.u32 s15;
	s15 =	sadd.s32 $0x80, s15;
	v2 =	vshll.u32 v1, $0x10;
	v1 =	vand.u32 $0xFFFF0000, v1  }
0xd5: {  	[tilespmem:s14+$0xFFFFFFF0] =	vst v2  }
0xd6: {  	s16 =	sshra.s32 s16, $0x2;
	[tilespmem:s14+$0x10] =	vst v1;
	s14 =	smov.u32 s11  }
0xd7: {  	v1 =	vld [tilespmem:s16+$0x7800];
	_ =	sdelay $0x3  }
.Ltmp9:
0xd8: {  	(pc) =	sbr.rel @p2 .LBB2_29-.Ltmp9, $4  }
0xd9: {  	v2 =	vshll.u32 v1, $0x10;
	v1 =	vand.u32 $0xFFFF0000, v1  }
0xda: {  	[tilespmem:s11+$0xFFFFFFE0] =	vst v2  }
0xdb: {  	[tilespmem:s11+$0x0] =	vst v1  }
0xdc: {  	v1 =	vld [tilespmem:s16+$0x7810]  }
0xdd: {  	_ =	sdelay $0x3  }
0xde: {  	v2 =	vshll.u32 v1, $0x10  }
0xdf: {  	v1 =	vand.u32 $0xFFFF0000, v1;
	[tilespmem:s14+$0xFFFFFFF0] =	vst v2  }
0xe0: {  	s11 =	sadd.s32 $0x2D00, s3;
	[tilespmem:s14+$0x10] =	vst v1  }
0xe1: {  	[spmem:s1] =	stream.indirect.scatter.add.f32 [tilespmem:s20], [sflag:$0x5], $0x40, s11, s30, $0xb8;
	[tilespmem:$0x17800] =	vst v63  }
0xe2: {  	s10 =	sadd.s32 @!p1 $0x300, s10;
	s14 =	simm.s32 @!p1 $0x7800;
	s11 =	simm.s32 @!p1 $0x80  }
0xe3: {  	[tilespmem:s14], [sflag:$0x3] =	stream.indirect.gather @!p1 [hbm4b:s4+s11], $0x20, s10, s11, $0xb8;
	[tilespmem:$0x17800] =	vst v63  }
0xe4: {  	_ =	swait.ge [sflag:s12], $0x1000  }
0xe5: {  	[sflag:s12] =	ssyncset.done $0x0  }
0xe6: {  	[sflag:s12] =	ssyncadd.s32 $0xFFFFF000  }
0xe7: {  	_ =	swait.ge [sflag:s25], $0x2000  }
0xe8: {  	[sflag:s25] =	ssyncset.done $0x0  }
0xe9: {  	s16 =	simm.s32 $0x0;
	[sflag:s25] =	ssyncadd.s32 $0xFFFFE000  }
0xea: {  	v1 =	vld [tilespmem:s16+$0x8800];
	_ =	sdelay $0x4  }
0xeb: {  	s10 =	simm.s32 $0xB820;
	v2 =	vshll.u32 v1, $0x10  }
0xec: {  	v1 =	vand.u32 $0xFFFF0000, v1;
	[tilespmem:s10+$0xFFFFFFE0] =	vst v2  }
0xed: {  	[tilespmem:s10+$0x0] =	vst v1  }
0xee: {  	s14 =	simm.s32 $0x80;
	s11 =	simm.s32 $0xB820;
	v1 =	vld [tilespmem:s16+$0x8810]  }
.LBB2_31:
0xef: {  	_ =	sdelay $0x2  }
0xf0: {  	p2 =	sne.s32 s14, $0x3F80  }
0xf1: {  	s10 =	sadd.s32 $0x40, s10;
	s15 =	smov.u32 s14;
	s14 =	sadd.s32 $0x80, s14;
	v2 =	vshll.u32 v1, $0x10;
	v1 =	vand.u32 $0xFFFF0000, v1  }
0xf2: {  	[tilespmem:s11+$0xFFFFFFF0] =	vst v2  }
0xf3: {  	s15 =	sshra.s32 s15, $0x2;
	[tilespmem:s11+$0x10] =	vst v1;
	s11 =	smov.u32 s10  }
0xf4: {  	v1 =	vld [tilespmem:s15+$0x8800];
	_ =	sdelay $0x3  }
.Ltmp10:
0xf5: {  	(pc) =	sbr.rel @p2 .LBB2_31-.Ltmp10, $4  }
0xf6: {  	v2 =	vshll.u32 v1, $0x10;
	v1 =	vand.u32 $0xFFFF0000, v1  }
0xf7: {  	[tilespmem:s10+$0xFFFFFFE0] =	vst v2  }
0xf8: {  	[tilespmem:s10+$0x0] =	vst v1  }
0xf9: {  	v1 =	vld [tilespmem:s15+$0x8810]  }
0xfa: {  	_ =	sdelay $0x2  }
.Ltmp11:
0xfb: {  	_ = 	snop;
	(pc) =	sbr.rel @p1 .LBB2_34-.Ltmp11, $4  }
0xfc: {  	v2 =	vshll.u32 v1, $0x10  }
0xfd: {  	v1 =	vand.u32 $0xFFFF0000, v1;
	[tilespmem:s11+$0xFFFFFFF0] =	vst v2  }
0xfe: {  	s10 =	sadd.s32 $0x2D80, s3;
	[tilespmem:s11+$0x10] =	vst v1  }
0xff: {  	[spmem:s1] =	stream.indirect.scatter.add.f32 [tilespmem:s21], [sflag:$0x6], $0x40, s10, s30, $0xb8;
	[tilespmem:$0x17800] =	vst v63  }
.Ltmp12:
0x100: {  	(pc) =	sbr.rel .LBB2_20-.Ltmp12, $3  }
0x101: {  	_ =	sdelay $0x1  }
0x102: {  	s3 =	sadd.s32 $0x380, s3;
	s0 =	sadd.s32 $0x1, s0  }
0x103: {  	[tilespmem:s23], [sflag:$0x4] =	stream.indirect.gather [hbm4b:s4+s30], $0x20, s3, s30, $0xb8;
	[tilespmem:$0x17800] =	vst v63  }
.LBB2_4:
0x104: {  	s3 =	rddreg [dreg:$0x3]  }
0x105: {  	[tilespmem:s0], [sflag:$0x7] =	stream.linear.gather [hbm4b:s3+s0], $0x2C00, $0x38;
	[tilespmem:$0x17800] =	vst v63  }
0x106: {  	_ =	swait.ge [sflag:s22], $0x2C00  }
0x107: {  	[sflag:s22] =	ssyncset.done $0x0  }
0x108: {  	s10 =	simm.s32 $0x2C00;
	s16 =	rddreg [dreg:$0x4];
	[sflag:s22] =	ssyncadd.s32 $0xFFFFD400  }
0x109: {  	[tilespmem:s10], [sflag:$0x7] =	stream.linear.gather [hbm4b:s16+s0], $0x2C00, $0x38;
	[tilespmem:$0x17800] =	vst v63  }
0x10a: {  	_ =	swait.ge [sflag:s22], $0x2C00  }
0x10b: {  	[sflag:s22] =	ssyncset.done $0x0  }
0x10c: {  	[sflag:s22] =	ssyncadd.s32 $0xFFFFD400  }
0x10d: {  	_ =	swait.ge [sflag:s24], $0x2000  }
0x10e: {  	[sflag:s24] =	ssyncset.done $0x0  }
0x10f: {  	[sflag:s24] =	ssyncadd.s32 $0xFFFFE000  }
0x110: {  	_ =	swait.ge [sflag:s25], $0x2000  }
0x111: {  	[sflag:s25] =	ssyncset.done $0x0  }
0x112: {  	[sflag:s25] =	ssyncadd.s32 $0xFFFFE000  }
0x113: {  	_ =	swait.ge [sflag:s26], $0x2000  }
0x114: {  	[sflag:s26] =	ssyncset.done $0x0  }
0x115: {  	[sflag:s26] =	ssyncadd.s32 $0xFFFFE000  }
0x116: {  	_ =	swait.ge [sflag:s28], $0x2000  }
0x117: {  	[sflag:s28] =	ssyncset.done $0x0  }
0x118: {  	[sflag:s28] =	ssyncadd.s32 $0xFFFFE000  }
0x119: {  	_ =	swait.ge [sflag:s29], $0x2000  }
0x11a: {  	[sflag:s29] =	ssyncset.done $0x0  }
0x11b: {  	[sflag:s29] =	ssyncadd.s32 $0xFFFFE000  }
0x11c: {  	[bflag:$0x0] =	sbarrier.arrive $0xFFFF  }
0x11d: {  	[tilespmem:s31], [sflag:$0x1] =	stream.indirect.gather [hbm4b:s4+s30], $0x20, s0, s30, $0xb8;
	[tilespmem:$0x17800] =	vst v63  }
0x11e: {  	s11 =	simm.s32 $0x6800  }
0x11f: {  	[tilespmem:s11], [sflag:$0x2] =	stream.indirect.gather [hbm4b:s4+s30], $0x20, s30, s30, $0xb8;
	[tilespmem:$0x17800] =	vst v63  }
0x120: {  	s14 =	simm.s32 $0x100;
	s15 =	simm.s32 $0x7800  }
0x121: {  	[tilespmem:s15], [sflag:$0x3] =	stream.indirect.gather [hbm4b:s4+s30], $0x20, s14, s30, $0xb8;
	[tilespmem:$0x17800] =	vst v63  }
0x122: {  	s16 =	simm.s32 $0x180  }
0x123: {  	[tilespmem:s23], [sflag:$0x4] =	stream.indirect.gather [hbm4b:s4+s30], $0x20, s16, s30, $0xb8;
	[tilespmem:$0x17800] =	vst v63  }
.LBB2_5:
0x124: {  	_ =	swait.ge [sflag:s26], $0x1000  }
0x125: {  	p1 =	seq.s32 s0, $0x0;
	[sflag:s26] =	ssyncset.done $0x0  }
0x126: {  	s3 =	simm.s32 @!p1 $0x5;
	[sflag:s26] =	ssyncadd.s32 $0xFFFFF000  }
0x127: {  	_ =	swait.ge @!p1 [sflag:s3], $0x2000  }
0x128: {  	[sflag:s3] =	ssyncset.done @!p1 $0x0  }
0x129: {  	s11 =	simm.s32 $0x0;
	[sflag:s3] =	ssyncadd.s32 @!p1 $0xFFFFE000  }
0x12a: {  	v1 =	vld [tilespmem:s11+$0x5800];
	_ =	sdelay $0x4  }
0x12b: {  	s3 =	simm.s32 $0x9820;
	v2 =	vshll.u32 v1, $0x10  }
0x12c: {  	v1 =	vand.u32 $0xFFFF0000, v1;
	[tilespmem:s3+$0xFFFFFFE0] =	vst v2  }
0x12d: {  	[tilespmem:s3+$0x0] =	vst v1  }
0x12e: {  	s10 =	sshll.u32 s0, $0xB;
	s14 =	simm.s32 $0x80;
	v1 =	vld [tilespmem:s11+$0x5810];
	s11 =	simm.s32 $0x9820  }
.LBB2_6:
0x12f: {  	_ =	sdelay $0x2  }
0x130: {  	p2 =	sne.s32 s14, $0x3F80  }
0x131: {  	s3 =	sadd.s32 $0x40, s3;
	s15 =	smov.u32 s14;
	s14 =	sadd.s32 $0x80, s14;
	v2 =	vshll.u32 v1, $0x10;
	v1 =	vand.u32 $0xFFFF0000, v1  }
0x132: {  	[tilespmem:s11+$0xFFFFFFF0] =	vst v2  }
0x133: {  	s15 =	sshra.s32 s15, $0x2;
	[tilespmem:s11+$0x10] =	vst v1;
	s11 =	smov.u32 s3  }
0x134: {  	v1 =	vld [tilespmem:s15+$0x5800];
	_ =	sdelay $0x3  }
.Ltmp13:
0x135: {  	(pc) =	sbr.rel @p2 .LBB2_6-.Ltmp13, $4  }
0x136: {  	v2 =	vshll.u32 v1, $0x10;
	v1 =	vand.u32 $0xFFFF0000, v1  }
0x137: {  	[tilespmem:s3+$0xFFFFFFE0] =	vst v2  }
0x138: {  	[tilespmem:s3+$0x0] =	vst v1  }
0x139: {  	v1 =	vld [tilespmem:s15+$0x5810]  }
0x13a: {  	_ =	sdelay $0x1  }
0x13b: {  	p2 =	sne.s32 s0, $0x15  }
.Ltmp14:
0x13c: {  	_ = 	snop;
	(pc) =	sbr.rel @p2 .LBB2_9-.Ltmp14, $4  }
0x13d: {  	v2 =	vshll.u32 v1, $0x10  }
0x13e: {  	s3 =	sshrl.u32 s10, $0x2;
	v1 =	vand.u32 $0xFFFF0000, v1;
	[tilespmem:s11+$0xFFFFFFF0] =	vst v2  }
0x13f: {  	s16 =	sadd.s32 $0x2C00, s3;
	[tilespmem:s11+$0x10] =	vst v1  }
0x140: {  	[spmem:s1] =	stream.indirect.scatter.add.f32 [tilespmem:s20], [sflag:$0x5], $0x40, s16, s30, $0xb8;
	[tilespmem:$0x17800] =	vst v63  }
.Ltmp15:
0x141: {  	(pc) =	sbr.rel .LBB2_10-.Ltmp15, $4  }
0x142: {  	_ = 	snop  }
0x143: {  	_ =	swait.ge [sflag:s28], $0x1000  }
0x144: {  	[sflag:s28] =	ssyncset.done $0x0  }
0x145: {  	[sflag:s28] =	ssyncadd.s32 $0xFFFFF000  }
.LBB2_9:
.Ltmp16:
0x146: {  	s11 =	sadd.s32 $0x200, s3;
	(pc) =	sbr.rel @p1 .LBB2_11-.Ltmp16, $4  }
0x147: {  	[tilespmem:s31], [sflag:$0x1] =	stream.indirect.gather [hbm4b:s4+s30], $0x20, s11, s30, $0xb8;
	[tilespmem:$0x17800] =	vst v63  }
0x148: {  	_ =	swait.ge [sflag:s28], $0x1000  }
0x149: {  	[sflag:s28] =	ssyncset.done $0x0  }
0x14a: {  	[sflag:s28] =	ssyncadd.s32 $0xFFFFF000  }
.LBB2_10:
0x14b: {  	_ =	swait.ge [sflag:s25], $0x2000  }
0x14c: {  	[sflag:s25] =	ssyncset.done $0x0  }
0x14d: {  	[sflag:s25] =	ssyncadd.s32 $0xFFFFE000  }
.LBB2_11:
0x14e: {  	s14 =	simm.s32 $0x0  }
0x14f: {  	v1 =	vld [tilespmem:s14+$0x6800];
	_ =	sdelay $0x4  }
0x150: {  	s11 =	simm.s32 $0xB820;
	v2 =	vshll.u32 v1, $0x10  }
0x151: {  	v1 =	vand.u32 $0xFFFF0000, v1;
	[tilespmem:s11+$0xFFFFFFE0] =	vst v2  }
0x152: {  	[tilespmem:s11+$0x0] =	vst v1  }
0x153: {  	s15 =	simm.s32 $0x80;
	v1 =	vld [tilespmem:s14+$0x6810];
	s14 =	simm.s32 $0xB820  }
.LBB2_12:
0x154: {  	_ =	sdelay $0x2  }
0x155: {  	p1 =	sne.s32 s15, $0x3F80  }
0x156: {  	s11 =	sadd.s32 $0x40, s11;
	s16 =	smov.u32 s15;
	s15 =	sadd.s32 $0x80, s15;
	v2 =	vshll.u32 v1, $0x10;
	v1 =	vand.u32 $0xFFFF0000, v1  }
0x157: {  	[tilespmem:s14+$0xFFFFFFF0] =	vst v2  }
0x158: {  	s16 =	sshra.s32 s16, $0x2;
	[tilespmem:s14+$0x10] =	vst v1;
	s14 =	smov.u32 s11  }
0x159: {  	v1 =	vld [tilespmem:s16+$0x6800];
	_ =	sdelay $0x3  }
.Ltmp17:
0x15a: {  	(pc) =	sbr.rel @p1 .LBB2_12-.Ltmp17, $4  }
0x15b: {  	v2 =	vshll.u32 v1, $0x10;
	v1 =	vand.u32 $0xFFFF0000, v1  }
0x15c: {  	[tilespmem:s11+$0xFFFFFFE0] =	vst v2  }
0x15d: {  	[tilespmem:s11+$0x0] =	vst v1  }
0x15e: {  	v1 =	vld [tilespmem:s16+$0x6810]  }
0x15f: {  	_ =	sdelay $0x3  }
0x160: {  	v2 =	vshll.u32 v1, $0x10  }
0x161: {  	p1 =	seq.s32 s0, $0x15;
	v1 =	vand.u32 $0xFFFF0000, v1;
	[tilespmem:s14+$0xFFFFFFF0] =	vst v2  }
0x162: {  	s11 =	sadd.s32 $0x2C80, s3;
	s10 =	sshrl.u32 @!p1 s10, $0x2;
	[tilespmem:s14+$0x10] =	vst v1  }
0x163: {  	[spmem:s1] =	stream.indirect.scatter.add.f32 [tilespmem:s21], [sflag:$0x6], $0x40, s11, s30, $0xb8;
	[tilespmem:$0x17800] =	vst v63  }
0x164: {  	s15 =	simm.s32 @!p1 $0x6800;
	s14 =	simm.s32 @!p1 $0x80;
	s11 =	sadd.s32 @!p1 $0x280, s10  }
0x165: {  	[tilespmem:s15], [sflag:$0x2] =	stream.indirect.gather @!p1 [hbm4b:s4+s14], $0x20, s11, s14, $0xb8;
	[tilespmem:$0x17800] =	vst v63  }
0x166: {  	_ =	swait.ge [sflag:s29], $0x1000  }
0x167: {  	[sflag:s29] =	ssyncset.done $0x0  }
0x168: {  	[sflag:s29] =	ssyncadd.s32 $0xFFFFF000  }
0x169: {  	_ =	swait.ge [sflag:s24], $0x2000  }
0x16a: {  	[sflag:s24] =	ssyncset.done $0x0  }
0x16b: {  	s16 =	simm.s32 $0x0;
	[sflag:s24] =	ssyncadd.s32 $0xFFFFE000  }
0x16c: {  	v1 =	vld [tilespmem:s16+$0x7800];
	_ =	sdelay $0x4  }
0x16d: {  	s11 =	simm.s32 $0x9820;
	v2 =	vshll.u32 v1, $0x10  }
0x16e: {  	v1 =	vand.u32 $0xFFFF0000, v1;
	[tilespmem:s11+$0xFFFFFFE0] =	vst v2  }
0x16f: {  	[tilespmem:s11+$0x0] =	vst v1  }
0x170: {  	s15 =	simm.s32 $0x80;
	s14 =	simm.s32 $0x9820;
	v1 =	vld [tilespmem:s16+$0x7810]  }
.LBB2_14:
0x171: {  	_ =	sdelay $0x2  }
0x172: {  	p2 =	sne.s32 s15, $0x3F80  }
0x173: {  	s11 =	sadd.s32 $0x40, s11;
	s16 =	smov.u32 s15;
	s15 =	sadd.s32 $0x80, s15;
	v2 =	vshll.u32 v1, $0x10;
	v1 =	vand.u32 $0xFFFF0000, v1  }
0x174: {  	[tilespmem:s14+$0xFFFFFFF0] =	vst v2  }
0x175: {  	s16 =	sshra.s32 s16, $0x2;
	[tilespmem:s14+$0x10] =	vst v1;
	s14 =	smov.u32 s11  }
0x176: {  	v1 =	vld [tilespmem:s16+$0x7800];
	_ =	sdelay $0x3  }
.Ltmp18:
0x177: {  	(pc) =	sbr.rel @p2 .LBB2_14-.Ltmp18, $4  }
0x178: {  	v2 =	vshll.u32 v1, $0x10;
	v1 =	vand.u32 $0xFFFF0000, v1  }
0x179: {  	[tilespmem:s11+$0xFFFFFFE0] =	vst v2  }
0x17a: {  	[tilespmem:s11+$0x0] =	vst v1  }
0x17b: {  	v1 =	vld [tilespmem:s16+$0x7810]  }
0x17c: {  	_ =	sdelay $0x3  }
0x17d: {  	v2 =	vshll.u32 v1, $0x10  }
0x17e: {  	v1 =	vand.u32 $0xFFFF0000, v1;
	[tilespmem:s14+$0xFFFFFFF0] =	vst v2  }
0x17f: {  	s11 =	sadd.s32 $0x2D00, s3;
	[tilespmem:s14+$0x10] =	vst v1  }
0x180: {  	[spmem:s1] =	stream.indirect.scatter.add.f32 [tilespmem:s20], [sflag:$0x5], $0x40, s11, s30, $0xb8;
	[tilespmem:$0x17800] =	vst v63  }
0x181: {  	s10 =	sadd.s32 @!p1 $0x300, s10;
	s14 =	simm.s32 @!p1 $0x7800;
	s11 =	simm.s32 @!p1 $0x80  }
0x182: {  	[tilespmem:s14], [sflag:$0x3] =	stream.indirect.gather @!p1 [hbm4b:s4+s11], $0x20, s10, s11, $0xb8;
	[tilespmem:$0x17800] =	vst v63  }
0x183: {  	_ =	swait.ge [sflag:s12], $0x1000  }
0x184: {  	[sflag:s12] =	ssyncset.done $0x0  }
0x185: {  	[sflag:s12] =	ssyncadd.s32 $0xFFFFF000  }
0x186: {  	_ =	swait.ge [sflag:s25], $0x2000  }
0x187: {  	[sflag:s25] =	ssyncset.done $0x0  }
0x188: {  	s16 =	simm.s32 $0x0;
	[sflag:s25] =	ssyncadd.s32 $0xFFFFE000  }
0x189: {  	v1 =	vld [tilespmem:s16+$0x8800];
	_ =	sdelay $0x4  }
0x18a: {  	s10 =	simm.s32 $0xB820;
	v2 =	vshll.u32 v1, $0x10  }
0x18b: {  	v1 =	vand.u32 $0xFFFF0000, v1;
	[tilespmem:s10+$0xFFFFFFE0] =	vst v2  }
0x18c: {  	[tilespmem:s10+$0x0] =	vst v1  }
0x18d: {  	s14 =	simm.s32 $0x80;
	s11 =	simm.s32 $0xB820;
	v1 =	vld [tilespmem:s16+$0x8810]  }
.LBB2_16:
0x18e: {  	_ =	sdelay $0x2  }
0x18f: {  	p2 =	sne.s32 s14, $0x3F80  }
0x190: {  	s10 =	sadd.s32 $0x40, s10;
	s15 =	smov.u32 s14;
	s14 =	sadd.s32 $0x80, s14;
	v2 =	vshll.u32 v1, $0x10;
	v1 =	vand.u32 $0xFFFF0000, v1  }
0x191: {  	[tilespmem:s11+$0xFFFFFFF0] =	vst v2  }
0x192: {  	s15 =	sshra.s32 s15, $0x2;
	[tilespmem:s11+$0x10] =	vst v1;
	s11 =	smov.u32 s10  }
0x193: {  	v1 =	vld [tilespmem:s15+$0x8800];
	_ =	sdelay $0x3  }
.Ltmp19:
0x194: {  	(pc) =	sbr.rel @p2 .LBB2_16-.Ltmp19, $4  }
0x195: {  	v2 =	vshll.u32 v1, $0x10;
	v1 =	vand.u32 $0xFFFF0000, v1  }
0x196: {  	[tilespmem:s10+$0xFFFFFFE0] =	vst v2  }
0x197: {  	[tilespmem:s10+$0x0] =	vst v1  }
0x198: {  	v1 =	vld [tilespmem:s15+$0x8810]  }
0x199: {  	_ =	sdelay $0x2  }
.Ltmp20:
0x19a: {  	_ = 	snop;
	(pc) =	sbr.rel @p1 .LBB2_34-.Ltmp20, $4  }
0x19b: {  	v2 =	vshll.u32 v1, $0x10  }
0x19c: {  	v1 =	vand.u32 $0xFFFF0000, v1;
	[tilespmem:s11+$0xFFFFFFF0] =	vst v2  }
0x19d: {  	s10 =	sadd.s32 $0x2D80, s3;
	[tilespmem:s11+$0x10] =	vst v1  }
0x19e: {  	[spmem:s1] =	stream.indirect.scatter.add.f32 [tilespmem:s21], [sflag:$0x6], $0x40, s10, s30, $0xb8;
	[tilespmem:$0x17800] =	vst v63  }
.Ltmp21:
0x19f: {  	(pc) =	sbr.rel .LBB2_5-.Ltmp21, $3  }
0x1a0: {  	_ =	sdelay $0x1  }
0x1a1: {  	s3 =	sadd.s32 $0x380, s3;
	s0 =	sadd.s32 $0x1, s0  }
0x1a2: {  	[tilespmem:s23], [sflag:$0x4] =	stream.indirect.gather [hbm4b:s4+s30], $0x20, s3, s30, $0xb8;
	[tilespmem:$0x17800] =	vst v63  }
.LBB2_35:
0x1a3: {  	_ =	sfence.sel $0x180000  }
0x1a4: {  	[bflag:$0x0] =	sbarrier.arrive $0xFFFF  }
0x1a5: {  	_ =	strace $0x9000004A  }
0x1a6: {  	s0 =	stileid.u32;
	[bflag:$0x2] =	sbarrier.arrive $0xFFFF  }
0x1a7: {  	p0 =	sne.s32 s0, $0x0;
	s0 =	rddreg [dreg:$0x2]  }
0x1a8: {  	s0 =	sadd.s32 @!p0 $0x100000, s0  }
0x1a9: {  	[sflag:s0] =	ssyncadd.tile.s32 @!p0 $0x1;
	_ =	shalt  }
.Lfunc_end2:
_tile_overlayer_lowered:
.L_overlay_start_2:
0x1aa: {  	(tag) =	ssettag $0x2  }
0x1ab: {  	s0 =	rddreg [dreg:$0x0];
	s2 =	stileid.u32  }
0x1ac: {  	s1 =	rddreg [dreg:$0x1];
	p0 =	sne.s32 s2, $0x0  }
0x1ad: {  	s3 =	rddreg [dreg:$0x2];
	[bflag:$0x3] =	sbarrier.arrive $0xFFFF;
	s2 =	simm.s32 @!p0 $0x1C07  }
0x1ae: {  	[timem:s3], [sflag:s2] =	dma.local @!p0 [hbm:s0], s1  }
0x1af: {  	s0 =	simm.s32 @!p0 $0x7  }
0x1b0: {  	_ =	swait.ge @!p0 [sflag:s0], s1  }
0x1b1: {  	s1 =	ssub.s32 @!p0 $0x0, s1;
	[sflag:s0] =	ssyncset.done @!p0 $0x0  }
0x1b2: {  	[sflag:s0] =	ssyncadd.s32 @!p0 s1  }
0x1b3: {  	[bflag:$0x3] =	sbarrier.arrive $0xFFFF  }
0x1b4: {  	_ =	shalt  }

// kernel: kernel.15.cloned.1.call-start
scs
__scs_entry_jumppad:
0x0: {  	(pc) =	sbr.rel $0x88, $3  }
0x1: {  	(tag) =	ssettag $0x0;
	lr =	simm.s32 $0x1  }
0x2: {  	[smem:$0x3F9B] =	sst lr;
	_ =	strace $0xD0000000  }
0x3: {  	_ = 	snop  }
0x4: {  	_ = 	snop  }
0x5: {  	_ = 	snop  }
0x6: {  	_ = 	snop  }
0x7: {  	_ = 	snop  }
__scs_overlays_trampoline_lowered:
0x8: {  	[smem:$0x3FAA] =	sst s0  }
0x9: {  	[smem:$0x3FAB] =	sst s1  }
0xa: {  	[smem:$0x3FAC] =	sst s2  }
0xb: {  	[smem:$0x3FAD] =	sst s3  }
0xc: {  	[smem:$0x3FAE] =	sst s4  }
0xd: {  	[smem:$0x3FAF] =	sst s5  }
0xe: {  	[smem:$0x3FB0] =	sst s6  }
0xf: {  	[smem:$0x3FB1] =	sst s7  }
0x10: {  	[smem:$0x3FB2] =	sst s8  }
0x11: {  	[smem:$0x3FB3] =	sst s9;
	s0 =	simm.s32 @!p0 $0x0  }
0x12: {  	s1 =	sld [smem:$0x3F99];
	s0 =	simm.s32 @p0 $0x1  }
0x13: {  	[smem:$0x3FB4] =	sst s0;
	s0 =	simm.s32 @!p1 $0x0  }
0x14: {  	s2 =	sld [smem:$0x3F98];
	s0 =	simm.s32 @p1 $0x1  }
0x15: {  	[smem:$0x3FB5] =	sst s0;
	s0 =	simm.s32 @!p2 $0x0  }
0x16: {  	s3 =	sld [smem:$0x3FDB];
	s0 =	simm.s32 @p2 $0x1  }
0x17: {  	s4 =	simm.s32 $0x1BF5;
	[smem:$0x3FB7] =	sst s0  }
0x18: {  	s0 =	sld [smem:$0x3F9A];
	_ =	swait.ge [sflag:s4], $0x0  }
0x19: {  	s7 =	sld [smem:$0x3F9B]  }
0x1a: {  	s8 =	sadd.s32 $0xFFFFE003, lr  }
0x1b: {  	s9 =	sadd.s32 $0xFFFFFEF7, lr;
	s5 =	simm.s32 $0xFFFFFFFF;
	p2 =	slt.u32 s8, $0xFFFFF086  }
0x1c: {  	p1 =	slt.u32 s9, $0xF7A;
	s5 =	simm.s32 @!p2 $0x0  }
0x1d: {  	s5 =	simm.s32 @p1 $0x1;
	p0 =	seq.s32 s7, s2  }
0x1e: {  	s7 =	smul.u32 @!p0 $0xF7A, s2;
	p2 =	seq.s32 @!p0 s5, $0x0  }
0x1f: {  	s9 =	smul.u32 $0xF7A, s1;
	s8 =	simm.s32 @!p0 $0x1BF5;
	p2 =	por !p2, p0  }
0x20: {  	[sflag:s8] =	ssyncset.s32 @!p0 $0xFFFFF086;
	s6 =	sadd.s32 @!p0 s3, s7;
	s7 =	simm.s32 @!p0 $0x108  }
0x21: {  	s3 =	sadd.s32 s3, s9;
	s6 =	sadd.s32 @!p0 $0x88, s6;
	s7 =	simm.s32 @p2 $0x1082  }
0x22: {  	[simem:s7], [sflag:s8] =	dma.local @!p0 [hbm:s6], $0xF7A  }
0x23: {  	s9 =	sor.u32 $0xD0000000, s2;
	s6 =	simm.s32 $0x108;
	_ =	swait.ge @!p0 [sflag:s8], $0x0  }
0x24: {  	s3 =	sadd.s32 $0x88, s3;
	s6 =	simm.s32 @!p1 $0x1082;
	[sflag:s4] =	ssyncset.s32 $0xFFFFF086  }
0x25: {  	[simem:s6], [sflag:s4] =	dma.local [hbm:s3], $0xF7A  }
0x26: {  	[smem:$0x3F9B] =	sst s1;
	(tag) =	ssettag s2;
	_ =	strace s9  }
0x27: {  	s1 =	sld [smem:$0x3FAB]  }
0x28: {  	s2 =	sld [smem:$0x3FAC]  }
0x29: {  	s4 =	sld [smem:$0x3FAE]  }
0x2a: {  	p0 =	seq.s32 s5, $0x0;
	s5 =	sld [smem:$0x3FAF]  }
0x2b: {  	s6 =	sld [smem:$0x3FB0]  }
0x2c: {  	s7 =	sld [smem:$0x3FB1]  }
0x2d: {  	s3 =	simm.s32 $0x108;
	s8 =	sld [smem:$0x3FB2]  }
0x2e: {  	s3 =	simm.s32 @!p0 $0x1082;
	s9 =	sld [smem:$0x3FB3]  }
0x2f: {  	lr =	sadd.s32 s0, s3;
	s0 =	sld [smem:$0x3FAA]  }
0x30: {  	s3 =	sld [smem:$0x3FAD]  }
0x31: {  	[smem:$0x3FB6] =	sst s10  }
0x32: {  	s10 =	sld [smem:$0x3FB4];
	_ =	sdelay $0x3  }
0x33: {  	p0 =	seq.s32 s10, $0x1;
	s10 =	sld [smem:$0x3FB6];
	_ =	sdelay $0x3  }
0x34: {  	[smem:$0x3FB6] =	sst s10  }
0x35: {  	s10 =	sld [smem:$0x3FB5];
	_ =	sdelay $0x3  }
0x36: {  	p1 =	seq.s32 s10, $0x1;
	s10 =	sld [smem:$0x3FB6];
	_ =	sdelay $0x3  }
0x37: {  	[smem:$0x3FB6] =	sst s10  }
0x38: {  	s10 =	sld [smem:$0x3FB7]  }
0x39: {  	_ = 	snop;
	(pc) =	sbr.ind lr, $3  }
0x3a: {  	_ = 	snop  }
0x3b: {  	_ = 	snop  }
0x3c: {  	p2 =	seq.s32 s10, $0x1;
	s10 =	sld [smem:$0x3FB6]  }
0x3d: {  	_ =	shalt  }
0x3e: {  	_ =	shalt  }
0x3f: {  	_ =	shalt  }
0x40: {  	_ =	shalt  }
0x41: {  	_ =	shalt  }
0x42: {  	_ =	shalt  }
0x43: {  	_ =	shalt  }
0x44: {  	_ =	shalt  }
0x45: {  	_ =	shalt  }
0x46: {  	_ =	shalt  }
0x47: {  	_ =	shalt  }
0x48: {  	_ =	shalt  }
0x49: {  	_ =	shalt  }
0x4a: {  	_ =	shalt  }
0x4b: {  	_ =	shalt  }
0x4c: {  	_ =	shalt  }
0x4d: {  	_ =	shalt  }
0x4e: {  	_ =	shalt  }
0x4f: {  	_ =	shalt  }
0x50: {  	_ =	shalt  }
0x51: {  	_ =	shalt  }
0x52: {  	_ =	shalt  }
0x53: {  	_ =	shalt  }
0x54: {  	_ =	shalt  }
0x55: {  	_ =	shalt  }
0x56: {  	_ =	shalt  }
0x57: {  	_ =	shalt  }
0x58: {  	_ =	shalt  }
0x59: {  	_ =	shalt  }
0x5a: {  	_ =	shalt  }
0x5b: {  	_ =	shalt  }
0x5c: {  	_ =	shalt  }
0x5d: {  	_ =	shalt  }
0x5e: {  	_ =	shalt  }
0x5f: {  	_ =	shalt  }
0x60: {  	_ =	shalt  }
0x61: {  	_ =	shalt  }
0x62: {  	_ =	shalt  }
0x63: {  	_ =	shalt  }
0x64: {  	_ =	shalt  }
0x65: {  	_ =	shalt  }
0x66: {  	_ =	shalt  }
0x67: {  	_ =	shalt  }
0x68: {  	_ =	shalt  }
0x69: {  	_ =	shalt  }
0x6a: {  	_ =	shalt  }
0x6b: {  	_ =	shalt  }
0x6c: {  	_ =	shalt  }
0x6d: {  	_ =	shalt  }
0x6e: {  	_ =	shalt  }
0x6f: {  	_ =	shalt  }
0x70: {  	_ =	shalt  }
0x71: {  	_ =	shalt  }
0x72: {  	_ =	shalt  }
0x73: {  	_ =	shalt  }
0x74: {  	_ =	shalt  }
0x75: {  	_ =	shalt  }
0x76: {  	_ =	shalt  }
0x77: {  	_ =	shalt  }
0x78: {  	_ =	shalt  }
0x79: {  	_ =	shalt  }
0x7a: {  	_ =	shalt  }
0x7b: {  	_ =	shalt  }
0x7c: {  	_ =	shalt  }
0x7d: {  	_ =	shalt  }
0x7e: {  	_ =	shalt  }
0x7f: {  	_ =	shalt  }
0x80: {  	_ =	shalt  }
0x81: {  	_ =	shalt  }
0x82: {  	_ =	shalt  }
0x83: {  	_ =	shalt  }
0x84: {  	_ =	shalt  }
0x85: {  	_ =	shalt  }
0x86: {  	_ =	shalt  }
0x87: {  	_ =	shalt  }
.Lfunc_end0:
.L_simem_size_0:
called_computation.2_lowered:
.L_overlay_start_0:
0x88: {  	s2 =	sld [smem:$0x3FD9]  }
0x89: {  	s3 =	sld [smem:$0x3FFE];
	_ =	sdelay $0x1  }
0x8a: {  	s1 =	srdreg.scid  }
0x8b: {  	s0 =	sand.u32 $0x1, s1  }
0x8c: {  	s16 =	sshll.u32 s0, $0xA;
	s2 =	sadd.s32 s3, s2  }
0x8d: {  	s2 =	sadd.s32 s2, s16  }
0x8e: {  	[smem:$0x3FC2] =	sst s2  }
0x8f: {  	_ = 	snop  }
0x90: {  	(tm) =	ssettm $0x1  }
0x91: {  	s17 =	sld [smem:$0x3FFB];
	_ =	sdelay $0x3  }
0x92: {  	_ =	strace s17  }
0x93: {  	s2 =	sld [smem:$0x3FFC];
	_ =	sdelay $0x3  }
0x94: {  	_ =	strace s2  }
0x95: {  	s2 =	sld [smem:$0x3FFD];
	_ =	sdelay $0x3  }
0x96: {  	_ =	strace s2  }
0x97: {  	_ =	strace $0x8FFFFFFF  }
0x98: {  	s18 =	sld [smem:$0x3FDB];
	_ =	sdelay $0x1  }
0x99: {  	s19 =	simm.s32 $_scs_section_size  }
0x9a: {  	s4 =	simm.s32 $_size__tile_overlayer_lowered;
	s5 =	simm.s32 $_tile_overlayer_lowered  }
0x9b: {  	s22 =	simm.s32 $0x1BFF;
	s21 =	sshll.u32 s5, $0x1;
	s2 =	sadd.s32 s19, s18  }
0x9c: {  	s6 =	simm.s32 $0x0;
	s20 =	sshll.u32 s4, $0x1;
	s4 =	sadd.s32 s21, s2  }
0x9d: {  	[timem:s6], [sflag:s22] =	dma.local [hbm:s4], s20  }
0x9e: {  	_ =	swait.ge [sflag:s22], s20  }
0x9f: {  	s3 =	ssub.s32 $0x0, s20;
	[sflag:s22] =	ssyncset.done $0x0  }
0xa0: {  	[sflag:s22] =	ssyncadd.s32 s3;
	_ =	sdelay $0x1  }
0xa1: {  	s23 =	simm.s32 $0x1B8B  }
0xa2: {  	_ =	swait.ge [sflag:s23], $0x1  }
0xa3: {  	[sflag:s23] =	ssyncset.done $0x0  }
0xa4: {  	s25 =	simm.s32 $0x1B8E;
	s24 =	sld [smem:$0x3FFE];
	[sflag:s23] =	ssyncadd.s32 $0xFFFFFFFF  }
0xa5: {  	s26 =	simm.s32 $execute0_lowered;
	[smem:$0x3FD2] =	sst s25  }
0xa6: {  	s4 =	sshll.u32 s26, $0x1;
	_ =	strace $0x8000004C;
	[dreg:$0x1] =	wrdreg $0xFFFFFFFF  }
0xa7: {  	s28 =	simm.s32 $_size_execute0_lowered;
	s2 =	sadd.s32 s2, s4;
	[dreg:$0x0] =	wrdreg $0x0  }
0xa8: {  	s4 =	sshll.u32 s28, $0x1;
	[dreg:$0x2] =	wrdreg s2  }
0xa9: {  	[dreg:$0x3] =	wrdreg s4  }
0xaa: {  	[dreg:$0x4] =	wrdreg $0xC0  }
0xab: {  	_ =	task [dreg:s6], $0x5FFFF  }
0xac: {  	[dreg:$0x1] =	wrdreg $0xFFFFFFFF  }
0xad: {  	[dreg:$0x0] =	wrdreg $0x60  }
0xae: {  	[dreg:$0x2] =	wrdreg s24  }
0xaf: {  	[dreg:$0x3] =	wrdreg $0x78000  }
0xb0: {  	[dreg:$0x4] =	wrdreg $0x9  }
0xb1: {  	_ =	task.clear_ibuf [dreg:s6], $0x5FFFF;
	_ =	strace $0x9000004C  }
0xb2: {  	s29 =	simm.s32 $0x9;
	_ =	strace $0x8000004E  }
0xb3: {  	_ =	swait.ge [sflag:s29], $0x1  }
0xb4: {  	[sflag:s29] =	ssyncadd.s32 $0xFFFFFFFF  }
0xb5: {  	_ =	strace $0x9000004E  }
0xb6: {  	_ =	sfence  }
0xb7: {  	s30 =	sld [smem:$0x0];
	_ =	sdelay $0x2  }
0xb8: {  	s31 =	sshll.u32 s1, $0xD;
	s1 =	sshrl.u32 s1, $0x2  }
0xb9: {  	s3 =	sand.u32 $0x4000, s31;
	s1 =	sadd.s32 s1, s30  }
0xba: {  	s0 =	sor.u32 s3, s0;
	s1 =	sshll.u32 s1, $0x11  }
0xbb: {  	s0 =	sor.u32 s1, s0  }
0xbc: {  	s0 =	sadd.s32 $0x8F2B, s0  }
0xbd: {  	[sflag:s0] =	ssyncadd.remote.s32 $0x1  }
0xbe: {  	_ =	sfence.sel $0xFFFF  }
0xbf: {  	[dreg:$0x0] =	wrdreg $0xFFFFFFFF;
	(pc) =	sbr.abs _section_cstart, $3  }
0xc0: {  	[dreg:$0x1] =	wrdreg $0xFFFFFFFF  }
0xc1: {  	_ =	task.clear_ibuf [dreg:s6], $0x2FFFF;
	_ =	strace $0x9FFFFFFF  }
0xc2: {  	(tm) =	ssettm $0x7FFFFFFF  }
0xc3: {  	_ =	shalt  }
tec
execute0_lowered:
.L_overlay_start_1:
0x0: {  	(tag) =	ssettag $0x1  }
0x1: {  	s0 =	rddreg [dreg:$0x0]  }
0x2: {  	s1 =	rddreg [dreg:$0x1];
	s2 =	simm.s32 $0x0;
	s3 =	srdreg.scid  }
0x3: {  	s19 =	stileid.u32;
	s28 =	simm.s32 $0x2;
	s29 =	simm.s32 $0x3  }
0x4: {  	s30 =	simm.s32 $0x4;
	s31 =	simm.s32 $0x5;
	[smem:$0x7FF] =	sst s2  }
0x5: {  	s10 =	sadd.s32 $0xBA00, s0;
	s3 =	sand.u32 $0x1, s3;
	s12 =	smul.u32 $0x2800, s19  }
0x6: {  	s11 =	sadd.s32 $0x1000, s0;
	s4 =	sadd.s32 $0x15A00, s0;
	s18 =	smul.u32 $0x2400, s19  }
0x7: {  	s0 =	sadd.s32 $0x1AA00, s0;
	s19 =	smul.u32 $0x580, s19;
	_ =	strace $0x8000004D  }
0x8: {  	s5 =	ssub.s32 $0x2, s3;
	p0 =	seq.s32 s3, $0x1;
	s3 =	smul.u32 $0x28000, s3  }
0x9: {  	s6 =	sshrl.u32 s5, $0x1;
	s14 =	sadd.s32 $0x800, s12;
	s15 =	sadd.s32 $0x1000, s12  }
0xa: {  	s16 =	sadd.s32 $0x1800, s12;
	s17 =	sadd.s32 $0x2000, s12;
	s18 =	sshrl.u32 s18, $0x3  }
0xb: {  	s20 =	sadd.s32 s10, s19;
	s19 =	sadd.s32 s11, s19;
	s13 =	ssub.s32 s5, s6  }
0xc: {  	s5 =	sadd.s32 s12, s1;
	s6 =	sadd.s32 s14, s1;
	s7 =	sadd.s32 s15, s1  }
0xd: {  	s8 =	sadd.s32 s16, s1;
	s9 =	sadd.s32 s17, s1;
	[dreg:$0x3] =	wrdreg s20  }
0xe: {  	[dreg:$0x4] =	wrdreg s19;
	s18 =	sadd.s32 $0x5800, s18;
	s20 =	sadd.s32 s12, s3  }
0xf: {  	s21 =	sadd.s32 s3, s14;
	s24 =	sadd.s32 s3, s15;
	s25 =	sadd.s32 s3, s16  }
0x10: {  	s3 =	sadd.s32 s3, s17;
	s12 =	simm.s32 $0x7;
	s10 =	sadd.s32 s10, s18  }
0x11: {  	s11 =	sadd.s32 s11, s18;
	s22 =	sshrl.u32 s21, $0x3;
	s26 =	sshrl.u32 s25, $0x3  }
0x12: {  	s3 =	sshrl.u32 s3, $0x3;
	s19 =	smax.u32 s13, $0x1;
	s21 =	simm.s32 $0x6000  }
0x13: {  	s13 =	simm.s32 $0x8;
	s25 =	simm.s32 $0x0;
	[dreg:$0x5] =	wrdreg s10  }
0x14: {  	[dreg:$0x6] =	wrdreg s11;
	s10 =	sshrl.u32 s20, $0x3;
	s23 =	sadd.s32 s0, s22  }
.Ltmp0:
0x15: {  	s17 =	sadd.s32 s0, s26;
	s18 =	sadd.s32 s0, s3;
	(pc) =	sbr.rel .LBB2_1-.Ltmp0, $4  }
0x16: {  	s20 =	simm.s32 $0x5800;
	s22 =	simm.s32 $0x6800;
	s26 =	simm.s32 $0x1  }
0x17: {  	s11 =	simm.s32 $0x6;
	s10 =	sadd.s32 s0, s10;
	[dreg:$0x8] =	wrdreg s23  }
0x18: {  	s23 =	simm.s32 $0x7000;
	[dreg:$0x7] =	wrdreg s10;
	s10 =	sshrl.u32 s24, $0x3  }
0x19: {  	v0 =	vimm.f32 $0.0e+00;
	s24 =	simm.s32 $0x9;
	s16 =	sadd.s32 s0, s10;
	s0 =	simm.s32 $0x80  }
.LBB2_6:
0x1a: {  	[tilespmem:s23], [sflag:$0x4] =	stream.indirect.gather [hbm4b:s4+s0], $0x10, s10, s0, $0xb8;
	[tilespmem:$0xA000] =	vst v63  }
0x1b: {  	s3 =	simm.s32 $0x5780  }
0x1c: {  	s10 =	simm.s32 $0x5700;
	s14 =	simm.s32 $0x5680;
	s15 =	simm.s32 $0x5600  }
.LBB2_10:
0x1d: {  	_ =	swait.ge [sflag:s26], $0x800  }
0x1e: {  	[sflag:s26] =	ssyncset.done $0x0  }
0x1f: {  	[sflag:s26] =	ssyncadd.s32 $0xFFFFF800  }
0x20: {  	[spmem:s1] =	stream.indirect.scatter.add.f32 [tilespmem:s20], [sflag:$0x5], $0x10, s15, s0, $0xb8;
	[tilespmem:$0xA000] =	vst v63  }
0x21: {  	_ =	swait.ge [sflag:s28], $0x800  }
0x22: {  	[sflag:s28] =	ssyncset.done $0x0  }
0x23: {  	[sflag:s28] =	ssyncadd.s32 $0xFFFFF800  }
0x24: {  	[spmem:s1] =	stream.indirect.scatter.add.f32 [tilespmem:s21], [sflag:$0x6], $0x10, s14, s0, $0xb8;
	[tilespmem:$0xA000] =	vst v63  }
0x25: {  	_ =	swait.ge [sflag:s29], $0x800  }
0x26: {  	[sflag:s29] =	ssyncset.done $0x0  }
0x27: {  	[sflag:s29] =	ssyncadd.s32 $0xFFFFF800  }
0x28: {  	[spmem:s1] =	stream.indirect.scatter.add.f32 [tilespmem:s22], [sflag:$0x7], $0x10, s10, s0, $0xb8;
	[tilespmem:$0xA000] =	vst v63  }
0x29: {  	_ =	swait.ge [sflag:s30], $0x800  }
0x2a: {  	[sflag:s30] =	ssyncset.done $0x0  }
0x2b: {  	[sflag:s30] =	ssyncadd.s32 $0xFFFFF800  }
0x2c: {  	[spmem:s1] =	stream.indirect.scatter.add.f32 [tilespmem:s23], [sflag:$0x8], $0x10, s3, s0, $0xb8;
	[tilespmem:$0xA000] =	vst v63  }
0x2d: {  	_ =	swait.ge [sflag:s31], $0x800  }
0x2e: {  	[sflag:s31] =	ssyncset.done $0x0  }
0x2f: {  	[sflag:s31] =	ssyncadd.s32 $0xFFFFF800  }
0x30: {  	_ =	swait.ge [sflag:s11], $0x800  }
0x31: {  	[sflag:s11] =	ssyncset.done $0x0  }
0x32: {  	[sflag:s11] =	ssyncadd.s32 $0xFFFFF800  }
0x33: {  	_ =	swait.ge [sflag:s12], $0x800  }
0x34: {  	[sflag:s12] =	ssyncset.done $0x0  }
0x35: {  	[sflag:s12] =	ssyncadd.s32 $0xFFFFF800  }
0x36: {  	_ =	swait.ge [sflag:s13], $0x800  }
0x37: {  	[sflag:s13] =	ssyncset.done $0x0  }
0x38: {  	[sflag:s13] =	ssyncadd.s32 $0xFFFFF800  }
0x39: {  	[bflag:$0x0] =	sbarrier.arrive $0xFFFF  }
0x3a: {  	[tilespmem:s20], [sflag:$0x1] =	stream.linear.gather [spmem:s5], $0x800, $0x38;
	[tilespmem:$0xA000] =	vst v63  }
0x3b: {  	_ = 	snop  }
0x3c: {  	[tilespmem:s21], [sflag:$0x2] =	stream.linear.gather [spmem:s6], $0x800, $0x38;
	[tilespmem:$0xA000] =	vst v63  }
0x3d: {  	_ = 	snop  }
0x3e: {  	[tilespmem:s22], [sflag:$0x3] =	stream.linear.gather [spmem:s7], $0x800, $0x38;
	[tilespmem:$0xA000] =	vst v63  }
0x3f: {  	_ = 	snop  }
0x40: {  	[tilespmem:s23], [sflag:$0x4] =	stream.linear.gather [spmem:s8], $0x800, $0x38;
	[tilespmem:$0xA000] =	vst v63  }
0x41: {  	_ =	swait.ge [sflag:s26], $0x800  }
0x42: {  	[sflag:s26] =	ssyncset.done $0x0  }
0x43: {  	s14 =	rddreg [dreg:$0x7];
	[sflag:s26] =	ssyncadd.s32 $0xFFFFF800  }
0x44: {  	[hbm4b:s14+s2] =	stream.linear.scatter [tilespmem:s20], [sflag:$0x5], $0x800, $0x38;
	[tilespmem:$0xA000] =	vst v63  }
0x45: {  	_ =	swait.ge [sflag:s28], $0x800  }
0x46: {  	[sflag:s28] =	ssyncset.done $0x0  }
0x47: {  	s15 =	rddreg [dreg:$0x8];
	[sflag:s28] =	ssyncadd.s32 $0xFFFFF800  }
0x48: {  	[hbm4b:s15+s2] =	stream.linear.scatter [tilespmem:s21], [sflag:$0x6], $0x800, $0x38;
	[tilespmem:$0xA000] =	vst v63  }
0x49: {  	_ =	swait.ge [sflag:s29], $0x800  }
0x4a: {  	[sflag:s29] =	ssyncset.done $0x0  }
0x4b: {  	[sflag:s29] =	ssyncadd.s32 $0xFFFFF800  }
0x4c: {  	[hbm4b:s16+s2] =	stream.linear.scatter [tilespmem:s22], [sflag:$0x7], $0x800, $0x38;
	[tilespmem:$0xA000] =	vst v63  }
0x4d: {  	_ =	swait.ge [sflag:s30], $0x800  }
0x4e: {  	[sflag:s30] =	ssyncset.done $0x0  }
0x4f: {  	[sflag:s30] =	ssyncadd.s32 $0xFFFFF800  }
0x50: {  	[hbm4b:s17+s2] =	stream.linear.scatter [tilespmem:s23], [sflag:$0x8], $0x800, $0x38;
	[tilespmem:$0xA000] =	vst v63  }
0x51: {  	_ =	swait.ge [sflag:s31], $0x800  }
0x52: {  	[sflag:s31] =	ssyncset.done $0x0  }
0x53: {  	[sflag:s31] =	ssyncadd.s32 $0xFFFFF800  }
0x54: {  	[tilespmem:s20], [sflag:$0x1] =	stream.linear.gather [spmem:s9], $0x800, $0x38;
	[tilespmem:$0xA000] =	vst v63  }
0x55: {  	_ =	swait.ge [sflag:s26], $0x800  }
0x56: {  	[sflag:s26] =	ssyncset.done $0x0  }
0x57: {  	[sflag:s26] =	ssyncadd.s32 $0xFFFFF800  }
0x58: {  	[hbm4b:s18+s2] =	stream.linear.scatter [tilespmem:s20], [sflag:$0x5], $0x800, $0x38;
	[tilespmem:$0xA000] =	vst v63  }
0x59: {  	_ =	swait.ge [sflag:s11], $0x800  }
0x5a: {  	[sflag:s11] =	ssyncset.done $0x0  }
0x5b: {  	[sflag:s11] =	ssyncadd.s32 $0xFFFFF800  }
0x5c: {  	_ =	swait.ge [sflag:s12], $0x800  }
0x5d: {  	[sflag:s12] =	ssyncset.done $0x0  }
0x5e: {  	s25 =	sadd.s32 $0x1, s25;
	[sflag:s12] =	ssyncadd.s32 $0xFFFFF800  }
0x5f: {  	p1 =	sne.s32 s25, s19;
	_ =	swait.ge [sflag:s13], $0x800  }
.Ltmp1:
0x60: {  	[sflag:s13] =	ssyncset.done $0x0;
	(pc) =	sbr.rel @!p1 .LBB2_11-.Ltmp1, $4  }
0x61: {  	[sflag:s13] =	ssyncadd.s32 $0xFFFFF800  }
0x62: {  	_ =	swait.ge [sflag:s31], $0x800  }
0x63: {  	[sflag:s31] =	ssyncset.done $0x0  }
0x64: {  	[sflag:s31] =	ssyncadd.s32 $0xFFFFF800  }
.LBB2_1:
0x65: {  	s10 =	simm.s32 $0x40;
	s3 =	simm.s32 $0x0  }
.LBB2_2:
0x66: {  	p1 =	sne.s32 s10, $0x1FC0;
	[tilespmem:s3+$0x7000] =	vst v0;
	s14 =	smov.u32 s10;
	s10 =	sadd.s32 $0x40, s10  }
.Ltmp2:
0x67: {  	[tilespmem:s3+$0x6800] =	vst v0;
	(pc) =	sbr.rel @p1 .LBB2_2-.Ltmp2, $3  }
0x68: {  	[tilespmem:s3+$0x5800] =	vst v0  }
0x69: {  	[tilespmem:s3+$0x6000] =	vst v0;
	_ =	sdelay $0x1  }
0x6a: {  	s3 =	sshra.s32 s14, $0x2  }
0x6b: {  	[tilespmem:s3+$0x7000] =	vst v0  }
0x6c: {  	[tilespmem:s3+$0x6800] =	vst v0  }
0x6d: {  	[tilespmem:s3+$0x5800] =	vst v0  }
0x6e: {  	[tilespmem:s3+$0x6000] =	vst v0  }
0x6f: {  	[spmem:s5] =	stream.linear.scatter [tilespmem:s20], [sflag:$0x1], $0x800, $0x38;
	[tilespmem:$0xA000] =	vst v63  }
0x70: {  	_ = 	snop  }
0x71: {  	[spmem:s6] =	stream.linear.scatter [tilespmem:s21], [sflag:$0x2], $0x800, $0x38;
	[tilespmem:$0xA000] =	vst v63  }
0x72: {  	_ = 	snop  }
0x73: {  	[spmem:s7] =	stream.linear.scatter [tilespmem:s22], [sflag:$0x3], $0x800, $0x38;
	[tilespmem:$0xA000] =	vst v63  }
.Ltmp3:
0x74: {  	_ = 	snop;
	(pc) =	sbr.rel @!p0 .LBB2_4-.Ltmp3, $4  }
0x75: {  	_ = 	snop  }
0x76: {  	[spmem:s8] =	stream.linear.scatter [tilespmem:s23], [sflag:$0x4], $0x800, $0x38;
	[tilespmem:$0xA000] =	vst v63  }
0x77: {  	s3 =	simm.s32 $0x0  }
0x78: {  	[spmem:s9] =	stream.linear.scatter [tilespmem:s20], [sflag:$0x5], $0x800, $0x38;
	[tilespmem:$0xA000] =	vst v63  }
0x79: {  	s10 =	rddreg [dreg:$0x5]  }
0x7a: {  	[tilespmem:s3], [sflag:$0x9] =	stream.linear.gather [hbm4b:s10+s3], $0x2400, $0x38;
	[tilespmem:$0xA000] =	vst v63  }
0x7b: {  	_ =	swait.ge [sflag:s24], $0x2400  }
0x7c: {  	[sflag:s24] =	ssyncset.done $0x0  }
0x7d: {  	s14 =	simm.s32 $0x2C00;
	s15 =	rddreg [dreg:$0x6];
	[sflag:s24] =	ssyncadd.s32 $0xFFFFDC00  }
0x7e: {  	[tilespmem:s14], [sflag:$0x9] =	stream.linear.gather [hbm4b:s15+s3], $0x2400, $0x38;
	[tilespmem:$0xA000] =	vst v63  }
0x7f: {  	_ =	swait.ge [sflag:s24], $0x2400  }
0x80: {  	[sflag:s24] =	ssyncset.done $0x0  }
0x81: {  	[sflag:s24] =	ssyncadd.s32 $0xFFFFDC00  }
0x82: {  	_ =	swait.ge [sflag:s26], $0x800  }
0x83: {  	[sflag:s26] =	ssyncset.done $0x0  }
0x84: {  	[sflag:s26] =	ssyncadd.s32 $0xFFFFF800  }
0x85: {  	_ =	swait.ge [sflag:s28], $0x800  }
0x86: {  	[sflag:s28] =	ssyncset.done $0x0  }
0x87: {  	[sflag:s28] =	ssyncadd.s32 $0xFFFFF800  }
0x88: {  	_ =	swait.ge [sflag:s29], $0x800  }
0x89: {  	[sflag:s29] =	ssyncset.done $0x0  }
0x8a: {  	[sflag:s29] =	ssyncadd.s32 $0xFFFFF800  }
0x8b: {  	_ =	swait.ge [sflag:s30], $0x800  }
0x8c: {  	[sflag:s30] =	ssyncset.done $0x0  }
0x8d: {  	[sflag:s30] =	ssyncadd.s32 $0xFFFFF800  }
0x8e: {  	_ =	swait.ge [sflag:s31], $0x800  }
0x8f: {  	[sflag:s31] =	ssyncset.done $0x0  }
0x90: {  	[sflag:s31] =	ssyncadd.s32 $0xFFFFF800  }
0x91: {  	[bflag:$0x0] =	sbarrier.arrive $0xFFFF  }
0x92: {  	[tilespmem:s20], [sflag:$0x1] =	stream.indirect.gather [hbm4b:s4+s0], $0x10, s3, s0, $0xb8;
	[tilespmem:$0xA000] =	vst v63  }
0x93: {  	_ = 	snop  }
0x94: {  	[tilespmem:s21], [sflag:$0x2] =	stream.indirect.gather [hbm4b:s4+s0], $0x10, s0, s0, $0xb8;
	[tilespmem:$0xA000] =	vst v63  }
0x95: {  	s10 =	simm.s32 $0x100  }
0x96: {  	[tilespmem:s22], [sflag:$0x3] =	stream.indirect.gather [hbm4b:s4+s0], $0x10, s10, s0, $0xb8;
	[tilespmem:$0xA000] =	vst v63  }
0x97: {  	s14 =	simm.s32 $0x180  }
0x98: {  	[tilespmem:s23], [sflag:$0x4] =	stream.indirect.gather [hbm4b:s4+s0], $0x10, s14, s0, $0xb8;
	[tilespmem:$0xA000] =	vst v63  }
0x99: {  	_ =	swait.ge [sflag:s26], $0x800  }
0x9a: {  	[sflag:s26] =	ssyncset.done $0x0  }
0x9b: {  	s15 =	simm.s32 $0x2C00;
	[sflag:s26] =	ssyncadd.s32 $0xFFFFF800  }
0x9c: {  	[spmem:s1] =	stream.indirect.scatter.add.f32 [tilespmem:s20], [sflag:$0x5], $0x10, s15, s0, $0xb8;
	[tilespmem:$0xA000] =	vst v63  }
0x9d: {  	_ =	swait.ge [sflag:s31], $0x800  }
0x9e: {  	[sflag:s31] =	ssyncset.done $0x0  }
0x9f: {  	s10 =	simm.s32 $0x200;
	[sflag:s31] =	ssyncadd.s32 $0xFFFFF800  }
0xa0: {  	[tilespmem:s20], [sflag:$0x1] =	stream.indirect.gather [hbm4b:s4+s0], $0x10, s10, s0, $0xb8;
	[tilespmem:$0xA000] =	vst v63  }
0xa1: {  	_ =	swait.ge [sflag:s28], $0x800  }
0xa2: {  	[sflag:s28] =	ssyncset.done $0x0  }
0xa3: {  	s14 =	simm.s32 $0x2C80;
	[sflag:s28] =	ssyncadd.s32 $0xFFFFF800  }
0xa4: {  	[spmem:s1] =	stream.indirect.scatter.add.f32 [tilespmem:s21], [sflag:$0x6], $0x10, s14, s0, $0xb8;
	[tilespmem:$0xA000] =	vst v63  }
0xa5: {  	_ =	swait.ge [sflag:s11], $0x800  }
0xa6: {  	[sflag:s11] =	ssyncset.done $0x0  }
0xa7: {  	s15 =	simm.s32 $0x280;
	[sflag:s11] =	ssyncadd.s32 $0xFFFFF800  }
0xa8: {  	[tilespmem:s21], [sflag:$0x2] =	stream.indirect.gather [hbm4b:s4+s0], $0x10, s15, s0, $0xb8;
	[tilespmem:$0xA000] =	vst v63  }
0xa9: {  	_ =	swait.ge [sflag:s29], $0x800  }
0xaa: {  	[sflag:s29] =	ssyncset.done $0x0  }
0xab: {  	s10 =	simm.s32 $0x2D00;
	[sflag:s29] =	ssyncadd.s32 $0xFFFFF800  }
0xac: {  	[spmem:s1] =	stream.indirect.scatter.add.f32 [tilespmem:s22], [sflag:$0x7], $0x10, s10, s0, $0xb8;
	[tilespmem:$0xA000] =	vst v63  }
0xad: {  	_ =	swait.ge [sflag:s12], $0x800  }
0xae: {  	[sflag:s12] =	ssyncset.done $0x0  }
0xaf: {  	s14 =	simm.s32 $0x300;
	[sflag:s12] =	ssyncadd.s32 $0xFFFFF800  }
0xb0: {  	[tilespmem:s22], [sflag:$0x3] =	stream.indirect.gather [hbm4b:s4+s0], $0x10, s14, s0, $0xb8;
	[tilespmem:$0xA000] =	vst v63  }
0xb1: {  	_ =	swait.ge [sflag:s30], $0x800  }
0xb2: {  	[sflag:s30] =	ssyncset.done $0x0  }
0xb3: {  	s15 =	simm.s32 $0x2D80;
	[sflag:s30] =	ssyncadd.s32 $0xFFFFF800  }
0xb4: {  	[spmem:s1] =	stream.indirect.scatter.add.f32 [tilespmem:s23], [sflag:$0x8], $0x10, s15, s0, $0xb8;
	[tilespmem:$0xA000] =	vst v63  }
0xb5: {  	_ =	swait.ge [sflag:s13], $0x800  }
0xb6: {  	[sflag:s13] =	ssyncset.done $0x0  }
0xb7: {  	s3 =	simm.s32 $0x800;
	s10 =	simm.s32 $0x380;
	[sflag:s13] =	ssyncadd.s32 $0xFFFFF800  }
.LBB2_8:
0xb8: {  	[tilespmem:s23], [sflag:$0x4] =	stream.indirect.gather [hbm4b:s4+s0], $0x10, s10, s0, $0xb8;
	[tilespmem:$0xA000] =	vst v63  }
0xb9: {  	s10 =	smov.u32 s3  }
0xba: {  	p1 =	sne.s32 s3, $0x8000;
	s3 =	sadd.s32 $0x800, s3;
	_ =	swait.ge [sflag:s26], $0x800  }
0xbb: {  	s10 =	sshra.s32 s10, $0x2;
	[sflag:s26] =	ssyncset.done $0x0  }
0xbc: {  	s14 =	sadd.s32 $0x2C00, s10;
	[sflag:s26] =	ssyncadd.s32 $0xFFFFF800  }
0xbd: {  	[spmem:s1] =	stream.indirect.scatter.add.f32 [tilespmem:s20], [sflag:$0x5], $0x10, s14, s0, $0xb8;
	[tilespmem:$0xA000] =	vst v63  }
0xbe: {  	_ =	swait.ge [sflag:s31], $0x800  }
0xbf: {  	[sflag:s31] =	ssyncset.done $0x0  }
0xc0: {  	s14 =	sadd.s32 $0x200, s10;
	[sflag:s31] =	ssyncadd.s32 $0xFFFFF800  }
0xc1: {  	[tilespmem:s20], [sflag:$0x1] =	stream.indirect.gather [hbm4b:s4+s0], $0x10, s14, s0, $0xb8;
	[tilespmem:$0xA000] =	vst v63  }
0xc2: {  	_ =	swait.ge [sflag:s28], $0x800  }
0xc3: {  	[sflag:s28] =	ssyncset.done $0x0  }
0xc4: {  	s14 =	sadd.s32 $0x2C80, s10;
	[sflag:s28] =	ssyncadd.s32 $0xFFFFF800  }
0xc5: {  	[spmem:s1] =	stream.indirect.scatter.add.f32 [tilespmem:s21], [sflag:$0x6], $0x10, s14, s0, $0xb8;
	[tilespmem:$0xA000] =	vst v63  }
0xc6: {  	_ =	swait.ge [sflag:s11], $0x800  }
0xc7: {  	[sflag:s11] =	ssyncset.done $0x0  }
0xc8: {  	s14 =	sadd.s32 $0x280, s10;
	[sflag:s11] =	ssyncadd.s32 $0xFFFFF800  }
0xc9: {  	[tilespmem:s21], [sflag:$0x2] =	stream.indirect.gather [hbm4b:s4+s0], $0x10, s14, s0, $0xb8;
	[tilespmem:$0xA000] =	vst v63  }
0xca: {  	_ =	swait.ge [sflag:s29], $0x800  }
0xcb: {  	[sflag:s29] =	ssyncset.done $0x0  }
0xcc: {  	s14 =	sadd.s32 $0x2D00, s10;
	[sflag:s29] =	ssyncadd.s32 $0xFFFFF800  }
0xcd: {  	[spmem:s1] =	stream.indirect.scatter.add.f32 [tilespmem:s22], [sflag:$0x7], $0x10, s14, s0, $0xb8;
	[tilespmem:$0xA000] =	vst v63  }
0xce: {  	_ =	swait.ge [sflag:s12], $0x800  }
0xcf: {  	[sflag:s12] =	ssyncset.done $0x0  }
0xd0: {  	s14 =	sadd.s32 $0x300, s10;
	[sflag:s12] =	ssyncadd.s32 $0xFFFFF800  }
0xd1: {  	[tilespmem:s22], [sflag:$0x3] =	stream.indirect.gather [hbm4b:s4+s0], $0x10, s14, s0, $0xb8;
	[tilespmem:$0xA000] =	vst v63  }
0xd2: {  	_ =	swait.ge [sflag:s30], $0x800  }
0xd3: {  	[sflag:s30] =	ssyncset.done $0x0  }
.Ltmp4:
0xd4: {  	s14 =	sadd.s32 $0x2D80, s10;
	[sflag:s30] =	ssyncadd.s32 $0xFFFFF800;
	(pc) =	sbr.rel @p1 .LBB2_8-.Ltmp4, $4  }
0xd5: {  	[spmem:s1] =	stream.indirect.scatter.add.f32 [tilespmem:s23], [sflag:$0x8], $0x10, s14, s0, $0xb8;
	[tilespmem:$0xA000] =	vst v63  }
0xd6: {  	_ =	swait.ge [sflag:s13], $0x800  }
0xd7: {  	[sflag:s13] =	ssyncset.done $0x0  }
0xd8: {  	s10 =	sadd.s32 $0x380, s10;
	[sflag:s13] =	ssyncadd.s32 $0xFFFFF800  }
.Ltmp5:
0xd9: {  	(pc) =	sbr.rel .LBB2_10-.Ltmp5, $4  }
0xda: {  	_ = 	snop  }
0xdb: {  	[tilespmem:s23], [sflag:$0x4] =	stream.indirect.gather [hbm4b:s4+s0], $0x10, s10, s0, $0xb8;
	[tilespmem:$0xA000] =	vst v63  }
0xdc: {  	s3 =	simm.s32 $0x4F80  }
0xdd: {  	s10 =	simm.s32 $0x4F00;
	s14 =	simm.s32 $0x4E80;
	s15 =	simm.s32 $0x4E00  }
.LBB2_4:
0xde: {  	s10 =	rddreg [dreg:$0x3]  }
0xdf: {  	[tilespmem:s3], [sflag:$0x9] =	stream.linear.gather [hbm4b:s10+s3], $0x2C00, $0x38;
	[tilespmem:$0xA000] =	vst v63  }
0xe0: {  	_ =	swait.ge [sflag:s24], $0x2C00  }
0xe1: {  	[sflag:s24] =	ssyncset.done $0x0  }
0xe2: {  	s14 =	simm.s32 $0x2C00;
	s15 =	rddreg [dreg:$0x4];
	[sflag:s24] =	ssyncadd.s32 $0xFFFFD400  }
0xe3: {  	[tilespmem:s14], [sflag:$0x9] =	stream.linear.gather [hbm4b:s15+s3], $0x2C00, $0x38;
	[tilespmem:$0xA000] =	vst v63  }
0xe4: {  	_ =	swait.ge [sflag:s24], $0x2C00  }
0xe5: {  	[sflag:s24] =	ssyncset.done $0x0  }
0xe6: {  	[sflag:s24] =	ssyncadd.s32 $0xFFFFD400  }
0xe7: {  	_ =	swait.ge [sflag:s26], $0x800  }
0xe8: {  	[sflag:s26] =	ssyncset.done $0x0  }
0xe9: {  	[sflag:s26] =	ssyncadd.s32 $0xFFFFF800  }
0xea: {  	_ =	swait.ge [sflag:s28], $0x800  }
0xeb: {  	[sflag:s28] =	ssyncset.done $0x0  }
0xec: {  	[sflag:s28] =	ssyncadd.s32 $0xFFFFF800  }
0xed: {  	_ =	swait.ge [sflag:s29], $0x800  }
0xee: {  	[sflag:s29] =	ssyncset.done $0x0  }
0xef: {  	[sflag:s29] =	ssyncadd.s32 $0xFFFFF800  }
0xf0: {  	_ =	swait.ge [sflag:s30], $0x800  }
0xf1: {  	[sflag:s30] =	ssyncset.done $0x0  }
0xf2: {  	[sflag:s30] =	ssyncadd.s32 $0xFFFFF800  }
0xf3: {  	_ =	swait.ge [sflag:s31], $0x800  }
0xf4: {  	[sflag:s31] =	ssyncset.done $0x0  }
0xf5: {  	[sflag:s31] =	ssyncadd.s32 $0xFFFFF800  }
0xf6: {  	[bflag:$0x0] =	sbarrier.arrive $0xFFFF  }
0xf7: {  	[tilespmem:s20], [sflag:$0x1] =	stream.indirect.gather [hbm4b:s4+s0], $0x10, s3, s0, $0xb8;
	[tilespmem:$0xA000] =	vst v63  }
0xf8: {  	_ = 	snop  }
0xf9: {  	[tilespmem:s21], [sflag:$0x2] =	stream.indirect.gather [hbm4b:s4+s0], $0x10, s0, s0, $0xb8;
	[tilespmem:$0xA000] =	vst v63  }
0xfa: {  	s10 =	simm.s32 $0x100  }
0xfb: {  	[tilespmem:s22], [sflag:$0x3] =	stream.indirect.gather [hbm4b:s4+s0], $0x10, s10, s0, $0xb8;
	[tilespmem:$0xA000] =	vst v63  }
0xfc: {  	s14 =	simm.s32 $0x180  }
0xfd: {  	[tilespmem:s23], [sflag:$0x4] =	stream.indirect.gather [hbm4b:s4+s0], $0x10, s14, s0, $0xb8;
	[tilespmem:$0xA000] =	vst v63  }
0xfe: {  	_ =	swait.ge [sflag:s26], $0x800  }
0xff: {  	[sflag:s26] =	ssyncset.done $0x0  }
0x100: {  	s15 =	simm.s32 $0x2C00;
	[sflag:s26] =	ssyncadd.s32 $0xFFFFF800  }
0x101: {  	[spmem:s1] =	stream.indirect.scatter.add.f32 [tilespmem:s20], [sflag:$0x5], $0x10, s15, s0, $0xb8;
	[tilespmem:$0xA000] =	vst v63  }
0x102: {  	_ =	swait.ge [sflag:s31], $0x800  }
0x103: {  	[sflag:s31] =	ssyncset.done $0x0  }
0x104: {  	s10 =	simm.s32 $0x200;
	[sflag:s31] =	ssyncadd.s32 $0xFFFFF800  }
0x105: {  	[tilespmem:s20], [sflag:$0x1] =	stream.indirect.gather [hbm4b:s4+s0], $0x10, s10, s0, $0xb8;
	[tilespmem:$0xA000] =	vst v63  }
0x106: {  	_ =	swait.ge [sflag:s28], $0x800  }
0x107: {  	[sflag:s28] =	ssyncset.done $0x0  }
0x108: {  	s14 =	simm.s32 $0x2C80;
	[sflag:s28] =	ssyncadd.s32 $0xFFFFF800  }
0x109: {  	[spmem:s1] =	stream.indirect.scatter.add.f32 [tilespmem:s21], [sflag:$0x6], $0x10, s14, s0, $0xb8;
	[tilespmem:$0xA000] =	vst v63  }
0x10a: {  	_ =	swait.ge [sflag:s11], $0x800  }
0x10b: {  	[sflag:s11] =	ssyncset.done $0x0  }
0x10c: {  	s15 =	simm.s32 $0x280;
	[sflag:s11] =	ssyncadd.s32 $0xFFFFF800  }
0x10d: {  	[tilespmem:s21], [sflag:$0x2] =	stream.indirect.gather [hbm4b:s4+s0], $0x10, s15, s0, $0xb8;
	[tilespmem:$0xA000] =	vst v63  }
0x10e: {  	_ =	swait.ge [sflag:s29], $0x800  }
0x10f: {  	[sflag:s29] =	ssyncset.done $0x0  }
0x110: {  	s10 =	simm.s32 $0x2D00;
	[sflag:s29] =	ssyncadd.s32 $0xFFFFF800  }
0x111: {  	[spmem:s1] =	stream.indirect.scatter.add.f32 [tilespmem:s22], [sflag:$0x7], $0x10, s10, s0, $0xb8;
	[tilespmem:$0xA000] =	vst v63  }
0x112: {  	_ =	swait.ge [sflag:s12], $0x800  }
0x113: {  	[sflag:s12] =	ssyncset.done $0x0  }
0x114: {  	s14 =	simm.s32 $0x300;
	[sflag:s12] =	ssyncadd.s32 $0xFFFFF800  }
0x115: {  	[tilespmem:s22], [sflag:$0x3] =	stream.indirect.gather [hbm4b:s4+s0], $0x10, s14, s0, $0xb8;
	[tilespmem:$0xA000] =	vst v63  }
0x116: {  	_ =	swait.ge [sflag:s30], $0x800  }
0x117: {  	p1 =	por $0x0, $0x0;
	[sflag:s30] =	ssyncset.done $0x0  }
.Ltmp6:
0x118: {  	s15 =	simm.s32 $0x2D80;
	[sflag:s30] =	ssyncadd.s32 $0xFFFFF800;
	(pc) =	sbr.rel @p1 .LBB2_6-.Ltmp6, $4  }
0x119: {  	[spmem:s1] =	stream.indirect.scatter.add.f32 [tilespmem:s23], [sflag:$0x8], $0x10, s15, s0, $0xb8;
	[tilespmem:$0xA000] =	vst v63  }
0x11a: {  	_ =	swait.ge [sflag:s13], $0x800  }
0x11b: {  	[sflag:s13] =	ssyncset.done $0x0  }
0x11c: {  	s3 =	simm.s32 $0x800;
	s10 =	simm.s32 $0x380;
	[sflag:s13] =	ssyncadd.s32 $0xFFFFF800  }
.LBB2_5:
0x11d: {  	[tilespmem:s23], [sflag:$0x4] =	stream.indirect.gather [hbm4b:s4+s0], $0x10, s10, s0, $0xb8;
	[tilespmem:$0xA000] =	vst v63  }
0x11e: {  	s10 =	smov.u32 s3  }
0x11f: {  	p1 =	seq.s32 s3, $0xA000;
	s3 =	sadd.s32 $0x800, s3;
	_ =	swait.ge [sflag:s26], $0x800  }
0x120: {  	s10 =	sshra.s32 s10, $0x2;
	[sflag:s26] =	ssyncset.done $0x0  }
0x121: {  	s14 =	sadd.s32 $0x2C00, s10;
	[sflag:s26] =	ssyncadd.s32 $0xFFFFF800  }
0x122: {  	[spmem:s1] =	stream.indirect.scatter.add.f32 [tilespmem:s20], [sflag:$0x5], $0x10, s14, s0, $0xb8;
	[tilespmem:$0xA000] =	vst v63  }
0x123: {  	_ =	swait.ge [sflag:s31], $0x800  }
0x124: {  	[sflag:s31] =	ssyncset.done $0x0  }
0x125: {  	s14 =	sadd.s32 $0x200, s10;
	[sflag:s31] =	ssyncadd.s32 $0xFFFFF800  }
0x126: {  	[tilespmem:s20], [sflag:$0x1] =	stream.indirect.gather [hbm4b:s4+s0], $0x10, s14, s0, $0xb8;
	[tilespmem:$0xA000] =	vst v63  }
0x127: {  	_ =	swait.ge [sflag:s28], $0x800  }
0x128: {  	[sflag:s28] =	ssyncset.done $0x0  }
0x129: {  	s14 =	sadd.s32 $0x2C80, s10;
	[sflag:s28] =	ssyncadd.s32 $0xFFFFF800  }
0x12a: {  	[spmem:s1] =	stream.indirect.scatter.add.f32 [tilespmem:s21], [sflag:$0x6], $0x10, s14, s0, $0xb8;
	[tilespmem:$0xA000] =	vst v63  }
0x12b: {  	_ =	swait.ge [sflag:s11], $0x800  }
0x12c: {  	[sflag:s11] =	ssyncset.done $0x0  }
0x12d: {  	s14 =	sadd.s32 $0x280, s10;
	[sflag:s11] =	ssyncadd.s32 $0xFFFFF800  }
0x12e: {  	[tilespmem:s21], [sflag:$0x2] =	stream.indirect.gather [hbm4b:s4+s0], $0x10, s14, s0, $0xb8;
	[tilespmem:$0xA000] =	vst v63  }
0x12f: {  	_ =	swait.ge [sflag:s29], $0x800  }
0x130: {  	[sflag:s29] =	ssyncset.done $0x0  }
0x131: {  	s14 =	sadd.s32 $0x2D00, s10;
	[sflag:s29] =	ssyncadd.s32 $0xFFFFF800  }
0x132: {  	[spmem:s1] =	stream.indirect.scatter.add.f32 [tilespmem:s22], [sflag:$0x7], $0x10, s14, s0, $0xb8;
	[tilespmem:$0xA000] =	vst v63  }
0x133: {  	_ =	swait.ge [sflag:s12], $0x800  }
0x134: {  	[sflag:s12] =	ssyncset.done $0x0  }
0x135: {  	s14 =	sadd.s32 $0x300, s10;
	[sflag:s12] =	ssyncadd.s32 $0xFFFFF800  }
0x136: {  	[tilespmem:s22], [sflag:$0x3] =	stream.indirect.gather [hbm4b:s4+s0], $0x10, s14, s0, $0xb8;
	[tilespmem:$0xA000] =	vst v63  }
0x137: {  	_ =	swait.ge [sflag:s30], $0x800  }
0x138: {  	[sflag:s30] =	ssyncset.done $0x0  }
.Ltmp7:
0x139: {  	s14 =	sadd.s32 $0x2D80, s10;
	[sflag:s30] =	ssyncadd.s32 $0xFFFFF800;
	(pc) =	sbr.rel @!p1 .LBB2_5-.Ltmp7, $4  }
0x13a: {  	[spmem:s1] =	stream.indirect.scatter.add.f32 [tilespmem:s23], [sflag:$0x8], $0x10, s14, s0, $0xb8;
	[tilespmem:$0xA000] =	vst v63  }
0x13b: {  	_ =	swait.ge [sflag:s13], $0x800  }
0x13c: {  	[sflag:s13] =	ssyncset.done $0x0  }
0x13d: {  	s10 =	sadd.s32 $0x380, s10;
	[sflag:s13] =	ssyncadd.s32 $0xFFFFF800  }
.Ltmp8:
0x13e: {  	_ = 	snop;
	(pc) =	sbr.rel .LBB2_6-.Ltmp8, $1  }
0x13f: {  	_ =	sdelay $0x3  }
.LBB2_11:
0x140: {  	_ =	sfence.sel $0x180000  }
0x141: {  	[bflag:$0x0] =	sbarrier.arrive $0xFFFF  }
0x142: {  	_ =	strace $0x9000004D  }
0x143: {  	s0 =	stileid.u32;
	[bflag:$0x2] =	sbarrier.arrive $0xFFFF  }
0x144: {  	p0 =	sne.s32 s0, $0x0;
	s0 =	rddreg [dreg:$0x2]  }
0x145: {  	s0 =	sadd.s32 @!p0 $0x100000, s0  }
0x146: {  	[sflag:s0] =	ssyncadd.tile.s32 @!p0 $0x1;
	_ =	shalt  }
.Lfunc_end2:
_tile_overlayer_lowered:
.L_overlay_start_2:
0x147: {  	(tag) =	ssettag $0x2  }
0x148: {  	s0 =	rddreg [dreg:$0x0];
	s2 =	stileid.u32  }
0x149: {  	s1 =	rddreg [dreg:$0x1];
	p0 =	sne.s32 s2, $0x0  }
0x14a: {  	s3 =	rddreg [dreg:$0x2];
	[bflag:$0x3] =	sbarrier.arrive $0xFFFF;
	s2 =	simm.s32 @!p0 $0x1C09  }
0x14b: {  	[timem:s3], [sflag:s2] =	dma.local @!p0 [hbm:s0], s1  }
0x14c: {  	s0 =	simm.s32 @!p0 $0x9  }
0x14d: {  	_ =	swait.ge @!p0 [sflag:s0], s1  }
0x14e: {  	s1 =	ssub.s32 @!p0 $0x0, s1;
	[sflag:s0] =	ssyncset.done @!p0 $0x0  }
0x14f: {  	[sflag:s0] =	ssyncadd.s32 @!p0 s1  }
0x150: {  	[bflag:$0x3] =	sbarrier.arrive $0xFFFF  }
0x151: {  	_ =	shalt  }

// kernel: kernel.9.cloned.1.call-start
scs
__scs_entry_jumppad:
0x0: {  	(pc) =	sbr.rel $0x88, $3  }
0x1: {  	(tag) =	ssettag $0x0;
	lr =	simm.s32 $0x1  }
0x2: {  	[smem:$0x3F9B] =	sst lr;
	_ =	strace $0xD0000000  }
0x3: {  	_ = 	snop  }
0x4: {  	_ = 	snop  }
0x5: {  	_ = 	snop  }
0x6: {  	_ = 	snop  }
0x7: {  	_ = 	snop  }
__scs_overlays_trampoline_lowered:
0x8: {  	[smem:$0x3FAA] =	sst s0  }
0x9: {  	[smem:$0x3FAB] =	sst s1  }
0xa: {  	[smem:$0x3FAC] =	sst s2  }
0xb: {  	[smem:$0x3FAD] =	sst s3  }
0xc: {  	[smem:$0x3FAE] =	sst s4  }
0xd: {  	[smem:$0x3FAF] =	sst s5  }
0xe: {  	[smem:$0x3FB0] =	sst s6  }
0xf: {  	[smem:$0x3FB1] =	sst s7  }
0x10: {  	[smem:$0x3FB2] =	sst s8  }
0x11: {  	[smem:$0x3FB3] =	sst s9;
	s0 =	simm.s32 @!p0 $0x0  }
0x12: {  	s1 =	sld [smem:$0x3F99];
	s0 =	simm.s32 @p0 $0x1  }
0x13: {  	[smem:$0x3FB4] =	sst s0;
	s0 =	simm.s32 @!p1 $0x0  }
0x14: {  	s2 =	sld [smem:$0x3F98];
	s0 =	simm.s32 @p1 $0x1  }
0x15: {  	[smem:$0x3FB5] =	sst s0;
	s0 =	simm.s32 @!p2 $0x0  }
0x16: {  	s3 =	sld [smem:$0x3FDB];
	s0 =	simm.s32 @p2 $0x1  }
0x17: {  	s4 =	simm.s32 $0x1BF5;
	[smem:$0x3FB7] =	sst s0  }
0x18: {  	s0 =	sld [smem:$0x3F9A];
	_ =	swait.ge [sflag:s4], $0x0  }
0x19: {  	s7 =	sld [smem:$0x3F9B]  }
0x1a: {  	s8 =	sadd.s32 $0xFFFFE003, lr  }
0x1b: {  	s9 =	sadd.s32 $0xFFFFFEF7, lr;
	s5 =	simm.s32 $0xFFFFFFFF;
	p2 =	slt.u32 s8, $0xFFFFF086  }
0x1c: {  	p1 =	slt.u32 s9, $0xF7A;
	s5 =	simm.s32 @!p2 $0x0  }
0x1d: {  	s5 =	simm.s32 @p1 $0x1;
	p0 =	seq.s32 s7, s2  }
0x1e: {  	s7 =	smul.u32 @!p0 $0xF7A, s2;
	p2 =	seq.s32 @!p0 s5, $0x0  }
0x1f: {  	s9 =	smul.u32 $0xF7A, s1;
	s8 =	simm.s32 @!p0 $0x1BF5;
	p2 =	por !p2, p0  }
0x20: {  	[sflag:s8] =	ssyncset.s32 @!p0 $0xFFFFF086;
	s6 =	sadd.s32 @!p0 s3, s7;
	s7 =	simm.s32 @!p0 $0x108  }
0x21: {  	s3 =	sadd.s32 s3, s9;
	s6 =	sadd.s32 @!p0 $0x88, s6;
	s7 =	simm.s32 @p2 $0x1082  }
0x22: {  	[simem:s7], [sflag:s8] =	dma.local @!p0 [hbm:s6], $0xF7A  }
0x23: {  	s9 =	sor.u32 $0xD0000000, s2;
	s6 =	simm.s32 $0x108;
	_ =	swait.ge @!p0 [sflag:s8], $0x0  }
0x24: {  	s3 =	sadd.s32 $0x88, s3;
	s6 =	simm.s32 @!p1 $0x1082;
	[sflag:s4] =	ssyncset.s32 $0xFFFFF086  }
0x25: {  	[simem:s6], [sflag:s4] =	dma.local [hbm:s3], $0xF7A  }
0x26: {  	[smem:$0x3F9B] =	sst s1;
	(tag) =	ssettag s2;
	_ =	strace s9  }
0x27: {  	s1 =	sld [smem:$0x3FAB]  }
0x28: {  	s2 =	sld [smem:$0x3FAC]  }
0x29: {  	s4 =	sld [smem:$0x3FAE]  }
0x2a: {  	p0 =	seq.s32 s5, $0x0;
	s5 =	sld [smem:$0x3FAF]  }
0x2b: {  	s6 =	sld [smem:$0x3FB0]  }
0x2c: {  	s7 =	sld [smem:$0x3FB1]  }
0x2d: {  	s3 =	simm.s32 $0x108;
	s8 =	sld [smem:$0x3FB2]  }
0x2e: {  	s3 =	simm.s32 @!p0 $0x1082;
	s9 =	sld [smem:$0x3FB3]  }
0x2f: {  	lr =	sadd.s32 s0, s3;
	s0 =	sld [smem:$0x3FAA]  }
0x30: {  	s3 =	sld [smem:$0x3FAD]  }
0x31: {  	[smem:$0x3FB6] =	sst s10  }
0x32: {  	s10 =	sld [smem:$0x3FB4];
	_ =	sdelay $0x3  }
0x33: {  	p0 =	seq.s32 s10, $0x1;
	s10 =	sld [smem:$0x3FB6];
	_ =	sdelay $0x3  }
0x34: {  	[smem:$0x3FB6] =	sst s10  }
0x35: {  	s10 =	sld [smem:$0x3FB5];
	_ =	sdelay $0x3  }
0x36: {  	p1 =	seq.s32 s10, $0x1;
	s10 =	sld [smem:$0x3FB6];
	_ =	sdelay $0x3  }
0x37: {  	[smem:$0x3FB6] =	sst s10  }
0x38: {  	s10 =	sld [smem:$0x3FB7]  }
0x39: {  	_ = 	snop;
	(pc) =	sbr.ind lr, $3  }
0x3a: {  	_ = 	snop  }
0x3b: {  	_ = 	snop  }
0x3c: {  	p2 =	seq.s32 s10, $0x1;
	s10 =	sld [smem:$0x3FB6]  }
0x3d: {  	_ =	shalt  }
0x3e: {  	_ =	shalt  }
0x3f: {  	_ =	shalt  }
0x40: {  	_ =	shalt  }
0x41: {  	_ =	shalt  }
0x42: {  	_ =	shalt  }
0x43: {  	_ =	shalt  }
0x44: {  	_ =	shalt  }
0x45: {  	_ =	shalt  }
0x46: {  	_ =	shalt  }
0x47: {  	_ =	shalt  }
0x48: {  	_ =	shalt  }
0x49: {  	_ =	shalt  }
0x4a: {  	_ =	shalt  }
0x4b: {  	_ =	shalt  }
0x4c: {  	_ =	shalt  }
0x4d: {  	_ =	shalt  }
0x4e: {  	_ =	shalt  }
0x4f: {  	_ =	shalt  }
0x50: {  	_ =	shalt  }
0x51: {  	_ =	shalt  }
0x52: {  	_ =	shalt  }
0x53: {  	_ =	shalt  }
0x54: {  	_ =	shalt  }
0x55: {  	_ =	shalt  }
0x56: {  	_ =	shalt  }
0x57: {  	_ =	shalt  }
0x58: {  	_ =	shalt  }
0x59: {  	_ =	shalt  }
0x5a: {  	_ =	shalt  }
0x5b: {  	_ =	shalt  }
0x5c: {  	_ =	shalt  }
0x5d: {  	_ =	shalt  }
0x5e: {  	_ =	shalt  }
0x5f: {  	_ =	shalt  }
0x60: {  	_ =	shalt  }
0x61: {  	_ =	shalt  }
0x62: {  	_ =	shalt  }
0x63: {  	_ =	shalt  }
0x64: {  	_ =	shalt  }
0x65: {  	_ =	shalt  }
0x66: {  	_ =	shalt  }
0x67: {  	_ =	shalt  }
0x68: {  	_ =	shalt  }
0x69: {  	_ =	shalt  }
0x6a: {  	_ =	shalt  }
0x6b: {  	_ =	shalt  }
0x6c: {  	_ =	shalt  }
0x6d: {  	_ =	shalt  }
0x6e: {  	_ =	shalt  }
0x6f: {  	_ =	shalt  }
0x70: {  	_ =	shalt  }
0x71: {  	_ =	shalt  }
0x72: {  	_ =	shalt  }
0x73: {  	_ =	shalt  }
0x74: {  	_ =	shalt  }
0x75: {  	_ =	shalt  }
0x76: {  	_ =	shalt  }
0x77: {  	_ =	shalt  }
0x78: {  	_ =	shalt  }
0x79: {  	_ =	shalt  }
0x7a: {  	_ =	shalt  }
0x7b: {  	_ =	shalt  }
0x7c: {  	_ =	shalt  }
0x7d: {  	_ =	shalt  }
0x7e: {  	_ =	shalt  }
0x7f: {  	_ =	shalt  }
0x80: {  	_ =	shalt  }
0x81: {  	_ =	shalt  }
0x82: {  	_ =	shalt  }
0x83: {  	_ =	shalt  }
0x84: {  	_ =	shalt  }
0x85: {  	_ =	shalt  }
0x86: {  	_ =	shalt  }
0x87: {  	_ =	shalt  }
.Lfunc_end0:
.L_simem_size_0:
called_computation_lowered:
.L_overlay_start_0:
0x88: {  	s2 =	sld [smem:$0x3FD9]  }
0x89: {  	s3 =	sld [smem:$0x3FFE];
	_ =	sdelay $0x1  }
0x8a: {  	s1 =	srdreg.scid  }
0x8b: {  	s0 =	sand.u32 $0x1, s1  }
0x8c: {  	s16 =	sshll.u32 s0, $0xA;
	s2 =	sadd.s32 s3, s2  }
0x8d: {  	s2 =	sadd.s32 s2, s16  }
0x8e: {  	[smem:$0x3FC2] =	sst s2  }
0x8f: {  	_ = 	snop  }
0x90: {  	(tm) =	ssettm $0x1  }
0x91: {  	s17 =	sld [smem:$0x3FFB];
	_ =	sdelay $0x3  }
0x92: {  	_ =	strace s17  }
0x93: {  	s2 =	sld [smem:$0x3FFC];
	_ =	sdelay $0x3  }
0x94: {  	_ =	strace s2  }
0x95: {  	s2 =	sld [smem:$0x3FFD];
	_ =	sdelay $0x3  }
0x96: {  	_ =	strace s2  }
0x97: {  	_ =	strace $0x8FFFFFFF  }
0x98: {  	s18 =	sld [smem:$0x3FDB];
	_ =	sdelay $0x1  }
0x99: {  	s19 =	simm.s32 $_scs_section_size  }
0x9a: {  	s4 =	simm.s32 $_size__tile_overlayer_lowered;
	s5 =	simm.s32 $_tile_overlayer_lowered  }
0x9b: {  	s22 =	simm.s32 $0x1BFF;
	s21 =	sshll.u32 s5, $0x1;
	s2 =	sadd.s32 s19, s18  }
0x9c: {  	s6 =	simm.s32 $0x0;
	s20 =	sshll.u32 s4, $0x1;
	s4 =	sadd.s32 s21, s2  }
0x9d: {  	[timem:s6], [sflag:s22] =	dma.local [hbm:s4], s20  }
0x9e: {  	_ =	swait.ge [sflag:s22], s20  }
0x9f: {  	s3 =	ssub.s32 $0x0, s20;
	[sflag:s22] =	ssyncset.done $0x0  }
0xa0: {  	[sflag:s22] =	ssyncadd.s32 s3;
	_ =	sdelay $0x1  }
0xa1: {  	s23 =	simm.s32 $0x1B8B  }
0xa2: {  	_ =	swait.ge [sflag:s23], $0x1  }
0xa3: {  	[sflag:s23] =	ssyncset.done $0x0  }
0xa4: {  	s25 =	simm.s32 $0x1B8E;
	s24 =	sld [smem:$0x3FFE];
	[sflag:s23] =	ssyncadd.s32 $0xFFFFFFFF  }
0xa5: {  	s26 =	simm.s32 $execute0_lowered;
	[smem:$0x3FD2] =	sst s25  }
0xa6: {  	s4 =	sshll.u32 s26, $0x1;
	_ =	strace $0x80000046;
	[dreg:$0x1] =	wrdreg $0xFFFFFFFF  }
0xa7: {  	s28 =	simm.s32 $_size_execute0_lowered;
	s2 =	sadd.s32 s2, s4;
	[dreg:$0x0] =	wrdreg $0x0  }
0xa8: {  	s4 =	sshll.u32 s28, $0x1;
	[dreg:$0x2] =	wrdreg s2  }
0xa9: {  	[dreg:$0x3] =	wrdreg s4  }
0xaa: {  	[dreg:$0x4] =	wrdreg $0xC0  }
0xab: {  	_ =	task [dreg:s6], $0x5FFFF  }
0xac: {  	[dreg:$0x1] =	wrdreg $0xFFFFFFFF  }
0xad: {  	[dreg:$0x0] =	wrdreg $0x60  }
0xae: {  	[dreg:$0x2] =	wrdreg s24  }
0xaf: {  	[dreg:$0x3] =	wrdreg $0x2F000  }
0xb0: {  	[dreg:$0x4] =	wrdreg $0x9  }
0xb1: {  	_ =	task.clear_ibuf [dreg:s6], $0x5FFFF;
	_ =	strace $0x90000046  }
0xb2: {  	s29 =	simm.s32 $0x9;
	_ =	strace $0x80000048  }
0xb3: {  	_ =	swait.ge [sflag:s29], $0x1  }
0xb4: {  	[sflag:s29] =	ssyncadd.s32 $0xFFFFFFFF  }
0xb5: {  	_ =	strace $0x90000048  }
0xb6: {  	_ =	sfence  }
0xb7: {  	s30 =	sld [smem:$0x0];
	_ =	sdelay $0x2  }
0xb8: {  	s31 =	sshll.u32 s1, $0xD;
	s1 =	sshrl.u32 s1, $0x2  }
0xb9: {  	s3 =	sand.u32 $0x4000, s31;
	s1 =	sadd.s32 s1, s30  }
0xba: {  	s0 =	sor.u32 s3, s0;
	s1 =	sshll.u32 s1, $0x11  }
0xbb: {  	s0 =	sor.u32 s1, s0  }
0xbc: {  	s0 =	sadd.s32 $0x8F2B, s0  }
0xbd: {  	[sflag:s0] =	ssyncadd.remote.s32 $0x1  }
0xbe: {  	_ =	sfence.sel $0xFFFF  }
0xbf: {  	[dreg:$0x0] =	wrdreg $0xFFFFFFFF;
	(pc) =	sbr.abs _section_cstart, $3  }
0xc0: {  	[dreg:$0x1] =	wrdreg $0xFFFFFFFF  }
0xc1: {  	_ =	task.clear_ibuf [dreg:s6], $0x2FFFF;
	_ =	strace $0x9FFFFFFF  }
0xc2: {  	(tm) =	ssettm $0x7FFFFFFF  }
0xc3: {  	_ =	shalt  }
tec
execute0_lowered:
.L_overlay_start_1:
0x0: {  	(tag) =	ssettag $0x1  }
0x1: {  	s4 =	rddreg [dreg:$0x0];
	s1 =	srdreg.scid  }
0x2: {  	s0 =	stileid.u32;
	s2 =	rddreg [dreg:$0x1];
	s3 =	simm.s32 $0x0  }
0x3: {  	s12 =	simm.s32 $0x2C00;
	s13 =	simm.s32 $0x100;
	s14 =	simm.s32 $0x180  }
0x4: {  	s15 =	simm.s32 $0x200;
	s16 =	simm.s32 $0x280;
	s17 =	simm.s32 $0x300  }
0x5: {  	s18 =	simm.s32 $0x380;
	s19 =	simm.s32 $0x1;
	s6 =	smul.u32 $0x280, s0  }
0x6: {  	s5 =	sand.u32 $0x1, s1;
	s1 =	rddreg [dreg:$0x2];
	s10 =	smul.u32 $0x2400, s0  }
0x7: {  	s20 =	simm.s32 $0x0;
	[smem:$0x7FF] =	sst s3;
	s11 =	smul.u32 $0x580, s0  }
0x8: {  	s8 =	sadd.s32 $0x1000, s4;
	s7 =	smul.u32 $0x2800, s5;
	s9 =	ssub.s32 $0x2, s5  }
0x9: {  	_ =	strace $0x80000047;
	p0 =	seq.s32 s5, $0x1;
	s30 =	sshrl.u32 s9, $0x1  }
.Ltmp0:
0xa: {  	s31 =	sshrl.u32 s10, $0x3;
	s7 =	sadd.s32 s6, s7;
	(pc) =	sbr.rel .LBB2_1-.Ltmp0, $4  }
0xb: {  	s5 =	sadd.s32 s8, s11;
	s10 =	simm.s32 $0x2;
	s7 =	sshrl.u32 s7, $0x3  }
0xc: {  	s11 =	simm.s32 $0x80;
	s9 =	ssub.s32 s9, s30;
	s7 =	sadd.s32 s7, s4  }
0xd: {  	s4 =	sadd.s32 s6, s2;
	s6 =	sadd.s32 s8, s31;
	s8 =	smax.u32 s9, $0x1  }
0xe: {  	v0 =	vimm.f32 $1.000000000e+00;
	v1 =	vimm.f32 $0.0e+00;
	s9 =	simm.s32 $0x2C80;
	s6 =	sadd.s32 $0x5800, s6;
	s7 =	sadd.s32 $0xB000, s7  }
.LBB2_7:
0xf: {  	[spmem:s2] =	stream.indirect.scatter.add.f32 [tilespmem:s12], [sflag:$0x1], $0x1, s22, s11, $0xb8;
	[tilespmem:$0x3180] =	vst v63  }
.LBB2_8:
0x10: {  	_ =	swait.ge [sflag:s19], $0x80  }
0x11: {  	[sflag:s19] =	ssyncset.done $0x0  }
0x12: {  	[sflag:s19] =	ssyncadd.s32 $0xFFFFFF80  }
0x13: {  	_ =	swait.ge [sflag:s19], $0x80  }
0x14: {  	[sflag:s19] =	ssyncset.done $0x0  }
0x15: {  	[sflag:s19] =	ssyncadd.s32 $0xFFFFFF80  }
0x16: {  	_ =	swait.ge [sflag:s19], $0x80  }
0x17: {  	[sflag:s19] =	ssyncset.done $0x0  }
0x18: {  	[sflag:s19] =	ssyncadd.s32 $0xFFFFFF80  }
0x19: {  	_ =	swait.ge [sflag:s19], $0x80  }
0x1a: {  	[sflag:s19] =	ssyncset.done $0x0  }
0x1b: {  	[sflag:s19] =	ssyncadd.s32 $0xFFFFFF80  }
0x1c: {  	_ =	swait.ge [sflag:s19], $0x80  }
0x1d: {  	[sflag:s19] =	ssyncset.done $0x0  }
0x1e: {  	[sflag:s19] =	ssyncadd.s32 $0xFFFFFF80  }
0x1f: {  	_ =	swait.ge [sflag:s19], $0x80  }
0x20: {  	[sflag:s19] =	ssyncset.done $0x0  }
0x21: {  	[sflag:s19] =	ssyncadd.s32 $0xFFFFFF80  }
0x22: {  	_ =	swait.ge [sflag:s19], $0x80  }
0x23: {  	[sflag:s19] =	ssyncset.done $0x0  }
0x24: {  	[sflag:s19] =	ssyncadd.s32 $0xFFFFFF80  }
0x25: {  	_ =	swait.ge [sflag:s19], $0x80  }
0x26: {  	[sflag:s19] =	ssyncset.done $0x0  }
0x27: {  	[sflag:s19] =	ssyncadd.s32 $0xFFFFFF80  }
0x28: {  	[bflag:$0x0] =	sbarrier.arrive $0xFFFF  }
0x29: {  	[tilespmem:s9], [sflag:$0x2] =	stream.linear.gather [spmem:s4], $0x280, $0x38;
	[tilespmem:$0x3180] =	vst v63  }
0x2a: {  	s20 =	sadd.s32 $0x1, s20;
	_ =	swait.ge [sflag:s10], $0x280  }
0x2b: {  	p1 =	sne.s32 s20, s8;
	[sflag:s10] =	ssyncset.done $0x0  }
.Ltmp1:
0x2c: {  	[sflag:s10] =	ssyncadd.s32 $0xFFFFFD80;
	(pc) =	sbr.rel @!p1 .LBB2_9-.Ltmp1, $4  }
0x2d: {  	[hbm4b:s7+s3] =	stream.linear.scatter [tilespmem:s9], [sflag:$0x2], $0x280, $0x38;
	[tilespmem:$0x3180] =	vst v63  }
0x2e: {  	_ =	swait.ge [sflag:s10], $0x280  }
0x2f: {  	[sflag:s10] =	ssyncset.done $0x0  }
0x30: {  	[sflag:s10] =	ssyncadd.s32 $0xFFFFFD80  }
.LBB2_1:
0x31: {  	[tilespmem:$0x2C00] =	vst v0  }
0x32: {  	[tilespmem:$0x2C10] =	vst v0  }
0x33: {  	[tilespmem:$0x2C20] =	vst v0  }
0x34: {  	[tilespmem:$0x2C30] =	vst v0  }
0x35: {  	[tilespmem:$0x2C40] =	vst v0  }
0x36: {  	[tilespmem:$0x2C50] =	vst v0  }
0x37: {  	[tilespmem:$0x2C60] =	vst v0  }
0x38: {  	[tilespmem:$0x2C70] =	vst v0  }
0x39: {  	[tilespmem:$0x2C80] =	vst v1  }
0x3a: {  	[tilespmem:$0x2C90] =	vst v1  }
0x3b: {  	[tilespmem:$0x2CA0] =	vst v1  }
0x3c: {  	[tilespmem:$0x2CB0] =	vst v1  }
0x3d: {  	[tilespmem:$0x2CC0] =	vst v1  }
0x3e: {  	[tilespmem:$0x2CD0] =	vst v1  }
0x3f: {  	[tilespmem:$0x2CE0] =	vst v1  }
0x40: {  	[tilespmem:$0x2CF0] =	vst v1  }
0x41: {  	[tilespmem:$0x2D00] =	vst v1  }
0x42: {  	[tilespmem:$0x2D10] =	vst v1  }
0x43: {  	[tilespmem:$0x2D20] =	vst v1  }
0x44: {  	[tilespmem:$0x2D30] =	vst v1  }
0x45: {  	[tilespmem:$0x2D40] =	vst v1  }
0x46: {  	[tilespmem:$0x2D50] =	vst v1  }
0x47: {  	[tilespmem:$0x2D60] =	vst v1  }
0x48: {  	[tilespmem:$0x2D70] =	vst v1  }
0x49: {  	[tilespmem:$0x2D80] =	vst v1  }
0x4a: {  	[tilespmem:$0x2D90] =	vst v1  }
0x4b: {  	[tilespmem:$0x2DA0] =	vst v1  }
0x4c: {  	[tilespmem:$0x2DB0] =	vst v1  }
0x4d: {  	[tilespmem:$0x2DC0] =	vst v1  }
0x4e: {  	[tilespmem:$0x2DD0] =	vst v1  }
0x4f: {  	[tilespmem:$0x2DE0] =	vst v1  }
0x50: {  	[tilespmem:$0x2DF0] =	vst v1  }
0x51: {  	[tilespmem:$0x2E00] =	vst v1  }
0x52: {  	[tilespmem:$0x2E10] =	vst v1  }
0x53: {  	[tilespmem:$0x2E20] =	vst v1  }
0x54: {  	[tilespmem:$0x2E30] =	vst v1  }
0x55: {  	[tilespmem:$0x2E40] =	vst v1  }
0x56: {  	[tilespmem:$0x2E50] =	vst v1  }
0x57: {  	[tilespmem:$0x2E60] =	vst v1  }
0x58: {  	[tilespmem:$0x2E70] =	vst v1  }
0x59: {  	[tilespmem:$0x2E80] =	vst v1  }
0x5a: {  	[tilespmem:$0x2E90] =	vst v1  }
0x5b: {  	[tilespmem:$0x2EA0] =	vst v1  }
0x5c: {  	[tilespmem:$0x2EB0] =	vst v1  }
0x5d: {  	[tilespmem:$0x2EC0] =	vst v1  }
0x5e: {  	[tilespmem:$0x2ED0] =	vst v1  }
0x5f: {  	[tilespmem:$0x2EE0] =	vst v1  }
.Ltmp2:
0x60: {  	[tilespmem:$0x2EF0] =	vst v1;
	(pc) =	sbr.rel @!p0 .LBB2_2-.Ltmp2, $4  }
0x61: {  	[spmem:s4] =	stream.linear.scatter [tilespmem:s9], [sflag:$0x2], $0x280, $0x38;
	[tilespmem:$0x3180] =	vst v63  }
0x62: {  	_ =	swait.ge [sflag:s10], $0x280  }
0x63: {  	[sflag:s10] =	ssyncset.done $0x0  }
0x64: {  	[sflag:s10] =	ssyncadd.s32 $0xFFFFFD80  }
0x65: {  	s21 =	simm.s32 $0x0  }
0x66: {  	[tilespmem:s21], [sflag:$0x2] =	stream.linear.gather [hbm4b:s6+s21], $0x2400, $0x38;
	[tilespmem:$0x3180] =	vst v63  }
0x67: {  	_ =	swait.ge [sflag:s10], $0x2400  }
0x68: {  	[sflag:s10] =	ssyncset.done $0x0  }
0x69: {  	[sflag:s10] =	ssyncadd.s32 $0xFFFFDC00  }
0x6a: {  	[bflag:$0x0] =	sbarrier.arrive $0xFFFF  }
0x6b: {  	[spmem:s2] =	stream.indirect.scatter.add.f32 [tilespmem:s12], [sflag:$0x1], $0x1, s21, s11, $0xb8;
	[tilespmem:$0x3180] =	vst v63  }
0x6c: {  	_ = 	snop  }
0x6d: {  	[spmem:s2] =	stream.indirect.scatter.add.f32 [tilespmem:s12], [sflag:$0x1], $0x1, s11, s11, $0xb8;
	[tilespmem:$0x3180] =	vst v63  }
0x6e: {  	_ = 	snop  }
0x6f: {  	[spmem:s2] =	stream.indirect.scatter.add.f32 [tilespmem:s12], [sflag:$0x1], $0x1, s13, s11, $0xb8;
	[tilespmem:$0x3180] =	vst v63  }
0x70: {  	_ = 	snop  }
0x71: {  	[spmem:s2] =	stream.indirect.scatter.add.f32 [tilespmem:s12], [sflag:$0x1], $0x1, s14, s11, $0xb8;
	[tilespmem:$0x3180] =	vst v63  }
0x72: {  	_ = 	snop  }
0x73: {  	[spmem:s2] =	stream.indirect.scatter.add.f32 [tilespmem:s12], [sflag:$0x1], $0x1, s15, s11, $0xb8;
	[tilespmem:$0x3180] =	vst v63  }
0x74: {  	_ = 	snop  }
0x75: {  	[spmem:s2] =	stream.indirect.scatter.add.f32 [tilespmem:s12], [sflag:$0x1], $0x1, s16, s11, $0xb8;
	[tilespmem:$0x3180] =	vst v63  }
0x76: {  	_ = 	snop  }
0x77: {  	[spmem:s2] =	stream.indirect.scatter.add.f32 [tilespmem:s12], [sflag:$0x1], $0x1, s17, s11, $0xb8;
	[tilespmem:$0x3180] =	vst v63  }
0x78: {  	_ = 	snop  }
0x79: {  	[spmem:s2] =	stream.indirect.scatter.add.f32 [tilespmem:s12], [sflag:$0x1], $0x1, s18, s11, $0xb8;
	[tilespmem:$0x3180] =	vst v63  }
0x7a: {  	_ =	swait.ge [sflag:s19], $0x80  }
0x7b: {  	[sflag:s19] =	ssyncset.done $0x0  }
0x7c: {  	s22 =	simm.s32 $0x400;
	s21 =	simm.s32 $0x200;
	[sflag:s19] =	ssyncadd.s32 $0xFFFFFF80  }
.LBB2_6:
0x7d: {  	[spmem:s2] =	stream.indirect.scatter.add.f32 [tilespmem:s12], [sflag:$0x1], $0x1, s22, s11, $0xb8;
	[tilespmem:$0x3180] =	vst v63  }
0x7e: {  	s22 =	smov.u32 s21;
	p1 =	sne.s32 s21, $0x7E00  }
.Ltmp3:
0x7f: {  	s21 =	sadd.s32 $0x200, s21;
	(pc) =	sbr.rel @p1 .LBB2_6-.Ltmp3, $4  }
0x80: {  	_ = 	snop  }
0x81: {  	_ =	swait.ge [sflag:s19], $0x80  }
0x82: {  	s22 =	sshra.s32 s22, $0x2;
	[sflag:s19] =	ssyncset.done $0x0  }
0x83: {  	s22 =	sadd.s32 $0x400, s22;
	[sflag:s19] =	ssyncadd.s32 $0xFFFFFF80  }
.Ltmp4:
0x84: {  	_ = 	snop;
	(pc) =	sbr.rel .LBB2_7-.Ltmp4, $1  }
0x85: {  	_ =	sdelay $0x3  }
.LBB2_2:
0x86: {  	[tilespmem:s3], [sflag:$0x2] =	stream.linear.gather [hbm4b:s5+s3], $0x2C00, $0x38;
	[tilespmem:$0x3180] =	vst v63  }
0x87: {  	_ =	swait.ge [sflag:s10], $0x2C00  }
0x88: {  	[sflag:s10] =	ssyncset.done $0x0  }
0x89: {  	[sflag:s10] =	ssyncadd.s32 $0xFFFFD400  }
0x8a: {  	[bflag:$0x0] =	sbarrier.arrive $0xFFFF  }
0x8b: {  	[spmem:s2] =	stream.indirect.scatter.add.f32 [tilespmem:s12], [sflag:$0x1], $0x1, s3, s11, $0xb8;
	[tilespmem:$0x3180] =	vst v63  }
0x8c: {  	_ = 	snop  }
0x8d: {  	[spmem:s2] =	stream.indirect.scatter.add.f32 [tilespmem:s12], [sflag:$0x1], $0x1, s11, s11, $0xb8;
	[tilespmem:$0x3180] =	vst v63  }
0x8e: {  	_ = 	snop  }
0x8f: {  	[spmem:s2] =	stream.indirect.scatter.add.f32 [tilespmem:s12], [sflag:$0x1], $0x1, s13, s11, $0xb8;
	[tilespmem:$0x3180] =	vst v63  }
0x90: {  	_ = 	snop  }
0x91: {  	[spmem:s2] =	stream.indirect.scatter.add.f32 [tilespmem:s12], [sflag:$0x1], $0x1, s14, s11, $0xb8;
	[tilespmem:$0x3180] =	vst v63  }
0x92: {  	_ = 	snop  }
0x93: {  	[spmem:s2] =	stream.indirect.scatter.add.f32 [tilespmem:s12], [sflag:$0x1], $0x1, s15, s11, $0xb8;
	[tilespmem:$0x3180] =	vst v63  }
0x94: {  	_ = 	snop  }
0x95: {  	[spmem:s2] =	stream.indirect.scatter.add.f32 [tilespmem:s12], [sflag:$0x1], $0x1, s16, s11, $0xb8;
	[tilespmem:$0x3180] =	vst v63  }
0x96: {  	_ = 	snop  }
0x97: {  	[spmem:s2] =	stream.indirect.scatter.add.f32 [tilespmem:s12], [sflag:$0x1], $0x1, s17, s11, $0xb8;
	[tilespmem:$0x3180] =	vst v63  }
0x98: {  	_ = 	snop  }
0x99: {  	[spmem:s2] =	stream.indirect.scatter.add.f32 [tilespmem:s12], [sflag:$0x1], $0x1, s18, s11, $0xb8;
	[tilespmem:$0x3180] =	vst v63  }
0x9a: {  	_ =	swait.ge [sflag:s19], $0x80  }
0x9b: {  	[sflag:s19] =	ssyncset.done $0x0  }
0x9c: {  	s21 =	simm.s32 $0x1200;
	s22 =	simm.s32 $0x400;
	[sflag:s19] =	ssyncadd.s32 $0xFFFFFF80  }
.LBB2_3:
0x9d: {  	[spmem:s2] =	stream.indirect.scatter.add.f32 [tilespmem:s12], [sflag:$0x1], $0x1, s22, s11, $0xb8;
	[tilespmem:$0x3180] =	vst v63  }
0x9e: {  	s22 =	smov.u32 s21;
	p1 =	seq.s32 s21, $0xAE00  }
.Ltmp5:
0x9f: {  	s21 =	sadd.s32 $0x200, s21;
	(pc) =	sbr.rel @!p1 .LBB2_3-.Ltmp5, $4  }
0xa0: {  	_ = 	snop  }
0xa1: {  	_ =	swait.ge [sflag:s19], $0x80  }
0xa2: {  	[sflag:s19] =	ssyncset.done $0x0  }
0xa3: {  	s22 =	sshra.s32 s22, $0x2;
	[sflag:s19] =	ssyncadd.s32 $0xFFFFFF80  }
.Ltmp6:
0xa4: {  	(pc) =	sbr.rel .LBB2_8-.Ltmp6, $2  }
0xa5: {  	_ =	sdelay $0x2  }
0xa6: {  	[spmem:s2] =	stream.indirect.scatter.add.f32 [tilespmem:s12], [sflag:$0x1], $0x1, s22, s11, $0xb8;
	[tilespmem:$0x3180] =	vst v63  }
.LBB2_9:
0xa7: {  	_ =	sfence.sel $0x180000  }
0xa8: {  	[bflag:$0x0] =	sbarrier.arrive $0xFFFF  }
0xa9: {  	p0 =	sne.s32 s0, $0x0;
	_ =	strace $0x90000047  }
0xaa: {  	s0 =	sadd.s32 @!p0 $0x100000, s1;
	[bflag:$0x2] =	sbarrier.arrive $0xFFFF  }
0xab: {  	[sflag:s0] =	ssyncadd.tile.s32 @!p0 $0x1;
	_ =	shalt  }
.Lfunc_end2:
_tile_overlayer_lowered:
.L_overlay_start_2:
0xac: {  	(tag) =	ssettag $0x2  }
0xad: {  	s0 =	rddreg [dreg:$0x0];
	s2 =	stileid.u32  }
0xae: {  	s1 =	rddreg [dreg:$0x1];
	p0 =	sne.s32 s2, $0x0  }
0xaf: {  	s3 =	rddreg [dreg:$0x2];
	[bflag:$0x3] =	sbarrier.arrive $0xFFFF;
	s2 =	simm.s32 @!p0 $0x1C02  }
0xb0: {  	[timem:s3], [sflag:s2] =	dma.local @!p0 [hbm:s0], s1  }
0xb1: {  	s0 =	simm.s32 @!p0 $0x2  }
0xb2: {  	_ =	swait.ge @!p0 [sflag:s0], s1  }
0xb3: {  	s1 =	ssub.s32 @!p0 $0x0, s1;
	[sflag:s0] =	ssyncset.done @!p0 $0x0  }
0xb4: {  	[sflag:s0] =	ssyncadd.s32 @!p0 s1  }
0xb5: {  	[bflag:$0x3] =	sbarrier.arrive $0xFFFF  }
0xb6: {  	_ =	shalt  }

</sc_bundles>
